<compile_context>
chip_gen: v7x
topology: tpu7x:2x2x1
jax: 0.10.2.dev20260603
libtpu: 0.0.44.dev20260713+nightly
codegen_flags: <defaults>
</compile_context>

<pallas_src>
import functools

import jax
import jax.numpy as jnp
from jax import lax
from jax.experimental import pallas as pl
from jax.experimental.pallas import tpu as pltpu
from jax.experimental.pallas import tpu_sc as plsc

F32 = jnp.float32
NS = 16
ZR = 32
GSPLIT = 1
HP = jax.lax.Precision.HIGHEST


def _vsmesh():
    return plsc.VectorSubcoreMesh(core_axis_name="core", subcore_axis_name="subcore")



def _sc_agg(tables, eir, npad, with_deg=False):
    C = len(tables)
    K = C // 2
    width = tables[0].shape[1]
    nb = eir.shape[0]
    nt = (nb + NS - 1) // NS
    rpt = npad // NS
    assert nt >= 3 and nt % 2 == 1

    out_types = [jax.ShapeDtypeStruct((npad, width), F32) for _ in range(C)]
    deg_scratch = []
    if with_deg:
        out_types += [jax.ShapeDtypeStruct((npad,), F32) for _ in range(2)]
        deg_scratch = [pltpu.VMEM((1, 128), F32),
                       pltpu.VMEM_SHARED((npad,), F32)]

    @functools.partial(
        pl.kernel,
        out_type=tuple(out_types),
        mesh=_vsmesh(),
        scratch_types=[
            pltpu.VMEM((1, 2, 128), jnp.int32),
            pltpu.VMEM((1, 2, 128), jnp.int32),
            pltpu.VMEM((128, width), F32),
            pltpu.VMEM((128, width), F32),
            pltpu.VMEM((ZR, width), F32),
            pltpu.VMEM_SHARED((npad, width), F32),
            pltpu.SemaphoreType.DMA,
            pltpu.SemaphoreType.DMA,
            pltpu.SemaphoreType.DMA,
            pltpu.SemaphoreType.DMA,
        ] + deg_scratch)
    def agg(*refs):
        tbls = refs[:C]
        eih = refs[C]
        n_out = 2 * C + 1 + (2 if with_deg else 0)
        outs = refs[C + 1:2 * C + 1]
        if with_deg:
            dego0, dego1 = refs[2 * C + 1:n_out]
            (idx0, idx1, rows0, rows1, zbuf, acc,
             sem0, sem1, semi0, semi1, ones_v, accd) = refs[n_out:]
        else:
            (idx0, idx1, rows0, rows1, zbuf, acc,
             sem0, sem1, semi0, semi1) = refs[n_out:]
        c = lax.axis_index("core")
        s = lax.axis_index("subcore")

        @pl.loop(0, ZR)
        def _(i):
            for j in range(width // 16):
                zbuf.at[pl.ds(i, 1), pl.ds(j * 16, 16)][...] = jnp.zeros((1, 16), F32)

        row0 = s * rpt
        lo = (s * nb) // NS
        cnt = ((s + 1) * nb) // NS - lo
        fpt = npad // NS
        if with_deg:
            for j in range(8):
                ones_v.at[pl.ds(0, 1), pl.ds(j * 16, 16)][...] = jnp.ones((1, 16), F32)
            for j in range(fpt // 128):
                pltpu.sync_copy(zbuf.at[0], accd.at[pl.ds(s * fpt + j * 128, 128)])

        idxs = (idx0, idx1)
        rows = (rows0, rows1)
        sems = (sem0, sem1)
        semis = (semi0, semi1)

        def issue_gather(tbl, idxbuf, rbuf, sem):
            h = 128 // GSPLIT
            for q in range(GSPLIT):
                pltpu.async_copy(tbl.at[idxbuf.at[0, 0, pl.ds(q * h, h)]],
                                 rbuf.at[pl.ds(q * h, h)], sem)

        def run_chunk(tbl, out, first):
            @pl.loop(0, rpt, step=ZR)
            def _(r):
                pltpu.sync_copy(zbuf, acc.at[pl.ds(row0 + r, ZR)])

            plsc.subcore_barrier()

            pltpu.sync_copy(eih.at[pl.ds(lo, 1)], idx0)
            issue_gather(tbl, idx0, rows0, sem0)
            pltpu.async_copy(eih.at[pl.ds(lo + 1, 1)], idx1, semi1)

            def phase(b, p):
                pltpu.make_async_copy(tbl.at[idx0.at[0, 0]], rows[p],
                                      sems[p]).wait()
                pltpu.make_async_copy(eih.at[pl.ds(lo, 1)], idxs[1 - p],
                                      semis[1 - p]).wait()
                issue_gather(tbl, idxs[1 - p], rows[1 - p], sems[1 - p])

                @pl.when(b < cnt)
                def _():
                    pltpu.sync_copy(rows[p], acc.at[idxs[p].at[0, 1]], add=True)

                if with_deg and first:
                    @pl.when((b < cnt) & (c == p))
                    def _():
                        pltpu.sync_copy(ones_v.at[0], accd.at[idxs[p].at[0, 1]],
                                        add=True)

                @pl.when(b + 2 < nt)
                def _():
                    pltpu.async_copy(eih.at[pl.ds(lo + b + 2, 1)], idxs[p],
                                     semis[p])

            @pl.loop(0, nt - 1, step=2)
            def _(j):
                phase(j, 0)
                phase(j + 1, 1)

            pltpu.make_async_copy(tbl.at[idx0.at[0, 0]], rows0, sem0).wait()

            @pl.when(nt - 1 < cnt)
            def _():
                pltpu.sync_copy(rows0, acc.at[idx0.at[0, 1]], add=True)

            if with_deg and first:
                @pl.when((nt - 1 < cnt) & (c == 0))
                def _():
                    pltpu.sync_copy(ones_v.at[0], accd.at[idx0.at[0, 1]],
                                    add=True)

            plsc.subcore_barrier()
            pltpu.sync_copy(acc.at[pl.ds(row0, rpt)], out.at[pl.ds(row0, rpt)])
            if with_deg and first:
                dsl = pl.ds(s * fpt, fpt)

                @pl.when(c == 0)
                def _():
                    pltpu.sync_copy(accd.at[dsl], dego0.at[dsl])

                @pl.when(c == 1)
                def _():
                    pltpu.sync_copy(accd.at[dsl], dego1.at[dsl])

        @pl.when(c == 0)
        def _():
            for k in range(K):
                run_chunk(tbls[k], outs[k], k == 0)

        @pl.when(c == 1)
        def _():
            for k in range(K):
                run_chunk(tbls[K + k], outs[K + k], k == 0)

    return list(agg(*tables, eir))



def _tc_matmul1(x, W1, npad):
    N = x.shape[0]
    BN = 1000
    L = x.shape[1]

    def body(x_ref, w_ref, *out_refs):
        for l in range(L):
            out_refs[l][...] = jnp.dot(x_ref[:, l, :], w_ref[...],
                                       preferred_element_type=F32, precision=HP)

    return pl.pallas_call(
        body,
        grid=(N // BN,),
        in_specs=[pl.BlockSpec((BN, L, 128), lambda i: (i, 0, 0)),
                  pl.BlockSpec((128, 128), lambda i: (0, 0))],
        out_specs=[pl.BlockSpec((BN, 128), lambda i: (i, 0)) for _ in range(L)],
        out_shape=[jax.ShapeDtypeStruct((npad, 128), F32) for _ in range(L)],
    )(x, W1)


def _dinv(d0_ref, d1_ref):
    return 1.0 / jnp.maximum(d0_ref[...] + d1_ref[...], 1.0)


def _tc_layer2(a1s, d0, d1, W2, npad):
    BN = 1024

    def body(a0, a1, a2, a3, d0r, d1r, w, o0, o1):
        dinv = _dinv(d0r, d1r)
        rs = []
        for ar in (a0, a1, a2, a3):
            h = jnp.maximum(ar[...] * dinv, 0.0)
            rs.append(jnp.dot(h, w[...], preferred_element_type=F32, precision=HP))
        o0[...] = jnp.concatenate([rs[0], rs[1]], axis=1)
        o1[...] = jnp.concatenate([rs[2], rs[3]], axis=1)

    return pl.pallas_call(
        body,
        grid=(npad // BN,),
        in_specs=[pl.BlockSpec((BN, 128), lambda i: (i, 0)) for _ in range(4)]
                 + [pl.BlockSpec((BN, 1), lambda i: (i, 0))] * 2
                 + [pl.BlockSpec((128, 64), lambda i: (0, 0))],
        out_specs=[pl.BlockSpec((BN, 128), lambda i: (i, 0))] * 2,
        out_shape=[jax.ShapeDtypeStruct((npad, 128), F32)] * 2,
    )(*a1s, d0, d1, W2)


def _tc_layer3(a2s, d0, d1, W3, npad):
    BN = 1024

    def body(b0, b1, d0r, d1r, w, o0, o1):
        dinv = _dinv(d0r, d1r)
        rs = []
        for l in range(4):
            src = (b0, b1)[l // 2]
            h = jnp.maximum(src[:, (l % 2) * 64:(l % 2) * 64 + 64] * dinv, 0.0)
            rs.append(jnp.dot(h, w[...], preferred_element_type=F32, precision=HP))
        o0[...] = jnp.concatenate([rs[0], rs[1]], axis=1)
        o1[...] = jnp.concatenate([rs[2], rs[3]], axis=1)

    return pl.pallas_call(
        body,
        grid=(npad // BN,),
        in_specs=[pl.BlockSpec((BN, 128), lambda i: (i, 0)) for _ in range(2)]
                 + [pl.BlockSpec((BN, 1), lambda i: (i, 0))] * 2
                 + [pl.BlockSpec((64, 64), lambda i: (0, 0))],
        out_specs=[pl.BlockSpec((BN, 128), lambda i: (i, 0))] * 2,
        out_shape=[jax.ShapeDtypeStruct((npad, 128), F32)] * 2,
    )(*a2s, d0, d1, W3)


def _tc_att(a3s, d0, d1, W_att, b_att, u_att, npad):
    BN = 1024
    ATT = W_att.shape[1]

    def body(b0, b1, d0r, d1r, wa, ba, ua, o):
        dinv = _dinv(d0r, d1r)
        hs = []
        ss = []
        for l in range(4):
            src = (b0, b1)[l // 2]
            h = jnp.maximum(src[:, (l % 2) * 64:(l % 2) * 64 + 64] * dinv, 0.0)
            hs.append(h)
            v = jnp.tanh(jnp.dot(h, wa[...], preferred_element_type=F32,
                                 precision=HP) + ba[...])
            ss.append(jnp.sum(v * ua[...], axis=1, keepdims=True))
        m = jnp.maximum(jnp.maximum(ss[0], ss[1]), jnp.maximum(ss[2], ss[3]))
        es = [jnp.exp(sv - m) for sv in ss]
        den = es[0] + es[1] + es[2] + es[3]
        acc = es[0] / den * hs[0]
        for l in range(1, 4):
            acc = acc + es[l] / den * hs[l]
        o[...] = acc

    return pl.pallas_call(
        body,
        grid=(npad // BN,),
        in_specs=[pl.BlockSpec((BN, 128), lambda i: (i, 0)) for _ in range(2)]
                 + [pl.BlockSpec((BN, 1), lambda i: (i, 0))] * 2
                 + [pl.BlockSpec((64, ATT), lambda i: (0, 0)),
                    pl.BlockSpec((1, ATT), lambda i: (0, 0)),
                    pl.BlockSpec((1, ATT), lambda i: (0, 0))],
        out_specs=pl.BlockSpec((BN, 64), lambda i: (i, 0)),
        out_shape=jax.ShapeDtypeStruct((npad, 64), F32),
    )(*a3s, d0, d1, W_att, b_att, u_att)



def kernel(x, edge_index, W1, W2, W3, W_att, b_att, u_att):
    N, L, _ = x.shape
    E = edge_index.shape[1]
    npad = ((N + 2047) // 2048) * 2048
    nb = E // 128
    eir = edge_index.reshape(2, nb, 128).transpose(1, 0, 2)

    hw1 = _tc_matmul1(x, W1, npad)
    *a1, deg0, deg1 = _sc_agg(hw1, eir, npad, with_deg=True)
    d0 = deg0.reshape(npad, 1)
    d1 = deg1.reshape(npad, 1)
    hw2 = _tc_layer2(a1, d0, d1, W2, npad)
    a2 = _sc_agg(hw2, eir, npad)
    hw3 = _tc_layer3(a2, d0, d1, W3, npad)
    a3 = _sc_agg(hw3, eir, npad)
    out = _tc_att(a3, d0, d1, W_att, b_att.reshape(1, -1), u_att.reshape(1, -1),
                  npad)
    return out[:N]

# --- scband reference (transcript-rebuilt; emitter-appended) ---
"""Pipeline reference for scband-gcn-12618613915727 (READ-ONLY COPY).

The authoritative reference and input builder live on the scoring server;
editing this copy changes nothing except your own understanding.
"""

import jax, jax.numpy as jnp
import numpy as np

N = 10000
E = 320000
L = 4
D_IN = 128
H1 = 128
H2 = 64
D_OUT = 64
ATT = 32


def setup_inputs(seed: int = 0) -> dict:
    key = jax.random.key(seed)
    ks = jax.random.split(key, 10)
    x = jax.random.normal(ks[0], (N, L, D_IN), dtype=jnp.float32)
    edge_index = jax.random.randint(ks[1], (2, E), 0, N, dtype=jnp.int32)
    W1 = jax.random.normal(ks[2], (D_IN, H1), dtype=jnp.float32) * (1.0 / np.sqrt(D_IN))
    W2 = jax.random.normal(ks[3], (H1, H2), dtype=jnp.float32) * (1.0 / np.sqrt(H1))
    W3 = jax.random.normal(ks[4], (H2, D_OUT), dtype=jnp.float32) * (1.0 / np.sqrt(H2))
    W_att = jax.random.normal(ks[5], (D_OUT, ATT), dtype=jnp.float32) * (1.0 / np.sqrt(D_OUT))
    b_att = jax.random.normal(ks[6], (ATT,), dtype=jnp.float32) * 0.1
    u_att = jax.random.normal(ks[7], (ATT,), dtype=jnp.float32) * 0.1
    return {"x": x, "edge_index": edge_index, "W1": W1, "W2": W2, "W3": W3, "W_att": W_att, "b_att": b_att, "u_att": u_att}


def reference(x, edge_index, W1, W2, W3, W_att, b_att, u_att):
    src = edge_index[0]
    dst = edge_index[1]
    # mean-normalized message passing (dense-adjacency GCN rewritten as gather/scatter-add)
    deg = jax.ops.segment_sum(jnp.ones((E,), jnp.float32), dst, num_segments=N)
    deg_inv = 1.0 / jnp.maximum(deg, 1.0)

    def gcn_layer(h, W):
        hw = jnp.einsum('nld,do->nlo', h, W)
        msg = hw[src]  # gather [E, L, O]
        agg = jax.ops.segment_sum(msg, dst, num_segments=N)  # scatter-add
        return jax.nn.relu(agg * deg_inv[:, None, None])

    h1 = gcn_layer(x, W1)
    h2 = gcn_layer(h1, W2)
    h3 = gcn_layer(h2, W3)  # [N, L, D_OUT]

    # SimpleAttLayer (time_major=False): attend over the length axis
    v = jnp.tanh(jnp.einsum('nlo,oa->nla', h3, W_att) + b_att)
    vu = jnp.einsum('nla,a->nl', v, u_att)
    alphas = jax.nn.softmax(vu, axis=1)
    out = jnp.sum(h3 * alphas[:, :, None], axis=1)  # [N, D_OUT]
    return out

if __name__ == "__main__":
    import jax
    _d = setup_inputs()
    print(jax.jit(kernel)(*tuple(_d.values())))

</pallas_src>

<mosaic_0001>
#map = affine_map<(d0, d1) -> (0, 0)>
#map1 = affine_map<(d0, d1) -> (0, 0, 0)>
module attributes {stable_mosaic.version = 14 : i64} {
  func.func @agg(%arg0: i32, %arg1: i32, %arg2: memref<10240x128xf32, #tpu.memory_space<hbm>>, %arg3: memref<10240x128xf32, #tpu.memory_space<hbm>>, %arg4: memref<2500x2x128xi32, #tpu.memory_space<hbm>>, %arg5: memref<10240x128xf32, #tpu.memory_space<hbm>>, %arg6: memref<10240x128xf32, #tpu.memory_space<hbm>>, %arg7: memref<1x2x128xi32, #tpu.memory_space<vmem>>, %arg8: memref<1x2x128xi32, #tpu.memory_space<vmem>>, %arg9: memref<128x128xf32, #tpu.memory_space<vmem>>, %arg10: memref<128x128xf32, #tpu.memory_space<vmem>>, %arg11: memref<32x128xf32, #tpu.memory_space<vmem>>, %arg12: memref<10240x128xf32, #tpu.memory_space<vmem_shared>>, %arg13: memref<!tpu.dma_semaphore, #tpu.memory_space<semaphore_mem>>, %arg14: memref<!tpu.dma_semaphore, #tpu.memory_space<semaphore_mem>>, %arg15: memref<!tpu.dma_semaphore, #tpu.memory_space<semaphore_mem>>, %arg16: memref<!tpu.dma_semaphore, #tpu.memory_space<semaphore_mem>>) attributes {dimension_semantics = [#tpu.dimension_semantics<core_parallel>, #tpu.dimension_semantics<subcore_parallel>], iteration_bounds = array<i64: 2, 16>, scalar_prefetch = 0 : i64, scratch_operands = 10 : i64, tpu.core_type = #tpu.core_type<sc_vector_subcore>, window_params = [{transform_indices = #map}, {transform_indices = #map}, {transform_indices = #map1}, {transform_indices = #map}, {transform_indices = #map}]} {
    %scan3A = arith.constant 0 : i32
    %scan3A_0 = arith.constant 32 : i32
    %scan3A_1 = arith.addi %scan3A, %scan3A_0 : i32
    %scan3A_2 = arith.constant 1 : i32
    scf.for %scan3A_58 = %scan3A to %scan3A_1 step %scan3A_2  : i32 {
      %mul3A_59 = arith.constant 1 : i32
      %mul3A_60 = arith.muli %scan3A_58, %mul3A_59 : i32
      %add3A_61 = arith.constant 0 : i32
      %add3A_62 = arith.addi %add3A_61, %mul3A_60 : i32
      %broadcast_in_dim3A = arith.constant 0.000000e+00 : f32
      %broadcast_in_dim3A_63 = vector.broadcast %broadcast_in_dim3A : f32 to vector<1x16xf32>
      %swap3A = arith.index_cast %add3A_62 : i32 to index
      %swap3A_64 = arith.constant 0 : index
      %swap3A_65 = tpu.vector_load %arg11[%swap3A, %swap3A_64] {strides = array<i32>} : memref<32x128xf32, #tpu.memory_space<vmem>>, vector<1x16xf32>,
      %swap3A_66 = vector.shape_cast %swap3A_65 : vector<1x16xf32> to vector<1x16xf32>
      %swap3A_67 = vector.shape_cast %broadcast_in_dim3A_63 : vector<1x16xf32> to vector<1x16xf32>
      tpu.vector_store %arg11[%swap3A, %swap3A_64], %swap3A_67 {strides = array<i32>} : memref<32x128xf32, #tpu.memory_space<vmem>>, vector<1x16xf32>,
      %broadcast_in_dim3A_68 = arith.constant 0.000000e+00 : f32
      %broadcast_in_dim3A_69 = vector.broadcast %broadcast_in_dim3A_68 : f32 to vector<1x16xf32>
      %swap3A_70 = arith.index_cast %add3A_62 : i32 to index
      %swap3A_71 = arith.constant 16 : index
      %swap3A_72 = tpu.vector_load %arg11[%swap3A_70, %swap3A_71] {strides = array<i32>} : memref<32x128xf32, #tpu.memory_space<vmem>>, vector<1x16xf32>,
      %swap3A_73 = vector.shape_cast %swap3A_72 : vector<1x16xf32> to vector<1x16xf32>
      %swap3A_74 = vector.shape_cast %broadcast_in_dim3A_69 : vector<1x16xf32> to vector<1x16xf32>
      tpu.vector_store %arg11[%swap3A_70, %swap3A_71], %swap3A_74 {strides = array<i32>} : memref<32x128xf32, #tpu.memory_space<vmem>>, vector<1x16xf32>,
      %broadcast_in_dim3A_75 = arith.constant 0.000000e+00 : f32
      %broadcast_in_dim3A_76 = vector.broadcast %broadcast_in_dim3A_75 : f32 to vector<1x16xf32>
      %swap3A_77 = arith.index_cast %add3A_62 : i32 to index
      %swap3A_78 = arith.constant 32 : index
      %swap3A_79 = tpu.vector_load %arg11[%swap3A_77, %swap3A_78] {strides = array<i32>} : memref<32x128xf32, #tpu.memory_space<vmem>>, vector<1x16xf32>,
      %swap3A_80 = vector.shape_cast %swap3A_79 : vector<1x16xf32> to vector<1x16xf32>
      %swap3A_81 = vector.shape_cast %broadcast_in_dim3A_76 : vector<1x16xf32> to vector<1x16xf32>
      tpu.vector_store %arg11[%swap3A_77, %swap3A_78], %swap3A_81 {strides = array<i32>} : memref<32x128xf32, #tpu.memory_space<vmem>>, vector<1x16xf32>,
      %broadcast_in_dim3A_82 = arith.constant 0.000000e+00 : f32
      %broadcast_in_dim3A_83 = vector.broadcast %broadcast_in_dim3A_82 : f32 to vector<1x16xf32>
      %swap3A_84 = arith.index_cast %add3A_62 : i32 to index
      %swap3A_85 = arith.constant 48 : index
      %swap3A_86 = tpu.vector_load %arg11[%swap3A_84, %swap3A_85] {strides = array<i32>} : memref<32x128xf32, #tpu.memory_space<vmem>>, vector<1x16xf32>,
      %swap3A_87 = vector.shape_cast %swap3A_86 : vector<1x16xf32> to vector<1x16xf32>
      %swap3A_88 = vector.shape_cast %broadcast_in_dim3A_83 : vector<1x16xf32> to vector<1x16xf32>
      tpu.vector_store %arg11[%swap3A_84, %swap3A_85], %swap3A_88 {strides = array<i32>} : memref<32x128xf32, #tpu.memory_space<vmem>>, vector<1x16xf32>,
      %broadcast_in_dim3A_89 = arith.constant 0.000000e+00 : f32
      %broadcast_in_dim3A_90 = vector.broadcast %broadcast_in_dim3A_89 : f32 to vector<1x16xf32>
      %swap3A_91 = arith.index_cast %add3A_62 : i32 to index
      %swap3A_92 = arith.constant 64 : index
      %swap3A_93 = tpu.vector_load %arg11[%swap3A_91, %swap3A_92] {strides = array<i32>} : memref<32x128xf32, #tpu.memory_space<vmem>>, vector<1x16xf32>,
      %swap3A_94 = vector.shape_cast %swap3A_93 : vector<1x16xf32> to vector<1x16xf32>
      %swap3A_95 = vector.shape_cast %broadcast_in_dim3A_90 : vector<1x16xf32> to vector<1x16xf32>
      tpu.vector_store %arg11[%swap3A_91, %swap3A_92], %swap3A_95 {strides = array<i32>} : memref<32x128xf32, #tpu.memory_space<vmem>>, vector<1x16xf32>,
      %broadcast_in_dim3A_96 = arith.constant 0.000000e+00 : f32
      %broadcast_in_dim3A_97 = vector.broadcast %broadcast_in_dim3A_96 : f32 to vector<1x16xf32>
      %swap3A_98 = arith.index_cast %add3A_62 : i32 to index
      %swap3A_99 = arith.constant 80 : index
      %swap3A_100 = tpu.vector_load %arg11[%swap3A_98, %swap3A_99] {strides = array<i32>} : memref<32x128xf32, #tpu.memory_space<vmem>>, vector<1x16xf32>,
      %swap3A_101 = vector.shape_cast %swap3A_100 : vector<1x16xf32> to vector<1x16xf32>
      %swap3A_102 = vector.shape_cast %broadcast_in_dim3A_97 : vector<1x16xf32> to vector<1x16xf32>
      tpu.vector_store %arg11[%swap3A_98, %swap3A_99], %swap3A_102 {strides = array<i32>} : memref<32x128xf32, #tpu.memory_space<vmem>>, vector<1x16xf32>,
      %broadcast_in_dim3A_103 = arith.constant 0.000000e+00 : f32
      %broadcast_in_dim3A_104 = vector.broadcast %broadcast_in_dim3A_103 : f32 to vector<1x16xf32>
      %swap3A_105 = arith.index_cast %add3A_62 : i32 to index
      %swap3A_106 = arith.constant 96 : index
      %swap3A_107 = tpu.vector_load %arg11[%swap3A_105, %swap3A_106] {strides = array<i32>} : memref<32x128xf32, #tpu.memory_space<vmem>>, vector<1x16xf32>,
      %swap3A_108 = vector.shape_cast %swap3A_107 : vector<1x16xf32> to vector<1x16xf32>
      %swap3A_109 = vector.shape_cast %broadcast_in_dim3A_104 : vector<1x16xf32> to vector<1x16xf32>
      tpu.vector_store %arg11[%swap3A_105, %swap3A_106], %swap3A_109 {strides = array<i32>} : memref<32x128xf32, #tpu.memory_space<vmem>>, vector<1x16xf32>,
      %broadcast_in_dim3A_110 = arith.constant 0.000000e+00 : f32
      %broadcast_in_dim3A_111 = vector.broadcast %broadcast_in_dim3A_110 : f32 to vector<1x16xf32>
      %swap3A_112 = arith.index_cast %add3A_62 : i32 to index
      %swap3A_113 = arith.constant 112 : index
      %swap3A_114 = tpu.vector_load %arg11[%swap3A_112, %swap3A_113] {strides = array<i32>} : memref<32x128xf32, #tpu.memory_space<vmem>>, vector<1x16xf32>,
      %swap3A_115 = vector.shape_cast %swap3A_114 : vector<1x16xf32> to vector<1x16xf32>
      %swap3A_116 = vector.shape_cast %broadcast_in_dim3A_111 : vector<1x16xf32> to vector<1x16xf32>
      tpu.vector_store %arg11[%swap3A_112, %swap3A_113], %swap3A_116 {strides = array<i32>} : memref<32x128xf32, #tpu.memory_space<vmem>>, vector<1x16xf32>,
    }
    %scan3A_3 = arith.constant 32 : i32
    %mul3A = arith.constant 640 : i32
    %mul3A_4 = arith.muli %arg1, %mul3A : i32
    %mul3A_5 = arith.constant 2500 : i32
    %mul3A_6 = arith.muli %arg1, %mul3A_5 : i32
    %jit3A = arith.constant 16 : i32
    %div3A = arith.divsi %mul3A_6, %jit3A : i32
    %sign3A = arith.constant 0 : i32
    %sign3A_7 = arith.cmpi sgt, %mul3A_6, %sign3A : i32
    %sign3A_8 = arith.extui %sign3A_7 : i1 to i32
    %sign3A_9 = arith.constant 0 : i32
    %sign3A_10 = arith.cmpi slt, %mul3A_6, %sign3A_9 : i32
    %sign3A_11 = arith.extui %sign3A_10 : i1 to i32
    %sign3A_12 = arith.subi %sign3A_8, %sign3A_11 : i32
    %sign3A_13 = arith.constant 0 : i32
    %sign3A_14 = arith.cmpi sgt, %jit3A, %sign3A_13 : i32
    %sign3A_15 = arith.extui %sign3A_14 : i1 to i32
    %sign3A_16 = arith.constant 0 : i32
    %sign3A_17 = arith.cmpi slt, %jit3A, %sign3A_16 : i32
    %sign3A_18 = arith.extui %sign3A_17 : i1 to i32
    %sign3A_19 = arith.subi %sign3A_15, %sign3A_18 : i32
    %ne3A = arith.cmpi ne, %sign3A_12, %sign3A_19 : i32
    %rem3A = arith.remsi %mul3A_6, %jit3A : i32
    %ne3A_20 = arith.constant 0 : i32
    %ne3A_21 = arith.cmpi ne, %rem3A, %ne3A_20 : i32
    %and3A = arith.andi %ne3A, %ne3A_21 : i1
    %sub3A = arith.constant 1 : i32
    %sub3A_22 = arith.subi %div3A, %sub3A : i32
    %select_n3A = arith.select %and3A, %sub3A_22, %div3A : i32
    %add3A = arith.constant 1 : i32
    %add3A_23 = arith.addi %arg1, %add3A : i32
    %mul3A_24 = arith.constant 2500 : i32
    %mul3A_25 = arith.muli %add3A_23, %mul3A_24 : i32
    %jit3A_26 = arith.constant 16 : i32
    %div3A_27 = arith.divsi %mul3A_25, %jit3A_26 : i32
    %sign3A_28 = arith.constant 0 : i32
    %sign3A_29 = arith.cmpi sgt, %mul3A_25, %sign3A_28 : i32
    %sign3A_30 = arith.extui %sign3A_29 : i1 to i32
    %sign3A_31 = arith.constant 0 : i32
    %sign3A_32 = arith.cmpi slt, %mul3A_25, %sign3A_31 : i32
    %sign3A_33 = arith.extui %sign3A_32 : i1 to i32
    %sign3A_34 = arith.subi %sign3A_30, %sign3A_33 : i32
    %sign3A_35 = arith.constant 0 : i32
    %sign3A_36 = arith.cmpi sgt, %jit3A_26, %sign3A_35 : i32
    %sign3A_37 = arith.extui %sign3A_36 : i1 to i32
    %sign3A_38 = arith.constant 0 : i32
    %sign3A_39 = arith.cmpi slt, %jit3A_26, %sign3A_38 : i32
    %sign3A_40 = arith.extui %sign3A_39 : i1 to i32
    %sign3A_41 = arith.subi %sign3A_37, %sign3A_40 : i32
    %ne3A_42 = arith.cmpi ne, %sign3A_34, %sign3A_41 : i32
    %rem3A_43 = arith.remsi %mul3A_25, %jit3A_26 : i32
    %ne3A_44 = arith.constant 0 : i32
    %ne3A_45 = arith.cmpi ne, %rem3A_43, %ne3A_44 : i32
    %and3A_46 = arith.andi %ne3A_42, %ne3A_45 : i1
    %sub3A_47 = arith.constant 1 : i32
    %sub3A_48 = arith.subi %div3A_27, %sub3A_47 : i32
    %select_n3A_49 = arith.select %and3A_46, %sub3A_48, %div3A_27 : i32
    %sub3A_50 = arith.subi %select_n3A_49, %select_n3A : i32
    %eq3A = arith.constant 0 : i32
    %eq3A_51 = arith.cmpi eq, %arg0, %eq3A : i32
    %convert_element_type3A = arith.extui %eq3A_51 : i1 to i32
    %cond3A = arith.constant 0 : i32
    %cond3A_52 = arith.cmpi ne, %convert_element_type3A, %cond3A : i32
    scf.if %cond3A_52 {
      %scan3A_58 = arith.constant 0 : i32
      %scan3A_59 = arith.constant 20 : i32
      %scan3A_60 = arith.addi %scan3A_58, %scan3A_59 : i32
      %scan3A_61 = arith.constant 1 : i32
      scf.for %scan3A_98 = %scan3A_58 to %scan3A_60 step %scan3A_61  : i32 {
        %mul3A_99 = arith.constant 32 : i32
        %mul3A_100 = arith.muli %scan3A_98, %mul3A_99 : i32
        %add3A_101 = arith.constant 0 : i32
        %add3A_102 = arith.addi %add3A_101, %mul3A_100 : i32
        %add3A_103 = arith.addi %mul3A_4, %add3A_102 : i32
        "tpu.region"() ({
          %run_scoped3A = tpu.sem_alloc : memref<!tpu.dma_semaphore, #tpu.memory_space<semaphore_mem>>
          %dma_start3A_104 = arith.constant 0 : i32
          %dma_start3A_105 = tpu.memref_slice %arg12[%add3A_103, %dma_start3A_104] : memref<10240x128xf32, #tpu.memory_space<vmem_shared>> -> memref<32x128xf32, #tpu.memory_space<vmem_shared>>
          %dma_start3A_106 = arith.constant 0 : i32
          %dma_start3A_107 = tpu.memref_slice %arg12[%add3A_103, %dma_start3A_106] : memref<10240x128xf32, #tpu.memory_space<vmem_shared>> -> memref<32x128xf32, #tpu.memory_space<vmem_shared>>
          tpu.enqueue_dma source(%arg11 : memref<32x128xf32, #tpu.memory_space<vmem>>) target(%dma_start3A_107 : memref<32x128xf32, #tpu.memory_space<vmem_shared>>) target_semaphore(%run_scoped3A : memref<!tpu.dma_semaphore, #tpu.memory_space<semaphore_mem>>)
          %dma_wait3A_108 = arith.constant 0 : i32
          %dma_wait3A_109 = tpu.memref_slice %arg12[%add3A_103, %dma_wait3A_108] : memref<10240x128xf32, #tpu.memory_space<vmem_shared>> -> memref<32x128xf32, #tpu.memory_space<vmem_shared>>
          %dma_wait3A_110 = arith.constant 0 : i32
          %dma_wait3A_111 = tpu.memref_slice %arg12[%add3A_103, %dma_wait3A_110] : memref<10240x128xf32, #tpu.memory_space<vmem_shared>> -> memref<32x128xf32, #tpu.memory_space<vmem_shared>>
          tpu.wait_dma2 semaphore(%run_scoped3A : memref<!tpu.dma_semaphore, #tpu.memory_space<semaphore_mem>>) src(%arg11 : memref<32x128xf32, #tpu.memory_space<vmem>>) dst(%dma_wait3A_111 : memref<32x128xf32, #tpu.memory_space<vmem_shared>>)
          tpu.yield
        }) : () -> ()
      }
      %scan3A_62 = arith.constant 20 : i32
      %barrier3A = arith.constant 0 : index
      tpu.barrier barrier_id(%barrier3A)
      "tpu.region"() ({
        %run_scoped3A = tpu.sem_alloc : memref<!tpu.dma_semaphore, #tpu.memory_space<semaphore_mem>>
        %dma_start3A_98 = arith.constant 0 : i32
        %dma_start3A_99 = arith.constant 0 : i32
        %dma_start3A_100 = tpu.memref_slice %arg4[%select_n3A, %dma_start3A_98, %dma_start3A_99] : memref<2500x2x128xi32, #tpu.memory_space<hbm>> -> memref<1x2x128xi32, #tpu.memory_space<hbm>>
        %dma_start3A_101 = arith.constant 0 : i32
        %dma_start3A_102 = arith.constant 0 : i32
        %dma_start3A_103 = tpu.memref_slice %arg4[%select_n3A, %dma_start3A_101, %dma_start3A_102] : memref<2500x2x128xi32, #tpu.memory_space<hbm>> -> memref<1x2x128xi32, #tpu.memory_space<hbm>>
        tpu.enqueue_dma source(%dma_start3A_103 : memref<1x2x128xi32, #tpu.memory_space<hbm>>) target(%arg7 : memref<1x2x128xi32, #tpu.memory_space<vmem>>) target_semaphore(%run_scoped3A : memref<!tpu.dma_semaphore, #tpu.memory_space<semaphore_mem>>)
        %dma_wait3A_104 = arith.constant 0 : i32
        %dma_wait3A_105 = arith.constant 0 : i32
        %dma_wait3A_106 = tpu.memref_slice %arg4[%select_n3A, %dma_wait3A_104, %dma_wait3A_105] : memref<2500x2x128xi32, #tpu.memory_space<hbm>> -> memref<1x2x128xi32, #tpu.memory_space<hbm>>
        %dma_wait3A_107 = arith.constant 0 : i32
        %dma_wait3A_108 = arith.constant 0 : i32
        %dma_wait3A_109 = tpu.memref_slice %arg4[%select_n3A, %dma_wait3A_107, %dma_wait3A_108] : memref<2500x2x128xi32, #tpu.memory_space<hbm>> -> memref<1x2x128xi32, #tpu.memory_space<hbm>>
        tpu.wait_dma2 semaphore(%run_scoped3A : memref<!tpu.dma_semaphore, #tpu.memory_space<semaphore_mem>>) src(%dma_wait3A_109 : memref<1x2x128xi32, #tpu.memory_space<hbm>>) dst(%arg7 : memref<1x2x128xi32, #tpu.memory_space<vmem>>)
        tpu.yield
      }) : () -> ()
      %dma_start3A = arith.constant 0 : i32
      %dma_start3A_63 = arith.constant 0 : i32
      %dma_start3A_64 = arith.constant 0 : i32
      %dma_start3A_65 = arith.constant 0 : i32
      %dma_start3A_66 = tpu.memref_slice %arg9[%dma_start3A_64, %dma_start3A_65] : memref<128x128xf32, #tpu.memory_space<vmem>> -> memref<128x128xf32, #tpu.memory_space<vmem>>
      %dma_start3A_67 = arith.constant 0 : i32
      %dma_start3A_68 = tpu.memref_slice %arg7[%dma_start3A, %dma_start3A_63, %dma_start3A_67] : memref<1x2x128xi32, #tpu.memory_space<vmem>> -> memref<1x1x128xi32, #tpu.memory_space<vmem>>
      %dma_start3A_69 = tpu.memref_squeeze %dma_start3A_68 : memref<1x1x128xi32, #tpu.memory_space<vmem>> -> memref<128xi32, #tpu.memory_space<vmem>>
      %dma_start3A_70 = arith.constant 0 : i32
      %dma_start3A_71 = arith.constant 0 : i32
      %dma_start3A_72 = tpu.memref_slice %arg2[%dma_start3A_70, %dma_start3A_71] : memref<10240x128xf32, #tpu.memory_space<hbm>> -> memref<10240x128xf32, #tpu.memory_space<hbm>>
      tpu.enqueue_indirect_dma source(%dma_start3A_72 : memref<10240x128xf32, #tpu.memory_space<hbm>>) target(%dma_start3A_66 : memref<128x128xf32, #tpu.memory_space<vmem>>) offsets(%dma_start3A_69 : memref<128xi32, #tpu.memory_space<vmem>>) semaphore(%arg13 : memref<!tpu.dma_semaphore, #tpu.memory_space<semaphore_mem>>)
      %add3A_73 = arith.constant 1 : i32
      %add3A_74 = arith.addi %select_n3A, %add3A_73 : i32
      %dma_start3A_75 = arith.constant 0 : i32
      %dma_start3A_76 = arith.constant 0 : i32
      %dma_start3A_77 = tpu.memref_slice %arg4[%add3A_74, %dma_start3A_75, %dma_start3A_76] : memref<2500x2x128xi32, #tpu.memory_space<hbm>> -> memref<1x2x128xi32, #tpu.memory_space<hbm>>
      %dma_start3A_78 = arith.constant 0 : i32
      %dma_start3A_79 = arith.constant 0 : i32
      %dma_start3A_80 = tpu.memref_slice %arg4[%add3A_74, %dma_start3A_78, %dma_start3A_79] : memref<2500x2x128xi32, #tpu.memory_space<hbm>> -> memref<1x2x128xi32, #tpu.memory_space<hbm>>
      tpu.enqueue_dma source(%dma_start3A_80 : memref<1x2x128xi32, #tpu.memory_space<hbm>>) target(%arg8 : memref<1x2x128xi32, #tpu.memory_space<vmem>>) target_semaphore(%arg16 : memref<!tpu.dma_semaphore, #tpu.memory_space<semaphore_mem>>)
      %scan3A_81 = arith.constant 0 : i32
      %scan3A_82 = arith.constant 78 : i32
      %scan3A_83 = arith.addi %scan3A_81, %scan3A_82 : i32
      %scan3A_84 = arith.constant 1 : i32
      scf.for %scan3A_98 = %scan3A_81 to %scan3A_83 step %scan3A_84  : i32 {
        %mul3A_99 = arith.constant 2 : i32
        %mul3A_100 = arith.muli %scan3A_98, %mul3A_99 : i32
        %add3A_101 = arith.constant 0 : i32
        %add3A_102 = arith.addi %add3A_101, %mul3A_100 : i32
        %dma_wait3A_103 = arith.constant 0 : i32
        %dma_wait3A_104 = arith.constant 0 : i32
        %dma_wait3A_105 = arith.constant 0 : i32
        %dma_wait3A_106 = tpu.memref_slice %arg7[%dma_wait3A_103, %dma_wait3A_104, %dma_wait3A_105] : memref<1x2x128xi32, #tpu.memory_space<vmem>> -> memref<1x1x128xi32, #tpu.memory_space<vmem>>
        %dma_wait3A_107 = tpu.memref_squeeze %dma_wait3A_106 : memref<1x1x128xi32, #tpu.memory_space<vmem>> -> memref<128xi32, #tpu.memory_space<vmem>>
        %dma_wait3A_108 = arith.constant 0 : i32
        %dma_wait3A_109 = arith.constant 0 : i32
        %dma_wait3A_110 = tpu.memref_slice %arg2[%dma_wait3A_108, %dma_wait3A_109] : memref<10240x128xf32, #tpu.memory_space<hbm>> -> memref<10240x128xf32, #tpu.memory_space<hbm>>
        tpu.wait_indirect_dma semaphore(%arg13 : memref<!tpu.dma_semaphore, #tpu.memory_space<semaphore_mem>>) src(%dma_wait3A_110 : memref<10240x128xf32, #tpu.memory_space<hbm>>) dst(%arg9 : memref<128x128xf32, #tpu.memory_space<vmem>>)
        %dma_wait3A_111 = arith.constant 0 : i32
        %dma_wait3A_112 = arith.constant 0 : i32
        %dma_wait3A_113 = tpu.memref_slice %arg4[%select_n3A, %dma_wait3A_111, %dma_wait3A_112] : memref<2500x2x128xi32, #tpu.memory_space<hbm>> -> memref<1x2x128xi32, #tpu.memory_space<hbm>>
        %dma_wait3A_114 = arith.constant 0 : i32
        %dma_wait3A_115 = arith.constant 0 : i32
        %dma_wait3A_116 = tpu.memref_slice %arg4[%select_n3A, %dma_wait3A_114, %dma_wait3A_115] : memref<2500x2x128xi32, #tpu.memory_space<hbm>> -> memref<1x2x128xi32, #tpu.memory_space<hbm>>
        tpu.wait_dma2 semaphore(%arg16 : memref<!tpu.dma_semaphore, #tpu.memory_space<semaphore_mem>>) src(%dma_wait3A_116 : memref<1x2x128xi32, #tpu.memory_space<hbm>>) dst(%arg8 : memref<1x2x128xi32, #tpu.memory_space<vmem>>)
        %dma_start3A_117 = arith.constant 0 : i32
        %dma_start3A_118 = arith.constant 0 : i32
        %dma_start3A_119 = arith.constant 0 : i32
        %dma_start3A_120 = arith.constant 0 : i32
        %dma_start3A_121 = tpu.memref_slice %arg10[%dma_start3A_119, %dma_start3A_120] : memref<128x128xf32, #tpu.memory_space<vmem>> -> memref<128x128xf32, #tpu.memory_space<vmem>>
        %dma_start3A_122 = arith.constant 0 : i32
        %dma_start3A_123 = tpu.memref_slice %arg8[%dma_start3A_117, %dma_start3A_118, %dma_start3A_122] : memref<1x2x128xi32, #tpu.memory_space<vmem>> -> memref<1x1x128xi32, #tpu.memory_space<vmem>>
        %dma_start3A_124 = tpu.memref_squeeze %dma_start3A_123 : memref<1x1x128xi32, #tpu.memory_space<vmem>> -> memref<128xi32, #tpu.memory_space<vmem>>
        %dma_start3A_125 = arith.constant 0 : i32
        %dma_start3A_126 = arith.constant 0 : i32
        %dma_start3A_127 = tpu.memref_slice %arg2[%dma_start3A_125, %dma_start3A_126] : memref<10240x128xf32, #tpu.memory_space<hbm>> -> memref<10240x128xf32, #tpu.memory_space<hbm>>
        tpu.enqueue_indirect_dma source(%dma_start3A_127 : memref<10240x128xf32, #tpu.memory_space<hbm>>) target(%dma_start3A_121 : memref<128x128xf32, #tpu.memory_space<vmem>>) offsets(%dma_start3A_124 : memref<128xi32, #tpu.memory_space<vmem>>) semaphore(%arg14 : memref<!tpu.dma_semaphore, #tpu.memory_space<semaphore_mem>>)
        %lt3A = arith.cmpi slt, %add3A_102, %sub3A_50 : i32
        %convert_element_type3A_128 = arith.extui %lt3A : i1 to i32
        %cond3A_129 = arith.constant 0 : i32
        %cond3A_130 = arith.cmpi ne, %convert_element_type3A_128, %cond3A_129 : i32
        scf.if %cond3A_130 {
          %run_scoped3A = arith.constant 0 : i32
          %run_scoped3A_176 = arith.constant 1 : i32
          "tpu.region"() ({
            %run_scoped3A_177 = tpu.sem_alloc : memref<!tpu.dma_semaphore, #tpu.memory_space<semaphore_mem>>
            %dma_start3A_178 = arith.constant 0 : i32
            %dma_start3A_179 = tpu.memref_slice %arg7[%run_scoped3A, %run_scoped3A_176, %dma_start3A_178] : memref<1x2x128xi32, #tpu.memory_space<vmem>> -> memref<1x1x128xi32, #tpu.memory_space<vmem>>
            %dma_start3A_180 = tpu.memref_squeeze %dma_start3A_179 : memref<1x1x128xi32, #tpu.memory_space<vmem>> -> memref<128xi32, #tpu.memory_space<vmem>>
            %dma_start3A_181 = arith.constant 0 : i32
            %dma_start3A_182 = arith.constant 0 : i32
            %dma_start3A_183 = tpu.memref_slice %arg12[%dma_start3A_181, %dma_start3A_182] : memref<10240x128xf32, #tpu.memory_space<vmem_shared>> -> memref<10240x128xf32, #tpu.memory_space<vmem_shared>>
            tpu.enqueue_indirect_dma source(%arg9 : memref<128x128xf32, #tpu.memory_space<vmem>>) target(%dma_start3A_183 : memref<10240x128xf32, #tpu.memory_space<vmem_shared>>) offsets(%dma_start3A_180 : memref<128xi32, #tpu.memory_space<vmem>>) semaphore(%run_scoped3A_177 : memref<!tpu.dma_semaphore, #tpu.memory_space<semaphore_mem>>) {add = true}
            %dma_wait3A_184 = arith.constant 0 : i32
            %dma_wait3A_185 = tpu.memref_slice %arg7[%run_scoped3A, %run_scoped3A_176, %dma_wait3A_184] : memref<1x2x128xi32, #tpu.memory_space<vmem>> -> memref<1x1x128xi32, #tpu.memory_space<vmem>>
            %dma_wait3A_186 = tpu.memref_squeeze %dma_wait3A_185 : memref<1x1x128xi32, #tpu.memory_space<vmem>> -> memref<128xi32, #tpu.memory_space<vmem>>
            %dma_wait3A_187 = arith.constant 0 : i32
            %dma_wait3A_188 = arith.constant 0 : i32
            %dma_wait3A_189 = tpu.memref_slice %arg12[%dma_wait3A_187, %dma_wait3A_188] : memref<10240x128xf32, #tpu.memory_space<vmem_shared>> -> memref<10240x128xf32, #tpu.memory_space<vmem_shared>>
            tpu.wait_indirect_dma semaphore(%run_scoped3A_177 : memref<!tpu.dma_semaphore, #tpu.memory_space<semaphore_mem>>) src(%arg9 : memref<128x128xf32, #tpu.memory_space<vmem>>) dst(%dma_wait3A_189 : memref<10240x128xf32, #tpu.memory_space<vmem_shared>>)
            tpu.yield
          }) : () -> ()
        } else {
        }
        %add3A_131 = arith.constant 2 : i32
        %add3A_132 = arith.addi %add3A_102, %add3A_131 : i32
        %lt3A_133 = arith.constant 157 : i32
        %lt3A_134 = arith.cmpi slt, %add3A_132, %lt3A_133 : i32
        %convert_element_type3A_135 = arith.extui %lt3A_134 : i1 to i32
        %cond3A_136 = arith.constant 0 : i32
        %cond3A_137 = arith.cmpi ne, %convert_element_type3A_135, %cond3A_136 : i32
        scf.if %cond3A_137 {
          %add3A_176 = arith.addi %select_n3A, %add3A_102 : i32
          %add3A_177 = arith.constant 2 : i32
          %add3A_178 = arith.addi %add3A_176, %add3A_177 : i32
          %dma_start3A_179 = arith.constant 0 : i32
          %dma_start3A_180 = arith.constant 0 : i32
          %dma_start3A_181 = tpu.memref_slice %arg4[%add3A_178, %dma_start3A_179, %dma_start3A_180] : memref<2500x2x128xi32, #tpu.memory_space<hbm>> -> memref<1x2x128xi32, #tpu.memory_space<hbm>>
          %dma_start3A_182 = arith.constant 0 : i32
          %dma_start3A_183 = arith.constant 0 : i32
          %dma_start3A_184 = tpu.memref_slice %arg4[%add3A_178, %dma_start3A_182, %dma_start3A_183] : memref<2500x2x128xi32, #tpu.memory_space<hbm>> -> memref<1x2x128xi32, #tpu.memory_space<hbm>>
          tpu.enqueue_dma source(%dma_start3A_184 : memref<1x2x128xi32, #tpu.memory_space<hbm>>) target(%arg7 : memref<1x2x128xi32, #tpu.memory_space<vmem>>) target_semaphore(%arg15 : memref<!tpu.dma_semaphore, #tpu.memory_space<semaphore_mem>>)
        } else {
        }
        %add3A_138 = arith.constant 1 : i32
        %add3A_139 = arith.addi %add3A_102, %add3A_138 : i32
        %dma_wait3A_140 = arith.constant 0 : i32
        %dma_wait3A_141 = arith.constant 0 : i32
        %dma_wait3A_142 = arith.constant 0 : i32
        %dma_wait3A_143 = tpu.memref_slice %arg7[%dma_wait3A_140, %dma_wait3A_141, %dma_wait3A_142] : memref<1x2x128xi32, #tpu.memory_space<vmem>> -> memref<1x1x128xi32, #tpu.memory_space<vmem>>
        %dma_wait3A_144 = tpu.memref_squeeze %dma_wait3A_143 : memref<1x1x128xi32, #tpu.memory_space<vmem>> -> memref<128xi32, #tpu.memory_space<vmem>>
        %dma_wait3A_145 = arith.constant 0 : i32
        %dma_wait3A_146 = arith.constant 0 : i32
        %dma_wait3A_147 = tpu.memref_slice %arg2[%dma_wait3A_145, %dma_wait3A_146] : memref<10240x128xf32, #tpu.memory_space<hbm>> -> memref<10240x128xf32, #tpu.memory_space<hbm>>
        tpu.wait_indirect_dma semaphore(%arg14 : memref<!tpu.dma_semaphore, #tpu.memory_space<semaphore_mem>>) src(%dma_wait3A_147 : memref<10240x128xf32, #tpu.memory_space<hbm>>) dst(%arg10 : memref<128x128xf32, #tpu.memory_space<vmem>>)
        %dma_wait3A_148 = arith.constant 0 : i32
        %dma_wait3A_149 = arith.constant 0 : i32
        %dma_wait3A_150 = tpu.memref_slice %arg4[%select_n3A, %dma_wait3A_148, %dma_wait3A_149] : memref<2500x2x128xi32, #tpu.memory_space<hbm>> -> memref<1x2x128xi32, #tpu.memory_space<hbm>>
        %dma_wait3A_151 = arith.constant 0 : i32
        %dma_wait3A_152 = arith.constant 0 : i32
        %dma_wait3A_153 = tpu.memref_slice %arg4[%select_n3A, %dma_wait3A_151, %dma_wait3A_152] : memref<2500x2x128xi32, #tpu.memory_space<hbm>> -> memref<1x2x128xi32, #tpu.memory_space<hbm>>
        tpu.wait_dma2 semaphore(%arg15 : memref<!tpu.dma_semaphore, #tpu.memory_space<semaphore_mem>>) src(%dma_wait3A_153 : memref<1x2x128xi32, #tpu.memory_space<hbm>>) dst(%arg7 : memref<1x2x128xi32, #tpu.memory_space<vmem>>)
        %dma_start3A_154 = arith.constant 0 : i32
        %dma_start3A_155 = arith.constant 0 : i32
        %dma_start3A_156 = arith.constant 0 : i32
        %dma_start3A_157 = arith.constant 0 : i32
        %dma_start3A_158 = tpu.memref_slice %arg9[%dma_start3A_156, %dma_start3A_157] : memref<128x128xf32, #tpu.memory_space<vmem>> -> memref<128x128xf32, #tpu.memory_space<vmem>>
        %dma_start3A_159 = arith.constant 0 : i32
        %dma_start3A_160 = tpu.memref_slice %arg7[%dma_start3A_154, %dma_start3A_155, %dma_start3A_159] : memref<1x2x128xi32, #tpu.memory_space<vmem>> -> memref<1x1x128xi32, #tpu.memory_space<vmem>>
        %dma_start3A_161 = tpu.memref_squeeze %dma_start3A_160 : memref<1x1x128xi32, #tpu.memory_space<vmem>> -> memref<128xi32, #tpu.memory_space<vmem>>
        %dma_start3A_162 = arith.constant 0 : i32
        %dma_start3A_163 = arith.constant 0 : i32
        %dma_start3A_164 = tpu.memref_slice %arg2[%dma_start3A_162, %dma_start3A_163] : memref<10240x128xf32, #tpu.memory_space<hbm>> -> memref<10240x128xf32, #tpu.memory_space<hbm>>
        tpu.enqueue_indirect_dma source(%dma_start3A_164 : memref<10240x128xf32, #tpu.memory_space<hbm>>) target(%dma_start3A_158 : memref<128x128xf32, #tpu.memory_space<vmem>>) offsets(%dma_start3A_161 : memref<128xi32, #tpu.memory_space<vmem>>) semaphore(%arg13 : memref<!tpu.dma_semaphore, #tpu.memory_space<semaphore_mem>>)
        %lt3A_165 = arith.cmpi slt, %add3A_139, %sub3A_50 : i32
        %convert_element_type3A_166 = arith.extui %lt3A_165 : i1 to i32
        %cond3A_167 = arith.constant 0 : i32
        %cond3A_168 = arith.cmpi ne, %convert_element_type3A_166, %cond3A_167 : i32
        scf.if %cond3A_168 {
          %run_scoped3A = arith.constant 0 : i32
          %run_scoped3A_176 = arith.constant 1 : i32
          "tpu.region"() ({
            %run_scoped3A_177 = tpu.sem_alloc : memref<!tpu.dma_semaphore, #tpu.memory_space<semaphore_mem>>
            %dma_start3A_178 = arith.constant 0 : i32
            %dma_start3A_179 = tpu.memref_slice %arg8[%run_scoped3A, %run_scoped3A_176, %dma_start3A_178] : memref<1x2x128xi32, #tpu.memory_space<vmem>> -> memref<1x1x128xi32, #tpu.memory_space<vmem>>
            %dma_start3A_180 = tpu.memref_squeeze %dma_start3A_179 : memref<1x1x128xi32, #tpu.memory_space<vmem>> -> memref<128xi32, #tpu.memory_space<vmem>>
            %dma_start3A_181 = arith.constant 0 : i32
            %dma_start3A_182 = arith.constant 0 : i32
            %dma_start3A_183 = tpu.memref_slice %arg12[%dma_start3A_181, %dma_start3A_182] : memref<10240x128xf32, #tpu.memory_space<vmem_shared>> -> memref<10240x128xf32, #tpu.memory_space<vmem_shared>>
            tpu.enqueue_indirect_dma source(%arg10 : memref<128x128xf32, #tpu.memory_space<vmem>>) target(%dma_start3A_183 : memref<10240x128xf32, #tpu.memory_space<vmem_shared>>) offsets(%dma_start3A_180 : memref<128xi32, #tpu.memory_space<vmem>>) semaphore(%run_scoped3A_177 : memref<!tpu.dma_semaphore, #tpu.memory_space<semaphore_mem>>) {add = true}
            %dma_wait3A_184 = arith.constant 0 : i32
            %dma_wait3A_185 = tpu.memref_slice %arg8[%run_scoped3A, %run_scoped3A_176, %dma_wait3A_184] : memref<1x2x128xi32, #tpu.memory_space<vmem>> -> memref<1x1x128xi32, #tpu.memory_space<vmem>>
            %dma_wait3A_186 = tpu.memref_squeeze %dma_wait3A_185 : memref<1x1x128xi32, #tpu.memory_space<vmem>> -> memref<128xi32, #tpu.memory_space<vmem>>
            %dma_wait3A_187 = arith.constant 0 : i32
            %dma_wait3A_188 = arith.constant 0 : i32
            %dma_wait3A_189 = tpu.memref_slice %arg12[%dma_wait3A_187, %dma_wait3A_188] : memref<10240x128xf32, #tpu.memory_space<vmem_shared>> -> memref<10240x128xf32, #tpu.memory_space<vmem_shared>>
            tpu.wait_indirect_dma semaphore(%run_scoped3A_177 : memref<!tpu.dma_semaphore, #tpu.memory_space<semaphore_mem>>) src(%arg10 : memref<128x128xf32, #tpu.memory_space<vmem>>) dst(%dma_wait3A_189 : memref<10240x128xf32, #tpu.memory_space<vmem_shared>>)
            tpu.yield
          }) : () -> ()
        } else {
        }
        %add3A_169 = arith.constant 2 : i32
        %add3A_170 = arith.addi %add3A_139, %add3A_169 : i32
        %lt3A_171 = arith.constant 157 : i32
        %lt3A_172 = arith.cmpi slt, %add3A_170, %lt3A_171 : i32
        %convert_element_type3A_173 = arith.extui %lt3A_172 : i1 to i32
        %cond3A_174 = arith.constant 0 : i32
        %cond3A_175 = arith.cmpi ne, %convert_element_type3A_173, %cond3A_174 : i32
        scf.if %cond3A_175 {
          %add3A_176 = arith.addi %select_n3A, %add3A_139 : i32
          %add3A_177 = arith.constant 2 : i32
          %add3A_178 = arith.addi %add3A_176, %add3A_177 : i32
          %dma_start3A_179 = arith.constant 0 : i32
          %dma_start3A_180 = arith.constant 0 : i32
          %dma_start3A_181 = tpu.memref_slice %arg4[%add3A_178, %dma_start3A_179, %dma_start3A_180] : memref<2500x2x128xi32, #tpu.memory_space<hbm>> -> memref<1x2x128xi32, #tpu.memory_space<hbm>>
          %dma_start3A_182 = arith.constant 0 : i32
          %dma_start3A_183 = arith.constant 0 : i32
          %dma_start3A_184 = tpu.memref_slice %arg4[%add3A_178, %dma_start3A_182, %dma_start3A_183] : memref<2500x2x128xi32, #tpu.memory_space<hbm>> -> memref<1x2x128xi32, #tpu.memory_space<hbm>>
          tpu.enqueue_dma source(%dma_start3A_184 : memref<1x2x128xi32, #tpu.memory_space<hbm>>) target(%arg8 : memref<1x2x128xi32, #tpu.memory_space<vmem>>) target_semaphore(%arg16 : memref<!tpu.dma_semaphore, #tpu.memory_space<semaphore_mem>>)
        } else {
        }
      }
      %scan3A_85 = arith.constant 78 : i32
      %dma_wait3A = arith.constant 0 : i32
      %dma_wait3A_86 = arith.constant 0 : i32
      %dma_wait3A_87 = arith.constant 0 : i32
      %dma_wait3A_88 = tpu.memref_slice %arg7[%dma_wait3A, %dma_wait3A_86, %dma_wait3A_87] : memref<1x2x128xi32, #tpu.memory_space<vmem>> -> memref<1x1x128xi32, #tpu.memory_space<vmem>>
      %dma_wait3A_89 = tpu.memref_squeeze %dma_wait3A_88 : memref<1x1x128xi32, #tpu.memory_space<vmem>> -> memref<128xi32, #tpu.memory_space<vmem>>
      %dma_wait3A_90 = arith.constant 0 : i32
      %dma_wait3A_91 = arith.constant 0 : i32
      %dma_wait3A_92 = tpu.memref_slice %arg2[%dma_wait3A_90, %dma_wait3A_91] : memref<10240x128xf32, #tpu.memory_space<hbm>> -> memref<10240x128xf32, #tpu.memory_space<hbm>>
      tpu.wait_indirect_dma semaphore(%arg13 : memref<!tpu.dma_semaphore, #tpu.memory_space<semaphore_mem>>) src(%dma_wait3A_92 : memref<10240x128xf32, #tpu.memory_space<hbm>>) dst(%arg9 : memref<128x128xf32, #tpu.memory_space<vmem>>)
      %gt3A = arith.constant 156 : i32
      %gt3A_93 = arith.cmpi sgt, %sub3A_50, %gt3A : i32
      %convert_element_type3A_94 = arith.extui %gt3A_93 : i1 to i32
      %cond3A_95 = arith.constant 0 : i32
      %cond3A_96 = arith.cmpi ne, %convert_element_type3A_94, %cond3A_95 : i32
      scf.if %cond3A_96 {
        %run_scoped3A = arith.constant 0 : i32
        %run_scoped3A_98 = arith.constant 1 : i32
        "tpu.region"() ({
          %run_scoped3A_99 = tpu.sem_alloc : memref<!tpu.dma_semaphore, #tpu.memory_space<semaphore_mem>>
          %dma_start3A_100 = arith.constant 0 : i32
          %dma_start3A_101 = tpu.memref_slice %arg7[%run_scoped3A, %run_scoped3A_98, %dma_start3A_100] : memref<1x2x128xi32, #tpu.memory_space<vmem>> -> memref<1x1x128xi32, #tpu.memory_space<vmem>>
          %dma_start3A_102 = tpu.memref_squeeze %dma_start3A_101 : memref<1x1x128xi32, #tpu.memory_space<vmem>> -> memref<128xi32, #tpu.memory_space<vmem>>
          %dma_start3A_103 = arith.constant 0 : i32
          %dma_start3A_104 = arith.constant 0 : i32
          %dma_start3A_105 = tpu.memref_slice %arg12[%dma_start3A_103, %dma_start3A_104] : memref<10240x128xf32, #tpu.memory_space<vmem_shared>> -> memref<10240x128xf32, #tpu.memory_space<vmem_shared>>
          tpu.enqueue_indirect_dma source(%arg9 : memref<128x128xf32, #tpu.memory_space<vmem>>) target(%dma_start3A_105 : memref<10240x128xf32, #tpu.memory_space<vmem_shared>>) offsets(%dma_start3A_102 : memref<128xi32, #tpu.memory_space<vmem>>) semaphore(%run_scoped3A_99 : memref<!tpu.dma_semaphore, #tpu.memory_space<semaphore_mem>>) {add = true}
          %dma_wait3A_106 = arith.constant 0 : i32
          %dma_wait3A_107 = tpu.memref_slice %arg7[%run_scoped3A, %run_scoped3A_98, %dma_wait3A_106] : memref<1x2x128xi32, #tpu.memory_space<vmem>> -> memref<1x1x128xi32, #tpu.memory_space<vmem>>
          %dma_wait3A_108 = tpu.memref_squeeze %dma_wait3A_107 : memref<1x1x128xi32, #tpu.memory_space<vmem>> -> memref<128xi32, #tpu.memory_space<vmem>>
          %dma_wait3A_109 = arith.constant 0 : i32
          %dma_wait3A_110 = arith.constant 0 : i32
          %dma_wait3A_111 = tpu.memref_slice %arg12[%dma_wait3A_109, %dma_wait3A_110] : memref<10240x128xf32, #tpu.memory_space<vmem_shared>> -> memref<10240x128xf32, #tpu.memory_space<vmem_shared>>
          tpu.wait_indirect_dma semaphore(%run_scoped3A_99 : memref<!tpu.dma_semaphore, #tpu.memory_space<semaphore_mem>>) src(%arg9 : memref<128x128xf32, #tpu.memory_space<vmem>>) dst(%dma_wait3A_111 : memref<10240x128xf32, #tpu.memory_space<vmem_shared>>)
          tpu.yield
        }) : () -> ()
      } else {
      }
      %barrier3A_97 = arith.constant 0 : index
      tpu.barrier barrier_id(%barrier3A_97)
      "tpu.region"() ({
        %run_scoped3A = tpu.sem_alloc : memref<!tpu.dma_semaphore, #tpu.memory_space<semaphore_mem>>
        %dma_start3A_98 = arith.constant 0 : i32
        %dma_start3A_99 = tpu.memref_slice %arg5[%mul3A_4, %dma_start3A_98] : memref<10240x128xf32, #tpu.memory_space<hbm>> -> memref<640x128xf32, #tpu.memory_space<hbm>>
        %dma_start3A_100 = arith.constant 0 : i32
        %dma_start3A_101 = tpu.memref_slice %arg12[%mul3A_4, %dma_start3A_100] : memref<10240x128xf32, #tpu.memory_space<vmem_shared>> -> memref<640x128xf32, #tpu.memory_space<vmem_shared>>
        tpu.enqueue_dma source(%dma_start3A_101 : memref<640x128xf32, #tpu.memory_space<vmem_shared>>) target(%dma_start3A_99 : memref<640x128xf32, #tpu.memory_space<hbm>>) target_semaphore(%run_scoped3A : memref<!tpu.dma_semaphore, #tpu.memory_space<semaphore_mem>>)
        %dma_wait3A_102 = arith.constant 0 : i32
        %dma_wait3A_103 = tpu.memref_slice %arg5[%mul3A_4, %dma_wait3A_102] : memref<10240x128xf32, #tpu.memory_space<hbm>> -> memref<640x128xf32, #tpu.memory_space<hbm>>
        %dma_wait3A_104 = arith.constant 0 : i32
        %dma_wait3A_105 = tpu.memref_slice %arg12[%mul3A_4, %dma_wait3A_104] : memref<10240x128xf32, #tpu.memory_space<vmem_shared>> -> memref<640x128xf32, #tpu.memory_space<vmem_shared>>
        tpu.wait_dma2 semaphore(%run_scoped3A : memref<!tpu.dma_semaphore, #tpu.memory_space<semaphore_mem>>) src(%dma_wait3A_105 : memref<640x128xf32, #tpu.memory_space<vmem_shared>>) dst(%dma_wait3A_103 : memref<640x128xf32, #tpu.memory_space<hbm>>)
        tpu.yield
      }) : () -> ()
    } else {
    }
    %eq3A_53 = arith.constant 1 : i32
    %eq3A_54 = arith.cmpi eq, %arg0, %eq3A_53 : i32
    %convert_element_type3A_55 = arith.extui %eq3A_54 : i1 to i32
    %cond3A_56 = arith.constant 0 : i32
    %cond3A_57 = arith.cmpi ne, %convert_element_type3A_55, %cond3A_56 : i32
    scf.if %cond3A_57 {
      %scan3A_58 = arith.constant 0 : i32
      %scan3A_59 = arith.constant 20 : i32
      %scan3A_60 = arith.addi %scan3A_58, %scan3A_59 : i32
      %scan3A_61 = arith.constant 1 : i32
      scf.for %scan3A_98 = %scan3A_58 to %scan3A_60 step %scan3A_61  : i32 {
        %mul3A_99 = arith.constant 32 : i32
        %mul3A_100 = arith.muli %scan3A_98, %mul3A_99 : i32
        %add3A_101 = arith.constant 0 : i32
        %add3A_102 = arith.addi %add3A_101, %mul3A_100 : i32
        %add3A_103 = arith.addi %mul3A_4, %add3A_102 : i32
        "tpu.region"() ({
          %run_scoped3A = tpu.sem_alloc : memref<!tpu.dma_semaphore, #tpu.memory_space<semaphore_mem>>
          %dma_start3A_104 = arith.constant 0 : i32
          %dma_start3A_105 = tpu.memref_slice %arg12[%add3A_103, %dma_start3A_104] : memref<10240x128xf32, #tpu.memory_space<vmem_shared>> -> memref<32x128xf32, #tpu.memory_space<vmem_shared>>
          %dma_start3A_106 = arith.constant 0 : i32
          %dma_start3A_107 = tpu.memref_slice %arg12[%add3A_103, %dma_start3A_106] : memref<10240x128xf32, #tpu.memory_space<vmem_shared>> -> memref<32x128xf32, #tpu.memory_space<vmem_shared>>
          tpu.enqueue_dma source(%arg11 : memref<32x128xf32, #tpu.memory_space<vmem>>) target(%dma_start3A_107 : memref<32x128xf32, #tpu.memory_space<vmem_shared>>) target_semaphore(%run_scoped3A : memref<!tpu.dma_semaphore, #tpu.memory_space<semaphore_mem>>)
          %dma_wait3A_108 = arith.constant 0 : i32
          %dma_wait3A_109 = tpu.memref_slice %arg12[%add3A_103, %dma_wait3A_108] : memref<10240x128xf32, #tpu.memory_space<vmem_shared>> -> memref<32x128xf32, #tpu.memory_space<vmem_shared>>
          %dma_wait3A_110 = arith.constant 0 : i32
          %dma_wait3A_111 = tpu.memref_slice %arg12[%add3A_103, %dma_wait3A_110] : memref<10240x128xf32, #tpu.memory_space<vmem_shared>> -> memref<32x128xf32, #tpu.memory_space<vmem_shared>>
          tpu.wait_dma2 semaphore(%run_scoped3A : memref<!tpu.dma_semaphore, #tpu.memory_space<semaphore_mem>>) src(%arg11 : memref<32x128xf32, #tpu.memory_space<vmem>>) dst(%dma_wait3A_111 : memref<32x128xf32, #tpu.memory_space<vmem_shared>>)
          tpu.yield
        }) : () -> ()
      }
      %scan3A_62 = arith.constant 20 : i32
      %barrier3A = arith.constant 0 : index
      tpu.barrier barrier_id(%barrier3A)
      "tpu.region"() ({
        %run_scoped3A = tpu.sem_alloc : memref<!tpu.dma_semaphore, #tpu.memory_space<semaphore_mem>>
        %dma_start3A_98 = arith.constant 0 : i32
        %dma_start3A_99 = arith.constant 0 : i32
        %dma_start3A_100 = tpu.memref_slice %arg4[%select_n3A, %dma_start3A_98, %dma_start3A_99] : memref<2500x2x128xi32, #tpu.memory_space<hbm>> -> memref<1x2x128xi32, #tpu.memory_space<hbm>>
        %dma_start3A_101 = arith.constant 0 : i32
        %dma_start3A_102 = arith.constant 0 : i32
        %dma_start3A_103 = tpu.memref_slice %arg4[%select_n3A, %dma_start3A_101, %dma_start3A_102] : memref<2500x2x128xi32, #tpu.memory_space<hbm>> -> memref<1x2x128xi32, #tpu.memory_space<hbm>>
        tpu.enqueue_dma source(%dma_start3A_103 : memref<1x2x128xi32, #tpu.memory_space<hbm>>) target(%arg7 : memref<1x2x128xi32, #tpu.memory_space<vmem>>) target_semaphore(%run_scoped3A : memref<!tpu.dma_semaphore, #tpu.memory_space<semaphore_mem>>)
        %dma_wait3A_104 = arith.constant 0 : i32
        %dma_wait3A_105 = arith.constant 0 : i32
        %dma_wait3A_106 = tpu.memref_slice %arg4[%select_n3A, %dma_wait3A_104, %dma_wait3A_105] : memref<2500x2x128xi32, #tpu.memory_space<hbm>> -> memref<1x2x128xi32, #tpu.memory_space<hbm>>
        %dma_wait3A_107 = arith.constant 0 : i32
        %dma_wait3A_108 = arith.constant 0 : i32
        %dma_wait3A_109 = tpu.memref_slice %arg4[%select_n3A, %dma_wait3A_107, %dma_wait3A_108] : memref<2500x2x128xi32, #tpu.memory_space<hbm>> -> memref<1x2x128xi32, #tpu.memory_space<hbm>>
        tpu.wait_dma2 semaphore(%run_scoped3A : memref<!tpu.dma_semaphore, #tpu.memory_space<semaphore_mem>>) src(%dma_wait3A_109 : memref<1x2x128xi32, #tpu.memory_space<hbm>>) dst(%arg7 : memref<1x2x128xi32, #tpu.memory_space<vmem>>)
        tpu.yield
      }) : () -> ()
      %dma_start3A = arith.constant 0 : i32
      %dma_start3A_63 = arith.constant 0 : i32
      %dma_start3A_64 = arith.constant 0 : i32
      %dma_start3A_65 = arith.constant 0 : i32
      %dma_start3A_66 = tpu.memref_slice %arg9[%dma_start3A_64, %dma_start3A_65] : memref<128x128xf32, #tpu.memory_space<vmem>> -> memref<128x128xf32, #tpu.memory_space<vmem>>
      %dma_start3A_67 = arith.constant 0 : i32
      %dma_start3A_68 = tpu.memref_slice %arg7[%dma_start3A, %dma_start3A_63, %dma_start3A_67] : memref<1x2x128xi32, #tpu.memory_space<vmem>> -> memref<1x1x128xi32, #tpu.memory_space<vmem>>
      %dma_start3A_69 = tpu.memref_squeeze %dma_start3A_68 : memref<1x1x128xi32, #tpu.memory_space<vmem>> -> memref<128xi32, #tpu.memory_space<vmem>>
      %dma_start3A_70 = arith.constant 0 : i32
      %dma_start3A_71 = arith.constant 0 : i32
      %dma_start3A_72 = tpu.memref_slice %arg3[%dma_start3A_70, %dma_start3A_71] : memref<10240x128xf32, #tpu.memory_space<hbm>> -> memref<10240x128xf32, #tpu.memory_space<hbm>>
      tpu.enqueue_indirect_dma source(%dma_start3A_72 : memref<10240x128xf32, #tpu.memory_space<hbm>>) target(%dma_start3A_66 : memref<128x128xf32, #tpu.memory_space<vmem>>) offsets(%dma_start3A_69 : memref<128xi32, #tpu.memory_space<vmem>>) semaphore(%arg13 : memref<!tpu.dma_semaphore, #tpu.memory_space<semaphore_mem>>)
      %add3A_73 = arith.constant 1 : i32
      %add3A_74 = arith.addi %select_n3A, %add3A_73 : i32
      %dma_start3A_75 = arith.constant 0 : i32
      %dma_start3A_76 = arith.constant 0 : i32
      %dma_start3A_77 = tpu.memref_slice %arg4[%add3A_74, %dma_start3A_75, %dma_start3A_76] : memref<2500x2x128xi32, #tpu.memory_space<hbm>> -> memref<1x2x128xi32, #tpu.memory_space<hbm>>
      %dma_start3A_78 = arith.constant 0 : i32
      %dma_start3A_79 = arith.constant 0 : i32
      %dma_start3A_80 = tpu.memref_slice %arg4[%add3A_74, %dma_start3A_78, %dma_start3A_79] : memref<2500x2x128xi32, #tpu.memory_space<hbm>> -> memref<1x2x128xi32, #tpu.memory_space<hbm>>
      tpu.enqueue_dma source(%dma_start3A_80 : memref<1x2x128xi32, #tpu.memory_space<hbm>>) target(%arg8 : memref<1x2x128xi32, #tpu.memory_space<vmem>>) target_semaphore(%arg16 : memref<!tpu.dma_semaphore, #tpu.memory_space<semaphore_mem>>)
      %scan3A_81 = arith.constant 0 : i32
      %scan3A_82 = arith.constant 78 : i32
      %scan3A_83 = arith.addi %scan3A_81, %scan3A_82 : i32
      %scan3A_84 = arith.constant 1 : i32
      scf.for %scan3A_98 = %scan3A_81 to %scan3A_83 step %scan3A_84  : i32 {
        %mul3A_99 = arith.constant 2 : i32
        %mul3A_100 = arith.muli %scan3A_98, %mul3A_99 : i32
        %add3A_101 = arith.constant 0 : i32
        %add3A_102 = arith.addi %add3A_101, %mul3A_100 : i32
        %dma_wait3A_103 = arith.constant 0 : i32
        %dma_wait3A_104 = arith.constant 0 : i32
        %dma_wait3A_105 = arith.constant 0 : i32
        %dma_wait3A_106 = tpu.memref_slice %arg7[%dma_wait3A_103, %dma_wait3A_104, %dma_wait3A_105] : memref<1x2x128xi32, #tpu.memory_space<vmem>> -> memref<1x1x128xi32, #tpu.memory_space<vmem>>
        %dma_wait3A_107 = tpu.memref_squeeze %dma_wait3A_106 : memref<1x1x128xi32, #tpu.memory_space<vmem>> -> memref<128xi32, #tpu.memory_space<vmem>>
        %dma_wait3A_108 = arith.constant 0 : i32
        %dma_wait3A_109 = arith.constant 0 : i32
        %dma_wait3A_110 = tpu.memref_slice %arg3[%dma_wait3A_108, %dma_wait3A_109] : memref<10240x128xf32, #tpu.memory_space<hbm>> -> memref<10240x128xf32, #tpu.memory_space<hbm>>
        tpu.wait_indirect_dma semaphore(%arg13 : memref<!tpu.dma_semaphore, #tpu.memory_space<semaphore_mem>>) src(%dma_wait3A_110 : memref<10240x128xf32, #tpu.memory_space<hbm>>) dst(%arg9 : memref<128x128xf32, #tpu.memory_space<vmem>>)
        %dma_wait3A_111 = arith.constant 0 : i32
        %dma_wait3A_112 = arith.constant 0 : i32
        %dma_wait3A_113 = tpu.memref_slice %arg4[%select_n3A, %dma_wait3A_111, %dma_wait3A_112] : memref<2500x2x128xi32, #tpu.memory_space<hbm>> -> memref<1x2x128xi32, #tpu.memory_space<hbm>>
        %dma_wait3A_114 = arith.constant 0 : i32
        %dma_wait3A_115 = arith.constant 0 : i32
        %dma_wait3A_116 = tpu.memref_slice %arg4[%select_n3A, %dma_wait3A_114, %dma_wait3A_115] : memref<2500x2x128xi32, #tpu.memory_space<hbm>> -> memref<1x2x128xi32, #tpu.memory_space<hbm>>
        tpu.wait_dma2 semaphore(%arg16 : memref<!tpu.dma_semaphore, #tpu.memory_space<semaphore_mem>>) src(%dma_wait3A_116 : memref<1x2x128xi32, #tpu.memory_space<hbm>>) dst(%arg8 : memref<1x2x128xi32, #tpu.memory_space<vmem>>)
        %dma_start3A_117 = arith.constant 0 : i32
        %dma_start3A_118 = arith.constant 0 : i32
        %dma_start3A_119 = arith.constant 0 : i32
        %dma_start3A_120 = arith.constant 0 : i32
        %dma_start3A_121 = tpu.memref_slice %arg10[%dma_start3A_119, %dma_start3A_120] : memref<128x128xf32, #tpu.memory_space<vmem>> -> memref<128x128xf32, #tpu.memory_space<vmem>>
        %dma_start3A_122 = arith.constant 0 : i32
        %dma_start3A_123 = tpu.memref_slice %arg8[%dma_start3A_117, %dma_start3A_118, %dma_start3A_122] : memref<1x2x128xi32, #tpu.memory_space<vmem>> -> memref<1x1x128xi32, #tpu.memory_space<vmem>>
        %dma_start3A_124 = tpu.memref_squeeze %dma_start3A_123 : memref<1x1x128xi32, #tpu.memory_space<vmem>> -> memref<128xi32, #tpu.memory_space<vmem>>
        %dma_start3A_125 = arith.constant 0 : i32
        %dma_start3A_126 = arith.constant 0 : i32
        %dma_start3A_127 = tpu.memref_slice %arg3[%dma_start3A_125, %dma_start3A_126] : memref<10240x128xf32, #tpu.memory_space<hbm>> -> memref<10240x128xf32, #tpu.memory_space<hbm>>
        tpu.enqueue_indirect_dma source(%dma_start3A_127 : memref<10240x128xf32, #tpu.memory_space<hbm>>) target(%dma_start3A_121 : memref<128x128xf32, #tpu.memory_space<vmem>>) offsets(%dma_start3A_124 : memref<128xi32, #tpu.memory_space<vmem>>) semaphore(%arg14 : memref<!tpu.dma_semaphore, #tpu.memory_space<semaphore_mem>>)
        %lt3A = arith.cmpi slt, %add3A_102, %sub3A_50 : i32
        %convert_element_type3A_128 = arith.extui %lt3A : i1 to i32
        %cond3A_129 = arith.constant 0 : i32
        %cond3A_130 = arith.cmpi ne, %convert_element_type3A_128, %cond3A_129 : i32
        scf.if %cond3A_130 {
          %run_scoped3A = arith.constant 0 : i32
          %run_scoped3A_176 = arith.constant 1 : i32
          "tpu.region"() ({
            %run_scoped3A_177 = tpu.sem_alloc : memref<!tpu.dma_semaphore, #tpu.memory_space<semaphore_mem>>
            %dma_start3A_178 = arith.constant 0 : i32
            %dma_start3A_179 = tpu.memref_slice %arg7[%run_scoped3A, %run_scoped3A_176, %dma_start3A_178] : memref<1x2x128xi32, #tpu.memory_space<vmem>> -> memref<1x1x128xi32, #tpu.memory_space<vmem>>
            %dma_start3A_180 = tpu.memref_squeeze %dma_start3A_179 : memref<1x1x128xi32, #tpu.memory_space<vmem>> -> memref<128xi32, #tpu.memory_space<vmem>>
            %dma_start3A_181 = arith.constant 0 : i32
            %dma_start3A_182 = arith.constant 0 : i32
            %dma_start3A_183 = tpu.memref_slice %arg12[%dma_start3A_181, %dma_start3A_182] : memref<10240x128xf32, #tpu.memory_space<vmem_shared>> -> memref<10240x128xf32, #tpu.memory_space<vmem_shared>>
            tpu.enqueue_indirect_dma source(%arg9 : memref<128x128xf32, #tpu.memory_space<vmem>>) target(%dma_start3A_183 : memref<10240x128xf32, #tpu.memory_space<vmem_shared>>) offsets(%dma_start3A_180 : memref<128xi32, #tpu.memory_space<vmem>>) semaphore(%run_scoped3A_177 : memref<!tpu.dma_semaphore, #tpu.memory_space<semaphore_mem>>) {add = true}
            %dma_wait3A_184 = arith.constant 0 : i32
            %dma_wait3A_185 = tpu.memref_slice %arg7[%run_scoped3A, %run_scoped3A_176, %dma_wait3A_184] : memref<1x2x128xi32, #tpu.memory_space<vmem>> -> memref<1x1x128xi32, #tpu.memory_space<vmem>>
            %dma_wait3A_186 = tpu.memref_squeeze %dma_wait3A_185 : memref<1x1x128xi32, #tpu.memory_space<vmem>> -> memref<128xi32, #tpu.memory_space<vmem>>
            %dma_wait3A_187 = arith.constant 0 : i32
            %dma_wait3A_188 = arith.constant 0 : i32
            %dma_wait3A_189 = tpu.memref_slice %arg12[%dma_wait3A_187, %dma_wait3A_188] : memref<10240x128xf32, #tpu.memory_space<vmem_shared>> -> memref<10240x128xf32, #tpu.memory_space<vmem_shared>>
            tpu.wait_indirect_dma semaphore(%run_scoped3A_177 : memref<!tpu.dma_semaphore, #tpu.memory_space<semaphore_mem>>) src(%arg9 : memref<128x128xf32, #tpu.memory_space<vmem>>) dst(%dma_wait3A_189 : memref<10240x128xf32, #tpu.memory_space<vmem_shared>>)
            tpu.yield
          }) : () -> ()
        } else {
        }
        %add3A_131 = arith.constant 2 : i32
        %add3A_132 = arith.addi %add3A_102, %add3A_131 : i32
        %lt3A_133 = arith.constant 157 : i32
        %lt3A_134 = arith.cmpi slt, %add3A_132, %lt3A_133 : i32
        %convert_element_type3A_135 = arith.extui %lt3A_134 : i1 to i32
        %cond3A_136 = arith.constant 0 : i32
        %cond3A_137 = arith.cmpi ne, %convert_element_type3A_135, %cond3A_136 : i32
        scf.if %cond3A_137 {
          %add3A_176 = arith.addi %select_n3A, %add3A_102 : i32
          %add3A_177 = arith.constant 2 : i32
          %add3A_178 = arith.addi %add3A_176, %add3A_177 : i32
          %dma_start3A_179 = arith.constant 0 : i32
          %dma_start3A_180 = arith.constant 0 : i32
          %dma_start3A_181 = tpu.memref_slice %arg4[%add3A_178, %dma_start3A_179, %dma_start3A_180] : memref<2500x2x128xi32, #tpu.memory_space<hbm>> -> memref<1x2x128xi32, #tpu.memory_space<hbm>>
          %dma_start3A_182 = arith.constant 0 : i32
          %dma_start3A_183 = arith.constant 0 : i32
          %dma_start3A_184 = tpu.memref_slice %arg4[%add3A_178, %dma_start3A_182, %dma_start3A_183] : memref<2500x2x128xi32, #tpu.memory_space<hbm>> -> memref<1x2x128xi32, #tpu.memory_space<hbm>>
          tpu.enqueue_dma source(%dma_start3A_184 : memref<1x2x128xi32, #tpu.memory_space<hbm>>) target(%arg7 : memref<1x2x128xi32, #tpu.memory_space<vmem>>) target_semaphore(%arg15 : memref<!tpu.dma_semaphore, #tpu.memory_space<semaphore_mem>>)
        } else {
        }
        %add3A_138 = arith.constant 1 : i32
        %add3A_139 = arith.addi %add3A_102, %add3A_138 : i32
        %dma_wait3A_140 = arith.constant 0 : i32
        %dma_wait3A_141 = arith.constant 0 : i32
        %dma_wait3A_142 = arith.constant 0 : i32
        %dma_wait3A_143 = tpu.memref_slice %arg7[%dma_wait3A_140, %dma_wait3A_141, %dma_wait3A_142] : memref<1x2x128xi32, #tpu.memory_space<vmem>> -> memref<1x1x128xi32, #tpu.memory_space<vmem>>
        %dma_wait3A_144 = tpu.memref_squeeze %dma_wait3A_143 : memref<1x1x128xi32, #tpu.memory_space<vmem>> -> memref<128xi32, #tpu.memory_space<vmem>>
        %dma_wait3A_145 = arith.constant 0 : i32
        %dma_wait3A_146 = arith.constant 0 : i32
        %dma_wait3A_147 = tpu.memref_slice %arg3[%dma_wait3A_145, %dma_wait3A_146] : memref<10240x128xf32, #tpu.memory_space<hbm>> -> memref<10240x128xf32, #tpu.memory_space<hbm>>
        tpu.wait_indirect_dma semaphore(%arg14 : memref<!tpu.dma_semaphore, #tpu.memory_space<semaphore_mem>>) src(%dma_wait3A_147 : memref<10240x128xf32, #tpu.memory_space<hbm>>) dst(%arg10 : memref<128x128xf32, #tpu.memory_space<vmem>>)
        %dma_wait3A_148 = arith.constant 0 : i32
        %dma_wait3A_149 = arith.constant 0 : i32
        %dma_wait3A_150 = tpu.memref_slice %arg4[%select_n3A, %dma_wait3A_148, %dma_wait3A_149] : memref<2500x2x128xi32, #tpu.memory_space<hbm>> -> memref<1x2x128xi32, #tpu.memory_space<hbm>>
        %dma_wait3A_151 = arith.constant 0 : i32
        %dma_wait3A_152 = arith.constant 0 : i32
        %dma_wait3A_153 = tpu.memref_slice %arg4[%select_n3A, %dma_wait3A_151, %dma_wait3A_152] : memref<2500x2x128xi32, #tpu.memory_space<hbm>> -> memref<1x2x128xi32, #tpu.memory_space<hbm>>
        tpu.wait_dma2 semaphore(%arg15 : memref<!tpu.dma_semaphore, #tpu.memory_space<semaphore_mem>>) src(%dma_wait3A_153 : memref<1x2x128xi32, #tpu.memory_space<hbm>>) dst(%arg7 : memref<1x2x128xi32, #tpu.memory_space<vmem>>)
        %dma_start3A_154 = arith.constant 0 : i32
        %dma_start3A_155 = arith.constant 0 : i32
        %dma_start3A_156 = arith.constant 0 : i32
        %dma_start3A_157 = arith.constant 0 : i32
        %dma_start3A_158 = tpu.memref_slice %arg9[%dma_start3A_156, %dma_start3A_157] : memref<128x128xf32, #tpu.memory_space<vmem>> -> memref<128x128xf32, #tpu.memory_space<vmem>>
        %dma_start3A_159 = arith.constant 0 : i32
        %dma_start3A_160 = tpu.memref_slice %arg7[%dma_start3A_154, %dma_start3A_155, %dma_start3A_159] : memref<1x2x128xi32, #tpu.memory_space<vmem>> -> memref<1x1x128xi32, #tpu.memory_space<vmem>>
        %dma_start3A_161 = tpu.memref_squeeze %dma_start3A_160 : memref<1x1x128xi32, #tpu.memory_space<vmem>> -> memref<128xi32, #tpu.memory_space<vmem>>
        %dma_start3A_162 = arith.constant 0 : i32
        %dma_start3A_163 = arith.constant 0 : i32
        %dma_start3A_164 = tpu.memref_slice %arg3[%dma_start3A_162, %dma_start3A_163] : memref<10240x128xf32, #tpu.memory_space<hbm>> -> memref<10240x128xf32, #tpu.memory_space<hbm>>
        tpu.enqueue_indirect_dma source(%dma_start3A_164 : memref<10240x128xf32, #tpu.memory_space<hbm>>) target(%dma_start3A_158 : memref<128x128xf32, #tpu.memory_space<vmem>>) offsets(%dma_start3A_161 : memref<128xi32, #tpu.memory_space<vmem>>) semaphore(%arg13 : memref<!tpu.dma_semaphore, #tpu.memory_space<semaphore_mem>>)
        %lt3A_165 = arith.cmpi slt, %add3A_139, %sub3A_50 : i32
        %convert_element_type3A_166 = arith.extui %lt3A_165 : i1 to i32
        %cond3A_167 = arith.constant 0 : i32
        %cond3A_168 = arith.cmpi ne, %convert_element_type3A_166, %cond3A_167 : i32
        scf.if %cond3A_168 {
          %run_scoped3A = arith.constant 0 : i32
          %run_scoped3A_176 = arith.constant 1 : i32
          "tpu.region"() ({
            %run_scoped3A_177 = tpu.sem_alloc : memref<!tpu.dma_semaphore, #tpu.memory_space<semaphore_mem>>
            %dma_start3A_178 = arith.constant 0 : i32
            %dma_start3A_179 = tpu.memref_slice %arg8[%run_scoped3A, %run_scoped3A_176, %dma_start3A_178] : memref<1x2x128xi32, #tpu.memory_space<vmem>> -> memref<1x1x128xi32, #tpu.memory_space<vmem>>
            %dma_start3A_180 = tpu.memref_squeeze %dma_start3A_179 : memref<1x1x128xi32, #tpu.memory_space<vmem>> -> memref<128xi32, #tpu.memory_space<vmem>>
            %dma_start3A_181 = arith.constant 0 : i32
            %dma_start3A_182 = arith.constant 0 : i32
            %dma_start3A_183 = tpu.memref_slice %arg12[%dma_start3A_181, %dma_start3A_182] : memref<10240x128xf32, #tpu.memory_space<vmem_shared>> -> memref<10240x128xf32, #tpu.memory_space<vmem_shared>>
            tpu.enqueue_indirect_dma source(%arg10 : memref<128x128xf32, #tpu.memory_space<vmem>>) target(%dma_start3A_183 : memref<10240x128xf32, #tpu.memory_space<vmem_shared>>) offsets(%dma_start3A_180 : memref<128xi32, #tpu.memory_space<vmem>>) semaphore(%run_scoped3A_177 : memref<!tpu.dma_semaphore, #tpu.memory_space<semaphore_mem>>) {add = true}
            %dma_wait3A_184 = arith.constant 0 : i32
            %dma_wait3A_185 = tpu.memref_slice %arg8[%run_scoped3A, %run_scoped3A_176, %dma_wait3A_184] : memref<1x2x128xi32, #tpu.memory_space<vmem>> -> memref<1x1x128xi32, #tpu.memory_space<vmem>>
            %dma_wait3A_186 = tpu.memref_squeeze %dma_wait3A_185 : memref<1x1x128xi32, #tpu.memory_space<vmem>> -> memref<128xi32, #tpu.memory_space<vmem>>
            %dma_wait3A_187 = arith.constant 0 : i32
            %dma_wait3A_188 = arith.constant 0 : i32
            %dma_wait3A_189 = tpu.memref_slice %arg12[%dma_wait3A_187, %dma_wait3A_188] : memref<10240x128xf32, #tpu.memory_space<vmem_shared>> -> memref<10240x128xf32, #tpu.memory_space<vmem_shared>>
            tpu.wait_indirect_dma semaphore(%run_scoped3A_177 : memref<!tpu.dma_semaphore, #tpu.memory_space<semaphore_mem>>) src(%arg10 : memref<128x128xf32, #tpu.memory_space<vmem>>) dst(%dma_wait3A_189 : memref<10240x128xf32, #tpu.memory_space<vmem_shared>>)
            tpu.yield
          }) : () -> ()
        } else {
        }
        %add3A_169 = arith.constant 2 : i32
        %add3A_170 = arith.addi %add3A_139, %add3A_169 : i32
        %lt3A_171 = arith.constant 157 : i32
        %lt3A_172 = arith.cmpi slt, %add3A_170, %lt3A_171 : i32
        %convert_element_type3A_173 = arith.extui %lt3A_172 : i1 to i32
        %cond3A_174 = arith.constant 0 : i32
        %cond3A_175 = arith.cmpi ne, %convert_element_type3A_173, %cond3A_174 : i32
        scf.if %cond3A_175 {
          %add3A_176 = arith.addi %select_n3A, %add3A_139 : i32
          %add3A_177 = arith.constant 2 : i32
          %add3A_178 = arith.addi %add3A_176, %add3A_177 : i32
          %dma_start3A_179 = arith.constant 0 : i32
          %dma_start3A_180 = arith.constant 0 : i32
          %dma_start3A_181 = tpu.memref_slice %arg4[%add3A_178, %dma_start3A_179, %dma_start3A_180] : memref<2500x2x128xi32, #tpu.memory_space<hbm>> -> memref<1x2x128xi32, #tpu.memory_space<hbm>>
          %dma_start3A_182 = arith.constant 0 : i32
          %dma_start3A_183 = arith.constant 0 : i32
          %dma_start3A_184 = tpu.memref_slice %arg4[%add3A_178, %dma_start3A_182, %dma_start3A_183] : memref<2500x2x128xi32, #tpu.memory_space<hbm>> -> memref<1x2x128xi32, #tpu.memory_space<hbm>>
          tpu.enqueue_dma source(%dma_start3A_184 : memref<1x2x128xi32, #tpu.memory_space<hbm>>) target(%arg8 : memref<1x2x128xi32, #tpu.memory_space<vmem>>) target_semaphore(%arg16 : memref<!tpu.dma_semaphore, #tpu.memory_space<semaphore_mem>>)
        } else {
        }
      }
      %scan3A_85 = arith.constant 78 : i32
      %dma_wait3A = arith.constant 0 : i32
      %dma_wait3A_86 = arith.constant 0 : i32
      %dma_wait3A_87 = arith.constant 0 : i32
      %dma_wait3A_88 = tpu.memref_slice %arg7[%dma_wait3A, %dma_wait3A_86, %dma_wait3A_87] : memref<1x2x128xi32, #tpu.memory_space<vmem>> -> memref<1x1x128xi32, #tpu.memory_space<vmem>>
      %dma_wait3A_89 = tpu.memref_squeeze %dma_wait3A_88 : memref<1x1x128xi32, #tpu.memory_space<vmem>> -> memref<128xi32, #tpu.memory_space<vmem>>
      %dma_wait3A_90 = arith.constant 0 : i32
      %dma_wait3A_91 = arith.constant 0 : i32
      %dma_wait3A_92 = tpu.memref_slice %arg3[%dma_wait3A_90, %dma_wait3A_91] : memref<10240x128xf32, #tpu.memory_space<hbm>> -> memref<10240x128xf32, #tpu.memory_space<hbm>>
      tpu.wait_indirect_dma semaphore(%arg13 : memref<!tpu.dma_semaphore, #tpu.memory_space<semaphore_mem>>) src(%dma_wait3A_92 : memref<10240x128xf32, #tpu.memory_space<hbm>>) dst(%arg9 : memref<128x128xf32, #tpu.memory_space<vmem>>)
      %gt3A = arith.constant 156 : i32
      %gt3A_93 = arith.cmpi sgt, %sub3A_50, %gt3A : i32
      %convert_element_type3A_94 = arith.extui %gt3A_93 : i1 to i32
      %cond3A_95 = arith.constant 0 : i32
      %cond3A_96 = arith.cmpi ne, %convert_element_type3A_94, %cond3A_95 : i32
      scf.if %cond3A_96 {
        %run_scoped3A = arith.constant 0 : i32
        %run_scoped3A_98 = arith.constant 1 : i32
        "tpu.region"() ({
          %run_scoped3A_99 = tpu.sem_alloc : memref<!tpu.dma_semaphore, #tpu.memory_space<semaphore_mem>>
          %dma_start3A_100 = arith.constant 0 : i32
          %dma_start3A_101 = tpu.memref_slice %arg7[%run_scoped3A, %run_scoped3A_98, %dma_start3A_100] : memref<1x2x128xi32, #tpu.memory_space<vmem>> -> memref<1x1x128xi32, #tpu.memory_space<vmem>>
          %dma_start3A_102 = tpu.memref_squeeze %dma_start3A_101 : memref<1x1x128xi32, #tpu.memory_space<vmem>> -> memref<128xi32, #tpu.memory_space<vmem>>
          %dma_start3A_103 = arith.constant 0 : i32
          %dma_start3A_104 = arith.constant 0 : i32
          %dma_start3A_105 = tpu.memref_slice %arg12[%dma_start3A_103, %dma_start3A_104] : memref<10240x128xf32, #tpu.memory_space<vmem_shared>> -> memref<10240x128xf32, #tpu.memory_space<vmem_shared>>
          tpu.enqueue_indirect_dma source(%arg9 : memref<128x128xf32, #tpu.memory_space<vmem>>) target(%dma_start3A_105 : memref<10240x128xf32, #tpu.memory_space<vmem_shared>>) offsets(%dma_start3A_102 : memref<128xi32, #tpu.memory_space<vmem>>) semaphore(%run_scoped3A_99 : memref<!tpu.dma_semaphore, #tpu.memory_space<semaphore_mem>>) {add = true}
          %dma_wait3A_106 = arith.constant 0 : i32
          %dma_wait3A_107 = tpu.memref_slice %arg7[%run_scoped3A, %run_scoped3A_98, %dma_wait3A_106] : memref<1x2x128xi32, #tpu.memory_space<vmem>> -> memref<1x1x128xi32, #tpu.memory_space<vmem>>
          %dma_wait3A_108 = tpu.memref_squeeze %dma_wait3A_107 : memref<1x1x128xi32, #tpu.memory_space<vmem>> -> memref<128xi32, #tpu.memory_space<vmem>>
          %dma_wait3A_109 = arith.constant 0 : i32
          %dma_wait3A_110 = arith.constant 0 : i32
          %dma_wait3A_111 = tpu.memref_slice %arg12[%dma_wait3A_109, %dma_wait3A_110] : memref<10240x128xf32, #tpu.memory_space<vmem_shared>> -> memref<10240x128xf32, #tpu.memory_space<vmem_shared>>
          tpu.wait_indirect_dma semaphore(%run_scoped3A_99 : memref<!tpu.dma_semaphore, #tpu.memory_space<semaphore_mem>>) src(%arg9 : memref<128x128xf32, #tpu.memory_space<vmem>>) dst(%dma_wait3A_111 : memref<10240x128xf32, #tpu.memory_space<vmem_shared>>)
          tpu.yield
        }) : () -> ()
      } else {
      }
      %barrier3A_97 = arith.constant 0 : index
      tpu.barrier barrier_id(%barrier3A_97)
      "tpu.region"() ({
        %run_scoped3A = tpu.sem_alloc : memref<!tpu.dma_semaphore, #tpu.memory_space<semaphore_mem>>
        %dma_start3A_98 = arith.constant 0 : i32
        %dma_start3A_99 = tpu.memref_slice %arg6[%mul3A_4, %dma_start3A_98] : memref<10240x128xf32, #tpu.memory_space<hbm>> -> memref<640x128xf32, #tpu.memory_space<hbm>>
        %dma_start3A_100 = arith.constant 0 : i32
        %dma_start3A_101 = tpu.memref_slice %arg12[%mul3A_4, %dma_start3A_100] : memref<10240x128xf32, #tpu.memory_space<vmem_shared>> -> memref<640x128xf32, #tpu.memory_space<vmem_shared>>
        tpu.enqueue_dma source(%dma_start3A_101 : memref<640x128xf32, #tpu.memory_space<vmem_shared>>) target(%dma_start3A_99 : memref<640x128xf32, #tpu.memory_space<hbm>>) target_semaphore(%run_scoped3A : memref<!tpu.dma_semaphore, #tpu.memory_space<semaphore_mem>>)
        %dma_wait3A_102 = arith.constant 0 : i32
        %dma_wait3A_103 = tpu.memref_slice %arg6[%mul3A_4, %dma_wait3A_102] : memref<10240x128xf32, #tpu.memory_space<hbm>> -> memref<640x128xf32, #tpu.memory_space<hbm>>
        %dma_wait3A_104 = arith.constant 0 : i32
        %dma_wait3A_105 = tpu.memref_slice %arg12[%mul3A_4, %dma_wait3A_104] : memref<10240x128xf32, #tpu.memory_space<vmem_shared>> -> memref<640x128xf32, #tpu.memory_space<vmem_shared>>
        tpu.wait_dma2 semaphore(%run_scoped3A : memref<!tpu.dma_semaphore, #tpu.memory_space<semaphore_mem>>) src(%dma_wait3A_105 : memref<640x128xf32, #tpu.memory_space<vmem_shared>>) dst(%dma_wait3A_103 : memref<640x128xf32, #tpu.memory_space<hbm>>)
        tpu.yield
      }) : () -> ()
    } else {
    }
    return
  }
}

#map = affine_map<(d0, d1) -> (0, 0)>
#map1 = affine_map<(d0, d1) -> (0, 0, 0)>
module attributes {stable_mosaic.version = 14 : i64} {
  func.func @agg(%arg0: i32, %arg1: i32, %arg2: memref<10240x128xf32, #tpu.memory_space<hbm>>, %arg3: memref<10240x128xf32, #tpu.memory_space<hbm>>, %arg4: memref<2500x2x128xi32, #tpu.memory_space<hbm>>, %arg5: memref<10240x128xf32, #tpu.memory_space<hbm>>, %arg6: memref<10240x128xf32, #tpu.memory_space<hbm>>, %arg7: memref<1x2x128xi32, #tpu.memory_space<vmem>>, %arg8: memref<1x2x128xi32, #tpu.memory_space<vmem>>, %arg9: memref<128x128xf32, #tpu.memory_space<vmem>>, %arg10: memref<128x128xf32, #tpu.memory_space<vmem>>, %arg11: memref<32x128xf32, #tpu.memory_space<vmem>>, %arg12: memref<10240x128xf32, #tpu.memory_space<vmem_shared>>, %arg13: memref<!tpu.dma_semaphore, #tpu.memory_space<semaphore_mem>>, %arg14: memref<!tpu.dma_semaphore, #tpu.memory_space<semaphore_mem>>, %arg15: memref<!tpu.dma_semaphore, #tpu.memory_space<semaphore_mem>>, %arg16: memref<!tpu.dma_semaphore, #tpu.memory_space<semaphore_mem>>) attributes {dimension_semantics = [#tpu.dimension_semantics<core_parallel>, #tpu.dimension_semantics<subcore_parallel>], iteration_bounds = array<i64: 2, 16>, scalar_prefetch = 0 : i64, scratch_operands = 10 : i64, tpu.core_type = #tpu.core_type<sc_vector_subcore>, window_params = [{transform_indices = #map}, {transform_indices = #map}, {transform_indices = #map1}, {transform_indices = #map}, {transform_indices = #map}]} {
    %scan3A = arith.constant 0 : i32
    %scan3A_0 = arith.constant 32 : i32
    %scan3A_1 = arith.addi %scan3A, %scan3A_0 : i32
    %scan3A_2 = arith.constant 1 : i32
    scf.for %scan3A_58 = %scan3A to %scan3A_1 step %scan3A_2  : i32 {
      %mul3A_59 = arith.constant 1 : i32
      %mul3A_60 = arith.muli %scan3A_58, %mul3A_59 : i32
      %add3A_61 = arith.constant 0 : i32
      %add3A_62 = arith.addi %add3A_61, %mul3A_60 : i32
      %broadcast_in_dim3A = arith.constant 0.000000e+00 : f32
      %broadcast_in_dim3A_63 = vector.broadcast %broadcast_in_dim3A : f32 to vector<1x16xf32>
      %swap3A = arith.index_cast %add3A_62 : i32 to index
      %swap3A_64 = arith.constant 0 : index
      %swap3A_65 = tpu.vector_load %arg11[%swap3A, %swap3A_64] {strides = array<i32>} : memref<32x128xf32, #tpu.memory_space<vmem>>, vector<1x16xf32>,
      %swap3A_66 = vector.shape_cast %swap3A_65 : vector<1x16xf32> to vector<1x16xf32>
      %swap3A_67 = vector.shape_cast %broadcast_in_dim3A_63 : vector<1x16xf32> to vector<1x16xf32>
      tpu.vector_store %arg11[%swap3A, %swap3A_64], %swap3A_67 {strides = array<i32>} : memref<32x128xf32, #tpu.memory_space<vmem>>, vector<1x16xf32>,
      %broadcast_in_dim3A_68 = arith.constant 0.000000e+00 : f32
      %broadcast_in_dim3A_69 = vector.broadcast %broadcast_in_dim3A_68 : f32 to vector<1x16xf32>
      %swap3A_70 = arith.index_cast %add3A_62 : i32 to index
      %swap3A_71 = arith.constant 16 : index
      %swap3A_72 = tpu.vector_load %arg11[%swap3A_70, %swap3A_71] {strides = array<i32>} : memref<32x128xf32, #tpu.memory_space<vmem>>, vector<1x16xf32>,
      %swap3A_73 = vector.shape_cast %swap3A_72 : vector<1x16xf32> to vector<1x16xf32>
      %swap3A_74 = vector.shape_cast %broadcast_in_dim3A_69 : vector<1x16xf32> to vector<1x16xf32>
      tpu.vector_store %arg11[%swap3A_70, %swap3A_71], %swap3A_74 {strides = array<i32>} : memref<32x128xf32, #tpu.memory_space<vmem>>, vector<1x16xf32>,
      %broadcast_in_dim3A_75 = arith.constant 0.000000e+00 : f32
      %broadcast_in_dim3A_76 = vector.broadcast %broadcast_in_dim3A_75 : f32 to vector<1x16xf32>
      %swap3A_77 = arith.index_cast %add3A_62 : i32 to index
      %swap3A_78 = arith.constant 32 : index
      %swap3A_79 = tpu.vector_load %arg11[%swap3A_77, %swap3A_78] {strides = array<i32>} : memref<32x128xf32, #tpu.memory_space<vmem>>, vector<1x16xf32>,
      %swap3A_80 = vector.shape_cast %swap3A_79 : vector<1x16xf32> to vector<1x16xf32>
      %swap3A_81 = vector.shape_cast %broadcast_in_dim3A_76 : vector<1x16xf32> to vector<1x16xf32>
      tpu.vector_store %arg11[%swap3A_77, %swap3A_78], %swap3A_81 {strides = array<i32>} : memref<32x128xf32, #tpu.memory_space<vmem>>, vector<1x16xf32>,
      %broadcast_in_dim3A_82 = arith.constant 0.000000e+00 : f32
      %broadcast_in_dim3A_83 = vector.broadcast %broadcast_in_dim3A_82 : f32 to vector<1x16xf32>
      %swap3A_84 = arith.index_cast %add3A_62 : i32 to index
      %swap3A_85 = arith.constant 48 : index
      %swap3A_86 = tpu.vector_load %arg11[%swap3A_84, %swap3A_85] {strides = array<i32>} : memref<32x128xf32, #tpu.memory_space<vmem>>, vector<1x16xf32>,
      %swap3A_87 = vector.shape_cast %swap3A_86 : vector<1x16xf32> to vector<1x16xf32>
      %swap3A_88 = vector.shape_cast %broadcast_in_dim3A_83 : vector<1x16xf32> to vector<1x16xf32>
      tpu.vector_store %arg11[%swap3A_84, %swap3A_85], %swap3A_88 {strides = array<i32>} : memref<32x128xf32, #tpu.memory_space<vmem>>, vector<1x16xf32>,
      %broadcast_in_dim3A_89 = arith.constant 0.000000e+00 : f32
      %broadcast_in_dim3A_90 = vector.broadcast %broadcast_in_dim3A_89 : f32 to vector<1x16xf32>
      %swap3A_91 = arith.index_cast %add3A_62 : i32 to index
      %swap3A_92 = arith.constant 64 : index
      %swap3A_93 = tpu.vector_load %arg11[%swap3A_91, %swap3A_92] {strides = array<i32>} : memref<32x128xf32, #tpu.memory_space<vmem>>, vector<1x16xf32>,
      %swap3A_94 = vector.shape_cast %swap3A_93 : vector<1x16xf32> to vector<1x16xf32>
      %swap3A_95 = vector.shape_cast %broadcast_in_dim3A_90 : vector<1x16xf32> to vector<1x16xf32>
      tpu.vector_store %arg11[%swap3A_91, %swap3A_92], %swap3A_95 {strides = array<i32>} : memref<32x128xf32, #tpu.memory_space<vmem>>, vector<1x16xf32>,
      %broadcast_in_dim3A_96 = arith.constant 0.000000e+00 : f32
      %broadcast_in_dim3A_97 = vector.broadcast %broadcast_in_dim3A_96 : f32 to vector<1x16xf32>
      %swap3A_98 = arith.index_cast %add3A_62 : i32 to index
      %swap3A_99 = arith.constant 80 : index
      %swap3A_100 = tpu.vector_load %arg11[%swap3A_98, %swap3A_99] {strides = array<i32>} : memref<32x128xf32, #tpu.memory_space<vmem>>, vector<1x16xf32>,
      %swap3A_101 = vector.shape_cast %swap3A_100 : vector<1x16xf32> to vector<1x16xf32>
      %swap3A_102 = vector.shape_cast %broadcast_in_dim3A_97 : vector<1x16xf32> to vector<1x16xf32>
      tpu.vector_store %arg11[%swap3A_98, %swap3A_99], %swap3A_102 {strides = array<i32>} : memref<32x128xf32, #tpu.memory_space<vmem>>, vector<1x16xf32>,
      %broadcast_in_dim3A_103 = arith.constant 0.000000e+00 : f32
      %broadcast_in_dim3A_104 = vector.broadcast %broadcast_in_dim3A_103 : f32 to vector<1x16xf32>
      %swap3A_105 = arith.index_cast %add3A_62 : i32 to index
      %swap3A_106 = arith.constant 96 : index
      %swap3A_107 = tpu.vector_load %arg11[%swap3A_105, %swap3A_106] {strides = array<i32>} : memref<32x128xf32, #tpu.memory_space<vmem>>, vector<1x16xf32>,
      %swap3A_108 = vector.shape_cast %swap3A_107 : vector<1x16xf32> to vector<1x16xf32>
      %swap3A_109 = vector.shape_cast %broadcast_in_dim3A_104 : vector<1x16xf32> to vector<1x16xf32>
      tpu.vector_store %arg11[%swap3A_105, %swap3A_106], %swap3A_109 {strides = array<i32>} : memref<32x128xf32, #tpu.memory_space<vmem>>, vector<1x16xf32>,
      %broadcast_in_dim3A_110 = arith.constant 0.000000e+00 : f32
      %broadcast_in_dim3A_111 = vector.broadcast %broadcast_in_dim3A_110 : f32 to vector<1x16xf32>
      %swap3A_112 = arith.index_cast %add3A_62 : i32 to index
      %swap3A_113 = arith.constant 112 : index
      %swap3A_114 = tpu.vector_load %arg11[%swap3A_112, %swap3A_113] {strides = array<i32>} : memref<32x128xf32, #tpu.memory_space<vmem>>, vector<1x16xf32>,
      %swap3A_115 = vector.shape_cast %swap3A_114 : vector<1x16xf32> to vector<1x16xf32>
      %swap3A_116 = vector.shape_cast %broadcast_in_dim3A_111 : vector<1x16xf32> to vector<1x16xf32>
      tpu.vector_store %arg11[%swap3A_112, %swap3A_113], %swap3A_116 {strides = array<i32>} : memref<32x128xf32, #tpu.memory_space<vmem>>, vector<1x16xf32>,
    }
    %scan3A_3 = arith.constant 32 : i32
    %mul3A = arith.constant 640 : i32
    %mul3A_4 = arith.muli %arg1, %mul3A : i32
    %mul3A_5 = arith.constant 2500 : i32
    %mul3A_6 = arith.muli %arg1, %mul3A_5 : i32
    %jit3A = arith.constant 16 : i32
    %div3A = arith.divsi %mul3A_6, %jit3A : i32
    %sign3A = arith.constant 0 : i32
    %sign3A_7 = arith.cmpi sgt, %mul3A_6, %sign3A : i32
    %sign3A_8 = arith.extui %sign3A_7 : i1 to i32
    %sign3A_9 = arith.constant 0 : i32
    %sign3A_10 = arith.cmpi slt, %mul3A_6, %sign3A_9 : i32
    %sign3A_11 = arith.extui %sign3A_10 : i1 to i32
    %sign3A_12 = arith.subi %sign3A_8, %sign3A_11 : i32
    %sign3A_13 = arith.constant 0 : i32
    %sign3A_14 = arith.cmpi sgt, %jit3A, %sign3A_13 : i32
    %sign3A_15 = arith.extui %sign3A_14 : i1 to i32
    %sign3A_16 = arith.constant 0 : i32
    %sign3A_17 = arith.cmpi slt, %jit3A, %sign3A_16 : i32
    %sign3A_18 = arith.extui %sign3A_17 : i1 to i32
    %sign3A_19 = arith.subi %sign3A_15, %sign3A_18 : i32
    %ne3A = arith.cmpi ne, %sign3A_12, %sign3A_19 : i32
    %rem3A = arith.remsi %mul3A_6, %jit3A : i32
    %ne3A_20 = arith.constant 0 : i32
    %ne3A_21 = arith.cmpi ne, %rem3A, %ne3A_20 : i32
    %and3A = arith.andi %ne3A, %ne3A_21 : i1
    %sub3A = arith.constant 1 : i32
    %sub3A_22 = arith.subi %div3A, %sub3A : i32
    %select_n3A = arith.select %and3A, %sub3A_22, %div3A : i32
    %add3A = arith.constant 1 : i32
    %add3A_23 = arith.addi %arg1, %add3A : i32
    %mul3A_24 = arith.constant 2500 : i32
    %mul3A_25 = arith.muli %add3A_23, %mul3A_24 : i32
    %jit3A_26 = arith.constant 16 : i32
    %div3A_27 = arith.divsi %mul3A_25, %jit3A_26 : i32
    %sign3A_28 = arith.constant 0 : i32
    %sign3A_29 = arith.cmpi sgt, %mul3A_25, %sign3A_28 : i32
    %sign3A_30 = arith.extui %sign3A_29 : i1 to i32
    %sign3A_31 = arith.constant 0 : i32
    %sign3A_32 = arith.cmpi slt, %mul3A_25, %sign3A_31 : i32
    %sign3A_33 = arith.extui %sign3A_32 : i1 to i32
    %sign3A_34 = arith.subi %sign3A_30, %sign3A_33 : i32
    %sign3A_35 = arith.constant 0 : i32
    %sign3A_36 = arith.cmpi sgt, %jit3A_26, %sign3A_35 : i32
    %sign3A_37 = arith.extui %sign3A_36 : i1 to i32
    %sign3A_38 = arith.constant 0 : i32
    %sign3A_39 = arith.cmpi slt, %jit3A_26, %sign3A_38 : i32
    %sign3A_40 = arith.extui %sign3A_39 : i1 to i32
    %sign3A_41 = arith.subi %sign3A_37, %sign3A_40 : i32
    %ne3A_42 = arith.cmpi ne, %sign3A_34, %sign3A_41 : i32
    %rem3A_43 = arith.remsi %mul3A_25, %jit3A_26 : i32
    %ne3A_44 = arith.constant 0 : i32
    %ne3A_45 = arith.cmpi ne, %rem3A_43, %ne3A_44 : i32
    %and3A_46 = arith.andi %ne3A_42, %ne3A_45 : i1
    %sub3A_47 = arith.constant 1 : i32
    %sub3A_48 = arith.subi %div3A_27, %sub3A_47 : i32
    %select_n3A_49 = arith.select %and3A_46, %sub3A_48, %div3A_27 : i32
    %sub3A_50 = arith.subi %select_n3A_49, %select_n3A : i32
    %eq3A = arith.constant 0 : i32
    %eq3A_51 = arith.cmpi eq, %arg0, %eq3A : i32
    %convert_element_type3A = arith.extui %eq3A_51 : i1 to i32
    %cond3A = arith.constant 0 : i32
    %cond3A_52 = arith.cmpi ne, %convert_element_type3A, %cond3A : i32
    scf.if %cond3A_52 {
      %scan3A_58 = arith.constant 0 : i32
      %scan3A_59 = arith.constant 20 : i32
      %scan3A_60 = arith.addi %scan3A_58, %scan3A_59 : i32
      %scan3A_61 = arith.constant 1 : i32
      scf.for %scan3A_98 = %scan3A_58 to %scan3A_60 step %scan3A_61  : i32 {
        %mul3A_99 = arith.constant 32 : i32
        %mul3A_100 = arith.muli %scan3A_98, %mul3A_99 : i32
        %add3A_101 = arith.constant 0 : i32
        %add3A_102 = arith.addi %add3A_101, %mul3A_100 : i32
        %add3A_103 = arith.addi %mul3A_4, %add3A_102 : i32
        "tpu.region"() ({
          %run_scoped3A = tpu.sem_alloc : memref<!tpu.dma_semaphore, #tpu.memory_space<semaphore_mem>>
          %dma_start3A_104 = arith.constant 0 : i32
          %dma_start3A_105 = tpu.memref_slice %arg12[%add3A_103, %dma_start3A_104] : memref<10240x128xf32, #tpu.memory_space<vmem_shared>> -> memref<32x128xf32, #tpu.memory_space<vmem_shared>>
          %dma_start3A_106 = arith.constant 0 : i32
          %dma_start3A_107 = tpu.memref_slice %arg12[%add3A_103, %dma_start3A_106] : memref<10240x128xf32, #tpu.memory_space<vmem_shared>> -> memref<32x128xf32, #tpu.memory_space<vmem_shared>>
          tpu.enqueue_dma source(%arg11 : memref<32x128xf32, #tpu.memory_space<vmem>>) target(%dma_start3A_107 : memref<32x128xf32, #tpu.memory_space<vmem_shared>>) target_semaphore(%run_scoped3A : memref<!tpu.dma_semaphore, #tpu.memory_space<semaphore_mem>>)
          %dma_wait3A_108 = arith.constant 0 : i32
          %dma_wait3A_109 = tpu.memref_slice %arg12[%add3A_103, %dma_wait3A_108] : memref<10240x128xf32, #tpu.memory_space<vmem_shared>> -> memref<32x128xf32, #tpu.memory_space<vmem_shared>>
          %dma_wait3A_110 = arith.constant 0 : i32
          %dma_wait3A_111 = tpu.memref_slice %arg12[%add3A_103, %dma_wait3A_110] : memref<10240x128xf32, #tpu.memory_space<vmem_shared>> -> memref<32x128xf32, #tpu.memory_space<vmem_shared>>
          tpu.wait_dma2 semaphore(%run_scoped3A : memref<!tpu.dma_semaphore, #tpu.memory_space<semaphore_mem>>) src(%arg11 : memref<32x128xf32, #tpu.memory_space<vmem>>) dst(%dma_wait3A_111 : memref<32x128xf32, #tpu.memory_space<vmem_shared>>)
          tpu.yield
        }) : () -> ()
      }
      %scan3A_62 = arith.constant 20 : i32
      %barrier3A = arith.constant 0 : index
      tpu.barrier barrier_id(%barrier3A)
      "tpu.region"() ({
        %run_scoped3A = tpu.sem_alloc : memref<!tpu.dma_semaphore, #tpu.memory_space<semaphore_mem>>
        %dma_start3A_98 = arith.constant 0 : i32
        %dma_start3A_99 = arith.constant 0 : i32
        %dma_start3A_100 = tpu.memref_slice %arg4[%select_n3A, %dma_start3A_98, %dma_start3A_99] : memref<2500x2x128xi32, #tpu.memory_space<hbm>> -> memref<1x2x128xi32, #tpu.memory_space<hbm>>
        %dma_start3A_101 = arith.constant 0 : i32
        %dma_start3A_102 = arith.constant 0 : i32
        %dma_start3A_103 = tpu.memref_slice %arg4[%select_n3A, %dma_start3A_101, %dma_start3A_102] : memref<2500x2x128xi32, #tpu.memory_space<hbm>> -> memref<1x2x128xi32, #tpu.memory_space<hbm>>
        tpu.enqueue_dma source(%dma_start3A_103 : memref<1x2x128xi32, #tpu.memory_space<hbm>>) target(%arg7 : memref<1x2x128xi32, #tpu.memory_space<vmem>>) target_semaphore(%run_scoped3A : memref<!tpu.dma_semaphore, #tpu.memory_space<semaphore_mem>>)
        %dma_wait3A_104 = arith.constant 0 : i32
        %dma_wait3A_105 = arith.constant 0 : i32
        %dma_wait3A_106 = tpu.memref_slice %arg4[%select_n3A, %dma_wait3A_104, %dma_wait3A_105] : memref<2500x2x128xi32, #tpu.memory_space<hbm>> -> memref<1x2x128xi32, #tpu.memory_space<hbm>>
        %dma_wait3A_107 = arith.constant 0 : i32
        %dma_wait3A_108 = arith.constant 0 : i32
        %dma_wait3A_109 = tpu.memref_slice %arg4[%select_n3A, %dma_wait3A_107, %dma_wait3A_108] : memref<2500x2x128xi32, #tpu.memory_space<hbm>> -> memref<1x2x128xi32, #tpu.memory_space<hbm>>
        tpu.wait_dma2 semaphore(%run_scoped3A : memref<!tpu.dma_semaphore, #tpu.memory_space<semaphore_mem>>) src(%dma_wait3A_109 : memref<1x2x128xi32, #tpu.memory_space<hbm>>) dst(%arg7 : memref<1x2x128xi32, #tpu.memory_space<vmem>>)
        tpu.yield
      }) : () -> ()
      %dma_start3A = arith.constant 0 : i32
      %dma_start3A_63 = arith.constant 0 : i32
      %dma_start3A_64 = arith.constant 0 : i32
      %dma_start3A_65 = arith.constant 0 : i32
      %dma_start3A_66 = tpu.memref_slice %arg9[%dma_start3A_64, %dma_start3A_65] : memref<128x128xf32, #tpu.memory_space<vmem>> -> memref<128x128xf32, #tpu.memory_space<vmem>>
      %dma_start3A_67 = arith.constant 0 : i32
      %dma_start3A_68 = tpu.memref_slice %arg7[%dma_start3A, %dma_start3A_63, %dma_start3A_67] : memref<1x2x128xi32, #tpu.memory_space<vmem>> -> memref<1x1x128xi32, #tpu.memory_space<vmem>>
      %dma_start3A_69 = tpu.memref_squeeze %dma_start3A_68 : memref<1x1x128xi32, #tpu.memory_space<vmem>> -> memref<128xi32, #tpu.memory_space<vmem>>
      %dma_start3A_70 = arith.constant 0 : i32
      %dma_start3A_71 = arith.constant 0 : i32
      %dma_start3A_72 = tpu.memref_slice %arg2[%dma_start3A_70, %dma_start3A_71] : memref<10240x128xf32, #tpu.memory_space<hbm>> -> memref<10240x128xf32, #tpu.memory_space<hbm>>
      tpu.enqueue_indirect_dma source(%dma_start3A_72 : memref<10240x128xf32, #tpu.memory_space<hbm>>) target(%dma_start3A_66 : memref<128x128xf32, #tpu.memory_space<vmem>>) offsets(%dma_start3A_69 : memref<128xi32, #tpu.memory_space<vmem>>) semaphore(%arg13 : memref<!tpu.dma_semaphore, #tpu.memory_space<semaphore_mem>>)
      %add3A_73 = arith.constant 1 : i32
      %add3A_74 = arith.addi %select_n3A, %add3A_73 : i32
      %dma_start3A_75 = arith.constant 0 : i32
      %dma_start3A_76 = arith.constant 0 : i32
      %dma_start3A_77 = tpu.memref_slice %arg4[%add3A_74, %dma_start3A_75, %dma_start3A_76] : memref<2500x2x128xi32, #tpu.memory_space<hbm>> -> memref<1x2x128xi32, #tpu.memory_space<hbm>>
      %dma_start3A_78 = arith.constant 0 : i32
      %dma_start3A_79 = arith.constant 0 : i32
      %dma_start3A_80 = tpu.memref_slice %arg4[%add3A_74, %dma_start3A_78, %dma_start3A_79] : memref<2500x2x128xi32, #tpu.memory_space<hbm>> -> memref<1x2x128xi32, #tpu.memory_space<hbm>>
      tpu.enqueue_dma source(%dma_start3A_80 : memref<1x2x128xi32, #tpu.memory_space<hbm>>) target(%arg8 : memref<1x2x128xi32, #tpu.memory_space<vmem>>) target_semaphore(%arg16 : memref<!tpu.dma_semaphore, #tpu.memory_space<semaphore_mem>>)
      %scan3A_81 = arith.constant 0 : i32
      %scan3A_82 = arith.constant 78 : i32
      %scan3A_83 = arith.addi %scan3A_81, %scan3A_82 : i32
      %scan3A_84 = arith.constant 1 : i32
      scf.for %scan3A_98 = %scan3A_81 to %scan3A_83 step %scan3A_84  : i32 {
        %mul3A_99 = arith.constant 2 : i32
        %mul3A_100 = arith.muli %scan3A_98, %mul3A_99 : i32
        %add3A_101 = arith.constant 0 : i32
        %add3A_102 = arith.addi %add3A_101, %mul3A_100 : i32
        %dma_wait3A_103 = arith.constant 0 : i32
        %dma_wait3A_104 = arith.constant 0 : i32
        %dma_wait3A_105 = arith.constant 0 : i32
        %dma_wait3A_106 = tpu.memref_slice %arg7[%dma_wait3A_103, %dma_wait3A_104, %dma_wait3A_105] : memref<1x2x128xi32, #tpu.memory_space<vmem>> -> memref<1x1x128xi32, #tpu.memory_space<vmem>>
        %dma_wait3A_107 = tpu.memref_squeeze %dma_wait3A_106 : memref<1x1x128xi32, #tpu.memory_space<vmem>> -> memref<128xi32, #tpu.memory_space<vmem>>
        %dma_wait3A_108 = arith.constant 0 : i32
        %dma_wait3A_109 = arith.constant 0 : i32
        %dma_wait3A_110 = tpu.memref_slice %arg2[%dma_wait3A_108, %dma_wait3A_109] : memref<10240x128xf32, #tpu.memory_space<hbm>> -> memref<10240x128xf32, #tpu.memory_space<hbm>>
        tpu.wait_indirect_dma semaphore(%arg13 : memref<!tpu.dma_semaphore, #tpu.memory_space<semaphore_mem>>) src(%dma_wait3A_110 : memref<10240x128xf32, #tpu.memory_space<hbm>>) dst(%arg9 : memref<128x128xf32, #tpu.memory_space<vmem>>)
        %dma_wait3A_111 = arith.constant 0 : i32
        %dma_wait3A_112 = arith.constant 0 : i32
        %dma_wait3A_113 = tpu.memref_slice %arg4[%select_n3A, %dma_wait3A_111, %dma_wait3A_112] : memref<2500x2x128xi32, #tpu.memory_space<hbm>> -> memref<1x2x128xi32, #tpu.memory_space<hbm>>
        %dma_wait3A_114 = arith.constant 0 : i32
        %dma_wait3A_115 = arith.constant 0 : i32
        %dma_wait3A_116 = tpu.memref_slice %arg4[%select_n3A, %dma_wait3A_114, %dma_wait3A_115] : memref<2500x2x128xi32, #tpu.memory_space<hbm>> -> memref<1x2x128xi32, #tpu.memory_space<hbm>>
        tpu.wait_dma2 semaphore(%arg16 : memref<!tpu.dma_semaphore, #tpu.memory_space<semaphore_mem>>) src(%dma_wait3A_116 : memref<1x2x128xi32, #tpu.memory_space<hbm>>) dst(%arg8 : memref<1x2x128xi32, #tpu.memory_space<vmem>>)
        %dma_start3A_117 = arith.constant 0 : i32
        %dma_start3A_118 = arith.constant 0 : i32
        %dma_start3A_119 = arith.constant 0 : i32
        %dma_start3A_120 = arith.constant 0 : i32
        %dma_start3A_121 = tpu.memref_slice %arg10[%dma_start3A_119, %dma_start3A_120] : memref<128x128xf32, #tpu.memory_space<vmem>> -> memref<128x128xf32, #tpu.memory_space<vmem>>
        %dma_start3A_122 = arith.constant 0 : i32
        %dma_start3A_123 = tpu.memref_slice %arg8[%dma_start3A_117, %dma_start3A_118, %dma_start3A_122] : memref<1x2x128xi32, #tpu.memory_space<vmem>> -> memref<1x1x128xi32, #tpu.memory_space<vmem>>
        %dma_start3A_124 = tpu.memref_squeeze %dma_start3A_123 : memref<1x1x128xi32, #tpu.memory_space<vmem>> -> memref<128xi32, #tpu.memory_space<vmem>>
        %dma_start3A_125 = arith.constant 0 : i32
        %dma_start3A_126 = arith.constant 0 : i32
        %dma_start3A_127 = tpu.memref_slice %arg2[%dma_start3A_125, %dma_start3A_126] : memref<10240x128xf32, #tpu.memory_space<hbm>> -> memref<10240x128xf32, #tpu.memory_space<hbm>>
        tpu.enqueue_indirect_dma source(%dma_start3A_127 : memref<10240x128xf32, #tpu.memory_space<hbm>>) target(%dma_start3A_121 : memref<128x128xf32, #tpu.memory_space<vmem>>) offsets(%dma_start3A_124 : memref<128xi32, #tpu.memory_space<vmem>>) semaphore(%arg14 : memref<!tpu.dma_semaphore, #tpu.memory_space<semaphore_mem>>)
        %lt3A = arith.cmpi slt, %add3A_102, %sub3A_50 : i32
        %convert_element_type3A_128 = arith.extui %lt3A : i1 to i32
        %cond3A_129 = arith.constant 0 : i32
        %cond3A_130 = arith.cmpi ne, %convert_element_type3A_128, %cond3A_129 : i32
        scf.if %cond3A_130 {
          %run_scoped3A = arith.constant 0 : i32
          %run_scoped3A_176 = arith.constant 1 : i32
          "tpu.region"() ({
            %run_scoped3A_177 = tpu.sem_alloc : memref<!tpu.dma_semaphore, #tpu.memory_space<semaphore_mem>>
            %dma_start3A_178 = arith.constant 0 : i32
            %dma_start3A_179 = tpu.memref_slice %arg7[%run_scoped3A, %run_scoped3A_176, %dma_start3A_178] : memref<1x2x128xi32, #tpu.memory_space<vmem>> -> memref<1x1x128xi32, #tpu.memory_space<vmem>>
            %dma_start3A_180 = tpu.memref_squeeze %dma_start3A_179 : memref<1x1x128xi32, #tpu.memory_space<vmem>> -> memref<128xi32, #tpu.memory_space<vmem>>
            %dma_start3A_181 = arith.constant 0 : i32
            %dma_start3A_182 = arith.constant 0 : i32
            %dma_start3A_183 = tpu.memref_slice %arg12[%dma_start3A_181, %dma_start3A_182] : memref<10240x128xf32, #tpu.memory_space<vmem_shared>> -> memref<10240x128xf32, #tpu.memory_space<vmem_shared>>
            tpu.enqueue_indirect_dma source(%arg9 : memref<128x128xf32, #tpu.memory_space<vmem>>) target(%dma_start3A_183 : memref<10240x128xf32, #tpu.memory_space<vmem_shared>>) offsets(%dma_start3A_180 : memref<128xi32, #tpu.memory_space<vmem>>) semaphore(%run_scoped3A_177 : memref<!tpu.dma_semaphore, #tpu.memory_space<semaphore_mem>>) {add = true}
            %dma_wait3A_184 = arith.constant 0 : i32
            %dma_wait3A_185 = tpu.memref_slice %arg7[%run_scoped3A, %run_scoped3A_176, %dma_wait3A_184] : memref<1x2x128xi32, #tpu.memory_space<vmem>> -> memref<1x1x128xi32, #tpu.memory_space<vmem>>
            %dma_wait3A_186 = tpu.memref_squeeze %dma_wait3A_185 : memref<1x1x128xi32, #tpu.memory_space<vmem>> -> memref<128xi32, #tpu.memory_space<vmem>>
            %dma_wait3A_187 = arith.constant 0 : i32
            %dma_wait3A_188 = arith.constant 0 : i32
            %dma_wait3A_189 = tpu.memref_slice %arg12[%dma_wait3A_187, %dma_wait3A_188] : memref<10240x128xf32, #tpu.memory_space<vmem_shared>> -> memref<10240x128xf32, #tpu.memory_space<vmem_shared>>
            tpu.wait_indirect_dma semaphore(%run_scoped3A_177 : memref<!tpu.dma_semaphore, #tpu.memory_space<semaphore_mem>>) src(%arg9 : memref<128x128xf32, #tpu.memory_space<vmem>>) dst(%dma_wait3A_189 : memref<10240x128xf32, #tpu.memory_space<vmem_shared>>)
            tpu.yield
          }) : () -> ()
        } else {
        }
        %add3A_131 = arith.constant 2 : i32
        %add3A_132 = arith.addi %add3A_102, %add3A_131 : i32
        %lt3A_133 = arith.constant 157 : i32
        %lt3A_134 = arith.cmpi slt, %add3A_132, %lt3A_133 : i32
        %convert_element_type3A_135 = arith.extui %lt3A_134 : i1 to i32
        %cond3A_136 = arith.constant 0 : i32
        %cond3A_137 = arith.cmpi ne, %convert_element_type3A_135, %cond3A_136 : i32
        scf.if %cond3A_137 {
          %add3A_176 = arith.addi %select_n3A, %add3A_102 : i32
          %add3A_177 = arith.constant 2 : i32
          %add3A_178 = arith.addi %add3A_176, %add3A_177 : i32
          %dma_start3A_179 = arith.constant 0 : i32
          %dma_start3A_180 = arith.constant 0 : i32
          %dma_start3A_181 = tpu.memref_slice %arg4[%add3A_178, %dma_start3A_179, %dma_start3A_180] : memref<2500x2x128xi32, #tpu.memory_space<hbm>> -> memref<1x2x128xi32, #tpu.memory_space<hbm>>
          %dma_start3A_182 = arith.constant 0 : i32
          %dma_start3A_183 = arith.constant 0 : i32
          %dma_start3A_184 = tpu.memref_slice %arg4[%add3A_178, %dma_start3A_182, %dma_start3A_183] : memref<2500x2x128xi32, #tpu.memory_space<hbm>> -> memref<1x2x128xi32, #tpu.memory_space<hbm>>
          tpu.enqueue_dma source(%dma_start3A_184 : memref<1x2x128xi32, #tpu.memory_space<hbm>>) target(%arg7 : memref<1x2x128xi32, #tpu.memory_space<vmem>>) target_semaphore(%arg15 : memref<!tpu.dma_semaphore, #tpu.memory_space<semaphore_mem>>)
        } else {
        }
        %add3A_138 = arith.constant 1 : i32
        %add3A_139 = arith.addi %add3A_102, %add3A_138 : i32
        %dma_wait3A_140 = arith.constant 0 : i32
        %dma_wait3A_141 = arith.constant 0 : i32
        %dma_wait3A_142 = arith.constant 0 : i32
        %dma_wait3A_143 = tpu.memref_slice %arg7[%dma_wait3A_140, %dma_wait3A_141, %dma_wait3A_142] : memref<1x2x128xi32, #tpu.memory_space<vmem>> -> memref<1x1x128xi32, #tpu.memory_space<vmem>>
        %dma_wait3A_144 = tpu.memref_squeeze %dma_wait3A_143 : memref<1x1x128xi32, #tpu.memory_space<vmem>> -> memref<128xi32, #tpu.memory_space<vmem>>
        %dma_wait3A_145 = arith.constant 0 : i32
        %dma_wait3A_146 = arith.constant 0 : i32
        %dma_wait3A_147 = tpu.memref_slice %arg2[%dma_wait3A_145, %dma_wait3A_146] : memref<10240x128xf32, #tpu.memory_space<hbm>> -> memref<10240x128xf32, #tpu.memory_space<hbm>>
        tpu.wait_indirect_dma semaphore(%arg14 : memref<!tpu.dma_semaphore, #tpu.memory_space<semaphore_mem>>) src(%dma_wait3A_147 : memref<10240x128xf32, #tpu.memory_space<hbm>>) dst(%arg10 : memref<128x128xf32, #tpu.memory_space<vmem>>)
        %dma_wait3A_148 = arith.constant 0 : i32
        %dma_wait3A_149 = arith.constant 0 : i32
        %dma_wait3A_150 = tpu.memref_slice %arg4[%select_n3A, %dma_wait3A_148, %dma_wait3A_149] : memref<2500x2x128xi32, #tpu.memory_space<hbm>> -> memref<1x2x128xi32, #tpu.memory_space<hbm>>
        %dma_wait3A_151 = arith.constant 0 : i32
        %dma_wait3A_152 = arith.constant 0 : i32
        %dma_wait3A_153 = tpu.memref_slice %arg4[%select_n3A, %dma_wait3A_151, %dma_wait3A_152] : memref<2500x2x128xi32, #tpu.memory_space<hbm>> -> memref<1x2x128xi32, #tpu.memory_space<hbm>>
        tpu.wait_dma2 semaphore(%arg15 : memref<!tpu.dma_semaphore, #tpu.memory_space<semaphore_mem>>) src(%dma_wait3A_153 : memref<1x2x128xi32, #tpu.memory_space<hbm>>) dst(%arg7 : memref<1x2x128xi32, #tpu.memory_space<vmem>>)
        %dma_start3A_154 = arith.constant 0 : i32
        %dma_start3A_155 = arith.constant 0 : i32
        %dma_start3A_156 = arith.constant 0 : i32
        %dma_start3A_157 = arith.constant 0 : i32
        %dma_start3A_158 = tpu.memref_slice %arg9[%dma_start3A_156, %dma_start3A_157] : memref<128x128xf32, #tpu.memory_space<vmem>> -> memref<128x128xf32, #tpu.memory_space<vmem>>
        %dma_start3A_159 = arith.constant 0 : i32
        %dma_start3A_160 = tpu.memref_slice %arg7[%dma_start3A_154, %dma_start3A_155, %dma_start3A_159] : memref<1x2x128xi32, #tpu.memory_space<vmem>> -> memref<1x1x128xi32, #tpu.memory_space<vmem>>
        %dma_start3A_161 = tpu.memref_squeeze %dma_start3A_160 : memref<1x1x128xi32, #tpu.memory_space<vmem>> -> memref<128xi32, #tpu.memory_space<vmem>>
        %dma_start3A_162 = arith.constant 0 : i32
        %dma_start3A_163 = arith.constant 0 : i32
        %dma_start3A_164 = tpu.memref_slice %arg2[%dma_start3A_162, %dma_start3A_163] : memref<10240x128xf32, #tpu.memory_space<hbm>> -> memref<10240x128xf32, #tpu.memory_space<hbm>>
        tpu.enqueue_indirect_dma source(%dma_start3A_164 : memref<10240x128xf32, #tpu.memory_space<hbm>>) target(%dma_start3A_158 : memref<128x128xf32, #tpu.memory_space<vmem>>) offsets(%dma_start3A_161 : memref<128xi32, #tpu.memory_space<vmem>>) semaphore(%arg13 : memref<!tpu.dma_semaphore, #tpu.memory_space<semaphore_mem>>)
        %lt3A_165 = arith.cmpi slt, %add3A_139, %sub3A_50 : i32
        %convert_element_type3A_166 = arith.extui %lt3A_165 : i1 to i32
        %cond3A_167 = arith.constant 0 : i32
        %cond3A_168 = arith.cmpi ne, %convert_element_type3A_166, %cond3A_167 : i32
        scf.if %cond3A_168 {
          %run_scoped3A = arith.constant 0 : i32
          %run_scoped3A_176 = arith.constant 1 : i32
          "tpu.region"() ({
            %run_scoped3A_177 = tpu.sem_alloc : memref<!tpu.dma_semaphore, #tpu.memory_space<semaphore_mem>>
            %dma_start3A_178 = arith.constant 0 : i32
            %dma_start3A_179 = tpu.memref_slice %arg8[%run_scoped3A, %run_scoped3A_176, %dma_start3A_178] : memref<1x2x128xi32, #tpu.memory_space<vmem>> -> memref<1x1x128xi32, #tpu.memory_space<vmem>>
            %dma_start3A_180 = tpu.memref_squeeze %dma_start3A_179 : memref<1x1x128xi32, #tpu.memory_space<vmem>> -> memref<128xi32, #tpu.memory_space<vmem>>
            %dma_start3A_181 = arith.constant 0 : i32
            %dma_start3A_182 = arith.constant 0 : i32
            %dma_start3A_183 = tpu.memref_slice %arg12[%dma_start3A_181, %dma_start3A_182] : memref<10240x128xf32, #tpu.memory_space<vmem_shared>> -> memref<10240x128xf32, #tpu.memory_space<vmem_shared>>
            tpu.enqueue_indirect_dma source(%arg10 : memref<128x128xf32, #tpu.memory_space<vmem>>) target(%dma_start3A_183 : memref<10240x128xf32, #tpu.memory_space<vmem_shared>>) offsets(%dma_start3A_180 : memref<128xi32, #tpu.memory_space<vmem>>) semaphore(%run_scoped3A_177 : memref<!tpu.dma_semaphore, #tpu.memory_space<semaphore_mem>>) {add = true}
            %dma_wait3A_184 = arith.constant 0 : i32
            %dma_wait3A_185 = tpu.memref_slice %arg8[%run_scoped3A, %run_scoped3A_176, %dma_wait3A_184] : memref<1x2x128xi32, #tpu.memory_space<vmem>> -> memref<1x1x128xi32, #tpu.memory_space<vmem>>
            %dma_wait3A_186 = tpu.memref_squeeze %dma_wait3A_185 : memref<1x1x128xi32, #tpu.memory_space<vmem>> -> memref<128xi32, #tpu.memory_space<vmem>>
            %dma_wait3A_187 = arith.constant 0 : i32
            %dma_wait3A_188 = arith.constant 0 : i32
            %dma_wait3A_189 = tpu.memref_slice %arg12[%dma_wait3A_187, %dma_wait3A_188] : memref<10240x128xf32, #tpu.memory_space<vmem_shared>> -> memref<10240x128xf32, #tpu.memory_space<vmem_shared>>
            tpu.wait_indirect_dma semaphore(%run_scoped3A_177 : memref<!tpu.dma_semaphore, #tpu.memory_space<semaphore_mem>>) src(%arg10 : memref<128x128xf32, #tpu.memory_space<vmem>>) dst(%dma_wait3A_189 : memref<10240x128xf32, #tpu.memory_space<vmem_shared>>)
            tpu.yield
          }) : () -> ()
        } else {
        }
        %add3A_169 = arith.constant 2 : i32
        %add3A_170 = arith.addi %add3A_139, %add3A_169 : i32
        %lt3A_171 = arith.constant 157 : i32
        %lt3A_172 = arith.cmpi slt, %add3A_170, %lt3A_171 : i32
        %convert_element_type3A_173 = arith.extui %lt3A_172 : i1 to i32
        %cond3A_174 = arith.constant 0 : i32
        %cond3A_175 = arith.cmpi ne, %convert_element_type3A_173, %cond3A_174 : i32
        scf.if %cond3A_175 {
          %add3A_176 = arith.addi %select_n3A, %add3A_139 : i32
          %add3A_177 = arith.constant 2 : i32
          %add3A_178 = arith.addi %add3A_176, %add3A_177 : i32
          %dma_start3A_179 = arith.constant 0 : i32
          %dma_start3A_180 = arith.constant 0 : i32
          %dma_start3A_181 = tpu.memref_slice %arg4[%add3A_178, %dma_start3A_179, %dma_start3A_180] : memref<2500x2x128xi32, #tpu.memory_space<hbm>> -> memref<1x2x128xi32, #tpu.memory_space<hbm>>
          %dma_start3A_182 = arith.constant 0 : i32
          %dma_start3A_183 = arith.constant 0 : i32
          %dma_start3A_184 = tpu.memref_slice %arg4[%add3A_178, %dma_start3A_182, %dma_start3A_183] : memref<2500x2x128xi32, #tpu.memory_space<hbm>> -> memref<1x2x128xi32, #tpu.memory_space<hbm>>
          tpu.enqueue_dma source(%dma_start3A_184 : memref<1x2x128xi32, #tpu.memory_space<hbm>>) target(%arg8 : memref<1x2x128xi32, #tpu.memory_space<vmem>>) target_semaphore(%arg16 : memref<!tpu.dma_semaphore, #tpu.memory_space<semaphore_mem>>)
        } else {
        }
      }
      %scan3A_85 = arith.constant 78 : i32
      %dma_wait3A = arith.constant 0 : i32
      %dma_wait3A_86 = arith.constant 0 : i32
      %dma_wait3A_87 = arith.constant 0 : i32
      %dma_wait3A_88 = tpu.memref_slice %arg7[%dma_wait3A, %dma_wait3A_86, %dma_wait3A_87] : memref<1x2x128xi32, #tpu.memory_space<vmem>> -> memref<1x1x128xi32, #tpu.memory_space<vmem>>
      %dma_wait3A_89 = tpu.memref_squeeze %dma_wait3A_88 : memref<1x1x128xi32, #tpu.memory_space<vmem>> -> memref<128xi32, #tpu.memory_space<vmem>>
      %dma_wait3A_90 = arith.constant 0 : i32
      %dma_wait3A_91 = arith.constant 0 : i32
      %dma_wait3A_92 = tpu.memref_slice %arg2[%dma_wait3A_90, %dma_wait3A_91] : memref<10240x128xf32, #tpu.memory_space<hbm>> -> memref<10240x128xf32, #tpu.memory_space<hbm>>
      tpu.wait_indirect_dma semaphore(%arg13 : memref<!tpu.dma_semaphore, #tpu.memory_space<semaphore_mem>>) src(%dma_wait3A_92 : memref<10240x128xf32, #tpu.memory_space<hbm>>) dst(%arg9 : memref<128x128xf32, #tpu.memory_space<vmem>>)
      %gt3A = arith.constant 156 : i32
      %gt3A_93 = arith.cmpi sgt, %sub3A_50, %gt3A : i32
      %convert_element_type3A_94 = arith.extui %gt3A_93 : i1 to i32
      %cond3A_95 = arith.constant 0 : i32
      %cond3A_96 = arith.cmpi ne, %convert_element_type3A_94, %cond3A_95 : i32
      scf.if %cond3A_96 {
        %run_scoped3A = arith.constant 0 : i32
        %run_scoped3A_98 = arith.constant 1 : i32
        "tpu.region"() ({
          %run_scoped3A_99 = tpu.sem_alloc : memref<!tpu.dma_semaphore, #tpu.memory_space<semaphore_mem>>
          %dma_start3A_100 = arith.constant 0 : i32
          %dma_start3A_101 = tpu.memref_slice %arg7[%run_scoped3A, %run_scoped3A_98, %dma_start3A_100] : memref<1x2x128xi32, #tpu.memory_space<vmem>> -> memref<1x1x128xi32, #tpu.memory_space<vmem>>
          %dma_start3A_102 = tpu.memref_squeeze %dma_start3A_101 : memref<1x1x128xi32, #tpu.memory_space<vmem>> -> memref<128xi32, #tpu.memory_space<vmem>>
          %dma_start3A_103 = arith.constant 0 : i32
          %dma_start3A_104 = arith.constant 0 : i32
          %dma_start3A_105 = tpu.memref_slice %arg12[%dma_start3A_103, %dma_start3A_104] : memref<10240x128xf32, #tpu.memory_space<vmem_shared>> -> memref<10240x128xf32, #tpu.memory_space<vmem_shared>>
          tpu.enqueue_indirect_dma source(%arg9 : memref<128x128xf32, #tpu.memory_space<vmem>>) target(%dma_start3A_105 : memref<10240x128xf32, #tpu.memory_space<vmem_shared>>) offsets(%dma_start3A_102 : memref<128xi32, #tpu.memory_space<vmem>>) semaphore(%run_scoped3A_99 : memref<!tpu.dma_semaphore, #tpu.memory_space<semaphore_mem>>) {add = true}
          %dma_wait3A_106 = arith.constant 0 : i32
          %dma_wait3A_107 = tpu.memref_slice %arg7[%run_scoped3A, %run_scoped3A_98, %dma_wait3A_106] : memref<1x2x128xi32, #tpu.memory_space<vmem>> -> memref<1x1x128xi32, #tpu.memory_space<vmem>>
          %dma_wait3A_108 = tpu.memref_squeeze %dma_wait3A_107 : memref<1x1x128xi32, #tpu.memory_space<vmem>> -> memref<128xi32, #tpu.memory_space<vmem>>
          %dma_wait3A_109 = arith.constant 0 : i32
          %dma_wait3A_110 = arith.constant 0 : i32
          %dma_wait3A_111 = tpu.memref_slice %arg12[%dma_wait3A_109, %dma_wait3A_110] : memref<10240x128xf32, #tpu.memory_space<vmem_shared>> -> memref<10240x128xf32, #tpu.memory_space<vmem_shared>>
          tpu.wait_indirect_dma semaphore(%run_scoped3A_99 : memref<!tpu.dma_semaphore, #tpu.memory_space<semaphore_mem>>) src(%arg9 : memref<128x128xf32, #tpu.memory_space<vmem>>) dst(%dma_wait3A_111 : memref<10240x128xf32, #tpu.memory_space<vmem_shared>>)
          tpu.yield
        }) : () -> ()
      } else {
      }
      %barrier3A_97 = arith.constant 0 : index
      tpu.barrier barrier_id(%barrier3A_97)
      "tpu.region"() ({
        %run_scoped3A = tpu.sem_alloc : memref<!tpu.dma_semaphore, #tpu.memory_space<semaphore_mem>>
        %dma_start3A_98 = arith.constant 0 : i32
        %dma_start3A_99 = tpu.memref_slice %arg5[%mul3A_4, %dma_start3A_98] : memref<10240x128xf32, #tpu.memory_space<hbm>> -> memref<640x128xf32, #tpu.memory_space<hbm>>
        %dma_start3A_100 = arith.constant 0 : i32
        %dma_start3A_101 = tpu.memref_slice %arg12[%mul3A_4, %dma_start3A_100] : memref<10240x128xf32, #tpu.memory_space<vmem_shared>> -> memref<640x128xf32, #tpu.memory_space<vmem_shared>>
        tpu.enqueue_dma source(%dma_start3A_101 : memref<640x128xf32, #tpu.memory_space<vmem_shared>>) target(%dma_start3A_99 : memref<640x128xf32, #tpu.memory_space<hbm>>) target_semaphore(%run_scoped3A : memref<!tpu.dma_semaphore, #tpu.memory_space<semaphore_mem>>)
        %dma_wait3A_102 = arith.constant 0 : i32
        %dma_wait3A_103 = tpu.memref_slice %arg5[%mul3A_4, %dma_wait3A_102] : memref<10240x128xf32, #tpu.memory_space<hbm>> -> memref<640x128xf32, #tpu.memory_space<hbm>>
        %dma_wait3A_104 = arith.constant 0 : i32
        %dma_wait3A_105 = tpu.memref_slice %arg12[%mul3A_4, %dma_wait3A_104] : memref<10240x128xf32, #tpu.memory_space<vmem_shared>> -> memref<640x128xf32, #tpu.memory_space<vmem_shared>>
        tpu.wait_dma2 semaphore(%run_scoped3A : memref<!tpu.dma_semaphore, #tpu.memory_space<semaphore_mem>>) src(%dma_wait3A_105 : memref<640x128xf32, #tpu.memory_space<vmem_shared>>) dst(%dma_wait3A_103 : memref<640x128xf32, #tpu.memory_space<hbm>>)
        tpu.yield
      }) : () -> ()
    } else {
    }
    %eq3A_53 = arith.constant 1 : i32
    %eq3A_54 = arith.cmpi eq, %arg0, %eq3A_53 : i32
    %convert_element_type3A_55 = arith.extui %eq3A_54 : i1 to i32
    %cond3A_56 = arith.constant 0 : i32
    %cond3A_57 = arith.cmpi ne, %convert_element_type3A_55, %cond3A_56 : i32
    scf.if %cond3A_57 {
      %scan3A_58 = arith.constant 0 : i32
      %scan3A_59 = arith.constant 20 : i32
      %scan3A_60 = arith.addi %scan3A_58, %scan3A_59 : i32
      %scan3A_61 = arith.constant 1 : i32
      scf.for %scan3A_98 = %scan3A_58 to %scan3A_60 step %scan3A_61  : i32 {
        %mul3A_99 = arith.constant 32 : i32
        %mul3A_100 = arith.muli %scan3A_98, %mul3A_99 : i32
        %add3A_101 = arith.constant 0 : i32
        %add3A_102 = arith.addi %add3A_101, %mul3A_100 : i32
        %add3A_103 = arith.addi %mul3A_4, %add3A_102 : i32
        "tpu.region"() ({
          %run_scoped3A = tpu.sem_alloc : memref<!tpu.dma_semaphore, #tpu.memory_space<semaphore_mem>>
          %dma_start3A_104 = arith.constant 0 : i32
          %dma_start3A_105 = tpu.memref_slice %arg12[%add3A_103, %dma_start3A_104] : memref<10240x128xf32, #tpu.memory_space<vmem_shared>> -> memref<32x128xf32, #tpu.memory_space<vmem_shared>>
          %dma_start3A_106 = arith.constant 0 : i32
          %dma_start3A_107 = tpu.memref_slice %arg12[%add3A_103, %dma_start3A_106] : memref<10240x128xf32, #tpu.memory_space<vmem_shared>> -> memref<32x128xf32, #tpu.memory_space<vmem_shared>>
          tpu.enqueue_dma source(%arg11 : memref<32x128xf32, #tpu.memory_space<vmem>>) target(%dma_start3A_107 : memref<32x128xf32, #tpu.memory_space<vmem_shared>>) target_semaphore(%run_scoped3A : memref<!tpu.dma_semaphore, #tpu.memory_space<semaphore_mem>>)
          %dma_wait3A_108 = arith.constant 0 : i32
          %dma_wait3A_109 = tpu.memref_slice %arg12[%add3A_103, %dma_wait3A_108] : memref<10240x128xf32, #tpu.memory_space<vmem_shared>> -> memref<32x128xf32, #tpu.memory_space<vmem_shared>>
          %dma_wait3A_110 = arith.constant 0 : i32
          %dma_wait3A_111 = tpu.memref_slice %arg12[%add3A_103, %dma_wait3A_110] : memref<10240x128xf32, #tpu.memory_space<vmem_shared>> -> memref<32x128xf32, #tpu.memory_space<vmem_shared>>
          tpu.wait_dma2 semaphore(%run_scoped3A : memref<!tpu.dma_semaphore, #tpu.memory_space<semaphore_mem>>) src(%arg11 : memref<32x128xf32, #tpu.memory_space<vmem>>) dst(%dma_wait3A_111 : memref<32x128xf32, #tpu.memory_space<vmem_shared>>)
          tpu.yield
        }) : () -> ()
      }
      %scan3A_62 = arith.constant 20 : i32
      %barrier3A = arith.constant 0 : index
      tpu.barrier barrier_id(%barrier3A)
      "tpu.region"() ({
        %run_scoped3A = tpu.sem_alloc : memref<!tpu.dma_semaphore, #tpu.memory_space<semaphore_mem>>
        %dma_start3A_98 = arith.constant 0 : i32
        %dma_start3A_99 = arith.constant 0 : i32
        %dma_start3A_100 = tpu.memref_slice %arg4[%select_n3A, %dma_start3A_98, %dma_start3A_99] : memref<2500x2x128xi32, #tpu.memory_space<hbm>> -> memref<1x2x128xi32, #tpu.memory_space<hbm>>
        %dma_start3A_101 = arith.constant 0 : i32
        %dma_start3A_102 = arith.constant 0 : i32
        %dma_start3A_103 = tpu.memref_slice %arg4[%select_n3A, %dma_start3A_101, %dma_start3A_102] : memref<2500x2x128xi32, #tpu.memory_space<hbm>> -> memref<1x2x128xi32, #tpu.memory_space<hbm>>
        tpu.enqueue_dma source(%dma_start3A_103 : memref<1x2x128xi32, #tpu.memory_space<hbm>>) target(%arg7 : memref<1x2x128xi32, #tpu.memory_space<vmem>>) target_semaphore(%run_scoped3A : memref<!tpu.dma_semaphore, #tpu.memory_space<semaphore_mem>>)
        %dma_wait3A_104 = arith.constant 0 : i32
        %dma_wait3A_105 = arith.constant 0 : i32
        %dma_wait3A_106 = tpu.memref_slice %arg4[%select_n3A, %dma_wait3A_104, %dma_wait3A_105] : memref<2500x2x128xi32, #tpu.memory_space<hbm>> -> memref<1x2x128xi32, #tpu.memory_space<hbm>>
        %dma_wait3A_107 = arith.constant 0 : i32
        %dma_wait3A_108 = arith.constant 0 : i32
        %dma_wait3A_109 = tpu.memref_slice %arg4[%select_n3A, %dma_wait3A_107, %dma_wait3A_108] : memref<2500x2x128xi32, #tpu.memory_space<hbm>> -> memref<1x2x128xi32, #tpu.memory_space<hbm>>
        tpu.wait_dma2 semaphore(%run_scoped3A : memref<!tpu.dma_semaphore, #tpu.memory_space<semaphore_mem>>) src(%dma_wait3A_109 : memref<1x2x128xi32, #tpu.memory_space<hbm>>) dst(%arg7 : memref<1x2x128xi32, #tpu.memory_space<vmem>>)
        tpu.yield
      }) : () -> ()
      %dma_start3A = arith.constant 0 : i32
      %dma_start3A_63 = arith.constant 0 : i32
      %dma_start3A_64 = arith.constant 0 : i32
      %dma_start3A_65 = arith.constant 0 : i32
      %dma_start3A_66 = tpu.memref_slice %arg9[%dma_start3A_64, %dma_start3A_65] : memref<128x128xf32, #tpu.memory_space<vmem>> -> memref<128x128xf32, #tpu.memory_space<vmem>>
      %dma_start3A_67 = arith.constant 0 : i32
      %dma_start3A_68 = tpu.memref_slice %arg7[%dma_start3A, %dma_start3A_63, %dma_start3A_67] : memref<1x2x128xi32, #tpu.memory_space<vmem>> -> memref<1x1x128xi32, #tpu.memory_space<vmem>>
      %dma_start3A_69 = tpu.memref_squeeze %dma_start3A_68 : memref<1x1x128xi32, #tpu.memory_space<vmem>> -> memref<128xi32, #tpu.memory_space<vmem>>
      %dma_start3A_70 = arith.constant 0 : i32
      %dma_start3A_71 = arith.constant 0 : i32
      %dma_start3A_72 = tpu.memref_slice %arg3[%dma_start3A_70, %dma_start3A_71] : memref<10240x128xf32, #tpu.memory_space<hbm>> -> memref<10240x128xf32, #tpu.memory_space<hbm>>
      tpu.enqueue_indirect_dma source(%dma_start3A_72 : memref<10240x128xf32, #tpu.memory_space<hbm>>) target(%dma_start3A_66 : memref<128x128xf32, #tpu.memory_space<vmem>>) offsets(%dma_start3A_69 : memref<128xi32, #tpu.memory_space<vmem>>) semaphore(%arg13 : memref<!tpu.dma_semaphore, #tpu.memory_space<semaphore_mem>>)
      %add3A_73 = arith.constant 1 : i32
      %add3A_74 = arith.addi %select_n3A, %add3A_73 : i32
      %dma_start3A_75 = arith.constant 0 : i32
      %dma_start3A_76 = arith.constant 0 : i32
      %dma_start3A_77 = tpu.memref_slice %arg4[%add3A_74, %dma_start3A_75, %dma_start3A_76] : memref<2500x2x128xi32, #tpu.memory_space<hbm>> -> memref<1x2x128xi32, #tpu.memory_space<hbm>>
      %dma_start3A_78 = arith.constant 0 : i32
      %dma_start3A_79 = arith.constant 0 : i32
      %dma_start3A_80 = tpu.memref_slice %arg4[%add3A_74, %dma_start3A_78, %dma_start3A_79] : memref<2500x2x128xi32, #tpu.memory_space<hbm>> -> memref<1x2x128xi32, #tpu.memory_space<hbm>>
      tpu.enqueue_dma source(%dma_start3A_80 : memref<1x2x128xi32, #tpu.memory_space<hbm>>) target(%arg8 : memref<1x2x128xi32, #tpu.memory_space<vmem>>) target_semaphore(%arg16 : memref<!tpu.dma_semaphore, #tpu.memory_space<semaphore_mem>>)
      %scan3A_81 = arith.constant 0 : i32
      %scan3A_82 = arith.constant 78 : i32
      %scan3A_83 = arith.addi %scan3A_81, %scan3A_82 : i32
      %scan3A_84 = arith.constant 1 : i32
      scf.for %scan3A_98 = %scan3A_81 to %scan3A_83 step %scan3A_84  : i32 {
        %mul3A_99 = arith.constant 2 : i32
        %mul3A_100 = arith.muli %scan3A_98, %mul3A_99 : i32
        %add3A_101 = arith.constant 0 : i32
        %add3A_102 = arith.addi %add3A_101, %mul3A_100 : i32
        %dma_wait3A_103 = arith.constant 0 : i32
        %dma_wait3A_104 = arith.constant 0 : i32
        %dma_wait3A_105 = arith.constant 0 : i32
        %dma_wait3A_106 = tpu.memref_slice %arg7[%dma_wait3A_103, %dma_wait3A_104, %dma_wait3A_105] : memref<1x2x128xi32, #tpu.memory_space<vmem>> -> memref<1x1x128xi32, #tpu.memory_space<vmem>>
        %dma_wait3A_107 = tpu.memref_squeeze %dma_wait3A_106 : memref<1x1x128xi32, #tpu.memory_space<vmem>> -> memref<128xi32, #tpu.memory_space<vmem>>
        %dma_wait3A_108 = arith.constant 0 : i32
        %dma_wait3A_109 = arith.constant 0 : i32
        %dma_wait3A_110 = tpu.memref_slice %arg3[%dma_wait3A_108, %dma_wait3A_109] : memref<10240x128xf32, #tpu.memory_space<hbm>> -> memref<10240x128xf32, #tpu.memory_space<hbm>>
        tpu.wait_indirect_dma semaphore(%arg13 : memref<!tpu.dma_semaphore, #tpu.memory_space<semaphore_mem>>) src(%dma_wait3A_110 : memref<10240x128xf32, #tpu.memory_space<hbm>>) dst(%arg9 : memref<128x128xf32, #tpu.memory_space<vmem>>)
        %dma_wait3A_111 = arith.constant 0 : i32
        %dma_wait3A_112 = arith.constant 0 : i32
        %dma_wait3A_113 = tpu.memref_slice %arg4[%select_n3A, %dma_wait3A_111, %dma_wait3A_112] : memref<2500x2x128xi32, #tpu.memory_space<hbm>> -> memref<1x2x128xi32, #tpu.memory_space<hbm>>
        %dma_wait3A_114 = arith.constant 0 : i32
        %dma_wait3A_115 = arith.constant 0 : i32
        %dma_wait3A_116 = tpu.memref_slice %arg4[%select_n3A, %dma_wait3A_114, %dma_wait3A_115] : memref<2500x2x128xi32, #tpu.memory_space<hbm>> -> memref<1x2x128xi32, #tpu.memory_space<hbm>>
        tpu.wait_dma2 semaphore(%arg16 : memref<!tpu.dma_semaphore, #tpu.memory_space<semaphore_mem>>) src(%dma_wait3A_116 : memref<1x2x128xi32, #tpu.memory_space<hbm>>) dst(%arg8 : memref<1x2x128xi32, #tpu.memory_space<vmem>>)
        %dma_start3A_117 = arith.constant 0 : i32
        %dma_start3A_118 = arith.constant 0 : i32
        %dma_start3A_119 = arith.constant 0 : i32
        %dma_start3A_120 = arith.constant 0 : i32
        %dma_start3A_121 = tpu.memref_slice %arg10[%dma_start3A_119, %dma_start3A_120] : memref<128x128xf32, #tpu.memory_space<vmem>> -> memref<128x128xf32, #tpu.memory_space<vmem>>
        %dma_start3A_122 = arith.constant 0 : i32
        %dma_start3A_123 = tpu.memref_slice %arg8[%dma_start3A_117, %dma_start3A_118, %dma_start3A_122] : memref<1x2x128xi32, #tpu.memory_space<vmem>> -> memref<1x1x128xi32, #tpu.memory_space<vmem>>
        %dma_start3A_124 = tpu.memref_squeeze %dma_start3A_123 : memref<1x1x128xi32, #tpu.memory_space<vmem>> -> memref<128xi32, #tpu.memory_space<vmem>>
        %dma_start3A_125 = arith.constant 0 : i32
        %dma_start3A_126 = arith.constant 0 : i32
        %dma_start3A_127 = tpu.memref_slice %arg3[%dma_start3A_125, %dma_start3A_126] : memref<10240x128xf32, #tpu.memory_space<hbm>> -> memref<10240x128xf32, #tpu.memory_space<hbm>>
        tpu.enqueue_indirect_dma source(%dma_start3A_127 : memref<10240x128xf32, #tpu.memory_space<hbm>>) target(%dma_start3A_121 : memref<128x128xf32, #tpu.memory_space<vmem>>) offsets(%dma_start3A_124 : memref<128xi32, #tpu.memory_space<vmem>>) semaphore(%arg14 : memref<!tpu.dma_semaphore, #tpu.memory_space<semaphore_mem>>)
        %lt3A = arith.cmpi slt, %add3A_102, %sub3A_50 : i32
        %convert_element_type3A_128 = arith.extui %lt3A : i1 to i32
        %cond3A_129 = arith.constant 0 : i32
        %cond3A_130 = arith.cmpi ne, %convert_element_type3A_128, %cond3A_129 : i32
        scf.if %cond3A_130 {
          %run_scoped3A = arith.constant 0 : i32
          %run_scoped3A_176 = arith.constant 1 : i32
          "tpu.region"() ({
            %run_scoped3A_177 = tpu.sem_alloc : memref<!tpu.dma_semaphore, #tpu.memory_space<semaphore_mem>>
            %dma_start3A_178 = arith.constant 0 : i32
            %dma_start3A_179 = tpu.memref_slice %arg7[%run_scoped3A, %run_scoped3A_176, %dma_start3A_178] : memref<1x2x128xi32, #tpu.memory_space<vmem>> -> memref<1x1x128xi32, #tpu.memory_space<vmem>>
            %dma_start3A_180 = tpu.memref_squeeze %dma_start3A_179 : memref<1x1x128xi32, #tpu.memory_space<vmem>> -> memref<128xi32, #tpu.memory_space<vmem>>
            %dma_start3A_181 = arith.constant 0 : i32
            %dma_start3A_182 = arith.constant 0 : i32
            %dma_start3A_183 = tpu.memref_slice %arg12[%dma_start3A_181, %dma_start3A_182] : memref<10240x128xf32, #tpu.memory_space<vmem_shared>> -> memref<10240x128xf32, #tpu.memory_space<vmem_shared>>
            tpu.enqueue_indirect_dma source(%arg9 : memref<128x128xf32, #tpu.memory_space<vmem>>) target(%dma_start3A_183 : memref<10240x128xf32, #tpu.memory_space<vmem_shared>>) offsets(%dma_start3A_180 : memref<128xi32, #tpu.memory_space<vmem>>) semaphore(%run_scoped3A_177 : memref<!tpu.dma_semaphore, #tpu.memory_space<semaphore_mem>>) {add = true}
            %dma_wait3A_184 = arith.constant 0 : i32
            %dma_wait3A_185 = tpu.memref_slice %arg7[%run_scoped3A, %run_scoped3A_176, %dma_wait3A_184] : memref<1x2x128xi32, #tpu.memory_space<vmem>> -> memref<1x1x128xi32, #tpu.memory_space<vmem>>
            %dma_wait3A_186 = tpu.memref_squeeze %dma_wait3A_185 : memref<1x1x128xi32, #tpu.memory_space<vmem>> -> memref<128xi32, #tpu.memory_space<vmem>>
            %dma_wait3A_187 = arith.constant 0 : i32
            %dma_wait3A_188 = arith.constant 0 : i32
            %dma_wait3A_189 = tpu.memref_slice %arg12[%dma_wait3A_187, %dma_wait3A_188] : memref<10240x128xf32, #tpu.memory_space<vmem_shared>> -> memref<10240x128xf32, #tpu.memory_space<vmem_shared>>
            tpu.wait_indirect_dma semaphore(%run_scoped3A_177 : memref<!tpu.dma_semaphore, #tpu.memory_space<semaphore_mem>>) src(%arg9 : memref<128x128xf32, #tpu.memory_space<vmem>>) dst(%dma_wait3A_189 : memref<10240x128xf32, #tpu.memory_space<vmem_shared>>)
            tpu.yield
          }) : () -> ()
        } else {
        }
        %add3A_131 = arith.constant 2 : i32
        %add3A_132 = arith.addi %add3A_102, %add3A_131 : i32
        %lt3A_133 = arith.constant 157 : i32
        %lt3A_134 = arith.cmpi slt, %add3A_132, %lt3A_133 : i32
        %convert_element_type3A_135 = arith.extui %lt3A_134 : i1 to i32
        %cond3A_136 = arith.constant 0 : i32
        %cond3A_137 = arith.cmpi ne, %convert_element_type3A_135, %cond3A_136 : i32
        scf.if %cond3A_137 {
          %add3A_176 = arith.addi %select_n3A, %add3A_102 : i32
          %add3A_177 = arith.constant 2 : i32
          %add3A_178 = arith.addi %add3A_176, %add3A_177 : i32
          %dma_start3A_179 = arith.constant 0 : i32
          %dma_start3A_180 = arith.constant 0 : i32
          %dma_start3A_181 = tpu.memref_slice %arg4[%add3A_178, %dma_start3A_179, %dma_start3A_180] : memref<2500x2x128xi32, #tpu.memory_space<hbm>> -> memref<1x2x128xi32, #tpu.memory_space<hbm>>
          %dma_start3A_182 = arith.constant 0 : i32
          %dma_start3A_183 = arith.constant 0 : i32
          %dma_start3A_184 = tpu.memref_slice %arg4[%add3A_178, %dma_start3A_182, %dma_start3A_183] : memref<2500x2x128xi32, #tpu.memory_space<hbm>> -> memref<1x2x128xi32, #tpu.memory_space<hbm>>
          tpu.enqueue_dma source(%dma_start3A_184 : memref<1x2x128xi32, #tpu.memory_space<hbm>>) target(%arg7 : memref<1x2x128xi32, #tpu.memory_space<vmem>>) target_semaphore(%arg15 : memref<!tpu.dma_semaphore, #tpu.memory_space<semaphore_mem>>)
        } else {
        }
        %add3A_138 = arith.constant 1 : i32
        %add3A_139 = arith.addi %add3A_102, %add3A_138 : i32
        %dma_wait3A_140 = arith.constant 0 : i32
        %dma_wait3A_141 = arith.constant 0 : i32
        %dma_wait3A_142 = arith.constant 0 : i32
        %dma_wait3A_143 = tpu.memref_slice %arg7[%dma_wait3A_140, %dma_wait3A_141, %dma_wait3A_142] : memref<1x2x128xi32, #tpu.memory_space<vmem>> -> memref<1x1x128xi32, #tpu.memory_space<vmem>>
        %dma_wait3A_144 = tpu.memref_squeeze %dma_wait3A_143 : memref<1x1x128xi32, #tpu.memory_space<vmem>> -> memref<128xi32, #tpu.memory_space<vmem>>
        %dma_wait3A_145 = arith.constant 0 : i32
        %dma_wait3A_146 = arith.constant 0 : i32
        %dma_wait3A_147 = tpu.memref_slice %arg3[%dma_wait3A_145, %dma_wait3A_146] : memref<10240x128xf32, #tpu.memory_space<hbm>> -> memref<10240x128xf32, #tpu.memory_space<hbm>>
        tpu.wait_indirect_dma semaphore(%arg14 : memref<!tpu.dma_semaphore, #tpu.memory_space<semaphore_mem>>) src(%dma_wait3A_147 : memref<10240x128xf32, #tpu.memory_space<hbm>>) dst(%arg10 : memref<128x128xf32, #tpu.memory_space<vmem>>)
        %dma_wait3A_148 = arith.constant 0 : i32
        %dma_wait3A_149 = arith.constant 0 : i32
        %dma_wait3A_150 = tpu.memref_slice %arg4[%select_n3A, %dma_wait3A_148, %dma_wait3A_149] : memref<2500x2x128xi32, #tpu.memory_space<hbm>> -> memref<1x2x128xi32, #tpu.memory_space<hbm>>
        %dma_wait3A_151 = arith.constant 0 : i32
        %dma_wait3A_152 = arith.constant 0 : i32
        %dma_wait3A_153 = tpu.memref_slice %arg4[%select_n3A, %dma_wait3A_151, %dma_wait3A_152] : memref<2500x2x128xi32, #tpu.memory_space<hbm>> -> memref<1x2x128xi32, #tpu.memory_space<hbm>>
        tpu.wait_dma2 semaphore(%arg15 : memref<!tpu.dma_semaphore, #tpu.memory_space<semaphore_mem>>) src(%dma_wait3A_153 : memref<1x2x128xi32, #tpu.memory_space<hbm>>) dst(%arg7 : memref<1x2x128xi32, #tpu.memory_space<vmem>>)
        %dma_start3A_154 = arith.constant 0 : i32
        %dma_start3A_155 = arith.constant 0 : i32
        %dma_start3A_156 = arith.constant 0 : i32
        %dma_start3A_157 = arith.constant 0 : i32
        %dma_start3A_158 = tpu.memref_slice %arg9[%dma_start3A_156, %dma_start3A_157] : memref<128x128xf32, #tpu.memory_space<vmem>> -> memref<128x128xf32, #tpu.memory_space<vmem>>
        %dma_start3A_159 = arith.constant 0 : i32
        %dma_start3A_160 = tpu.memref_slice %arg7[%dma_start3A_154, %dma_start3A_155, %dma_start3A_159] : memref<1x2x128xi32, #tpu.memory_space<vmem>> -> memref<1x1x128xi32, #tpu.memory_space<vmem>>
        %dma_start3A_161 = tpu.memref_squeeze %dma_start3A_160 : memref<1x1x128xi32, #tpu.memory_space<vmem>> -> memref<128xi32, #tpu.memory_space<vmem>>
        %dma_start3A_162 = arith.constant 0 : i32
        %dma_start3A_163 = arith.constant 0 : i32
        %dma_start3A_164 = tpu.memref_slice %arg3[%dma_start3A_162, %dma_start3A_163] : memref<10240x128xf32, #tpu.memory_space<hbm>> -> memref<10240x128xf32, #tpu.memory_space<hbm>>
        tpu.enqueue_indirect_dma source(%dma_start3A_164 : memref<10240x128xf32, #tpu.memory_space<hbm>>) target(%dma_start3A_158 : memref<128x128xf32, #tpu.memory_space<vmem>>) offsets(%dma_start3A_161 : memref<128xi32, #tpu.memory_space<vmem>>) semaphore(%arg13 : memref<!tpu.dma_semaphore, #tpu.memory_space<semaphore_mem>>)
        %lt3A_165 = arith.cmpi slt, %add3A_139, %sub3A_50 : i32
        %convert_element_type3A_166 = arith.extui %lt3A_165 : i1 to i32
        %cond3A_167 = arith.constant 0 : i32
        %cond3A_168 = arith.cmpi ne, %convert_element_type3A_166, %cond3A_167 : i32
        scf.if %cond3A_168 {
          %run_scoped3A = arith.constant 0 : i32
          %run_scoped3A_176 = arith.constant 1 : i32
          "tpu.region"() ({
            %run_scoped3A_177 = tpu.sem_alloc : memref<!tpu.dma_semaphore, #tpu.memory_space<semaphore_mem>>
            %dma_start3A_178 = arith.constant 0 : i32
            %dma_start3A_179 = tpu.memref_slice %arg8[%run_scoped3A, %run_scoped3A_176, %dma_start3A_178] : memref<1x2x128xi32, #tpu.memory_space<vmem>> -> memref<1x1x128xi32, #tpu.memory_space<vmem>>
            %dma_start3A_180 = tpu.memref_squeeze %dma_start3A_179 : memref<1x1x128xi32, #tpu.memory_space<vmem>> -> memref<128xi32, #tpu.memory_space<vmem>>
            %dma_start3A_181 = arith.constant 0 : i32
            %dma_start3A_182 = arith.constant 0 : i32
            %dma_start3A_183 = tpu.memref_slice %arg12[%dma_start3A_181, %dma_start3A_182] : memref<10240x128xf32, #tpu.memory_space<vmem_shared>> -> memref<10240x128xf32, #tpu.memory_space<vmem_shared>>
            tpu.enqueue_indirect_dma source(%arg10 : memref<128x128xf32, #tpu.memory_space<vmem>>) target(%dma_start3A_183 : memref<10240x128xf32, #tpu.memory_space<vmem_shared>>) offsets(%dma_start3A_180 : memref<128xi32, #tpu.memory_space<vmem>>) semaphore(%run_scoped3A_177 : memref<!tpu.dma_semaphore, #tpu.memory_space<semaphore_mem>>) {add = true}
            %dma_wait3A_184 = arith.constant 0 : i32
            %dma_wait3A_185 = tpu.memref_slice %arg8[%run_scoped3A, %run_scoped3A_176, %dma_wait3A_184] : memref<1x2x128xi32, #tpu.memory_space<vmem>> -> memref<1x1x128xi32, #tpu.memory_space<vmem>>
            %dma_wait3A_186 = tpu.memref_squeeze %dma_wait3A_185 : memref<1x1x128xi32, #tpu.memory_space<vmem>> -> memref<128xi32, #tpu.memory_space<vmem>>
            %dma_wait3A_187 = arith.constant 0 : i32
            %dma_wait3A_188 = arith.constant 0 : i32
            %dma_wait3A_189 = tpu.memref_slice %arg12[%dma_wait3A_187, %dma_wait3A_188] : memref<10240x128xf32, #tpu.memory_space<vmem_shared>> -> memref<10240x128xf32, #tpu.memory_space<vmem_shared>>
            tpu.wait_indirect_dma semaphore(%run_scoped3A_177 : memref<!tpu.dma_semaphore, #tpu.memory_space<semaphore_mem>>) src(%arg10 : memref<128x128xf32, #tpu.memory_space<vmem>>) dst(%dma_wait3A_189 : memref<10240x128xf32, #tpu.memory_space<vmem_shared>>)
            tpu.yield
          }) : () -> ()
        } else {
        }
        %add3A_169 = arith.constant 2 : i32
        %add3A_170 = arith.addi %add3A_139, %add3A_169 : i32
        %lt3A_171 = arith.constant 157 : i32
        %lt3A_172 = arith.cmpi slt, %add3A_170, %lt3A_171 : i32
        %convert_element_type3A_173 = arith.extui %lt3A_172 : i1 to i32
        %cond3A_174 = arith.constant 0 : i32
        %cond3A_175 = arith.cmpi ne, %convert_element_type3A_173, %cond3A_174 : i32
        scf.if %cond3A_175 {
          %add3A_176 = arith.addi %select_n3A, %add3A_139 : i32
          %add3A_177 = arith.constant 2 : i32
          %add3A_178 = arith.addi %add3A_176, %add3A_177 : i32
          %dma_start3A_179 = arith.constant 0 : i32
          %dma_start3A_180 = arith.constant 0 : i32
          %dma_start3A_181 = tpu.memref_slice %arg4[%add3A_178, %dma_start3A_179, %dma_start3A_180] : memref<2500x2x128xi32, #tpu.memory_space<hbm>> -> memref<1x2x128xi32, #tpu.memory_space<hbm>>
          %dma_start3A_182 = arith.constant 0 : i32
          %dma_start3A_183 = arith.constant 0 : i32
          %dma_start3A_184 = tpu.memref_slice %arg4[%add3A_178, %dma_start3A_182, %dma_start3A_183] : memref<2500x2x128xi32, #tpu.memory_space<hbm>> -> memref<1x2x128xi32, #tpu.memory_space<hbm>>
          tpu.enqueue_dma source(%dma_start3A_184 : memref<1x2x128xi32, #tpu.memory_space<hbm>>) target(%arg8 : memref<1x2x128xi32, #tpu.memory_space<vmem>>) target_semaphore(%arg16 : memref<!tpu.dma_semaphore, #tpu.memory_space<semaphore_mem>>)
        } else {
        }
      }
      %scan3A_85 = arith.constant 78 : i32
      %dma_wait3A = arith.constant 0 : i32
      %dma_wait3A_86 = arith.constant 0 : i32
      %dma_wait3A_87 = arith.constant 0 : i32
      %dma_wait3A_88 = tpu.memref_slice %arg7[%dma_wait3A, %dma_wait3A_86, %dma_wait3A_87] : memref<1x2x128xi32, #tpu.memory_space<vmem>> -> memref<1x1x128xi32, #tpu.memory_space<vmem>>
      %dma_wait3A_89 = tpu.memref_squeeze %dma_wait3A_88 : memref<1x1x128xi32, #tpu.memory_space<vmem>> -> memref<128xi32, #tpu.memory_space<vmem>>
      %dma_wait3A_90 = arith.constant 0 : i32
      %dma_wait3A_91 = arith.constant 0 : i32
      %dma_wait3A_92 = tpu.memref_slice %arg3[%dma_wait3A_90, %dma_wait3A_91] : memref<10240x128xf32, #tpu.memory_space<hbm>> -> memref<10240x128xf32, #tpu.memory_space<hbm>>
      tpu.wait_indirect_dma semaphore(%arg13 : memref<!tpu.dma_semaphore, #tpu.memory_space<semaphore_mem>>) src(%dma_wait3A_92 : memref<10240x128xf32, #tpu.memory_space<hbm>>) dst(%arg9 : memref<128x128xf32, #tpu.memory_space<vmem>>)
      %gt3A = arith.constant 156 : i32
      %gt3A_93 = arith.cmpi sgt, %sub3A_50, %gt3A : i32
      %convert_element_type3A_94 = arith.extui %gt3A_93 : i1 to i32
      %cond3A_95 = arith.constant 0 : i32
      %cond3A_96 = arith.cmpi ne, %convert_element_type3A_94, %cond3A_95 : i32
      scf.if %cond3A_96 {
        %run_scoped3A = arith.constant 0 : i32
        %run_scoped3A_98 = arith.constant 1 : i32
        "tpu.region"() ({
          %run_scoped3A_99 = tpu.sem_alloc : memref<!tpu.dma_semaphore, #tpu.memory_space<semaphore_mem>>
          %dma_start3A_100 = arith.constant 0 : i32
          %dma_start3A_101 = tpu.memref_slice %arg7[%run_scoped3A, %run_scoped3A_98, %dma_start3A_100] : memref<1x2x128xi32, #tpu.memory_space<vmem>> -> memref<1x1x128xi32, #tpu.memory_space<vmem>>
          %dma_start3A_102 = tpu.memref_squeeze %dma_start3A_101 : memref<1x1x128xi32, #tpu.memory_space<vmem>> -> memref<128xi32, #tpu.memory_space<vmem>>
          %dma_start3A_103 = arith.constant 0 : i32
          %dma_start3A_104 = arith.constant 0 : i32
          %dma_start3A_105 = tpu.memref_slice %arg12[%dma_start3A_103, %dma_start3A_104] : memref<10240x128xf32, #tpu.memory_space<vmem_shared>> -> memref<10240x128xf32, #tpu.memory_space<vmem_shared>>
          tpu.enqueue_indirect_dma source(%arg9 : memref<128x128xf32, #tpu.memory_space<vmem>>) target(%dma_start3A_105 : memref<10240x128xf32, #tpu.memory_space<vmem_shared>>) offsets(%dma_start3A_102 : memref<128xi32, #tpu.memory_space<vmem>>) semaphore(%run_scoped3A_99 : memref<!tpu.dma_semaphore, #tpu.memory_space<semaphore_mem>>) {add = true}
          %dma_wait3A_106 = arith.constant 0 : i32
          %dma_wait3A_107 = tpu.memref_slice %arg7[%run_scoped3A, %run_scoped3A_98, %dma_wait3A_106] : memref<1x2x128xi32, #tpu.memory_space<vmem>> -> memref<1x1x128xi32, #tpu.memory_space<vmem>>
          %dma_wait3A_108 = tpu.memref_squeeze %dma_wait3A_107 : memref<1x1x128xi32, #tpu.memory_space<vmem>> -> memref<128xi32, #tpu.memory_space<vmem>>
          %dma_wait3A_109 = arith.constant 0 : i32
          %dma_wait3A_110 = arith.constant 0 : i32
          %dma_wait3A_111 = tpu.memref_slice %arg12[%dma_wait3A_109, %dma_wait3A_110] : memref<10240x128xf32, #tpu.memory_space<vmem_shared>> -> memref<10240x128xf32, #tpu.memory_space<vmem_shared>>
          tpu.wait_indirect_dma semaphore(%run_scoped3A_99 : memref<!tpu.dma_semaphore, #tpu.memory_space<semaphore_mem>>) src(%arg9 : memref<128x128xf32, #tpu.memory_space<vmem>>) dst(%dma_wait3A_111 : memref<10240x128xf32, #tpu.memory_space<vmem_shared>>)
          tpu.yield
        }) : () -> ()
      } else {
      }
      %barrier3A_97 = arith.constant 0 : index
      tpu.barrier barrier_id(%barrier3A_97)
      "tpu.region"() ({
        %run_scoped3A = tpu.sem_alloc : memref<!tpu.dma_semaphore, #tpu.memory_space<semaphore_mem>>
        %dma_start3A_98 = arith.constant 0 : i32
        %dma_start3A_99 = tpu.memref_slice %arg6[%mul3A_4, %dma_start3A_98] : memref<10240x128xf32, #tpu.memory_space<hbm>> -> memref<640x128xf32, #tpu.memory_space<hbm>>
        %dma_start3A_100 = arith.constant 0 : i32
        %dma_start3A_101 = tpu.memref_slice %arg12[%mul3A_4, %dma_start3A_100] : memref<10240x128xf32, #tpu.memory_space<vmem_shared>> -> memref<640x128xf32, #tpu.memory_space<vmem_shared>>
        tpu.enqueue_dma source(%dma_start3A_101 : memref<640x128xf32, #tpu.memory_space<vmem_shared>>) target(%dma_start3A_99 : memref<640x128xf32, #tpu.memory_space<hbm>>) target_semaphore(%run_scoped3A : memref<!tpu.dma_semaphore, #tpu.memory_space<semaphore_mem>>)
        %dma_wait3A_102 = arith.constant 0 : i32
        %dma_wait3A_103 = tpu.memref_slice %arg6[%mul3A_4, %dma_wait3A_102] : memref<10240x128xf32, #tpu.memory_space<hbm>> -> memref<640x128xf32, #tpu.memory_space<hbm>>
        %dma_wait3A_104 = arith.constant 0 : i32
        %dma_wait3A_105 = tpu.memref_slice %arg12[%mul3A_4, %dma_wait3A_104] : memref<10240x128xf32, #tpu.memory_space<vmem_shared>> -> memref<640x128xf32, #tpu.memory_space<vmem_shared>>
        tpu.wait_dma2 semaphore(%run_scoped3A : memref<!tpu.dma_semaphore, #tpu.memory_space<semaphore_mem>>) src(%dma_wait3A_105 : memref<640x128xf32, #tpu.memory_space<vmem_shared>>) dst(%dma_wait3A_103 : memref<640x128xf32, #tpu.memory_space<hbm>>)
        tpu.yield
      }) : () -> ()
    } else {
    }
    return
  }
}

#map = affine_map<(d0, d1) -> (0, 0)>
#map1 = affine_map<(d0, d1) -> (0, 0, 0)>
#map2 = affine_map<(d0, d1) -> (0)>
module attributes {stable_mosaic.version = 14 : i64} {
  func.func @agg(%arg0: i32, %arg1: i32, %arg2: memref<10240x128xf32, #tpu.memory_space<hbm>>, %arg3: memref<10240x128xf32, #tpu.memory_space<hbm>>, %arg4: memref<10240x128xf32, #tpu.memory_space<hbm>>, %arg5: memref<10240x128xf32, #tpu.memory_space<hbm>>, %arg6: memref<2500x2x128xi32, #tpu.memory_space<hbm>>, %arg7: memref<10240x128xf32, #tpu.memory_space<hbm>>, %arg8: memref<10240x128xf32, #tpu.memory_space<hbm>>, %arg9: memref<10240x128xf32, #tpu.memory_space<hbm>>, %arg10: memref<10240x128xf32, #tpu.memory_space<hbm>>, %arg11: memref<10240xf32, #tpu.memory_space<hbm>>, %arg12: memref<10240xf32, #tpu.memory_space<hbm>>, %arg13: memref<1x2x128xi32, #tpu.memory_space<vmem>>, %arg14: memref<1x2x128xi32, #tpu.memory_space<vmem>>, %arg15: memref<128x128xf32, #tpu.memory_space<vmem>>, %arg16: memref<128x128xf32, #tpu.memory_space<vmem>>, %arg17: memref<32x128xf32, #tpu.memory_space<vmem>>, %arg18: memref<10240x128xf32, #tpu.memory_space<vmem_shared>>, %arg19: memref<!tpu.dma_semaphore, #tpu.memory_space<semaphore_mem>>, %arg20: memref<!tpu.dma_semaphore, #tpu.memory_space<semaphore_mem>>, %arg21: memref<!tpu.dma_semaphore, #tpu.memory_space<semaphore_mem>>, %arg22: memref<!tpu.dma_semaphore, #tpu.memory_space<semaphore_mem>>, %arg23: memref<1x128xf32, #tpu.memory_space<vmem>>, %arg24: memref<10240xf32, #tpu.memory_space<vmem_shared>>) attributes {dimension_semantics = [#tpu.dimension_semantics<core_parallel>, #tpu.dimension_semantics<subcore_parallel>], iteration_bounds = array<i64: 2, 16>, scalar_prefetch = 0 : i64, scratch_operands = 12 : i64, tpu.core_type = #tpu.core_type<sc_vector_subcore>, window_params = [{transform_indices = #map}, {transform_indices = #map}, {transform_indices = #map}, {transform_indices = #map}, {transform_indices = #map1}, {transform_indices = #map}, {transform_indices = #map}, {transform_indices = #map}, {transform_indices = #map}, {transform_indices = #map2}, {transform_indices = #map2}]} {
    %scan3A = arith.constant 0 : i32
    %scan3A_0 = arith.constant 32 : i32
    %scan3A_1 = arith.addi %scan3A, %scan3A_0 : i32
    %scan3A_2 = arith.constant 1 : i32
    scf.for %scan3A_136 = %scan3A to %scan3A_1 step %scan3A_2  : i32 {
      %mul3A_137 = arith.constant 1 : i32
      %mul3A_138 = arith.muli %scan3A_136, %mul3A_137 : i32
      %add3A_139 = arith.constant 0 : i32
      %add3A_140 = arith.addi %add3A_139, %mul3A_138 : i32
      %broadcast_in_dim3A_141 = arith.constant 0.000000e+00 : f32
      %broadcast_in_dim3A_142 = vector.broadcast %broadcast_in_dim3A_141 : f32 to vector<1x16xf32>
      %swap3A_143 = arith.index_cast %add3A_140 : i32 to index
      %swap3A_144 = arith.constant 0 : index
      %swap3A_145 = tpu.vector_load %arg17[%swap3A_143, %swap3A_144] {strides = array<i32>} : memref<32x128xf32, #tpu.memory_space<vmem>>, vector<1x16xf32>,
      %swap3A_146 = vector.shape_cast %swap3A_145 : vector<1x16xf32> to vector<1x16xf32>
      %swap3A_147 = vector.shape_cast %broadcast_in_dim3A_142 : vector<1x16xf32> to vector<1x16xf32>
      tpu.vector_store %arg17[%swap3A_143, %swap3A_144], %swap3A_147 {strides = array<i32>} : memref<32x128xf32, #tpu.memory_space<vmem>>, vector<1x16xf32>,
      %broadcast_in_dim3A_148 = arith.constant 0.000000e+00 : f32
      %broadcast_in_dim3A_149 = vector.broadcast %broadcast_in_dim3A_148 : f32 to vector<1x16xf32>
      %swap3A_150 = arith.index_cast %add3A_140 : i32 to index
      %swap3A_151 = arith.constant 16 : index
      %swap3A_152 = tpu.vector_load %arg17[%swap3A_150, %swap3A_151] {strides = array<i32>} : memref<32x128xf32, #tpu.memory_space<vmem>>, vector<1x16xf32>,
      %swap3A_153 = vector.shape_cast %swap3A_152 : vector<1x16xf32> to vector<1x16xf32>
      %swap3A_154 = vector.shape_cast %broadcast_in_dim3A_149 : vector<1x16xf32> to vector<1x16xf32>
      tpu.vector_store %arg17[%swap3A_150, %swap3A_151], %swap3A_154 {strides = array<i32>} : memref<32x128xf32, #tpu.memory_space<vmem>>, vector<1x16xf32>,
      %broadcast_in_dim3A_155 = arith.constant 0.000000e+00 : f32
      %broadcast_in_dim3A_156 = vector.broadcast %broadcast_in_dim3A_155 : f32 to vector<1x16xf32>
      %swap3A_157 = arith.index_cast %add3A_140 : i32 to index
      %swap3A_158 = arith.constant 32 : index
      %swap3A_159 = tpu.vector_load %arg17[%swap3A_157, %swap3A_158] {strides = array<i32>} : memref<32x128xf32, #tpu.memory_space<vmem>>, vector<1x16xf32>,
      %swap3A_160 = vector.shape_cast %swap3A_159 : vector<1x16xf32> to vector<1x16xf32>
      %swap3A_161 = vector.shape_cast %broadcast_in_dim3A_156 : vector<1x16xf32> to vector<1x16xf32>
      tpu.vector_store %arg17[%swap3A_157, %swap3A_158], %swap3A_161 {strides = array<i32>} : memref<32x128xf32, #tpu.memory_space<vmem>>, vector<1x16xf32>,
      %broadcast_in_dim3A_162 = arith.constant 0.000000e+00 : f32
      %broadcast_in_dim3A_163 = vector.broadcast %broadcast_in_dim3A_162 : f32 to vector<1x16xf32>
      %swap3A_164 = arith.index_cast %add3A_140 : i32 to index
      %swap3A_165 = arith.constant 48 : index
      %swap3A_166 = tpu.vector_load %arg17[%swap3A_164, %swap3A_165] {strides = array<i32>} : memref<32x128xf32, #tpu.memory_space<vmem>>, vector<1x16xf32>,
      %swap3A_167 = vector.shape_cast %swap3A_166 : vector<1x16xf32> to vector<1x16xf32>
      %swap3A_168 = vector.shape_cast %broadcast_in_dim3A_163 : vector<1x16xf32> to vector<1x16xf32>
      tpu.vector_store %arg17[%swap3A_164, %swap3A_165], %swap3A_168 {strides = array<i32>} : memref<32x128xf32, #tpu.memory_space<vmem>>, vector<1x16xf32>,
      %broadcast_in_dim3A_169 = arith.constant 0.000000e+00 : f32
      %broadcast_in_dim3A_170 = vector.broadcast %broadcast_in_dim3A_169 : f32 to vector<1x16xf32>
      %swap3A_171 = arith.index_cast %add3A_140 : i32 to index
      %swap3A_172 = arith.constant 64 : index
      %swap3A_173 = tpu.vector_load %arg17[%swap3A_171, %swap3A_172] {strides = array<i32>} : memref<32x128xf32, #tpu.memory_space<vmem>>, vector<1x16xf32>,
      %swap3A_174 = vector.shape_cast %swap3A_173 : vector<1x16xf32> to vector<1x16xf32>
      %swap3A_175 = vector.shape_cast %broadcast_in_dim3A_170 : vector<1x16xf32> to vector<1x16xf32>
      tpu.vector_store %arg17[%swap3A_171, %swap3A_172], %swap3A_175 {strides = array<i32>} : memref<32x128xf32, #tpu.memory_space<vmem>>, vector<1x16xf32>,
      %broadcast_in_dim3A_176 = arith.constant 0.000000e+00 : f32
      %broadcast_in_dim3A_177 = vector.broadcast %broadcast_in_dim3A_176 : f32 to vector<1x16xf32>
      %swap3A_178 = arith.index_cast %add3A_140 : i32 to index
      %swap3A_179 = arith.constant 80 : index
      %swap3A_180 = tpu.vector_load %arg17[%swap3A_178, %swap3A_179] {strides = array<i32>} : memref<32x128xf32, #tpu.memory_space<vmem>>, vector<1x16xf32>,
      %swap3A_181 = vector.shape_cast %swap3A_180 : vector<1x16xf32> to vector<1x16xf32>
      %swap3A_182 = vector.shape_cast %broadcast_in_dim3A_177 : vector<1x16xf32> to vector<1x16xf32>
      tpu.vector_store %arg17[%swap3A_178, %swap3A_179], %swap3A_182 {strides = array<i32>} : memref<32x128xf32, #tpu.memory_space<vmem>>, vector<1x16xf32>,
      %broadcast_in_dim3A_183 = arith.constant 0.000000e+00 : f32
      %broadcast_in_dim3A_184 = vector.broadcast %broadcast_in_dim3A_183 : f32 to vector<1x16xf32>
      %swap3A_185 = arith.index_cast %add3A_140 : i32 to index
      %swap3A_186 = arith.constant 96 : index
      %swap3A_187 = tpu.vector_load %arg17[%swap3A_185, %swap3A_186] {strides = array<i32>} : memref<32x128xf32, #tpu.memory_space<vmem>>, vector<1x16xf32>,
      %swap3A_188 = vector.shape_cast %swap3A_187 : vector<1x16xf32> to vector<1x16xf32>
      %swap3A_189 = vector.shape_cast %broadcast_in_dim3A_184 : vector<1x16xf32> to vector<1x16xf32>
      tpu.vector_store %arg17[%swap3A_185, %swap3A_186], %swap3A_189 {strides = array<i32>} : memref<32x128xf32, #tpu.memory_space<vmem>>, vector<1x16xf32>,
      %broadcast_in_dim3A_190 = arith.constant 0.000000e+00 : f32
      %broadcast_in_dim3A_191 = vector.broadcast %broadcast_in_dim3A_190 : f32 to vector<1x16xf32>
      %swap3A_192 = arith.index_cast %add3A_140 : i32 to index
      %swap3A_193 = arith.constant 112 : index
      %swap3A_194 = tpu.vector_load %arg17[%swap3A_192, %swap3A_193] {strides = array<i32>} : memref<32x128xf32, #tpu.memory_space<vmem>>, vector<1x16xf32>,
      %swap3A_195 = vector.shape_cast %swap3A_194 : vector<1x16xf32> to vector<1x16xf32>
      %swap3A_196 = vector.shape_cast %broadcast_in_dim3A_191 : vector<1x16xf32> to vector<1x16xf32>
      tpu.vector_store %arg17[%swap3A_192, %swap3A_193], %swap3A_196 {strides = array<i32>} : memref<32x128xf32, #tpu.memory_space<vmem>>, vector<1x16xf32>,
    }
    %scan3A_3 = arith.constant 32 : i32
    %mul3A = arith.constant 640 : i32
    %mul3A_4 = arith.muli %arg1, %mul3A : i32
    %mul3A_5 = arith.constant 2500 : i32
    %mul3A_6 = arith.muli %arg1, %mul3A_5 : i32
    %jit3A = arith.constant 16 : i32
    %div3A = arith.divsi %mul3A_6, %jit3A : i32
    %sign3A = arith.constant 0 : i32
    %sign3A_7 = arith.cmpi sgt, %mul3A_6, %sign3A : i32
    %sign3A_8 = arith.extui %sign3A_7 : i1 to i32
    %sign3A_9 = arith.constant 0 : i32
    %sign3A_10 = arith.cmpi slt, %mul3A_6, %sign3A_9 : i32
    %sign3A_11 = arith.extui %sign3A_10 : i1 to i32
    %sign3A_12 = arith.subi %sign3A_8, %sign3A_11 : i32
    %sign3A_13 = arith.constant 0 : i32
    %sign3A_14 = arith.cmpi sgt, %jit3A, %sign3A_13 : i32
    %sign3A_15 = arith.extui %sign3A_14 : i1 to i32
    %sign3A_16 = arith.constant 0 : i32
    %sign3A_17 = arith.cmpi slt, %jit3A, %sign3A_16 : i32
    %sign3A_18 = arith.extui %sign3A_17 : i1 to i32
    %sign3A_19 = arith.subi %sign3A_15, %sign3A_18 : i32
    %ne3A = arith.cmpi ne, %sign3A_12, %sign3A_19 : i32
    %rem3A = arith.remsi %mul3A_6, %jit3A : i32
    %ne3A_20 = arith.constant 0 : i32
    %ne3A_21 = arith.cmpi ne, %rem3A, %ne3A_20 : i32
    %and3A = arith.andi %ne3A, %ne3A_21 : i1
    %sub3A = arith.constant 1 : i32
    %sub3A_22 = arith.subi %div3A, %sub3A : i32
    %select_n3A = arith.select %and3A, %sub3A_22, %div3A : i32
    %add3A = arith.constant 1 : i32
    %add3A_23 = arith.addi %arg1, %add3A : i32
    %mul3A_24 = arith.constant 2500 : i32
    %mul3A_25 = arith.muli %add3A_23, %mul3A_24 : i32
    %jit3A_26 = arith.constant 16 : i32
    %div3A_27 = arith.divsi %mul3A_25, %jit3A_26 : i32
    %sign3A_28 = arith.constant 0 : i32
    %sign3A_29 = arith.cmpi sgt, %mul3A_25, %sign3A_28 : i32
    %sign3A_30 = arith.extui %sign3A_29 : i1 to i32
    %sign3A_31 = arith.constant 0 : i32
    %sign3A_32 = arith.cmpi slt, %mul3A_25, %sign3A_31 : i32
    %sign3A_33 = arith.extui %sign3A_32 : i1 to i32
    %sign3A_34 = arith.subi %sign3A_30, %sign3A_33 : i32
    %sign3A_35 = arith.constant 0 : i32
    %sign3A_36 = arith.cmpi sgt, %jit3A_26, %sign3A_35 : i32
    %sign3A_37 = arith.extui %sign3A_36 : i1 to i32
    %sign3A_38 = arith.constant 0 : i32
    %sign3A_39 = arith.cmpi slt, %jit3A_26, %sign3A_38 : i32
    %sign3A_40 = arith.extui %sign3A_39 : i1 to i32
    %sign3A_41 = arith.subi %sign3A_37, %sign3A_40 : i32
    %ne3A_42 = arith.cmpi ne, %sign3A_34, %sign3A_41 : i32
    %rem3A_43 = arith.remsi %mul3A_25, %jit3A_26 : i32
    %ne3A_44 = arith.constant 0 : i32
    %ne3A_45 = arith.cmpi ne, %rem3A_43, %ne3A_44 : i32
    %and3A_46 = arith.andi %ne3A_42, %ne3A_45 : i1
    %sub3A_47 = arith.constant 1 : i32
    %sub3A_48 = arith.subi %div3A_27, %sub3A_47 : i32
    %select_n3A_49 = arith.select %and3A_46, %sub3A_48, %div3A_27 : i32
    %sub3A_50 = arith.subi %select_n3A_49, %select_n3A : i32
    %broadcast_in_dim3A = arith.constant 1.000000e+00 : f32
    %broadcast_in_dim3A_51 = vector.broadcast %broadcast_in_dim3A : f32 to vector<1x16xf32>
    %swap3A = arith.constant 0 : index
    %swap3A_52 = arith.constant 0 : index
    %swap3A_53 = tpu.vector_load %arg23[%swap3A, %swap3A_52] {strides = array<i32>} : memref<1x128xf32, #tpu.memory_space<vmem>>, vector<1x16xf32>,
    %swap3A_54 = vector.shape_cast %swap3A_53 : vector<1x16xf32> to vector<1x16xf32>
    %swap3A_55 = vector.shape_cast %broadcast_in_dim3A_51 : vector<1x16xf32> to vector<1x16xf32>
    tpu.vector_store %arg23[%swap3A, %swap3A_52], %swap3A_55 {strides = array<i32>} : memref<1x128xf32, #tpu.memory_space<vmem>>, vector<1x16xf32>,
    %broadcast_in_dim3A_56 = arith.constant 1.000000e+00 : f32
    %broadcast_in_dim3A_57 = vector.broadcast %broadcast_in_dim3A_56 : f32 to vector<1x16xf32>
    %swap3A_58 = arith.constant 0 : index
    %swap3A_59 = arith.constant 16 : index
    %swap3A_60 = tpu.vector_load %arg23[%swap3A_58, %swap3A_59] {strides = array<i32>} : memref<1x128xf32, #tpu.memory_space<vmem>>, vector<1x16xf32>,
    %swap3A_61 = vector.shape_cast %swap3A_60 : vector<1x16xf32> to vector<1x16xf32>
    %swap3A_62 = vector.shape_cast %broadcast_in_dim3A_57 : vector<1x16xf32> to vector<1x16xf32>
    tpu.vector_store %arg23[%swap3A_58, %swap3A_59], %swap3A_62 {strides = array<i32>} : memref<1x128xf32, #tpu.memory_space<vmem>>, vector<1x16xf32>,
    %broadcast_in_dim3A_63 = arith.constant 1.000000e+00 : f32
    %broadcast_in_dim3A_64 = vector.broadcast %broadcast_in_dim3A_63 : f32 to vector<1x16xf32>
    %swap3A_65 = arith.constant 0 : index
    %swap3A_66 = arith.constant 32 : index
    %swap3A_67 = tpu.vector_load %arg23[%swap3A_65, %swap3A_66] {strides = array<i32>} : memref<1x128xf32, #tpu.memory_space<vmem>>, vector<1x16xf32>,
    %swap3A_68 = vector.shape_cast %swap3A_67 : vector<1x16xf32> to vector<1x16xf32>
    %swap3A_69 = vector.shape_cast %broadcast_in_dim3A_64 : vector<1x16xf32> to vector<1x16xf32>
    tpu.vector_store %arg23[%swap3A_65, %swap3A_66], %swap3A_69 {strides = array<i32>} : memref<1x128xf32, #tpu.memory_space<vmem>>, vector<1x16xf32>,
    %broadcast_in_dim3A_70 = arith.constant 1.000000e+00 : f32
    %broadcast_in_dim3A_71 = vector.broadcast %broadcast_in_dim3A_70 : f32 to vector<1x16xf32>
    %swap3A_72 = arith.constant 0 : index
    %swap3A_73 = arith.constant 48 : index
    %swap3A_74 = tpu.vector_load %arg23[%swap3A_72, %swap3A_73] {strides = array<i32>} : memref<1x128xf32, #tpu.memory_space<vmem>>, vector<1x16xf32>,
    %swap3A_75 = vector.shape_cast %swap3A_74 : vector<1x16xf32> to vector<1x16xf32>
    %swap3A_76 = vector.shape_cast %broadcast_in_dim3A_71 : vector<1x16xf32> to vector<1x16xf32>
    tpu.vector_store %arg23[%swap3A_72, %swap3A_73], %swap3A_76 {strides = array<i32>} : memref<1x128xf32, #tpu.memory_space<vmem>>, vector<1x16xf32>,
    %broadcast_in_dim3A_77 = arith.constant 1.000000e+00 : f32
    %broadcast_in_dim3A_78 = vector.broadcast %broadcast_in_dim3A_77 : f32 to vector<1x16xf32>
    %swap3A_79 = arith.constant 0 : index
    %swap3A_80 = arith.constant 64 : index
    %swap3A_81 = tpu.vector_load %arg23[%swap3A_79, %swap3A_80] {strides = array<i32>} : memref<1x128xf32, #tpu.memory_space<vmem>>, vector<1x16xf32>,
    %swap3A_82 = vector.shape_cast %swap3A_81 : vector<1x16xf32> to vector<1x16xf32>
    %swap3A_83 = vector.shape_cast %broadcast_in_dim3A_78 : vector<1x16xf32> to vector<1x16xf32>
    tpu.vector_store %arg23[%swap3A_79, %swap3A_80], %swap3A_83 {strides = array<i32>} : memref<1x128xf32, #tpu.memory_space<vmem>>, vector<1x16xf32>,
    %broadcast_in_dim3A_84 = arith.constant 1.000000e+00 : f32
    %broadcast_in_dim3A_85 = vector.broadcast %broadcast_in_dim3A_84 : f32 to vector<1x16xf32>
    %swap3A_86 = arith.constant 0 : index
    %swap3A_87 = arith.constant 80 : index
    %swap3A_88 = tpu.vector_load %arg23[%swap3A_86, %swap3A_87] {strides = array<i32>} : memref<1x128xf32, #tpu.memory_space<vmem>>, vector<1x16xf32>,
    %swap3A_89 = vector.shape_cast %swap3A_88 : vector<1x16xf32> to vector<1x16xf32>
    %swap3A_90 = vector.shape_cast %broadcast_in_dim3A_85 : vector<1x16xf32> to vector<1x16xf32>
    tpu.vector_store %arg23[%swap3A_86, %swap3A_87], %swap3A_90 {strides = array<i32>} : memref<1x128xf32, #tpu.memory_space<vmem>>, vector<1x16xf32>,
    %broadcast_in_dim3A_91 = arith.constant 1.000000e+00 : f32
    %broadcast_in_dim3A_92 = vector.broadcast %broadcast_in_dim3A_91 : f32 to vector<1x16xf32>
    %swap3A_93 = arith.constant 0 : index
    %swap3A_94 = arith.constant 96 : index
    %swap3A_95 = tpu.vector_load %arg23[%swap3A_93, %swap3A_94] {strides = array<i32>} : memref<1x128xf32, #tpu.memory_space<vmem>>, vector<1x16xf32>,
    %swap3A_96 = vector.shape_cast %swap3A_95 : vector<1x16xf32> to vector<1x16xf32>
    %swap3A_97 = vector.shape_cast %broadcast_in_dim3A_92 : vector<1x16xf32> to vector<1x16xf32>
    tpu.vector_store %arg23[%swap3A_93, %swap3A_94], %swap3A_97 {strides = array<i32>} : memref<1x128xf32, #tpu.memory_space<vmem>>, vector<1x16xf32>,
    %broadcast_in_dim3A_98 = arith.constant 1.000000e+00 : f32
    %broadcast_in_dim3A_99 = vector.broadcast %broadcast_in_dim3A_98 : f32 to vector<1x16xf32>
    %swap3A_100 = arith.constant 0 : index
    %swap3A_101 = arith.constant 112 : index
    %swap3A_102 = tpu.vector_load %arg23[%swap3A_100, %swap3A_101] {strides = array<i32>} : memref<1x128xf32, #tpu.memory_space<vmem>>, vector<1x16xf32>,
    %swap3A_103 = vector.shape_cast %swap3A_102 : vector<1x16xf32> to vector<1x16xf32>
    %swap3A_104 = vector.shape_cast %broadcast_in_dim3A_99 : vector<1x16xf32> to vector<1x16xf32>
    tpu.vector_store %arg23[%swap3A_100, %swap3A_101], %swap3A_104 {strides = array<i32>} : memref<1x128xf32, #tpu.memory_space<vmem>>, vector<1x16xf32>,
    %mul3A_105 = arith.constant 640 : i32
    %mul3A_106 = arith.muli %arg1, %mul3A_105 : i32
    %add3A_107 = arith.constant 0 : i32
    %add3A_108 = arith.addi %mul3A_106, %add3A_107 : i32
    %run_scoped3A = arith.constant 0 : i32
    "tpu.region"() ({
      %run_scoped3A_136 = tpu.sem_alloc : memref<!tpu.dma_semaphore, #tpu.memory_space<semaphore_mem>>
      %dma_start3A = arith.constant 0 : i32
      %dma_start3A_137 = tpu.memref_slice %arg17[%run_scoped3A, %dma_start3A] : memref<32x128xf32, #tpu.memory_space<vmem>> -> memref<1x128xf32, #tpu.memory_space<vmem>>
      %dma_start3A_138 = tpu.memref_squeeze %dma_start3A_137 : memref<1x128xf32, #tpu.memory_space<vmem>> -> memref<128xf32, #tpu.memory_space<vmem>>
      %dma_start3A_139 = tpu.memref_slice %arg24[%add3A_108] : memref<10240xf32, #tpu.memory_space<vmem_shared>> -> memref<128xf32, #tpu.memory_space<vmem_shared>>
      %dma_start3A_140 = tpu.memref_slice %arg24[%add3A_108] : memref<10240xf32, #tpu.memory_space<vmem_shared>> -> memref<128xf32, #tpu.memory_space<vmem_shared>>
      %dma_start3A_141 = arith.constant 0 : i32
      %dma_start3A_142 = tpu.memref_slice %arg17[%run_scoped3A, %dma_start3A_141] : memref<32x128xf32, #tpu.memory_space<vmem>> -> memref<1x128xf32, #tpu.memory_space<vmem>>
      %dma_start3A_143 = tpu.memref_squeeze %dma_start3A_142 : memref<1x128xf32, #tpu.memory_space<vmem>> -> memref<128xf32, #tpu.memory_space<vmem>>
      tpu.enqueue_dma source(%dma_start3A_143 : memref<128xf32, #tpu.memory_space<vmem>>) target(%dma_start3A_140 : memref<128xf32, #tpu.memory_space<vmem_shared>>) target_semaphore(%run_scoped3A_136 : memref<!tpu.dma_semaphore, #tpu.memory_space<semaphore_mem>>)
      %dma_wait3A = arith.constant 0 : i32
      %dma_wait3A_144 = tpu.memref_slice %arg17[%run_scoped3A, %dma_wait3A] : memref<32x128xf32, #tpu.memory_space<vmem>> -> memref<1x128xf32, #tpu.memory_space<vmem>>
      %dma_wait3A_145 = tpu.memref_squeeze %dma_wait3A_144 : memref<1x128xf32, #tpu.memory_space<vmem>> -> memref<128xf32, #tpu.memory_space<vmem>>
      %dma_wait3A_146 = tpu.memref_slice %arg24[%add3A_108] : memref<10240xf32, #tpu.memory_space<vmem_shared>> -> memref<128xf32, #tpu.memory_space<vmem_shared>>
      %dma_wait3A_147 = tpu.memref_slice %arg24[%add3A_108] : memref<10240xf32, #tpu.memory_space<vmem_shared>> -> memref<128xf32, #tpu.memory_space<vmem_shared>>
      %dma_wait3A_148 = arith.constant 0 : i32
      %dma_wait3A_149 = tpu.memref_slice %arg17[%run_scoped3A, %dma_wait3A_148] : memref<32x128xf32, #tpu.memory_space<vmem>> -> memref<1x128xf32, #tpu.memory_space<vmem>>
      %dma_wait3A_150 = tpu.memref_squeeze %dma_wait3A_149 : memref<1x128xf32, #tpu.memory_space<vmem>> -> memref<128xf32, #tpu.memory_space<vmem>>
      tpu.wait_dma2 semaphore(%run_scoped3A_136 : memref<!tpu.dma_semaphore, #tpu.memory_space<semaphore_mem>>) src(%dma_wait3A_150 : memref<128xf32, #tpu.memory_space<vmem>>) dst(%dma_wait3A_147 : memref<128xf32, #tpu.memory_space<vmem_shared>>)
      tpu.yield
    }) : () -> ()
    %mul3A_109 = arith.constant 640 : i32
    %mul3A_110 = arith.muli %arg1, %mul3A_109 : i32
    %add3A_111 = arith.constant 128 : i32
    %add3A_112 = arith.addi %mul3A_110, %add3A_111 : i32
    %run_scoped3A_113 = arith.constant 0 : i32
    "tpu.region"() ({
      %run_scoped3A_136 = tpu.sem_alloc : memref<!tpu.dma_semaphore, #tpu.memory_space<semaphore_mem>>
      %dma_start3A = arith.constant 0 : i32
      %dma_start3A_137 = tpu.memref_slice %arg17[%run_scoped3A_113, %dma_start3A] : memref<32x128xf32, #tpu.memory_space<vmem>> -> memref<1x128xf32, #tpu.memory_space<vmem>>
      %dma_start3A_138 = tpu.memref_squeeze %dma_start3A_137 : memref<1x128xf32, #tpu.memory_space<vmem>> -> memref<128xf32, #tpu.memory_space<vmem>>
      %dma_start3A_139 = tpu.memref_slice %arg24[%add3A_112] : memref<10240xf32, #tpu.memory_space<vmem_shared>> -> memref<128xf32, #tpu.memory_space<vmem_shared>>
      %dma_start3A_140 = tpu.memref_slice %arg24[%add3A_112] : memref<10240xf32, #tpu.memory_space<vmem_shared>> -> memref<128xf32, #tpu.memory_space<vmem_shared>>
      %dma_start3A_141 = arith.constant 0 : i32
      %dma_start3A_142 = tpu.memref_slice %arg17[%run_scoped3A_113, %dma_start3A_141] : memref<32x128xf32, #tpu.memory_space<vmem>> -> memref<1x128xf32, #tpu.memory_space<vmem>>
      %dma_start3A_143 = tpu.memref_squeeze %dma_start3A_142 : memref<1x128xf32, #tpu.memory_space<vmem>> -> memref<128xf32, #tpu.memory_space<vmem>>
      tpu.enqueue_dma source(%dma_start3A_143 : memref<128xf32, #tpu.memory_space<vmem>>) target(%dma_start3A_140 : memref<128xf32, #tpu.memory_space<vmem_shared>>) target_semaphore(%run_scoped3A_136 : memref<!tpu.dma_semaphore, #tpu.memory_space<semaphore_mem>>)
      %dma_wait3A = arith.constant 0 : i32
      %dma_wait3A_144 = tpu.memref_slice %arg17[%run_scoped3A_113, %dma_wait3A] : memref<32x128xf32, #tpu.memory_space<vmem>> -> memref<1x128xf32, #tpu.memory_space<vmem>>
      %dma_wait3A_145 = tpu.memref_squeeze %dma_wait3A_144 : memref<1x128xf32, #tpu.memory_space<vmem>> -> memref<128xf32, #tpu.memory_space<vmem>>
      %dma_wait3A_146 = tpu.memref_slice %arg24[%add3A_112] : memref<10240xf32, #tpu.memory_space<vmem_shared>> -> memref<128xf32, #tpu.memory_space<vmem_shared>>
      %dma_wait3A_147 = tpu.memref_slice %arg24[%add3A_112] : memref<10240xf32, #tpu.memory_space<vmem_shared>> -> memref<128xf32, #tpu.memory_space<vmem_shared>>
      %dma_wait3A_148 = arith.constant 0 : i32
      %dma_wait3A_149 = tpu.memref_slice %arg17[%run_scoped3A_113, %dma_wait3A_148] : memref<32x128xf32, #tpu.memory_space<vmem>> -> memref<1x128xf32, #tpu.memory_space<vmem>>
      %dma_wait3A_150 = tpu.memref_squeeze %dma_wait3A_149 : memref<1x128xf32, #tpu.memory_space<vmem>> -> memref<128xf32, #tpu.memory_space<vmem>>
      tpu.wait_dma2 semaphore(%run_scoped3A_136 : memref<!tpu.dma_semaphore, #tpu.memory_space<semaphore_mem>>) src(%dma_wait3A_150 : memref<128xf32, #tpu.memory_space<vmem>>) dst(%dma_wait3A_147 : memref<128xf32, #tpu.memory_space<vmem_shared>>)
      tpu.yield
    }) : () -> ()
    %mul3A_114 = arith.constant 640 : i32
    %mul3A_115 = arith.muli %arg1, %mul3A_114 : i32
    %add3A_116 = arith.constant 256 : i32
    %add3A_117 = arith.addi %mul3A_115, %add3A_116 : i32
    %run_scoped3A_118 = arith.constant 0 : i32
    "tpu.region"() ({
      %run_scoped3A_136 = tpu.sem_alloc : memref<!tpu.dma_semaphore, #tpu.memory_space<semaphore_mem>>
      %dma_start3A = arith.constant 0 : i32
      %dma_start3A_137 = tpu.memref_slice %arg17[%run_scoped3A_118, %dma_start3A] : memref<32x128xf32, #tpu.memory_space<vmem>> -> memref<1x128xf32, #tpu.memory_space<vmem>>
      %dma_start3A_138 = tpu.memref_squeeze %dma_start3A_137 : memref<1x128xf32, #tpu.memory_space<vmem>> -> memref<128xf32, #tpu.memory_space<vmem>>
      %dma_start3A_139 = tpu.memref_slice %arg24[%add3A_117] : memref<10240xf32, #tpu.memory_space<vmem_shared>> -> memref<128xf32, #tpu.memory_space<vmem_shared>>
      %dma_start3A_140 = tpu.memref_slice %arg24[%add3A_117] : memref<10240xf32, #tpu.memory_space<vmem_shared>> -> memref<128xf32, #tpu.memory_space<vmem_shared>>
      %dma_start3A_141 = arith.constant 0 : i32
      %dma_start3A_142 = tpu.memref_slice %arg17[%run_scoped3A_118, %dma_start3A_141] : memref<32x128xf32, #tpu.memory_space<vmem>> -> memref<1x128xf32, #tpu.memory_space<vmem>>
      %dma_start3A_143 = tpu.memref_squeeze %dma_start3A_142 : memref<1x128xf32, #tpu.memory_space<vmem>> -> memref<128xf32, #tpu.memory_space<vmem>>
      tpu.enqueue_dma source(%dma_start3A_143 : memref<128xf32, #tpu.memory_space<vmem>>) target(%dma_start3A_140 : memref<128xf32, #tpu.memory_space<vmem_shared>>) target_semaphore(%run_scoped3A_136 : memref<!tpu.dma_semaphore, #tpu.memory_space<semaphore_mem>>)
      %dma_wait3A = arith.constant 0 : i32
      %dma_wait3A_144 = tpu.memref_slice %arg17[%run_scoped3A_118, %dma_wait3A] : memref<32x128xf32, #tpu.memory_space<vmem>> -> memref<1x128xf32, #tpu.memory_space<vmem>>
      %dma_wait3A_145 = tpu.memref_squeeze %dma_wait3A_144 : memref<1x128xf32, #tpu.memory_space<vmem>> -> memref<128xf32, #tpu.memory_space<vmem>>
      %dma_wait3A_146 = tpu.memref_slice %arg24[%add3A_117] : memref<10240xf32, #tpu.memory_space<vmem_shared>> -> memref<128xf32, #tpu.memory_space<vmem_shared>>
      %dma_wait3A_147 = tpu.memref_slice %arg24[%add3A_117] : memref<10240xf32, #tpu.memory_space<vmem_shared>> -> memref<128xf32, #tpu.memory_space<vmem_shared>>
      %dma_wait3A_148 = arith.constant 0 : i32
      %dma_wait3A_149 = tpu.memref_slice %arg17[%run_scoped3A_118, %dma_wait3A_148] : memref<32x128xf32, #tpu.memory_space<vmem>> -> memref<1x128xf32, #tpu.memory_space<vmem>>
      %dma_wait3A_150 = tpu.memref_squeeze %dma_wait3A_149 : memref<1x128xf32, #tpu.memory_space<vmem>> -> memref<128xf32, #tpu.memory_space<vmem>>
      tpu.wait_dma2 semaphore(%run_scoped3A_136 : memref<!tpu.dma_semaphore, #tpu.memory_space<semaphore_mem>>) src(%dma_wait3A_150 : memref<128xf32, #tpu.memory_space<vmem>>) dst(%dma_wait3A_147 : memref<128xf32, #tpu.memory_space<vmem_shared>>)
      tpu.yield
    }) : () -> ()
    %mul3A_119 = arith.constant 640 : i32
    %mul3A_120 = arith.muli %arg1, %mul3A_119 : i32
    %add3A_121 = arith.constant 384 : i32
    %add3A_122 = arith.addi %mul3A_120, %add3A_121 : i32
    %run_scoped3A_123 = arith.constant 0 : i32
    "tpu.region"() ({
      %run_scoped3A_136 = tpu.sem_alloc : memref<!tpu.dma_semaphore, #tpu.memory_space<semaphore_mem>>
      %dma_start3A = arith.constant 0 : i32
      %dma_start3A_137 = tpu.memref_slice %arg17[%run_scoped3A_123, %dma_start3A] : memref<32x128xf32, #tpu.memory_space<vmem>> -> memref<1x128xf32, #tpu.memory_space<vmem>>
      %dma_start3A_138 = tpu.memref_squeeze %dma_start3A_137 : memref<1x128xf32, #tpu.memory_space<vmem>> -> memref<128xf32, #tpu.memory_space<vmem>>
      %dma_start3A_139 = tpu.memref_slice %arg24[%add3A_122] : memref<10240xf32, #tpu.memory_space<vmem_shared>> -> memref<128xf32, #tpu.memory_space<vmem_shared>>
      %dma_start3A_140 = tpu.memref_slice %arg24[%add3A_122] : memref<10240xf32, #tpu.memory_space<vmem_shared>> -> memref<128xf32, #tpu.memory_space<vmem_shared>>
      %dma_start3A_141 = arith.constant 0 : i32
      %dma_start3A_142 = tpu.memref_slice %arg17[%run_scoped3A_123, %dma_start3A_141] : memref<32x128xf32, #tpu.memory_space<vmem>> -> memref<1x128xf32, #tpu.memory_space<vmem>>
      %dma_start3A_143 = tpu.memref_squeeze %dma_start3A_142 : memref<1x128xf32, #tpu.memory_space<vmem>> -> memref<128xf32, #tpu.memory_space<vmem>>
      tpu.enqueue_dma source(%dma_start3A_143 : memref<128xf32, #tpu.memory_space<vmem>>) target(%dma_start3A_140 : memref<128xf32, #tpu.memory_space<vmem_shared>>) target_semaphore(%run_scoped3A_136 : memref<!tpu.dma_semaphore, #tpu.memory_space<semaphore_mem>>)
      %dma_wait3A = arith.constant 0 : i32
      %dma_wait3A_144 = tpu.memref_slice %arg17[%run_scoped3A_123, %dma_wait3A] : memref<32x128xf32, #tpu.memory_space<vmem>> -> memref<1x128xf32, #tpu.memory_space<vmem>>
      %dma_wait3A_145 = tpu.memref_squeeze %dma_wait3A_144 : memref<1x128xf32, #tpu.memory_space<vmem>> -> memref<128xf32, #tpu.memory_space<vmem>>
      %dma_wait3A_146 = tpu.memref_slice %arg24[%add3A_122] : memref<10240xf32, #tpu.memory_space<vmem_shared>> -> memref<128xf32, #tpu.memory_space<vmem_shared>>
      %dma_wait3A_147 = tpu.memref_slice %arg24[%add3A_122] : memref<10240xf32, #tpu.memory_space<vmem_shared>> -> memref<128xf32, #tpu.memory_space<vmem_shared>>
      %dma_wait3A_148 = arith.constant 0 : i32
      %dma_wait3A_149 = tpu.memref_slice %arg17[%run_scoped3A_123, %dma_wait3A_148] : memref<32x128xf32, #tpu.memory_space<vmem>> -> memref<1x128xf32, #tpu.memory_space<vmem>>
      %dma_wait3A_150 = tpu.memref_squeeze %dma_wait3A_149 : memref<1x128xf32, #tpu.memory_space<vmem>> -> memref<128xf32, #tpu.memory_space<vmem>>
      tpu.wait_dma2 semaphore(%run_scoped3A_136 : memref<!tpu.dma_semaphore, #tpu.memory_space<semaphore_mem>>) src(%dma_wait3A_150 : memref<128xf32, #tpu.memory_space<vmem>>) dst(%dma_wait3A_147 : memref<128xf32, #tpu.memory_space<vmem_shared>>)
      tpu.yield
    }) : () -> ()
    %mul3A_124 = arith.constant 640 : i32
    %mul3A_125 = arith.muli %arg1, %mul3A_124 : i32
    %add3A_126 = arith.constant 512 : i32
    %add3A_127 = arith.addi %mul3A_125, %add3A_126 : i32
    %run_scoped3A_128 = arith.constant 0 : i32
    "tpu.region"() ({
      %run_scoped3A_136 = tpu.sem_alloc : memref<!tpu.dma_semaphore, #tpu.memory_space<semaphore_mem>>
      %dma_start3A = arith.constant 0 : i32
      %dma_start3A_137 = tpu.memref_slice %arg17[%run_scoped3A_128, %dma_start3A] : memref<32x128xf32, #tpu.memory_space<vmem>> -> memref<1x128xf32, #tpu.memory_space<vmem>>
      %dma_start3A_138 = tpu.memref_squeeze %dma_start3A_137 : memref<1x128xf32, #tpu.memory_space<vmem>> -> memref<128xf32, #tpu.memory_space<vmem>>
      %dma_start3A_139 = tpu.memref_slice %arg24[%add3A_127] : memref<10240xf32, #tpu.memory_space<vmem_shared>> -> memref<128xf32, #tpu.memory_space<vmem_shared>>
      %dma_start3A_140 = tpu.memref_slice %arg24[%add3A_127] : memref<10240xf32, #tpu.memory_space<vmem_shared>> -> memref<128xf32, #tpu.memory_space<vmem_shared>>
      %dma_start3A_141 = arith.constant 0 : i32
      %dma_start3A_142 = tpu.memref_slice %arg17[%run_scoped3A_128, %dma_start3A_141] : memref<32x128xf32, #tpu.memory_space<vmem>> -> memref<1x128xf32, #tpu.memory_space<vmem>>
      %dma_start3A_143 = tpu.memref_squeeze %dma_start3A_142 : memref<1x128xf32, #tpu.memory_space<vmem>> -> memref<128xf32, #tpu.memory_space<vmem>>
      tpu.enqueue_dma source(%dma_start3A_143 : memref<128xf32, #tpu.memory_space<vmem>>) target(%dma_start3A_140 : memref<128xf32, #tpu.memory_space<vmem_shared>>) target_semaphore(%run_scoped3A_136 : memref<!tpu.dma_semaphore, #tpu.memory_space<semaphore_mem>>)
      %dma_wait3A = arith.constant 0 : i32
      %dma_wait3A_144 = tpu.memref_slice %arg17[%run_scoped3A_128, %dma_wait3A] : memref<32x128xf32, #tpu.memory_space<vmem>> -> memref<1x128xf32, #tpu.memory_space<vmem>>
      %dma_wait3A_145 = tpu.memref_squeeze %dma_wait3A_144 : memref<1x128xf32, #tpu.memory_space<vmem>> -> memref<128xf32, #tpu.memory_space<vmem>>
      %dma_wait3A_146 = tpu.memref_slice %arg24[%add3A_127] : memref<10240xf32, #tpu.memory_space<vmem_shared>> -> memref<128xf32, #tpu.memory_space<vmem_shared>>
      %dma_wait3A_147 = tpu.memref_slice %arg24[%add3A_127] : memref<10240xf32, #tpu.memory_space<vmem_shared>> -> memref<128xf32, #tpu.memory_space<vmem_shared>>
      %dma_wait3A_148 = arith.constant 0 : i32
      %dma_wait3A_149 = tpu.memref_slice %arg17[%run_scoped3A_128, %dma_wait3A_148] : memref<32x128xf32, #tpu.memory_space<vmem>> -> memref<1x128xf32, #tpu.memory_space<vmem>>
      %dma_wait3A_150 = tpu.memref_squeeze %dma_wait3A_149 : memref<1x128xf32, #tpu.memory_space<vmem>> -> memref<128xf32, #tpu.memory_space<vmem>>
      tpu.wait_dma2 semaphore(%run_scoped3A_136 : memref<!tpu.dma_semaphore, #tpu.memory_space<semaphore_mem>>) src(%dma_wait3A_150 : memref<128xf32, #tpu.memory_space<vmem>>) dst(%dma_wait3A_147 : memref<128xf32, #tpu.memory_space<vmem_shared>>)
      tpu.yield
    }) : () -> ()
    %eq3A = arith.constant 0 : i32
    %eq3A_129 = arith.cmpi eq, %arg0, %eq3A : i32
    %convert_element_type3A = arith.extui %eq3A_129 : i1 to i32
    %cond3A = arith.constant 0 : i32
    %cond3A_130 = arith.cmpi ne, %convert_element_type3A, %cond3A : i32
    scf.if %cond3A_130 {
      %scan3A_136 = arith.constant 0 : i32
      %scan3A_137 = arith.constant 20 : i32
      %scan3A_138 = arith.addi %scan3A_136, %scan3A_137 : i32
      %scan3A_139 = arith.constant 1 : i32
      scf.for %scan3A_240 = %scan3A_136 to %scan3A_138 step %scan3A_139  : i32 {
        %mul3A_241 = arith.constant 32 : i32
        %mul3A_242 = arith.muli %scan3A_240, %mul3A_241 : i32
        %add3A_243 = arith.constant 0 : i32
        %add3A_244 = arith.addi %add3A_243, %mul3A_242 : i32
        %add3A_245 = arith.addi %mul3A_4, %add3A_244 : i32
        "tpu.region"() ({
          %run_scoped3A_246 = tpu.sem_alloc : memref<!tpu.dma_semaphore, #tpu.memory_space<semaphore_mem>>
          %dma_start3A_247 = arith.constant 0 : i32
          %dma_start3A_248 = tpu.memref_slice %arg18[%add3A_245, %dma_start3A_247] : memref<10240x128xf32, #tpu.memory_space<vmem_shared>> -> memref<32x128xf32, #tpu.memory_space<vmem_shared>>
          %dma_start3A_249 = arith.constant 0 : i32
          %dma_start3A_250 = tpu.memref_slice %arg18[%add3A_245, %dma_start3A_249] : memref<10240x128xf32, #tpu.memory_space<vmem_shared>> -> memref<32x128xf32, #tpu.memory_space<vmem_shared>>
          tpu.enqueue_dma source(%arg17 : memref<32x128xf32, #tpu.memory_space<vmem>>) target(%dma_start3A_250 : memref<32x128xf32, #tpu.memory_space<vmem_shared>>) target_semaphore(%run_scoped3A_246 : memref<!tpu.dma_semaphore, #tpu.memory_space<semaphore_mem>>)
          %dma_wait3A_251 = arith.constant 0 : i32
          %dma_wait3A_252 = tpu.memref_slice %arg18[%add3A_245, %dma_wait3A_251] : memref<10240x128xf32, #tpu.memory_space<vmem_shared>> -> memref<32x128xf32, #tpu.memory_space<vmem_shared>>
          %dma_wait3A_253 = arith.constant 0 : i32
          %dma_wait3A_254 = tpu.memref_slice %arg18[%add3A_245, %dma_wait3A_253] : memref<10240x128xf32, #tpu.memory_space<vmem_shared>> -> memref<32x128xf32, #tpu.memory_space<vmem_shared>>
          tpu.wait_dma2 semaphore(%run_scoped3A_246 : memref<!tpu.dma_semaphore, #tpu.memory_space<semaphore_mem>>) src(%arg17 : memref<32x128xf32, #tpu.memory_space<vmem>>) dst(%dma_wait3A_254 : memref<32x128xf32, #tpu.memory_space<vmem_shared>>)
          tpu.yield
        }) : () -> ()
      }
      %scan3A_140 = arith.constant 20 : i32
      %barrier3A = arith.constant 0 : index
      tpu.barrier barrier_id(%barrier3A)
      "tpu.region"() ({
        %run_scoped3A_240 = tpu.sem_alloc : memref<!tpu.dma_semaphore, #tpu.memory_space<semaphore_mem>>
        %dma_start3A_241 = arith.constant 0 : i32
        %dma_start3A_242 = arith.constant 0 : i32
        %dma_start3A_243 = tpu.memref_slice %arg6[%select_n3A, %dma_start3A_241, %dma_start3A_242] : memref<2500x2x128xi32, #tpu.memory_space<hbm>> -> memref<1x2x128xi32, #tpu.memory_space<hbm>>
        %dma_start3A_244 = arith.constant 0 : i32
        %dma_start3A_245 = arith.constant 0 : i32
        %dma_start3A_246 = tpu.memref_slice %arg6[%select_n3A, %dma_start3A_244, %dma_start3A_245] : memref<2500x2x128xi32, #tpu.memory_space<hbm>> -> memref<1x2x128xi32, #tpu.memory_space<hbm>>
        tpu.enqueue_dma source(%dma_start3A_246 : memref<1x2x128xi32, #tpu.memory_space<hbm>>) target(%arg13 : memref<1x2x128xi32, #tpu.memory_space<vmem>>) target_semaphore(%run_scoped3A_240 : memref<!tpu.dma_semaphore, #tpu.memory_space<semaphore_mem>>)
        %dma_wait3A_247 = arith.constant 0 : i32
        %dma_wait3A_248 = arith.constant 0 : i32
        %dma_wait3A_249 = tpu.memref_slice %arg6[%select_n3A, %dma_wait3A_247, %dma_wait3A_248] : memref<2500x2x128xi32, #tpu.memory_space<hbm>> -> memref<1x2x128xi32, #tpu.memory_space<hbm>>
        %dma_wait3A_250 = arith.constant 0 : i32
        %dma_wait3A_251 = arith.constant 0 : i32
        %dma_wait3A_252 = tpu.memref_slice %arg6[%select_n3A, %dma_wait3A_250, %dma_wait3A_251] : memref<2500x2x128xi32, #tpu.memory_space<hbm>> -> memref<1x2x128xi32, #tpu.memory_space<hbm>>
        tpu.wait_dma2 semaphore(%run_scoped3A_240 : memref<!tpu.dma_semaphore, #tpu.memory_space<semaphore_mem>>) src(%dma_wait3A_252 : memref<1x2x128xi32, #tpu.memory_space<hbm>>) dst(%arg13 : memref<1x2x128xi32, #tpu.memory_space<vmem>>)
        tpu.yield
      }) : () -> ()
      %dma_start3A = arith.constant 0 : i32
      %dma_start3A_141 = arith.constant 0 : i32
      %dma_start3A_142 = arith.constant 0 : i32
      %dma_start3A_143 = arith.constant 0 : i32
      %dma_start3A_144 = tpu.memref_slice %arg15[%dma_start3A_142, %dma_start3A_143] : memref<128x128xf32, #tpu.memory_space<vmem>> -> memref<128x128xf32, #tpu.memory_space<vmem>>
      %dma_start3A_145 = arith.constant 0 : i32
      %dma_start3A_146 = tpu.memref_slice %arg13[%dma_start3A, %dma_start3A_141, %dma_start3A_145] : memref<1x2x128xi32, #tpu.memory_space<vmem>> -> memref<1x1x128xi32, #tpu.memory_space<vmem>>
      %dma_start3A_147 = tpu.memref_squeeze %dma_start3A_146 : memref<1x1x128xi32, #tpu.memory_space<vmem>> -> memref<128xi32, #tpu.memory_space<vmem>>
      %dma_start3A_148 = arith.constant 0 : i32
      %dma_start3A_149 = arith.constant 0 : i32
      %dma_start3A_150 = tpu.memref_slice %arg2[%dma_start3A_148, %dma_start3A_149] : memref<10240x128xf32, #tpu.memory_space<hbm>> -> memref<10240x128xf32, #tpu.memory_space<hbm>>
      tpu.enqueue_indirect_dma source(%dma_start3A_150 : memref<10240x128xf32, #tpu.memory_space<hbm>>) target(%dma_start3A_144 : memref<128x128xf32, #tpu.memory_space<vmem>>) offsets(%dma_start3A_147 : memref<128xi32, #tpu.memory_space<vmem>>) semaphore(%arg19 : memref<!tpu.dma_semaphore, #tpu.memory_space<semaphore_mem>>)
      %add3A_151 = arith.constant 1 : i32
      %add3A_152 = arith.addi %select_n3A, %add3A_151 : i32
      %dma_start3A_153 = arith.constant 0 : i32
      %dma_start3A_154 = arith.constant 0 : i32
      %dma_start3A_155 = tpu.memref_slice %arg6[%add3A_152, %dma_start3A_153, %dma_start3A_154] : memref<2500x2x128xi32, #tpu.memory_space<hbm>> -> memref<1x2x128xi32, #tpu.memory_space<hbm>>
      %dma_start3A_156 = arith.constant 0 : i32
      %dma_start3A_157 = arith.constant 0 : i32
      %dma_start3A_158 = tpu.memref_slice %arg6[%add3A_152, %dma_start3A_156, %dma_start3A_157] : memref<2500x2x128xi32, #tpu.memory_space<hbm>> -> memref<1x2x128xi32, #tpu.memory_space<hbm>>
      tpu.enqueue_dma source(%dma_start3A_158 : memref<1x2x128xi32, #tpu.memory_space<hbm>>) target(%arg14 : memref<1x2x128xi32, #tpu.memory_space<vmem>>) target_semaphore(%arg22 : memref<!tpu.dma_semaphore, #tpu.memory_space<semaphore_mem>>)
      %scan3A_159 = arith.constant 0 : i32
      %scan3A_160 = arith.constant 78 : i32
      %scan3A_161 = arith.addi %scan3A_159, %scan3A_160 : i32
      %scan3A_162 = arith.constant 1 : i32
      scf.for %scan3A_240 = %scan3A_159 to %scan3A_161 step %scan3A_162  : i32 {
        %mul3A_241 = arith.constant 2 : i32
        %mul3A_242 = arith.muli %scan3A_240, %mul3A_241 : i32
        %add3A_243 = arith.constant 0 : i32
        %add3A_244 = arith.addi %add3A_243, %mul3A_242 : i32
        %dma_wait3A_245 = arith.constant 0 : i32
        %dma_wait3A_246 = arith.constant 0 : i32
        %dma_wait3A_247 = arith.constant 0 : i32
        %dma_wait3A_248 = tpu.memref_slice %arg13[%dma_wait3A_245, %dma_wait3A_246, %dma_wait3A_247] : memref<1x2x128xi32, #tpu.memory_space<vmem>> -> memref<1x1x128xi32, #tpu.memory_space<vmem>>
        %dma_wait3A_249 = tpu.memref_squeeze %dma_wait3A_248 : memref<1x1x128xi32, #tpu.memory_space<vmem>> -> memref<128xi32, #tpu.memory_space<vmem>>
        %dma_wait3A_250 = arith.constant 0 : i32
        %dma_wait3A_251 = arith.constant 0 : i32
        %dma_wait3A_252 = tpu.memref_slice %arg2[%dma_wait3A_250, %dma_wait3A_251] : memref<10240x128xf32, #tpu.memory_space<hbm>> -> memref<10240x128xf32, #tpu.memory_space<hbm>>
        tpu.wait_indirect_dma semaphore(%arg19 : memref<!tpu.dma_semaphore, #tpu.memory_space<semaphore_mem>>) src(%dma_wait3A_252 : memref<10240x128xf32, #tpu.memory_space<hbm>>) dst(%arg15 : memref<128x128xf32, #tpu.memory_space<vmem>>)
        %dma_wait3A_253 = arith.constant 0 : i32
        %dma_wait3A_254 = arith.constant 0 : i32
        %dma_wait3A_255 = tpu.memref_slice %arg6[%select_n3A, %dma_wait3A_253, %dma_wait3A_254] : memref<2500x2x128xi32, #tpu.memory_space<hbm>> -> memref<1x2x128xi32, #tpu.memory_space<hbm>>
        %dma_wait3A_256 = arith.constant 0 : i32
        %dma_wait3A_257 = arith.constant 0 : i32
        %dma_wait3A_258 = tpu.memref_slice %arg6[%select_n3A, %dma_wait3A_256, %dma_wait3A_257] : memref<2500x2x128xi32, #tpu.memory_space<hbm>> -> memref<1x2x128xi32, #tpu.memory_space<hbm>>
        tpu.wait_dma2 semaphore(%arg22 : memref<!tpu.dma_semaphore, #tpu.memory_space<semaphore_mem>>) src(%dma_wait3A_258 : memref<1x2x128xi32, #tpu.memory_space<hbm>>) dst(%arg14 : memref<1x2x128xi32, #tpu.memory_space<vmem>>)
        %dma_start3A_259 = arith.constant 0 : i32
        %dma_start3A_260 = arith.constant 0 : i32
        %dma_start3A_261 = arith.constant 0 : i32
        %dma_start3A_262 = arith.constant 0 : i32
        %dma_start3A_263 = tpu.memref_slice %arg16[%dma_start3A_261, %dma_start3A_262] : memref<128x128xf32, #tpu.memory_space<vmem>> -> memref<128x128xf32, #tpu.memory_space<vmem>>
        %dma_start3A_264 = arith.constant 0 : i32
        %dma_start3A_265 = tpu.memref_slice %arg14[%dma_start3A_259, %dma_start3A_260, %dma_start3A_264] : memref<1x2x128xi32, #tpu.memory_space<vmem>> -> memref<1x1x128xi32, #tpu.memory_space<vmem>>
        %dma_start3A_266 = tpu.memref_squeeze %dma_start3A_265 : memref<1x1x128xi32, #tpu.memory_space<vmem>> -> memref<128xi32, #tpu.memory_space<vmem>>
        %dma_start3A_267 = arith.constant 0 : i32
        %dma_start3A_268 = arith.constant 0 : i32
        %dma_start3A_269 = tpu.memref_slice %arg2[%dma_start3A_267, %dma_start3A_268] : memref<10240x128xf32, #tpu.memory_space<hbm>> -> memref<10240x128xf32, #tpu.memory_space<hbm>>
        tpu.enqueue_indirect_dma source(%dma_start3A_269 : memref<10240x128xf32, #tpu.memory_space<hbm>>) target(%dma_start3A_263 : memref<128x128xf32, #tpu.memory_space<vmem>>) offsets(%dma_start3A_266 : memref<128xi32, #tpu.memory_space<vmem>>) semaphore(%arg20 : memref<!tpu.dma_semaphore, #tpu.memory_space<semaphore_mem>>)
        %lt3A = arith.cmpi slt, %add3A_244, %sub3A_50 : i32
        %convert_element_type3A_270 = arith.extui %lt3A : i1 to i32
        %cond3A_271 = arith.constant 0 : i32
        %cond3A_272 = arith.cmpi ne, %convert_element_type3A_270, %cond3A_271 : i32
        scf.if %cond3A_272 {
          %run_scoped3A_332 = arith.constant 0 : i32
          %run_scoped3A_333 = arith.constant 1 : i32
          "tpu.region"() ({
            %run_scoped3A_334 = tpu.sem_alloc : memref<!tpu.dma_semaphore, #tpu.memory_space<semaphore_mem>>
            %dma_start3A_335 = arith.constant 0 : i32
            %dma_start3A_336 = tpu.memref_slice %arg13[%run_scoped3A_332, %run_scoped3A_333, %dma_start3A_335] : memref<1x2x128xi32, #tpu.memory_space<vmem>> -> memref<1x1x128xi32, #tpu.memory_space<vmem>>
            %dma_start3A_337 = tpu.memref_squeeze %dma_start3A_336 : memref<1x1x128xi32, #tpu.memory_space<vmem>> -> memref<128xi32, #tpu.memory_space<vmem>>
            %dma_start3A_338 = arith.constant 0 : i32
            %dma_start3A_339 = arith.constant 0 : i32
            %dma_start3A_340 = tpu.memref_slice %arg18[%dma_start3A_338, %dma_start3A_339] : memref<10240x128xf32, #tpu.memory_space<vmem_shared>> -> memref<10240x128xf32, #tpu.memory_space<vmem_shared>>
            tpu.enqueue_indirect_dma source(%arg15 : memref<128x128xf32, #tpu.memory_space<vmem>>) target(%dma_start3A_340 : memref<10240x128xf32, #tpu.memory_space<vmem_shared>>) offsets(%dma_start3A_337 : memref<128xi32, #tpu.memory_space<vmem>>) semaphore(%run_scoped3A_334 : memref<!tpu.dma_semaphore, #tpu.memory_space<semaphore_mem>>) {add = true}
            %dma_wait3A_341 = arith.constant 0 : i32
            %dma_wait3A_342 = tpu.memref_slice %arg13[%run_scoped3A_332, %run_scoped3A_333, %dma_wait3A_341] : memref<1x2x128xi32, #tpu.memory_space<vmem>> -> memref<1x1x128xi32, #tpu.memory_space<vmem>>
            %dma_wait3A_343 = tpu.memref_squeeze %dma_wait3A_342 : memref<1x1x128xi32, #tpu.memory_space<vmem>> -> memref<128xi32, #tpu.memory_space<vmem>>
            %dma_wait3A_344 = arith.constant 0 : i32
            %dma_wait3A_345 = arith.constant 0 : i32
            %dma_wait3A_346 = tpu.memref_slice %arg18[%dma_wait3A_344, %dma_wait3A_345] : memref<10240x128xf32, #tpu.memory_space<vmem_shared>> -> memref<10240x128xf32, #tpu.memory_space<vmem_shared>>
            tpu.wait_indirect_dma semaphore(%run_scoped3A_334 : memref<!tpu.dma_semaphore, #tpu.memory_space<semaphore_mem>>) src(%arg15 : memref<128x128xf32, #tpu.memory_space<vmem>>) dst(%dma_wait3A_346 : memref<10240x128xf32, #tpu.memory_space<vmem_shared>>)
            tpu.yield
          }) : () -> ()
        } else {
        }
        %lt3A_273 = arith.cmpi slt, %add3A_244, %sub3A_50 : i32
        %eq3A_274 = arith.constant 0 : i32
        %eq3A_275 = arith.cmpi eq, %arg0, %eq3A_274 : i32
        %and3A_276 = arith.andi %lt3A_273, %eq3A_275 : i1
        %convert_element_type3A_277 = arith.extui %and3A_276 : i1 to i32
        %cond3A_278 = arith.constant 0 : i32
        %cond3A_279 = arith.cmpi ne, %convert_element_type3A_277, %cond3A_278 : i32
        scf.if %cond3A_279 {
          %run_scoped3A_332 = arith.constant 0 : i32
          %run_scoped3A_333 = arith.constant 0 : i32
          %run_scoped3A_334 = arith.constant 1 : i32
          "tpu.region"() ({
            %run_scoped3A_335 = tpu.sem_alloc : memref<!tpu.dma_semaphore, #tpu.memory_space<semaphore_mem>>
            %dma_start3A_336 = arith.constant 0 : i32
            %dma_start3A_337 = tpu.memref_slice %arg23[%run_scoped3A_332, %dma_start3A_336] : memref<1x128xf32, #tpu.memory_space<vmem>> -> memref<1x128xf32, #tpu.memory_space<vmem>>
            %dma_start3A_338 = tpu.memref_squeeze %dma_start3A_337 : memref<1x128xf32, #tpu.memory_space<vmem>> -> memref<128xf32, #tpu.memory_space<vmem>>
            %dma_start3A_339 = arith.constant 0 : i32
            %dma_start3A_340 = tpu.memref_slice %arg13[%run_scoped3A_333, %run_scoped3A_334, %dma_start3A_339] : memref<1x2x128xi32, #tpu.memory_space<vmem>> -> memref<1x1x128xi32, #tpu.memory_space<vmem>>
            %dma_start3A_341 = tpu.memref_squeeze %dma_start3A_340 : memref<1x1x128xi32, #tpu.memory_space<vmem>> -> memref<128xi32, #tpu.memory_space<vmem>>
            %dma_start3A_342 = arith.constant 0 : i32
            %dma_start3A_343 = tpu.memref_slice %arg24[%dma_start3A_342] : memref<10240xf32, #tpu.memory_space<vmem_shared>> -> memref<10240xf32, #tpu.memory_space<vmem_shared>>
            tpu.enqueue_indirect_dma source(%dma_start3A_338 : memref<128xf32, #tpu.memory_space<vmem>>) target(%dma_start3A_343 : memref<10240xf32, #tpu.memory_space<vmem_shared>>) offsets(%dma_start3A_341 : memref<128xi32, #tpu.memory_space<vmem>>) semaphore(%run_scoped3A_335 : memref<!tpu.dma_semaphore, #tpu.memory_space<semaphore_mem>>) {add = true}
            %dma_wait3A_344 = arith.constant 0 : i32
            %dma_wait3A_345 = tpu.memref_slice %arg23[%run_scoped3A_332, %dma_wait3A_344] : memref<1x128xf32, #tpu.memory_space<vmem>> -> memref<1x128xf32, #tpu.memory_space<vmem>>
            %dma_wait3A_346 = tpu.memref_squeeze %dma_wait3A_345 : memref<1x128xf32, #tpu.memory_space<vmem>> -> memref<128xf32, #tpu.memory_space<vmem>>
            %dma_wait3A_347 = arith.constant 0 : i32
            %dma_wait3A_348 = tpu.memref_slice %arg13[%run_scoped3A_333, %run_scoped3A_334, %dma_wait3A_347] : memref<1x2x128xi32, #tpu.memory_space<vmem>> -> memref<1x1x128xi32, #tpu.memory_space<vmem>>
            %dma_wait3A_349 = tpu.memref_squeeze %dma_wait3A_348 : memref<1x1x128xi32, #tpu.memory_space<vmem>> -> memref<128xi32, #tpu.memory_space<vmem>>
            %dma_wait3A_350 = arith.constant 0 : i32
            %dma_wait3A_351 = tpu.memref_slice %arg24[%dma_wait3A_350] : memref<10240xf32, #tpu.memory_space<vmem_shared>> -> memref<10240xf32, #tpu.memory_space<vmem_shared>>
            tpu.wait_indirect_dma semaphore(%run_scoped3A_335 : memref<!tpu.dma_semaphore, #tpu.memory_space<semaphore_mem>>) src(%dma_wait3A_346 : memref<128xf32, #tpu.memory_space<vmem>>) dst(%dma_wait3A_351 : memref<10240xf32, #tpu.memory_space<vmem_shared>>)
            tpu.yield
          }) : () -> ()
        } else {
        }
        %add3A_280 = arith.constant 2 : i32
        %add3A_281 = arith.addi %add3A_244, %add3A_280 : i32
        %lt3A_282 = arith.constant 157 : i32
        %lt3A_283 = arith.cmpi slt, %add3A_281, %lt3A_282 : i32
        %convert_element_type3A_284 = arith.extui %lt3A_283 : i1 to i32
        %cond3A_285 = arith.constant 0 : i32
        %cond3A_286 = arith.cmpi ne, %convert_element_type3A_284, %cond3A_285 : i32
        scf.if %cond3A_286 {
          %add3A_332 = arith.addi %select_n3A, %add3A_244 : i32
          %add3A_333 = arith.constant 2 : i32
          %add3A_334 = arith.addi %add3A_332, %add3A_333 : i32
          %dma_start3A_335 = arith.constant 0 : i32
          %dma_start3A_336 = arith.constant 0 : i32
          %dma_start3A_337 = tpu.memref_slice %arg6[%add3A_334, %dma_start3A_335, %dma_start3A_336] : memref<2500x2x128xi32, #tpu.memory_space<hbm>> -> memref<1x2x128xi32, #tpu.memory_space<hbm>>
          %dma_start3A_338 = arith.constant 0 : i32
          %dma_start3A_339 = arith.constant 0 : i32
          %dma_start3A_340 = tpu.memref_slice %arg6[%add3A_334, %dma_start3A_338, %dma_start3A_339] : memref<2500x2x128xi32, #tpu.memory_space<hbm>> -> memref<1x2x128xi32, #tpu.memory_space<hbm>>
          tpu.enqueue_dma source(%dma_start3A_340 : memref<1x2x128xi32, #tpu.memory_space<hbm>>) target(%arg13 : memref<1x2x128xi32, #tpu.memory_space<vmem>>) target_semaphore(%arg21 : memref<!tpu.dma_semaphore, #tpu.memory_space<semaphore_mem>>)
        } else {
        }
        %add3A_287 = arith.constant 1 : i32
        %add3A_288 = arith.addi %add3A_244, %add3A_287 : i32
        %dma_wait3A_289 = arith.constant 0 : i32
        %dma_wait3A_290 = arith.constant 0 : i32
        %dma_wait3A_291 = arith.constant 0 : i32
        %dma_wait3A_292 = tpu.memref_slice %arg13[%dma_wait3A_289, %dma_wait3A_290, %dma_wait3A_291] : memref<1x2x128xi32, #tpu.memory_space<vmem>> -> memref<1x1x128xi32, #tpu.memory_space<vmem>>
        %dma_wait3A_293 = tpu.memref_squeeze %dma_wait3A_292 : memref<1x1x128xi32, #tpu.memory_space<vmem>> -> memref<128xi32, #tpu.memory_space<vmem>>
        %dma_wait3A_294 = arith.constant 0 : i32
        %dma_wait3A_295 = arith.constant 0 : i32
        %dma_wait3A_296 = tpu.memref_slice %arg2[%dma_wait3A_294, %dma_wait3A_295] : memref<10240x128xf32, #tpu.memory_space<hbm>> -> memref<10240x128xf32, #tpu.memory_space<hbm>>
        tpu.wait_indirect_dma semaphore(%arg20 : memref<!tpu.dma_semaphore, #tpu.memory_space<semaphore_mem>>) src(%dma_wait3A_296 : memref<10240x128xf32, #tpu.memory_space<hbm>>) dst(%arg16 : memref<128x128xf32, #tpu.memory_space<vmem>>)
        %dma_wait3A_297 = arith.constant 0 : i32
        %dma_wait3A_298 = arith.constant 0 : i32
        %dma_wait3A_299 = tpu.memref_slice %arg6[%select_n3A, %dma_wait3A_297, %dma_wait3A_298] : memref<2500x2x128xi32, #tpu.memory_space<hbm>> -> memref<1x2x128xi32, #tpu.memory_space<hbm>>
        %dma_wait3A_300 = arith.constant 0 : i32
        %dma_wait3A_301 = arith.constant 0 : i32
        %dma_wait3A_302 = tpu.memref_slice %arg6[%select_n3A, %dma_wait3A_300, %dma_wait3A_301] : memref<2500x2x128xi32, #tpu.memory_space<hbm>> -> memref<1x2x128xi32, #tpu.memory_space<hbm>>
        tpu.wait_dma2 semaphore(%arg21 : memref<!tpu.dma_semaphore, #tpu.memory_space<semaphore_mem>>) src(%dma_wait3A_302 : memref<1x2x128xi32, #tpu.memory_space<hbm>>) dst(%arg13 : memref<1x2x128xi32, #tpu.memory_space<vmem>>)
        %dma_start3A_303 = arith.constant 0 : i32
        %dma_start3A_304 = arith.constant 0 : i32
        %dma_start3A_305 = arith.constant 0 : i32
        %dma_start3A_306 = arith.constant 0 : i32
        %dma_start3A_307 = tpu.memref_slice %arg15[%dma_start3A_305, %dma_start3A_306] : memref<128x128xf32, #tpu.memory_space<vmem>> -> memref<128x128xf32, #tpu.memory_space<vmem>>
        %dma_start3A_308 = arith.constant 0 : i32
        %dma_start3A_309 = tpu.memref_slice %arg13[%dma_start3A_303, %dma_start3A_304, %dma_start3A_308] : memref<1x2x128xi32, #tpu.memory_space<vmem>> -> memref<1x1x128xi32, #tpu.memory_space<vmem>>
        %dma_start3A_310 = tpu.memref_squeeze %dma_start3A_309 : memref<1x1x128xi32, #tpu.memory_space<vmem>> -> memref<128xi32, #tpu.memory_space<vmem>>
        %dma_start3A_311 = arith.constant 0 : i32
        %dma_start3A_312 = arith.constant 0 : i32
        %dma_start3A_313 = tpu.memref_slice %arg2[%dma_start3A_311, %dma_start3A_312] : memref<10240x128xf32, #tpu.memory_space<hbm>> -> memref<10240x128xf32, #tpu.memory_space<hbm>>
        tpu.enqueue_indirect_dma source(%dma_start3A_313 : memref<10240x128xf32, #tpu.memory_space<hbm>>) target(%dma_start3A_307 : memref<128x128xf32, #tpu.memory_space<vmem>>) offsets(%dma_start3A_310 : memref<128xi32, #tpu.memory_space<vmem>>) semaphore(%arg19 : memref<!tpu.dma_semaphore, #tpu.memory_space<semaphore_mem>>)
        %lt3A_314 = arith.cmpi slt, %add3A_288, %sub3A_50 : i32
        %convert_element_type3A_315 = arith.extui %lt3A_314 : i1 to i32
        %cond3A_316 = arith.constant 0 : i32
        %cond3A_317 = arith.cmpi ne, %convert_element_type3A_315, %cond3A_316 : i32
        scf.if %cond3A_317 {
          %run_scoped3A_332 = arith.constant 0 : i32
          %run_scoped3A_333 = arith.constant 1 : i32
          "tpu.region"() ({
            %run_scoped3A_334 = tpu.sem_alloc : memref<!tpu.dma_semaphore, #tpu.memory_space<semaphore_mem>>
            %dma_start3A_335 = arith.constant 0 : i32
            %dma_start3A_336 = tpu.memref_slice %arg14[%run_scoped3A_332, %run_scoped3A_333, %dma_start3A_335] : memref<1x2x128xi32, #tpu.memory_space<vmem>> -> memref<1x1x128xi32, #tpu.memory_space<vmem>>
            %dma_start3A_337 = tpu.memref_squeeze %dma_start3A_336 : memref<1x1x128xi32, #tpu.memory_space<vmem>> -> memref<128xi32, #tpu.memory_space<vmem>>
            %dma_start3A_338 = arith.constant 0 : i32
            %dma_start3A_339 = arith.constant 0 : i32
            %dma_start3A_340 = tpu.memref_slice %arg18[%dma_start3A_338, %dma_start3A_339] : memref<10240x128xf32, #tpu.memory_space<vmem_shared>> -> memref<10240x128xf32, #tpu.memory_space<vmem_shared>>
            tpu.enqueue_indirect_dma source(%arg16 : memref<128x128xf32, #tpu.memory_space<vmem>>) target(%dma_start3A_340 : memref<10240x128xf32, #tpu.memory_space<vmem_shared>>) offsets(%dma_start3A_337 : memref<128xi32, #tpu.memory_space<vmem>>) semaphore(%run_scoped3A_334 : memref<!tpu.dma_semaphore, #tpu.memory_space<semaphore_mem>>) {add = true}
            %dma_wait3A_341 = arith.constant 0 : i32
            %dma_wait3A_342 = tpu.memref_slice %arg14[%run_scoped3A_332, %run_scoped3A_333, %dma_wait3A_341] : memref<1x2x128xi32, #tpu.memory_space<vmem>> -> memref<1x1x128xi32, #tpu.memory_space<vmem>>
            %dma_wait3A_343 = tpu.memref_squeeze %dma_wait3A_342 : memref<1x1x128xi32, #tpu.memory_space<vmem>> -> memref<128xi32, #tpu.memory_space<vmem>>
            %dma_wait3A_344 = arith.constant 0 : i32
            %dma_wait3A_345 = arith.constant 0 : i32
            %dma_wait3A_346 = tpu.memref_slice %arg18[%dma_wait3A_344, %dma_wait3A_345] : memref<10240x128xf32, #tpu.memory_space<vmem_shared>> -> memref<10240x128xf32, #tpu.memory_space<vmem_shared>>
            tpu.wait_indirect_dma semaphore(%run_scoped3A_334 : memref<!tpu.dma_semaphore, #tpu.memory_space<semaphore_mem>>) src(%arg16 : memref<128x128xf32, #tpu.memory_space<vmem>>) dst(%dma_wait3A_346 : memref<10240x128xf32, #tpu.memory_space<vmem_shared>>)
            tpu.yield
          }) : () -> ()
        } else {
        }
        %lt3A_318 = arith.cmpi slt, %add3A_288, %sub3A_50 : i32
        %eq3A_319 = arith.constant 1 : i32
        %eq3A_320 = arith.cmpi eq, %arg0, %eq3A_319 : i32
        %and3A_321 = arith.andi %lt3A_318, %eq3A_320 : i1
        %convert_element_type3A_322 = arith.extui %and3A_321 : i1 to i32
        %cond3A_323 = arith.constant 0 : i32
        %cond3A_324 = arith.cmpi ne, %convert_element_type3A_322, %cond3A_323 : i32
        scf.if %cond3A_324 {
          %run_scoped3A_332 = arith.constant 0 : i32
          %run_scoped3A_333 = arith.constant 0 : i32
          %run_scoped3A_334 = arith.constant 1 : i32
          "tpu.region"() ({
            %run_scoped3A_335 = tpu.sem_alloc : memref<!tpu.dma_semaphore, #tpu.memory_space<semaphore_mem>>
            %dma_start3A_336 = arith.constant 0 : i32
            %dma_start3A_337 = tpu.memref_slice %arg23[%run_scoped3A_332, %dma_start3A_336] : memref<1x128xf32, #tpu.memory_space<vmem>> -> memref<1x128xf32, #tpu.memory_space<vmem>>
            %dma_start3A_338 = tpu.memref_squeeze %dma_start3A_337 : memref<1x128xf32, #tpu.memory_space<vmem>> -> memref<128xf32, #tpu.memory_space<vmem>>
            %dma_start3A_339 = arith.constant 0 : i32
            %dma_start3A_340 = tpu.memref_slice %arg14[%run_scoped3A_333, %run_scoped3A_334, %dma_start3A_339] : memref<1x2x128xi32, #tpu.memory_space<vmem>> -> memref<1x1x128xi32, #tpu.memory_space<vmem>>
            %dma_start3A_341 = tpu.memref_squeeze %dma_start3A_340 : memref<1x1x128xi32, #tpu.memory_space<vmem>> -> memref<128xi32, #tpu.memory_space<vmem>>
            %dma_start3A_342 = arith.constant 0 : i32
            %dma_start3A_343 = tpu.memref_slice %arg24[%dma_start3A_342] : memref<10240xf32, #tpu.memory_space<vmem_shared>> -> memref<10240xf32, #tpu.memory_space<vmem_shared>>
            tpu.enqueue_indirect_dma source(%dma_start3A_338 : memref<128xf32, #tpu.memory_space<vmem>>) target(%dma_start3A_343 : memref<10240xf32, #tpu.memory_space<vmem_shared>>) offsets(%dma_start3A_341 : memref<128xi32, #tpu.memory_space<vmem>>) semaphore(%run_scoped3A_335 : memref<!tpu.dma_semaphore, #tpu.memory_space<semaphore_mem>>) {add = true}
            %dma_wait3A_344 = arith.constant 0 : i32
            %dma_wait3A_345 = tpu.memref_slice %arg23[%run_scoped3A_332, %dma_wait3A_344] : memref<1x128xf32, #tpu.memory_space<vmem>> -> memref<1x128xf32, #tpu.memory_space<vmem>>
            %dma_wait3A_346 = tpu.memref_squeeze %dma_wait3A_345 : memref<1x128xf32, #tpu.memory_space<vmem>> -> memref<128xf32, #tpu.memory_space<vmem>>
            %dma_wait3A_347 = arith.constant 0 : i32
            %dma_wait3A_348 = tpu.memref_slice %arg14[%run_scoped3A_333, %run_scoped3A_334, %dma_wait3A_347] : memref<1x2x128xi32, #tpu.memory_space<vmem>> -> memref<1x1x128xi32, #tpu.memory_space<vmem>>
            %dma_wait3A_349 = tpu.memref_squeeze %dma_wait3A_348 : memref<1x1x128xi32, #tpu.memory_space<vmem>> -> memref<128xi32, #tpu.memory_space<vmem>>
            %dma_wait3A_350 = arith.constant 0 : i32
            %dma_wait3A_351 = tpu.memref_slice %arg24[%dma_wait3A_350] : memref<10240xf32, #tpu.memory_space<vmem_shared>> -> memref<10240xf32, #tpu.memory_space<vmem_shared>>
            tpu.wait_indirect_dma semaphore(%run_scoped3A_335 : memref<!tpu.dma_semaphore, #tpu.memory_space<semaphore_mem>>) src(%dma_wait3A_346 : memref<128xf32, #tpu.memory_space<vmem>>) dst(%dma_wait3A_351 : memref<10240xf32, #tpu.memory_space<vmem_shared>>)
            tpu.yield
          }) : () -> ()
        } else {
        }
        %add3A_325 = arith.constant 2 : i32
        %add3A_326 = arith.addi %add3A_288, %add3A_325 : i32
        %lt3A_327 = arith.constant 157 : i32
        %lt3A_328 = arith.cmpi slt, %add3A_326, %lt3A_327 : i32
        %convert_element_type3A_329 = arith.extui %lt3A_328 : i1 to i32
        %cond3A_330 = arith.constant 0 : i32
        %cond3A_331 = arith.cmpi ne, %convert_element_type3A_329, %cond3A_330 : i32
        scf.if %cond3A_331 {
          %add3A_332 = arith.addi %select_n3A, %add3A_288 : i32
          %add3A_333 = arith.constant 2 : i32
          %add3A_334 = arith.addi %add3A_332, %add3A_333 : i32
          %dma_start3A_335 = arith.constant 0 : i32
          %dma_start3A_336 = arith.constant 0 : i32
          %dma_start3A_337 = tpu.memref_slice %arg6[%add3A_334, %dma_start3A_335, %dma_start3A_336] : memref<2500x2x128xi32, #tpu.memory_space<hbm>> -> memref<1x2x128xi32, #tpu.memory_space<hbm>>
          %dma_start3A_338 = arith.constant 0 : i32
          %dma_start3A_339 = arith.constant 0 : i32
          %dma_start3A_340 = tpu.memref_slice %arg6[%add3A_334, %dma_start3A_338, %dma_start3A_339] : memref<2500x2x128xi32, #tpu.memory_space<hbm>> -> memref<1x2x128xi32, #tpu.memory_space<hbm>>
          tpu.enqueue_dma source(%dma_start3A_340 : memref<1x2x128xi32, #tpu.memory_space<hbm>>) target(%arg14 : memref<1x2x128xi32, #tpu.memory_space<vmem>>) target_semaphore(%arg22 : memref<!tpu.dma_semaphore, #tpu.memory_space<semaphore_mem>>)
        } else {
        }
      }
      %scan3A_163 = arith.constant 78 : i32
      %dma_wait3A = arith.constant 0 : i32
      %dma_wait3A_164 = arith.constant 0 : i32
      %dma_wait3A_165 = arith.constant 0 : i32
      %dma_wait3A_166 = tpu.memref_slice %arg13[%dma_wait3A, %dma_wait3A_164, %dma_wait3A_165] : memref<1x2x128xi32, #tpu.memory_space<vmem>> -> memref<1x1x128xi32, #tpu.memory_space<vmem>>
      %dma_wait3A_167 = tpu.memref_squeeze %dma_wait3A_166 : memref<1x1x128xi32, #tpu.memory_space<vmem>> -> memref<128xi32, #tpu.memory_space<vmem>>
      %dma_wait3A_168 = arith.constant 0 : i32
      %dma_wait3A_169 = arith.constant 0 : i32
      %dma_wait3A_170 = tpu.memref_slice %arg2[%dma_wait3A_168, %dma_wait3A_169] : memref<10240x128xf32, #tpu.memory_space<hbm>> -> memref<10240x128xf32, #tpu.memory_space<hbm>>
      tpu.wait_indirect_dma semaphore(%arg19 : memref<!tpu.dma_semaphore, #tpu.memory_space<semaphore_mem>>) src(%dma_wait3A_170 : memref<10240x128xf32, #tpu.memory_space<hbm>>) dst(%arg15 : memref<128x128xf32, #tpu.memory_space<vmem>>)
      %gt3A = arith.constant 156 : i32
      %gt3A_171 = arith.cmpi sgt, %sub3A_50, %gt3A : i32
      %convert_element_type3A_172 = arith.extui %gt3A_171 : i1 to i32
      %cond3A_173 = arith.constant 0 : i32
      %cond3A_174 = arith.cmpi ne, %convert_element_type3A_172, %cond3A_173 : i32
      scf.if %cond3A_174 {
        %run_scoped3A_240 = arith.constant 0 : i32
        %run_scoped3A_241 = arith.constant 1 : i32
        "tpu.region"() ({
          %run_scoped3A_242 = tpu.sem_alloc : memref<!tpu.dma_semaphore, #tpu.memory_space<semaphore_mem>>
          %dma_start3A_243 = arith.constant 0 : i32
          %dma_start3A_244 = tpu.memref_slice %arg13[%run_scoped3A_240, %run_scoped3A_241, %dma_start3A_243] : memref<1x2x128xi32, #tpu.memory_space<vmem>> -> memref<1x1x128xi32, #tpu.memory_space<vmem>>
          %dma_start3A_245 = tpu.memref_squeeze %dma_start3A_244 : memref<1x1x128xi32, #tpu.memory_space<vmem>> -> memref<128xi32, #tpu.memory_space<vmem>>
          %dma_start3A_246 = arith.constant 0 : i32
          %dma_start3A_247 = arith.constant 0 : i32
          %dma_start3A_248 = tpu.memref_slice %arg18[%dma_start3A_246, %dma_start3A_247] : memref<10240x128xf32, #tpu.memory_space<vmem_shared>> -> memref<10240x128xf32, #tpu.memory_space<vmem_shared>>
          tpu.enqueue_indirect_dma source(%arg15 : memref<128x128xf32, #tpu.memory_space<vmem>>) target(%dma_start3A_248 : memref<10240x128xf32, #tpu.memory_space<vmem_shared>>) offsets(%dma_start3A_245 : memref<128xi32, #tpu.memory_space<vmem>>) semaphore(%run_scoped3A_242 : memref<!tpu.dma_semaphore, #tpu.memory_space<semaphore_mem>>) {add = true}
          %dma_wait3A_249 = arith.constant 0 : i32
          %dma_wait3A_250 = tpu.memref_slice %arg13[%run_scoped3A_240, %run_scoped3A_241, %dma_wait3A_249] : memref<1x2x128xi32, #tpu.memory_space<vmem>> -> memref<1x1x128xi32, #tpu.memory_space<vmem>>
          %dma_wait3A_251 = tpu.memref_squeeze %dma_wait3A_250 : memref<1x1x128xi32, #tpu.memory_space<vmem>> -> memref<128xi32, #tpu.memory_space<vmem>>
          %dma_wait3A_252 = arith.constant 0 : i32
          %dma_wait3A_253 = arith.constant 0 : i32
          %dma_wait3A_254 = tpu.memref_slice %arg18[%dma_wait3A_252, %dma_wait3A_253] : memref<10240x128xf32, #tpu.memory_space<vmem_shared>> -> memref<10240x128xf32, #tpu.memory_space<vmem_shared>>
          tpu.wait_indirect_dma semaphore(%run_scoped3A_242 : memref<!tpu.dma_semaphore, #tpu.memory_space<semaphore_mem>>) src(%arg15 : memref<128x128xf32, #tpu.memory_space<vmem>>) dst(%dma_wait3A_254 : memref<10240x128xf32, #tpu.memory_space<vmem_shared>>)
          tpu.yield
        }) : () -> ()
      } else {
      }
      %gt3A_175 = arith.constant 156 : i32
      %gt3A_176 = arith.cmpi sgt, %sub3A_50, %gt3A_175 : i32
      %eq3A_177 = arith.constant 0 : i32
      %eq3A_178 = arith.cmpi eq, %arg0, %eq3A_177 : i32
      %and3A_179 = arith.andi %gt3A_176, %eq3A_178 : i1
      %convert_element_type3A_180 = arith.extui %and3A_179 : i1 to i32
      %cond3A_181 = arith.constant 0 : i32
      %cond3A_182 = arith.cmpi ne, %convert_element_type3A_180, %cond3A_181 : i32
      scf.if %cond3A_182 {
        %run_scoped3A_240 = arith.constant 0 : i32
        %run_scoped3A_241 = arith.constant 0 : i32
        %run_scoped3A_242 = arith.constant 1 : i32
        "tpu.region"() ({
          %run_scoped3A_243 = tpu.sem_alloc : memref<!tpu.dma_semaphore, #tpu.memory_space<semaphore_mem>>
          %dma_start3A_244 = arith.constant 0 : i32
          %dma_start3A_245 = tpu.memref_slice %arg23[%run_scoped3A_240, %dma_start3A_244] : memref<1x128xf32, #tpu.memory_space<vmem>> -> memref<1x128xf32, #tpu.memory_space<vmem>>
          %dma_start3A_246 = tpu.memref_squeeze %dma_start3A_245 : memref<1x128xf32, #tpu.memory_space<vmem>> -> memref<128xf32, #tpu.memory_space<vmem>>
          %dma_start3A_247 = arith.constant 0 : i32
          %dma_start3A_248 = tpu.memref_slice %arg13[%run_scoped3A_241, %run_scoped3A_242, %dma_start3A_247] : memref<1x2x128xi32, #tpu.memory_space<vmem>> -> memref<1x1x128xi32, #tpu.memory_space<vmem>>
          %dma_start3A_249 = tpu.memref_squeeze %dma_start3A_248 : memref<1x1x128xi32, #tpu.memory_space<vmem>> -> memref<128xi32, #tpu.memory_space<vmem>>
          %dma_start3A_250 = arith.constant 0 : i32
          %dma_start3A_251 = tpu.memref_slice %arg24[%dma_start3A_250] : memref<10240xf32, #tpu.memory_space<vmem_shared>> -> memref<10240xf32, #tpu.memory_space<vmem_shared>>
          tpu.enqueue_indirect_dma source(%dma_start3A_246 : memref<128xf32, #tpu.memory_space<vmem>>) target(%dma_start3A_251 : memref<10240xf32, #tpu.memory_space<vmem_shared>>) offsets(%dma_start3A_249 : memref<128xi32, #tpu.memory_space<vmem>>) semaphore(%run_scoped3A_243 : memref<!tpu.dma_semaphore, #tpu.memory_space<semaphore_mem>>) {add = true}
          %dma_wait3A_252 = arith.constant 0 : i32
          %dma_wait3A_253 = tpu.memref_slice %arg23[%run_scoped3A_240, %dma_wait3A_252] : memref<1x128xf32, #tpu.memory_space<vmem>> -> memref<1x128xf32, #tpu.memory_space<vmem>>
          %dma_wait3A_254 = tpu.memref_squeeze %dma_wait3A_253 : memref<1x128xf32, #tpu.memory_space<vmem>> -> memref<128xf32, #tpu.memory_space<vmem>>
          %dma_wait3A_255 = arith.constant 0 : i32
          %dma_wait3A_256 = tpu.memref_slice %arg13[%run_scoped3A_241, %run_scoped3A_242, %dma_wait3A_255] : memref<1x2x128xi32, #tpu.memory_space<vmem>> -> memref<1x1x128xi32, #tpu.memory_space<vmem>>
          %dma_wait3A_257 = tpu.memref_squeeze %dma_wait3A_256 : memref<1x1x128xi32, #tpu.memory_space<vmem>> -> memref<128xi32, #tpu.memory_space<vmem>>
          %dma_wait3A_258 = arith.constant 0 : i32
          %dma_wait3A_259 = tpu.memref_slice %arg24[%dma_wait3A_258] : memref<10240xf32, #tpu.memory_space<vmem_shared>> -> memref<10240xf32, #tpu.memory_space<vmem_shared>>
          tpu.wait_indirect_dma semaphore(%run_scoped3A_243 : memref<!tpu.dma_semaphore, #tpu.memory_space<semaphore_mem>>) src(%dma_wait3A_254 : memref<128xf32, #tpu.memory_space<vmem>>) dst(%dma_wait3A_259 : memref<10240xf32, #tpu.memory_space<vmem_shared>>)
          tpu.yield
        }) : () -> ()
      } else {
      }
      %barrier3A_183 = arith.constant 0 : index
      tpu.barrier barrier_id(%barrier3A_183)
      "tpu.region"() ({
        %run_scoped3A_240 = tpu.sem_alloc : memref<!tpu.dma_semaphore, #tpu.memory_space<semaphore_mem>>
        %dma_start3A_241 = arith.constant 0 : i32
        %dma_start3A_242 = tpu.memref_slice %arg7[%mul3A_4, %dma_start3A_241] : memref<10240x128xf32, #tpu.memory_space<hbm>> -> memref<640x128xf32, #tpu.memory_space<hbm>>
        %dma_start3A_243 = arith.constant 0 : i32
        %dma_start3A_244 = tpu.memref_slice %arg18[%mul3A_4, %dma_start3A_243] : memref<10240x128xf32, #tpu.memory_space<vmem_shared>> -> memref<640x128xf32, #tpu.memory_space<vmem_shared>>
        tpu.enqueue_dma source(%dma_start3A_244 : memref<640x128xf32, #tpu.memory_space<vmem_shared>>) target(%dma_start3A_242 : memref<640x128xf32, #tpu.memory_space<hbm>>) target_semaphore(%run_scoped3A_240 : memref<!tpu.dma_semaphore, #tpu.memory_space<semaphore_mem>>)
        %dma_wait3A_245 = arith.constant 0 : i32
        %dma_wait3A_246 = tpu.memref_slice %arg7[%mul3A_4, %dma_wait3A_245] : memref<10240x128xf32, #tpu.memory_space<hbm>> -> memref<640x128xf32, #tpu.memory_space<hbm>>
        %dma_wait3A_247 = arith.constant 0 : i32
        %dma_wait3A_248 = tpu.memref_slice %arg18[%mul3A_4, %dma_wait3A_247] : memref<10240x128xf32, #tpu.memory_space<vmem_shared>> -> memref<640x128xf32, #tpu.memory_space<vmem_shared>>
        tpu.wait_dma2 semaphore(%run_scoped3A_240 : memref<!tpu.dma_semaphore, #tpu.memory_space<semaphore_mem>>) src(%dma_wait3A_248 : memref<640x128xf32, #tpu.memory_space<vmem_shared>>) dst(%dma_wait3A_246 : memref<640x128xf32, #tpu.memory_space<hbm>>)
        tpu.yield
      }) : () -> ()
      %mul3A_184 = arith.constant 640 : i32
      %mul3A_185 = arith.muli %arg1, %mul3A_184 : i32
      %eq3A_186 = arith.constant 0 : i32
      %eq3A_187 = arith.cmpi eq, %arg0, %eq3A_186 : i32
      %convert_element_type3A_188 = arith.extui %eq3A_187 : i1 to i32
      %cond3A_189 = arith.constant 0 : i32
      %cond3A_190 = arith.cmpi ne, %convert_element_type3A_188, %cond3A_189 : i32
      scf.if %cond3A_190 {
        "tpu.region"() ({
          %run_scoped3A_240 = tpu.sem_alloc : memref<!tpu.dma_semaphore, #tpu.memory_space<semaphore_mem>>
          %dma_start3A_241 = tpu.memref_slice %arg11[%mul3A_185] : memref<10240xf32, #tpu.memory_space<hbm>> -> memref<640xf32, #tpu.memory_space<hbm>>
          %dma_start3A_242 = tpu.memref_slice %arg24[%mul3A_185] : memref<10240xf32, #tpu.memory_space<vmem_shared>> -> memref<640xf32, #tpu.memory_space<vmem_shared>>
          tpu.enqueue_dma source(%dma_start3A_242 : memref<640xf32, #tpu.memory_space<vmem_shared>>) target(%dma_start3A_241 : memref<640xf32, #tpu.memory_space<hbm>>) target_semaphore(%run_scoped3A_240 : memref<!tpu.dma_semaphore, #tpu.memory_space<semaphore_mem>>)
          %dma_wait3A_243 = tpu.memref_slice %arg11[%mul3A_185] : memref<10240xf32, #tpu.memory_space<hbm>> -> memref<640xf32, #tpu.memory_space<hbm>>
          %dma_wait3A_244 = tpu.memref_slice %arg24[%mul3A_185] : memref<10240xf32, #tpu.memory_space<vmem_shared>> -> memref<640xf32, #tpu.memory_space<vmem_shared>>
          tpu.wait_dma2 semaphore(%run_scoped3A_240 : memref<!tpu.dma_semaphore, #tpu.memory_space<semaphore_mem>>) src(%dma_wait3A_244 : memref<640xf32, #tpu.memory_space<vmem_shared>>) dst(%dma_wait3A_243 : memref<640xf32, #tpu.memory_space<hbm>>)
          tpu.yield
        }) : () -> ()
      } else {
      }
      %eq3A_191 = arith.constant 1 : i32
      %eq3A_192 = arith.cmpi eq, %arg0, %eq3A_191 : i32
      %convert_element_type3A_193 = arith.extui %eq3A_192 : i1 to i32
      %cond3A_194 = arith.constant 0 : i32
      %cond3A_195 = arith.cmpi ne, %convert_element_type3A_193, %cond3A_194 : i32
      scf.if %cond3A_195 {
        "tpu.region"() ({
          %run_scoped3A_240 = tpu.sem_alloc : memref<!tpu.dma_semaphore, #tpu.memory_space<semaphore_mem>>
          %dma_start3A_241 = tpu.memref_slice %arg12[%mul3A_185] : memref<10240xf32, #tpu.memory_space<hbm>> -> memref<640xf32, #tpu.memory_space<hbm>>
          %dma_start3A_242 = tpu.memref_slice %arg24[%mul3A_185] : memref<10240xf32, #tpu.memory_space<vmem_shared>> -> memref<640xf32, #tpu.memory_space<vmem_shared>>
          tpu.enqueue_dma source(%dma_start3A_242 : memref<640xf32, #tpu.memory_space<vmem_shared>>) target(%dma_start3A_241 : memref<640xf32, #tpu.memory_space<hbm>>) target_semaphore(%run_scoped3A_240 : memref<!tpu.dma_semaphore, #tpu.memory_space<semaphore_mem>>)
          %dma_wait3A_243 = tpu.memref_slice %arg12[%mul3A_185] : memref<10240xf32, #tpu.memory_space<hbm>> -> memref<640xf32, #tpu.memory_space<hbm>>
          %dma_wait3A_244 = tpu.memref_slice %arg24[%mul3A_185] : memref<10240xf32, #tpu.memory_space<vmem_shared>> -> memref<640xf32, #tpu.memory_space<vmem_shared>>
          tpu.wait_dma2 semaphore(%run_scoped3A_240 : memref<!tpu.dma_semaphore, #tpu.memory_space<semaphore_mem>>) src(%dma_wait3A_244 : memref<640xf32, #tpu.memory_space<vmem_shared>>) dst(%dma_wait3A_243 : memref<640xf32, #tpu.memory_space<hbm>>)
          tpu.yield
        }) : () -> ()
      } else {
      }
      %scan3A_196 = arith.constant 0 : i32
      %scan3A_197 = arith.constant 20 : i32
      %scan3A_198 = arith.addi %scan3A_196, %scan3A_197 : i32
      %scan3A_199 = arith.constant 1 : i32
      scf.for %scan3A_240 = %scan3A_196 to %scan3A_198 step %scan3A_199  : i32 {
        %mul3A_241 = arith.constant 32 : i32
        %mul3A_242 = arith.muli %scan3A_240, %mul3A_241 : i32
        %add3A_243 = arith.constant 0 : i32
        %add3A_244 = arith.addi %add3A_243, %mul3A_242 : i32
        %add3A_245 = arith.addi %mul3A_4, %add3A_244 : i32
        "tpu.region"() ({
          %run_scoped3A_246 = tpu.sem_alloc : memref<!tpu.dma_semaphore, #tpu.memory_space<semaphore_mem>>
          %dma_start3A_247 = arith.constant 0 : i32
          %dma_start3A_248 = tpu.memref_slice %arg18[%add3A_245, %dma_start3A_247] : memref<10240x128xf32, #tpu.memory_space<vmem_shared>> -> memref<32x128xf32, #tpu.memory_space<vmem_shared>>
          %dma_start3A_249 = arith.constant 0 : i32
          %dma_start3A_250 = tpu.memref_slice %arg18[%add3A_245, %dma_start3A_249] : memref<10240x128xf32, #tpu.memory_space<vmem_shared>> -> memref<32x128xf32, #tpu.memory_space<vmem_shared>>
          tpu.enqueue_dma source(%arg17 : memref<32x128xf32, #tpu.memory_space<vmem>>) target(%dma_start3A_250 : memref<32x128xf32, #tpu.memory_space<vmem_shared>>) target_semaphore(%run_scoped3A_246 : memref<!tpu.dma_semaphore, #tpu.memory_space<semaphore_mem>>)
          %dma_wait3A_251 = arith.constant 0 : i32
          %dma_wait3A_252 = tpu.memref_slice %arg18[%add3A_245, %dma_wait3A_251] : memref<10240x128xf32, #tpu.memory_space<vmem_shared>> -> memref<32x128xf32, #tpu.memory_space<vmem_shared>>
          %dma_wait3A_253 = arith.constant 0 : i32
          %dma_wait3A_254 = tpu.memref_slice %arg18[%add3A_245, %dma_wait3A_253] : memref<10240x128xf32, #tpu.memory_space<vmem_shared>> -> memref<32x128xf32, #tpu.memory_space<vmem_shared>>
          tpu.wait_dma2 semaphore(%run_scoped3A_246 : memref<!tpu.dma_semaphore, #tpu.memory_space<semaphore_mem>>) src(%arg17 : memref<32x128xf32, #tpu.memory_space<vmem>>) dst(%dma_wait3A_254 : memref<32x128xf32, #tpu.memory_space<vmem_shared>>)
          tpu.yield
        }) : () -> ()
      }
      %scan3A_200 = arith.constant 20 : i32
      %barrier3A_201 = arith.constant 0 : index
      tpu.barrier barrier_id(%barrier3A_201)
      "tpu.region"() ({
        %run_scoped3A_240 = tpu.sem_alloc : memref<!tpu.dma_semaphore, #tpu.memory_space<semaphore_mem>>
        %dma_start3A_241 = arith.constant 0 : i32
        %dma_start3A_242 = arith.constant 0 : i32
        %dma_start3A_243 = tpu.memref_slice %arg6[%select_n3A, %dma_start3A_241, %dma_start3A_242] : memref<2500x2x128xi32, #tpu.memory_space<hbm>> -> memref<1x2x128xi32, #tpu.memory_space<hbm>>
        %dma_start3A_244 = arith.constant 0 : i32
        %dma_start3A_245 = arith.constant 0 : i32
        %dma_start3A_246 = tpu.memref_slice %arg6[%select_n3A, %dma_start3A_244, %dma_start3A_245] : memref<2500x2x128xi32, #tpu.memory_space<hbm>> -> memref<1x2x128xi32, #tpu.memory_space<hbm>>
        tpu.enqueue_dma source(%dma_start3A_246 : memref<1x2x128xi32, #tpu.memory_space<hbm>>) target(%arg13 : memref<1x2x128xi32, #tpu.memory_space<vmem>>) target_semaphore(%run_scoped3A_240 : memref<!tpu.dma_semaphore, #tpu.memory_space<semaphore_mem>>)
        %dma_wait3A_247 = arith.constant 0 : i32
        %dma_wait3A_248 = arith.constant 0 : i32
        %dma_wait3A_249 = tpu.memref_slice %arg6[%select_n3A, %dma_wait3A_247, %dma_wait3A_248] : memref<2500x2x128xi32, #tpu.memory_space<hbm>> -> memref<1x2x128xi32, #tpu.memory_space<hbm>>
        %dma_wait3A_250 = arith.constant 0 : i32
        %dma_wait3A_251 = arith.constant 0 : i32
        %dma_wait3A_252 = tpu.memref_slice %arg6[%select_n3A, %dma_wait3A_250, %dma_wait3A_251] : memref<2500x2x128xi32, #tpu.memory_space<hbm>> -> memref<1x2x128xi32, #tpu.memory_space<hbm>>
        tpu.wait_dma2 semaphore(%run_scoped3A_240 : memref<!tpu.dma_semaphore, #tpu.memory_space<semaphore_mem>>) src(%dma_wait3A_252 : memref<1x2x128xi32, #tpu.memory_space<hbm>>) dst(%arg13 : memref<1x2x128xi32, #tpu.memory_space<vmem>>)
        tpu.yield
      }) : () -> ()
      %dma_start3A_202 = arith.constant 0 : i32
      %dma_start3A_203 = arith.constant 0 : i32
      %dma_start3A_204 = arith.constant 0 : i32
      %dma_start3A_205 = arith.constant 0 : i32
      %dma_start3A_206 = tpu.memref_slice %arg15[%dma_start3A_204, %dma_start3A_205] : memref<128x128xf32, #tpu.memory_space<vmem>> -> memref<128x128xf32, #tpu.memory_space<vmem>>
      %dma_start3A_207 = arith.constant 0 : i32
      %dma_start3A_208 = tpu.memref_slice %arg13[%dma_start3A_202, %dma_start3A_203, %dma_start3A_207] : memref<1x2x128xi32, #tpu.memory_space<vmem>> -> memref<1x1x128xi32, #tpu.memory_space<vmem>>
      %dma_start3A_209 = tpu.memref_squeeze %dma_start3A_208 : memref<1x1x128xi32, #tpu.memory_space<vmem>> -> memref<128xi32, #tpu.memory_space<vmem>>
      %dma_start3A_210 = arith.constant 0 : i32
      %dma_start3A_211 = arith.constant 0 : i32
      %dma_start3A_212 = tpu.memref_slice %arg3[%dma_start3A_210, %dma_start3A_211] : memref<10240x128xf32, #tpu.memory_space<hbm>> -> memref<10240x128xf32, #tpu.memory_space<hbm>>
      tpu.enqueue_indirect_dma source(%dma_start3A_212 : memref<10240x128xf32, #tpu.memory_space<hbm>>) target(%dma_start3A_206 : memref<128x128xf32, #tpu.memory_space<vmem>>) offsets(%dma_start3A_209 : memref<128xi32, #tpu.memory_space<vmem>>) semaphore(%arg19 : memref<!tpu.dma_semaphore, #tpu.memory_space<semaphore_mem>>)
      %add3A_213 = arith.constant 1 : i32
      %add3A_214 = arith.addi %select_n3A, %add3A_213 : i32
      %dma_start3A_215 = arith.constant 0 : i32
      %dma_start3A_216 = arith.constant 0 : i32
      %dma_start3A_217 = tpu.memref_slice %arg6[%add3A_214, %dma_start3A_215, %dma_start3A_216] : memref<2500x2x128xi32, #tpu.memory_space<hbm>> -> memref<1x2x128xi32, #tpu.memory_space<hbm>>
      %dma_start3A_218 = arith.constant 0 : i32
      %dma_start3A_219 = arith.constant 0 : i32
      %dma_start3A_220 = tpu.memref_slice %arg6[%add3A_214, %dma_start3A_218, %dma_start3A_219] : memref<2500x2x128xi32, #tpu.memory_space<hbm>> -> memref<1x2x128xi32, #tpu.memory_space<hbm>>
      tpu.enqueue_dma source(%dma_start3A_220 : memref<1x2x128xi32, #tpu.memory_space<hbm>>) target(%arg14 : memref<1x2x128xi32, #tpu.memory_space<vmem>>) target_semaphore(%arg22 : memref<!tpu.dma_semaphore, #tpu.memory_space<semaphore_mem>>)
      %scan3A_221 = arith.constant 0 : i32
      %scan3A_222 = arith.constant 78 : i32
      %scan3A_223 = arith.addi %scan3A_221, %scan3A_222 : i32
      %scan3A_224 = arith.constant 1 : i32
      scf.for %scan3A_240 = %scan3A_221 to %scan3A_223 step %scan3A_224  : i32 {
        %mul3A_241 = arith.constant 2 : i32
        %mul3A_242 = arith.muli %scan3A_240, %mul3A_241 : i32
        %add3A_243 = arith.constant 0 : i32
        %add3A_244 = arith.addi %add3A_243, %mul3A_242 : i32
        %dma_wait3A_245 = arith.constant 0 : i32
        %dma_wait3A_246 = arith.constant 0 : i32
        %dma_wait3A_247 = arith.constant 0 : i32
        %dma_wait3A_248 = tpu.memref_slice %arg13[%dma_wait3A_245, %dma_wait3A_246, %dma_wait3A_247] : memref<1x2x128xi32, #tpu.memory_space<vmem>> -> memref<1x1x128xi32, #tpu.memory_space<vmem>>
        %dma_wait3A_249 = tpu.memref_squeeze %dma_wait3A_248 : memref<1x1x128xi32, #tpu.memory_space<vmem>> -> memref<128xi32, #tpu.memory_space<vmem>>
        %dma_wait3A_250 = arith.constant 0 : i32
        %dma_wait3A_251 = arith.constant 0 : i32
        %dma_wait3A_252 = tpu.memref_slice %arg3[%dma_wait3A_250, %dma_wait3A_251] : memref<10240x128xf32, #tpu.memory_space<hbm>> -> memref<10240x128xf32, #tpu.memory_space<hbm>>
        tpu.wait_indirect_dma semaphore(%arg19 : memref<!tpu.dma_semaphore, #tpu.memory_space<semaphore_mem>>) src(%dma_wait3A_252 : memref<10240x128xf32, #tpu.memory_space<hbm>>) dst(%arg15 : memref<128x128xf32, #tpu.memory_space<vmem>>)
        %dma_wait3A_253 = arith.constant 0 : i32
        %dma_wait3A_254 = arith.constant 0 : i32
        %dma_wait3A_255 = tpu.memref_slice %arg6[%select_n3A, %dma_wait3A_253, %dma_wait3A_254] : memref<2500x2x128xi32, #tpu.memory_space<hbm>> -> memref<1x2x128xi32, #tpu.memory_space<hbm>>
        %dma_wait3A_256 = arith.constant 0 : i32
        %dma_wait3A_257 = arith.constant 0 : i32
        %dma_wait3A_258 = tpu.memref_slice %arg6[%select_n3A, %dma_wait3A_256, %dma_wait3A_257] : memref<2500x2x128xi32, #tpu.memory_space<hbm>> -> memref<1x2x128xi32, #tpu.memory_space<hbm>>
        tpu.wait_dma2 semaphore(%arg22 : memref<!tpu.dma_semaphore, #tpu.memory_space<semaphore_mem>>) src(%dma_wait3A_258 : memref<1x2x128xi32, #tpu.memory_space<hbm>>) dst(%arg14 : memref<1x2x128xi32, #tpu.memory_space<vmem>>)
        %dma_start3A_259 = arith.constant 0 : i32
        %dma_start3A_260 = arith.constant 0 : i32
        %dma_start3A_261 = arith.constant 0 : i32
        %dma_start3A_262 = arith.constant 0 : i32
        %dma_start3A_263 = tpu.memref_slice %arg16[%dma_start3A_261, %dma_start3A_262] : memref<128x128xf32, #tpu.memory_space<vmem>> -> memref<128x128xf32, #tpu.memory_space<vmem>>
        %dma_start3A_264 = arith.constant 0 : i32
        %dma_start3A_265 = tpu.memref_slice %arg14[%dma_start3A_259, %dma_start3A_260, %dma_start3A_264] : memref<1x2x128xi32, #tpu.memory_space<vmem>> -> memref<1x1x128xi32, #tpu.memory_space<vmem>>
        %dma_start3A_266 = tpu.memref_squeeze %dma_start3A_265 : memref<1x1x128xi32, #tpu.memory_space<vmem>> -> memref<128xi32, #tpu.memory_space<vmem>>
        %dma_start3A_267 = arith.constant 0 : i32
        %dma_start3A_268 = arith.constant 0 : i32
        %dma_start3A_269 = tpu.memref_slice %arg3[%dma_start3A_267, %dma_start3A_268] : memref<10240x128xf32, #tpu.memory_space<hbm>> -> memref<10240x128xf32, #tpu.memory_space<hbm>>
        tpu.enqueue_indirect_dma source(%dma_start3A_269 : memref<10240x128xf32, #tpu.memory_space<hbm>>) target(%dma_start3A_263 : memref<128x128xf32, #tpu.memory_space<vmem>>) offsets(%dma_start3A_266 : memref<128xi32, #tpu.memory_space<vmem>>) semaphore(%arg20 : memref<!tpu.dma_semaphore, #tpu.memory_space<semaphore_mem>>)
        %lt3A = arith.cmpi slt, %add3A_244, %sub3A_50 : i32
        %convert_element_type3A_270 = arith.extui %lt3A : i1 to i32
        %cond3A_271 = arith.constant 0 : i32
        %cond3A_272 = arith.cmpi ne, %convert_element_type3A_270, %cond3A_271 : i32
        scf.if %cond3A_272 {
          %run_scoped3A_318 = arith.constant 0 : i32
          %run_scoped3A_319 = arith.constant 1 : i32
          "tpu.region"() ({
            %run_scoped3A_320 = tpu.sem_alloc : memref<!tpu.dma_semaphore, #tpu.memory_space<semaphore_mem>>
            %dma_start3A_321 = arith.constant 0 : i32
            %dma_start3A_322 = tpu.memref_slice %arg13[%run_scoped3A_318, %run_scoped3A_319, %dma_start3A_321] : memref<1x2x128xi32, #tpu.memory_space<vmem>> -> memref<1x1x128xi32, #tpu.memory_space<vmem>>
            %dma_start3A_323 = tpu.memref_squeeze %dma_start3A_322 : memref<1x1x128xi32, #tpu.memory_space<vmem>> -> memref<128xi32, #tpu.memory_space<vmem>>
            %dma_start3A_324 = arith.constant 0 : i32
            %dma_start3A_325 = arith.constant 0 : i32
            %dma_start3A_326 = tpu.memref_slice %arg18[%dma_start3A_324, %dma_start3A_325] : memref<10240x128xf32, #tpu.memory_space<vmem_shared>> -> memref<10240x128xf32, #tpu.memory_space<vmem_shared>>
            tpu.enqueue_indirect_dma source(%arg15 : memref<128x128xf32, #tpu.memory_space<vmem>>) target(%dma_start3A_326 : memref<10240x128xf32, #tpu.memory_space<vmem_shared>>) offsets(%dma_start3A_323 : memref<128xi32, #tpu.memory_space<vmem>>) semaphore(%run_scoped3A_320 : memref<!tpu.dma_semaphore, #tpu.memory_space<semaphore_mem>>) {add = true}
            %dma_wait3A_327 = arith.constant 0 : i32
            %dma_wait3A_328 = tpu.memref_slice %arg13[%run_scoped3A_318, %run_scoped3A_319, %dma_wait3A_327] : memref<1x2x128xi32, #tpu.memory_space<vmem>> -> memref<1x1x128xi32, #tpu.memory_space<vmem>>
            %dma_wait3A_329 = tpu.memref_squeeze %dma_wait3A_328 : memref<1x1x128xi32, #tpu.memory_space<vmem>> -> memref<128xi32, #tpu.memory_space<vmem>>
            %dma_wait3A_330 = arith.constant 0 : i32
            %dma_wait3A_331 = arith.constant 0 : i32
            %dma_wait3A_332 = tpu.memref_slice %arg18[%dma_wait3A_330, %dma_wait3A_331] : memref<10240x128xf32, #tpu.memory_space<vmem_shared>> -> memref<10240x128xf32, #tpu.memory_space<vmem_shared>>
            tpu.wait_indirect_dma semaphore(%run_scoped3A_320 : memref<!tpu.dma_semaphore, #tpu.memory_space<semaphore_mem>>) src(%arg15 : memref<128x128xf32, #tpu.memory_space<vmem>>) dst(%dma_wait3A_332 : memref<10240x128xf32, #tpu.memory_space<vmem_shared>>)
            tpu.yield
          }) : () -> ()
        } else {
        }
        %add3A_273 = arith.constant 2 : i32
        %add3A_274 = arith.addi %add3A_244, %add3A_273 : i32
        %lt3A_275 = arith.constant 157 : i32
        %lt3A_276 = arith.cmpi slt, %add3A_274, %lt3A_275 : i32
        %convert_element_type3A_277 = arith.extui %lt3A_276 : i1 to i32
        %cond3A_278 = arith.constant 0 : i32
        %cond3A_279 = arith.cmpi ne, %convert_element_type3A_277, %cond3A_278 : i32
        scf.if %cond3A_279 {
          %add3A_318 = arith.addi %select_n3A, %add3A_244 : i32
          %add3A_319 = arith.constant 2 : i32
          %add3A_320 = arith.addi %add3A_318, %add3A_319 : i32
          %dma_start3A_321 = arith.constant 0 : i32
          %dma_start3A_322 = arith.constant 0 : i32
          %dma_start3A_323 = tpu.memref_slice %arg6[%add3A_320, %dma_start3A_321, %dma_start3A_322] : memref<2500x2x128xi32, #tpu.memory_space<hbm>> -> memref<1x2x128xi32, #tpu.memory_space<hbm>>
          %dma_start3A_324 = arith.constant 0 : i32
          %dma_start3A_325 = arith.constant 0 : i32
          %dma_start3A_326 = tpu.memref_slice %arg6[%add3A_320, %dma_start3A_324, %dma_start3A_325] : memref<2500x2x128xi32, #tpu.memory_space<hbm>> -> memref<1x2x128xi32, #tpu.memory_space<hbm>>
          tpu.enqueue_dma source(%dma_start3A_326 : memref<1x2x128xi32, #tpu.memory_space<hbm>>) target(%arg13 : memref<1x2x128xi32, #tpu.memory_space<vmem>>) target_semaphore(%arg21 : memref<!tpu.dma_semaphore, #tpu.memory_space<semaphore_mem>>)
        } else {
        }
        %add3A_280 = arith.constant 1 : i32
        %add3A_281 = arith.addi %add3A_244, %add3A_280 : i32
        %dma_wait3A_282 = arith.constant 0 : i32
        %dma_wait3A_283 = arith.constant 0 : i32
        %dma_wait3A_284 = arith.constant 0 : i32
        %dma_wait3A_285 = tpu.memref_slice %arg13[%dma_wait3A_282, %dma_wait3A_283, %dma_wait3A_284] : memref<1x2x128xi32, #tpu.memory_space<vmem>> -> memref<1x1x128xi32, #tpu.memory_space<vmem>>
        %dma_wait3A_286 = tpu.memref_squeeze %dma_wait3A_285 : memref<1x1x128xi32, #tpu.memory_space<vmem>> -> memref<128xi32, #tpu.memory_space<vmem>>
        %dma_wait3A_287 = arith.constant 0 : i32
        %dma_wait3A_288 = arith.constant 0 : i32
        %dma_wait3A_289 = tpu.memref_slice %arg3[%dma_wait3A_287, %dma_wait3A_288] : memref<10240x128xf32, #tpu.memory_space<hbm>> -> memref<10240x128xf32, #tpu.memory_space<hbm>>
        tpu.wait_indirect_dma semaphore(%arg20 : memref<!tpu.dma_semaphore, #tpu.memory_space<semaphore_mem>>) src(%dma_wait3A_289 : memref<10240x128xf32, #tpu.memory_space<hbm>>) dst(%arg16 : memref<128x128xf32, #tpu.memory_space<vmem>>)
        %dma_wait3A_290 = arith.constant 0 : i32
        %dma_wait3A_291 = arith.constant 0 : i32
        %dma_wait3A_292 = tpu.memref_slice %arg6[%select_n3A, %dma_wait3A_290, %dma_wait3A_291] : memref<2500x2x128xi32, #tpu.memory_space<hbm>> -> memref<1x2x128xi32, #tpu.memory_space<hbm>>
        %dma_wait3A_293 = arith.constant 0 : i32
        %dma_wait3A_294 = arith.constant 0 : i32
        %dma_wait3A_295 = tpu.memref_slice %arg6[%select_n3A, %dma_wait3A_293, %dma_wait3A_294] : memref<2500x2x128xi32, #tpu.memory_space<hbm>> -> memref<1x2x128xi32, #tpu.memory_space<hbm>>
        tpu.wait_dma2 semaphore(%arg21 : memref<!tpu.dma_semaphore, #tpu.memory_space<semaphore_mem>>) src(%dma_wait3A_295 : memref<1x2x128xi32, #tpu.memory_space<hbm>>) dst(%arg13 : memref<1x2x128xi32, #tpu.memory_space<vmem>>)
        %dma_start3A_296 = arith.constant 0 : i32
        %dma_start3A_297 = arith.constant 0 : i32
        %dma_start3A_298 = arith.constant 0 : i32
        %dma_start3A_299 = arith.constant 0 : i32
        %dma_start3A_300 = tpu.memref_slice %arg15[%dma_start3A_298, %dma_start3A_299] : memref<128x128xf32, #tpu.memory_space<vmem>> -> memref<128x128xf32, #tpu.memory_space<vmem>>
        %dma_start3A_301 = arith.constant 0 : i32
        %dma_start3A_302 = tpu.memref_slice %arg13[%dma_start3A_296, %dma_start3A_297, %dma_start3A_301] : memref<1x2x128xi32, #tpu.memory_space<vmem>> -> memref<1x1x128xi32, #tpu.memory_space<vmem>>
        %dma_start3A_303 = tpu.memref_squeeze %dma_start3A_302 : memref<1x1x128xi32, #tpu.memory_space<vmem>> -> memref<128xi32, #tpu.memory_space<vmem>>
        %dma_start3A_304 = arith.constant 0 : i32
        %dma_start3A_305 = arith.constant 0 : i32
        %dma_start3A_306 = tpu.memref_slice %arg3[%dma_start3A_304, %dma_start3A_305] : memref<10240x128xf32, #tpu.memory_space<hbm>> -> memref<10240x128xf32, #tpu.memory_space<hbm>>
        tpu.enqueue_indirect_dma source(%dma_start3A_306 : memref<10240x128xf32, #tpu.memory_space<hbm>>) target(%dma_start3A_300 : memref<128x128xf32, #tpu.memory_space<vmem>>) offsets(%dma_start3A_303 : memref<128xi32, #tpu.memory_space<vmem>>) semaphore(%arg19 : memref<!tpu.dma_semaphore, #tpu.memory_space<semaphore_mem>>)
        %lt3A_307 = arith.cmpi slt, %add3A_281, %sub3A_50 : i32
        %convert_element_type3A_308 = arith.extui %lt3A_307 : i1 to i32
        %cond3A_309 = arith.constant 0 : i32
        %cond3A_310 = arith.cmpi ne, %convert_element_type3A_308, %cond3A_309 : i32
        scf.if %cond3A_310 {
          %run_scoped3A_318 = arith.constant 0 : i32
          %run_scoped3A_319 = arith.constant 1 : i32
          "tpu.region"() ({
            %run_scoped3A_320 = tpu.sem_alloc : memref<!tpu.dma_semaphore, #tpu.memory_space<semaphore_mem>>
            %dma_start3A_321 = arith.constant 0 : i32
            %dma_start3A_322 = tpu.memref_slice %arg14[%run_scoped3A_318, %run_scoped3A_319, %dma_start3A_321] : memref<1x2x128xi32, #tpu.memory_space<vmem>> -> memref<1x1x128xi32, #tpu.memory_space<vmem>>
            %dma_start3A_323 = tpu.memref_squeeze %dma_start3A_322 : memref<1x1x128xi32, #tpu.memory_space<vmem>> -> memref<128xi32, #tpu.memory_space<vmem>>
            %dma_start3A_324 = arith.constant 0 : i32
            %dma_start3A_325 = arith.constant 0 : i32
            %dma_start3A_326 = tpu.memref_slice %arg18[%dma_start3A_324, %dma_start3A_325] : memref<10240x128xf32, #tpu.memory_space<vmem_shared>> -> memref<10240x128xf32, #tpu.memory_space<vmem_shared>>
            tpu.enqueue_indirect_dma source(%arg16 : memref<128x128xf32, #tpu.memory_space<vmem>>) target(%dma_start3A_326 : memref<10240x128xf32, #tpu.memory_space<vmem_shared>>) offsets(%dma_start3A_323 : memref<128xi32, #tpu.memory_space<vmem>>) semaphore(%run_scoped3A_320 : memref<!tpu.dma_semaphore, #tpu.memory_space<semaphore_mem>>) {add = true}
            %dma_wait3A_327 = arith.constant 0 : i32
            %dma_wait3A_328 = tpu.memref_slice %arg14[%run_scoped3A_318, %run_scoped3A_319, %dma_wait3A_327] : memref<1x2x128xi32, #tpu.memory_space<vmem>> -> memref<1x1x128xi32, #tpu.memory_space<vmem>>
            %dma_wait3A_329 = tpu.memref_squeeze %dma_wait3A_328 : memref<1x1x128xi32, #tpu.memory_space<vmem>> -> memref<128xi32, #tpu.memory_space<vmem>>
            %dma_wait3A_330 = arith.constant 0 : i32
            %dma_wait3A_331 = arith.constant 0 : i32
            %dma_wait3A_332 = tpu.memref_slice %arg18[%dma_wait3A_330, %dma_wait3A_331] : memref<10240x128xf32, #tpu.memory_space<vmem_shared>> -> memref<10240x128xf32, #tpu.memory_space<vmem_shared>>
            tpu.wait_indirect_dma semaphore(%run_scoped3A_320 : memref<!tpu.dma_semaphore, #tpu.memory_space<semaphore_mem>>) src(%arg16 : memref<128x128xf32, #tpu.memory_space<vmem>>) dst(%dma_wait3A_332 : memref<10240x128xf32, #tpu.memory_space<vmem_shared>>)
            tpu.yield
          }) : () -> ()
        } else {
        }
        %add3A_311 = arith.constant 2 : i32
        %add3A_312 = arith.addi %add3A_281, %add3A_311 : i32
        %lt3A_313 = arith.constant 157 : i32
        %lt3A_314 = arith.cmpi slt, %add3A_312, %lt3A_313 : i32
        %convert_element_type3A_315 = arith.extui %lt3A_314 : i1 to i32
        %cond3A_316 = arith.constant 0 : i32
        %cond3A_317 = arith.cmpi ne, %convert_element_type3A_315, %cond3A_316 : i32
        scf.if %cond3A_317 {
          %add3A_318 = arith.addi %select_n3A, %add3A_281 : i32
          %add3A_319 = arith.constant 2 : i32
          %add3A_320 = arith.addi %add3A_318, %add3A_319 : i32
          %dma_start3A_321 = arith.constant 0 : i32
          %dma_start3A_322 = arith.constant 0 : i32
          %dma_start3A_323 = tpu.memref_slice %arg6[%add3A_320, %dma_start3A_321, %dma_start3A_322] : memref<2500x2x128xi32, #tpu.memory_space<hbm>> -> memref<1x2x128xi32, #tpu.memory_space<hbm>>
          %dma_start3A_324 = arith.constant 0 : i32
          %dma_start3A_325 = arith.constant 0 : i32
          %dma_start3A_326 = tpu.memref_slice %arg6[%add3A_320, %dma_start3A_324, %dma_start3A_325] : memref<2500x2x128xi32, #tpu.memory_space<hbm>> -> memref<1x2x128xi32, #tpu.memory_space<hbm>>
          tpu.enqueue_dma source(%dma_start3A_326 : memref<1x2x128xi32, #tpu.memory_space<hbm>>) target(%arg14 : memref<1x2x128xi32, #tpu.memory_space<vmem>>) target_semaphore(%arg22 : memref<!tpu.dma_semaphore, #tpu.memory_space<semaphore_mem>>)
        } else {
        }
      }
      %scan3A_225 = arith.constant 78 : i32
      %dma_wait3A_226 = arith.constant 0 : i32
      %dma_wait3A_227 = arith.constant 0 : i32
      %dma_wait3A_228 = arith.constant 0 : i32
      %dma_wait3A_229 = tpu.memref_slice %arg13[%dma_wait3A_226, %dma_wait3A_227, %dma_wait3A_228] : memref<1x2x128xi32, #tpu.memory_space<vmem>> -> memref<1x1x128xi32, #tpu.memory_space<vmem>>
      %dma_wait3A_230 = tpu.memref_squeeze %dma_wait3A_229 : memref<1x1x128xi32, #tpu.memory_space<vmem>> -> memref<128xi32, #tpu.memory_space<vmem>>
      %dma_wait3A_231 = arith.constant 0 : i32
      %dma_wait3A_232 = arith.constant 0 : i32
      %dma_wait3A_233 = tpu.memref_slice %arg3[%dma_wait3A_231, %dma_wait3A_232] : memref<10240x128xf32, #tpu.memory_space<hbm>> -> memref<10240x128xf32, #tpu.memory_space<hbm>>
      tpu.wait_indirect_dma semaphore(%arg19 : memref<!tpu.dma_semaphore, #tpu.memory_space<semaphore_mem>>) src(%dma_wait3A_233 : memref<10240x128xf32, #tpu.memory_space<hbm>>) dst(%arg15 : memref<128x128xf32, #tpu.memory_space<vmem>>)
      %gt3A_234 = arith.constant 156 : i32
      %gt3A_235 = arith.cmpi sgt, %sub3A_50, %gt3A_234 : i32
      %convert_element_type3A_236 = arith.extui %gt3A_235 : i1 to i32
      %cond3A_237 = arith.constant 0 : i32
      %cond3A_238 = arith.cmpi ne, %convert_element_type3A_236, %cond3A_237 : i32
      scf.if %cond3A_238 {
        %run_scoped3A_240 = arith.constant 0 : i32
        %run_scoped3A_241 = arith.constant 1 : i32
        "tpu.region"() ({
          %run_scoped3A_242 = tpu.sem_alloc : memref<!tpu.dma_semaphore, #tpu.memory_space<semaphore_mem>>
          %dma_start3A_243 = arith.constant 0 : i32
          %dma_start3A_244 = tpu.memref_slice %arg13[%run_scoped3A_240, %run_scoped3A_241, %dma_start3A_243] : memref<1x2x128xi32, #tpu.memory_space<vmem>> -> memref<1x1x128xi32, #tpu.memory_space<vmem>>
          %dma_start3A_245 = tpu.memref_squeeze %dma_start3A_244 : memref<1x1x128xi32, #tpu.memory_space<vmem>> -> memref<128xi32, #tpu.memory_space<vmem>>
          %dma_start3A_246 = arith.constant 0 : i32
          %dma_start3A_247 = arith.constant 0 : i32
          %dma_start3A_248 = tpu.memref_slice %arg18[%dma_start3A_246, %dma_start3A_247] : memref<10240x128xf32, #tpu.memory_space<vmem_shared>> -> memref<10240x128xf32, #tpu.memory_space<vmem_shared>>
          tpu.enqueue_indirect_dma source(%arg15 : memref<128x128xf32, #tpu.memory_space<vmem>>) target(%dma_start3A_248 : memref<10240x128xf32, #tpu.memory_space<vmem_shared>>) offsets(%dma_start3A_245 : memref<128xi32, #tpu.memory_space<vmem>>) semaphore(%run_scoped3A_242 : memref<!tpu.dma_semaphore, #tpu.memory_space<semaphore_mem>>) {add = true}
          %dma_wait3A_249 = arith.constant 0 : i32
          %dma_wait3A_250 = tpu.memref_slice %arg13[%run_scoped3A_240, %run_scoped3A_241, %dma_wait3A_249] : memref<1x2x128xi32, #tpu.memory_space<vmem>> -> memref<1x1x128xi32, #tpu.memory_space<vmem>>
          %dma_wait3A_251 = tpu.memref_squeeze %dma_wait3A_250 : memref<1x1x128xi32, #tpu.memory_space<vmem>> -> memref<128xi32, #tpu.memory_space<vmem>>
          %dma_wait3A_252 = arith.constant 0 : i32
          %dma_wait3A_253 = arith.constant 0 : i32
          %dma_wait3A_254 = tpu.memref_slice %arg18[%dma_wait3A_252, %dma_wait3A_253] : memref<10240x128xf32, #tpu.memory_space<vmem_shared>> -> memref<10240x128xf32, #tpu.memory_space<vmem_shared>>
          tpu.wait_indirect_dma semaphore(%run_scoped3A_242 : memref<!tpu.dma_semaphore, #tpu.memory_space<semaphore_mem>>) src(%arg15 : memref<128x128xf32, #tpu.memory_space<vmem>>) dst(%dma_wait3A_254 : memref<10240x128xf32, #tpu.memory_space<vmem_shared>>)
          tpu.yield
        }) : () -> ()
      } else {
      }
      %barrier3A_239 = arith.constant 0 : index
      tpu.barrier barrier_id(%barrier3A_239)
      "tpu.region"() ({
        %run_scoped3A_240 = tpu.sem_alloc : memref<!tpu.dma_semaphore, #tpu.memory_space<semaphore_mem>>
        %dma_start3A_241 = arith.constant 0 : i32
        %dma_start3A_242 = tpu.memref_slice %arg8[%mul3A_4, %dma_start3A_241] : memref<10240x128xf32, #tpu.memory_space<hbm>> -> memref<640x128xf32, #tpu.memory_space<hbm>>
        %dma_start3A_243 = arith.constant 0 : i32
        %dma_start3A_244 = tpu.memref_slice %arg18[%mul3A_4, %dma_start3A_243] : memref<10240x128xf32, #tpu.memory_space<vmem_shared>> -> memref<640x128xf32, #tpu.memory_space<vmem_shared>>
        tpu.enqueue_dma source(%dma_start3A_244 : memref<640x128xf32, #tpu.memory_space<vmem_shared>>) target(%dma_start3A_242 : memref<640x128xf32, #tpu.memory_space<hbm>>) target_semaphore(%run_scoped3A_240 : memref<!tpu.dma_semaphore, #tpu.memory_space<semaphore_mem>>)
        %dma_wait3A_245 = arith.constant 0 : i32
        %dma_wait3A_246 = tpu.memref_slice %arg8[%mul3A_4, %dma_wait3A_245] : memref<10240x128xf32, #tpu.memory_space<hbm>> -> memref<640x128xf32, #tpu.memory_space<hbm>>
        %dma_wait3A_247 = arith.constant 0 : i32
        %dma_wait3A_248 = tpu.memref_slice %arg18[%mul3A_4, %dma_wait3A_247] : memref<10240x128xf32, #tpu.memory_space<vmem_shared>> -> memref<640x128xf32, #tpu.memory_space<vmem_shared>>
        tpu.wait_dma2 semaphore(%run_scoped3A_240 : memref<!tpu.dma_semaphore, #tpu.memory_space<semaphore_mem>>) src(%dma_wait3A_248 : memref<640x128xf32, #tpu.memory_space<vmem_shared>>) dst(%dma_wait3A_246 : memref<640x128xf32, #tpu.memory_space<hbm>>)
        tpu.yield
      }) : () -> ()
    } else {
    }
    %eq3A_131 = arith.constant 1 : i32
    %eq3A_132 = arith.cmpi eq, %arg0, %eq3A_131 : i32
    %convert_element_type3A_133 = arith.extui %eq3A_132 : i1 to i32
    %cond3A_134 = arith.constant 0 : i32
    %cond3A_135 = arith.cmpi ne, %convert_element_type3A_133, %cond3A_134 : i32
    scf.if %cond3A_135 {
      %scan3A_136 = arith.constant 0 : i32
      %scan3A_137 = arith.constant 20 : i32
      %scan3A_138 = arith.addi %scan3A_136, %scan3A_137 : i32
      %scan3A_139 = arith.constant 1 : i32
      scf.for %scan3A_240 = %scan3A_136 to %scan3A_138 step %scan3A_139  : i32 {
        %mul3A_241 = arith.constant 32 : i32
        %mul3A_242 = arith.muli %scan3A_240, %mul3A_241 : i32
        %add3A_243 = arith.constant 0 : i32
        %add3A_244 = arith.addi %add3A_243, %mul3A_242 : i32
        %add3A_245 = arith.addi %mul3A_4, %add3A_244 : i32
        "tpu.region"() ({
          %run_scoped3A_246 = tpu.sem_alloc : memref<!tpu.dma_semaphore, #tpu.memory_space<semaphore_mem>>
          %dma_start3A_247 = arith.constant 0 : i32
          %dma_start3A_248 = tpu.memref_slice %arg18[%add3A_245, %dma_start3A_247] : memref<10240x128xf32, #tpu.memory_space<vmem_shared>> -> memref<32x128xf32, #tpu.memory_space<vmem_shared>>
          %dma_start3A_249 = arith.constant 0 : i32
          %dma_start3A_250 = tpu.memref_slice %arg18[%add3A_245, %dma_start3A_249] : memref<10240x128xf32, #tpu.memory_space<vmem_shared>> -> memref<32x128xf32, #tpu.memory_space<vmem_shared>>
          tpu.enqueue_dma source(%arg17 : memref<32x128xf32, #tpu.memory_space<vmem>>) target(%dma_start3A_250 : memref<32x128xf32, #tpu.memory_space<vmem_shared>>) target_semaphore(%run_scoped3A_246 : memref<!tpu.dma_semaphore, #tpu.memory_space<semaphore_mem>>)
          %dma_wait3A_251 = arith.constant 0 : i32
          %dma_wait3A_252 = tpu.memref_slice %arg18[%add3A_245, %dma_wait3A_251] : memref<10240x128xf32, #tpu.memory_space<vmem_shared>> -> memref<32x128xf32, #tpu.memory_space<vmem_shared>>
          %dma_wait3A_253 = arith.constant 0 : i32
          %dma_wait3A_254 = tpu.memref_slice %arg18[%add3A_245, %dma_wait3A_253] : memref<10240x128xf32, #tpu.memory_space<vmem_shared>> -> memref<32x128xf32, #tpu.memory_space<vmem_shared>>
          tpu.wait_dma2 semaphore(%run_scoped3A_246 : memref<!tpu.dma_semaphore, #tpu.memory_space<semaphore_mem>>) src(%arg17 : memref<32x128xf32, #tpu.memory_space<vmem>>) dst(%dma_wait3A_254 : memref<32x128xf32, #tpu.memory_space<vmem_shared>>)
          tpu.yield
        }) : () -> ()
      }
      %scan3A_140 = arith.constant 20 : i32
      %barrier3A = arith.constant 0 : index
      tpu.barrier barrier_id(%barrier3A)
      "tpu.region"() ({
        %run_scoped3A_240 = tpu.sem_alloc : memref<!tpu.dma_semaphore, #tpu.memory_space<semaphore_mem>>
        %dma_start3A_241 = arith.constant 0 : i32
        %dma_start3A_242 = arith.constant 0 : i32
        %dma_start3A_243 = tpu.memref_slice %arg6[%select_n3A, %dma_start3A_241, %dma_start3A_242] : memref<2500x2x128xi32, #tpu.memory_space<hbm>> -> memref<1x2x128xi32, #tpu.memory_space<hbm>>
        %dma_start3A_244 = arith.constant 0 : i32
        %dma_start3A_245 = arith.constant 0 : i32
        %dma_start3A_246 = tpu.memref_slice %arg6[%select_n3A, %dma_start3A_244, %dma_start3A_245] : memref<2500x2x128xi32, #tpu.memory_space<hbm>> -> memref<1x2x128xi32, #tpu.memory_space<hbm>>
        tpu.enqueue_dma source(%dma_start3A_246 : memref<1x2x128xi32, #tpu.memory_space<hbm>>) target(%arg13 : memref<1x2x128xi32, #tpu.memory_space<vmem>>) target_semaphore(%run_scoped3A_240 : memref<!tpu.dma_semaphore, #tpu.memory_space<semaphore_mem>>)
        %dma_wait3A_247 = arith.constant 0 : i32
        %dma_wait3A_248 = arith.constant 0 : i32
        %dma_wait3A_249 = tpu.memref_slice %arg6[%select_n3A, %dma_wait3A_247, %dma_wait3A_248] : memref<2500x2x128xi32, #tpu.memory_space<hbm>> -> memref<1x2x128xi32, #tpu.memory_space<hbm>>
        %dma_wait3A_250 = arith.constant 0 : i32
        %dma_wait3A_251 = arith.constant 0 : i32
        %dma_wait3A_252 = tpu.memref_slice %arg6[%select_n3A, %dma_wait3A_250, %dma_wait3A_251] : memref<2500x2x128xi32, #tpu.memory_space<hbm>> -> memref<1x2x128xi32, #tpu.memory_space<hbm>>
        tpu.wait_dma2 semaphore(%run_scoped3A_240 : memref<!tpu.dma_semaphore, #tpu.memory_space<semaphore_mem>>) src(%dma_wait3A_252 : memref<1x2x128xi32, #tpu.memory_space<hbm>>) dst(%arg13 : memref<1x2x128xi32, #tpu.memory_space<vmem>>)
        tpu.yield
      }) : () -> ()
      %dma_start3A = arith.constant 0 : i32
      %dma_start3A_141 = arith.constant 0 : i32
      %dma_start3A_142 = arith.constant 0 : i32
      %dma_start3A_143 = arith.constant 0 : i32
      %dma_start3A_144 = tpu.memref_slice %arg15[%dma_start3A_142, %dma_start3A_143] : memref<128x128xf32, #tpu.memory_space<vmem>> -> memref<128x128xf32, #tpu.memory_space<vmem>>
      %dma_start3A_145 = arith.constant 0 : i32
      %dma_start3A_146 = tpu.memref_slice %arg13[%dma_start3A, %dma_start3A_141, %dma_start3A_145] : memref<1x2x128xi32, #tpu.memory_space<vmem>> -> memref<1x1x128xi32, #tpu.memory_space<vmem>>
      %dma_start3A_147 = tpu.memref_squeeze %dma_start3A_146 : memref<1x1x128xi32, #tpu.memory_space<vmem>> -> memref<128xi32, #tpu.memory_space<vmem>>
      %dma_start3A_148 = arith.constant 0 : i32
      %dma_start3A_149 = arith.constant 0 : i32
      %dma_start3A_150 = tpu.memref_slice %arg4[%dma_start3A_148, %dma_start3A_149] : memref<10240x128xf32, #tpu.memory_space<hbm>> -> memref<10240x128xf32, #tpu.memory_space<hbm>>
      tpu.enqueue_indirect_dma source(%dma_start3A_150 : memref<10240x128xf32, #tpu.memory_space<hbm>>) target(%dma_start3A_144 : memref<128x128xf32, #tpu.memory_space<vmem>>) offsets(%dma_start3A_147 : memref<128xi32, #tpu.memory_space<vmem>>) semaphore(%arg19 : memref<!tpu.dma_semaphore, #tpu.memory_space<semaphore_mem>>)
      %add3A_151 = arith.constant 1 : i32
      %add3A_152 = arith.addi %select_n3A, %add3A_151 : i32
      %dma_start3A_153 = arith.constant 0 : i32
      %dma_start3A_154 = arith.constant 0 : i32
      %dma_start3A_155 = tpu.memref_slice %arg6[%add3A_152, %dma_start3A_153, %dma_start3A_154] : memref<2500x2x128xi32, #tpu.memory_space<hbm>> -> memref<1x2x128xi32, #tpu.memory_space<hbm>>
      %dma_start3A_156 = arith.constant 0 : i32
      %dma_start3A_157 = arith.constant 0 : i32
      %dma_start3A_158 = tpu.memref_slice %arg6[%add3A_152, %dma_start3A_156, %dma_start3A_157] : memref<2500x2x128xi32, #tpu.memory_space<hbm>> -> memref<1x2x128xi32, #tpu.memory_space<hbm>>
      tpu.enqueue_dma source(%dma_start3A_158 : memref<1x2x128xi32, #tpu.memory_space<hbm>>) target(%arg14 : memref<1x2x128xi32, #tpu.memory_space<vmem>>) target_semaphore(%arg22 : memref<!tpu.dma_semaphore, #tpu.memory_space<semaphore_mem>>)
      %scan3A_159 = arith.constant 0 : i32
      %scan3A_160 = arith.constant 78 : i32
      %scan3A_161 = arith.addi %scan3A_159, %scan3A_160 : i32
      %scan3A_162 = arith.constant 1 : i32
      scf.for %scan3A_240 = %scan3A_159 to %scan3A_161 step %scan3A_162  : i32 {
        %mul3A_241 = arith.constant 2 : i32
        %mul3A_242 = arith.muli %scan3A_240, %mul3A_241 : i32
        %add3A_243 = arith.constant 0 : i32
        %add3A_244 = arith.addi %add3A_243, %mul3A_242 : i32
        %dma_wait3A_245 = arith.constant 0 : i32
        %dma_wait3A_246 = arith.constant 0 : i32
        %dma_wait3A_247 = arith.constant 0 : i32
        %dma_wait3A_248 = tpu.memref_slice %arg13[%dma_wait3A_245, %dma_wait3A_246, %dma_wait3A_247] : memref<1x2x128xi32, #tpu.memory_space<vmem>> -> memref<1x1x128xi32, #tpu.memory_space<vmem>>
        %dma_wait3A_249 = tpu.memref_squeeze %dma_wait3A_248 : memref<1x1x128xi32, #tpu.memory_space<vmem>> -> memref<128xi32, #tpu.memory_space<vmem>>
        %dma_wait3A_250 = arith.constant 0 : i32
        %dma_wait3A_251 = arith.constant 0 : i32
        %dma_wait3A_252 = tpu.memref_slice %arg4[%dma_wait3A_250, %dma_wait3A_251] : memref<10240x128xf32, #tpu.memory_space<hbm>> -> memref<10240x128xf32, #tpu.memory_space<hbm>>
        tpu.wait_indirect_dma semaphore(%arg19 : memref<!tpu.dma_semaphore, #tpu.memory_space<semaphore_mem>>) src(%dma_wait3A_252 : memref<10240x128xf32, #tpu.memory_space<hbm>>) dst(%arg15 : memref<128x128xf32, #tpu.memory_space<vmem>>)
        %dma_wait3A_253 = arith.constant 0 : i32
        %dma_wait3A_254 = arith.constant 0 : i32
        %dma_wait3A_255 = tpu.memref_slice %arg6[%select_n3A, %dma_wait3A_253, %dma_wait3A_254] : memref<2500x2x128xi32, #tpu.memory_space<hbm>> -> memref<1x2x128xi32, #tpu.memory_space<hbm>>
        %dma_wait3A_256 = arith.constant 0 : i32
        %dma_wait3A_257 = arith.constant 0 : i32
        %dma_wait3A_258 = tpu.memref_slice %arg6[%select_n3A, %dma_wait3A_256, %dma_wait3A_257] : memref<2500x2x128xi32, #tpu.memory_space<hbm>> -> memref<1x2x128xi32, #tpu.memory_space<hbm>>
        tpu.wait_dma2 semaphore(%arg22 : memref<!tpu.dma_semaphore, #tpu.memory_space<semaphore_mem>>) src(%dma_wait3A_258 : memref<1x2x128xi32, #tpu.memory_space<hbm>>) dst(%arg14 : memref<1x2x128xi32, #tpu.memory_space<vmem>>)
        %dma_start3A_259 = arith.constant 0 : i32
        %dma_start3A_260 = arith.constant 0 : i32
        %dma_start3A_261 = arith.constant 0 : i32
        %dma_start3A_262 = arith.constant 0 : i32
        %dma_start3A_263 = tpu.memref_slice %arg16[%dma_start3A_261, %dma_start3A_262] : memref<128x128xf32, #tpu.memory_space<vmem>> -> memref<128x128xf32, #tpu.memory_space<vmem>>
        %dma_start3A_264 = arith.constant 0 : i32
        %dma_start3A_265 = tpu.memref_slice %arg14[%dma_start3A_259, %dma_start3A_260, %dma_start3A_264] : memref<1x2x128xi32, #tpu.memory_space<vmem>> -> memref<1x1x128xi32, #tpu.memory_space<vmem>>
        %dma_start3A_266 = tpu.memref_squeeze %dma_start3A_265 : memref<1x1x128xi32, #tpu.memory_space<vmem>> -> memref<128xi32, #tpu.memory_space<vmem>>
        %dma_start3A_267 = arith.constant 0 : i32
        %dma_start3A_268 = arith.constant 0 : i32
        %dma_start3A_269 = tpu.memref_slice %arg4[%dma_start3A_267, %dma_start3A_268] : memref<10240x128xf32, #tpu.memory_space<hbm>> -> memref<10240x128xf32, #tpu.memory_space<hbm>>
        tpu.enqueue_indirect_dma source(%dma_start3A_269 : memref<10240x128xf32, #tpu.memory_space<hbm>>) target(%dma_start3A_263 : memref<128x128xf32, #tpu.memory_space<vmem>>) offsets(%dma_start3A_266 : memref<128xi32, #tpu.memory_space<vmem>>) semaphore(%arg20 : memref<!tpu.dma_semaphore, #tpu.memory_space<semaphore_mem>>)
        %lt3A = arith.cmpi slt, %add3A_244, %sub3A_50 : i32
        %convert_element_type3A_270 = arith.extui %lt3A : i1 to i32
        %cond3A_271 = arith.constant 0 : i32
        %cond3A_272 = arith.cmpi ne, %convert_element_type3A_270, %cond3A_271 : i32
        scf.if %cond3A_272 {
          %run_scoped3A_332 = arith.constant 0 : i32
          %run_scoped3A_333 = arith.constant 1 : i32
          "tpu.region"() ({
            %run_scoped3A_334 = tpu.sem_alloc : memref<!tpu.dma_semaphore, #tpu.memory_space<semaphore_mem>>
            %dma_start3A_335 = arith.constant 0 : i32
            %dma_start3A_336 = tpu.memref_slice %arg13[%run_scoped3A_332, %run_scoped3A_333, %dma_start3A_335] : memref<1x2x128xi32, #tpu.memory_space<vmem>> -> memref<1x1x128xi32, #tpu.memory_space<vmem>>
            %dma_start3A_337 = tpu.memref_squeeze %dma_start3A_336 : memref<1x1x128xi32, #tpu.memory_space<vmem>> -> memref<128xi32, #tpu.memory_space<vmem>>
            %dma_start3A_338 = arith.constant 0 : i32
            %dma_start3A_339 = arith.constant 0 : i32
            %dma_start3A_340 = tpu.memref_slice %arg18[%dma_start3A_338, %dma_start3A_339] : memref<10240x128xf32, #tpu.memory_space<vmem_shared>> -> memref<10240x128xf32, #tpu.memory_space<vmem_shared>>
            tpu.enqueue_indirect_dma source(%arg15 : memref<128x128xf32, #tpu.memory_space<vmem>>) target(%dma_start3A_340 : memref<10240x128xf32, #tpu.memory_space<vmem_shared>>) offsets(%dma_start3A_337 : memref<128xi32, #tpu.memory_space<vmem>>) semaphore(%run_scoped3A_334 : memref<!tpu.dma_semaphore, #tpu.memory_space<semaphore_mem>>) {add = true}
            %dma_wait3A_341 = arith.constant 0 : i32
            %dma_wait3A_342 = tpu.memref_slice %arg13[%run_scoped3A_332, %run_scoped3A_333, %dma_wait3A_341] : memref<1x2x128xi32, #tpu.memory_space<vmem>> -> memref<1x1x128xi32, #tpu.memory_space<vmem>>
            %dma_wait3A_343 = tpu.memref_squeeze %dma_wait3A_342 : memref<1x1x128xi32, #tpu.memory_space<vmem>> -> memref<128xi32, #tpu.memory_space<vmem>>
            %dma_wait3A_344 = arith.constant 0 : i32
            %dma_wait3A_345 = arith.constant 0 : i32
            %dma_wait3A_346 = tpu.memref_slice %arg18[%dma_wait3A_344, %dma_wait3A_345] : memref<10240x128xf32, #tpu.memory_space<vmem_shared>> -> memref<10240x128xf32, #tpu.memory_space<vmem_shared>>
            tpu.wait_indirect_dma semaphore(%run_scoped3A_334 : memref<!tpu.dma_semaphore, #tpu.memory_space<semaphore_mem>>) src(%arg15 : memref<128x128xf32, #tpu.memory_space<vmem>>) dst(%dma_wait3A_346 : memref<10240x128xf32, #tpu.memory_space<vmem_shared>>)
            tpu.yield
          }) : () -> ()
        } else {
        }
        %lt3A_273 = arith.cmpi slt, %add3A_244, %sub3A_50 : i32
        %eq3A_274 = arith.constant 0 : i32
        %eq3A_275 = arith.cmpi eq, %arg0, %eq3A_274 : i32
        %and3A_276 = arith.andi %lt3A_273, %eq3A_275 : i1
        %convert_element_type3A_277 = arith.extui %and3A_276 : i1 to i32
        %cond3A_278 = arith.constant 0 : i32
        %cond3A_279 = arith.cmpi ne, %convert_element_type3A_277, %cond3A_278 : i32
        scf.if %cond3A_279 {
          %run_scoped3A_332 = arith.constant 0 : i32
          %run_scoped3A_333 = arith.constant 0 : i32
          %run_scoped3A_334 = arith.constant 1 : i32
          "tpu.region"() ({
            %run_scoped3A_335 = tpu.sem_alloc : memref<!tpu.dma_semaphore, #tpu.memory_space<semaphore_mem>>
            %dma_start3A_336 = arith.constant 0 : i32
            %dma_start3A_337 = tpu.memref_slice %arg23[%run_scoped3A_332, %dma_start3A_336] : memref<1x128xf32, #tpu.memory_space<vmem>> -> memref<1x128xf32, #tpu.memory_space<vmem>>
            %dma_start3A_338 = tpu.memref_squeeze %dma_start3A_337 : memref<1x128xf32, #tpu.memory_space<vmem>> -> memref<128xf32, #tpu.memory_space<vmem>>
            %dma_start3A_339 = arith.constant 0 : i32
            %dma_start3A_340 = tpu.memref_slice %arg13[%run_scoped3A_333, %run_scoped3A_334, %dma_start3A_339] : memref<1x2x128xi32, #tpu.memory_space<vmem>> -> memref<1x1x128xi32, #tpu.memory_space<vmem>>
            %dma_start3A_341 = tpu.memref_squeeze %dma_start3A_340 : memref<1x1x128xi32, #tpu.memory_space<vmem>> -> memref<128xi32, #tpu.memory_space<vmem>>
            %dma_start3A_342 = arith.constant 0 : i32
            %dma_start3A_343 = tpu.memref_slice %arg24[%dma_start3A_342] : memref<10240xf32, #tpu.memory_space<vmem_shared>> -> memref<10240xf32, #tpu.memory_space<vmem_shared>>
            tpu.enqueue_indirect_dma source(%dma_start3A_338 : memref<128xf32, #tpu.memory_space<vmem>>) target(%dma_start3A_343 : memref<10240xf32, #tpu.memory_space<vmem_shared>>) offsets(%dma_start3A_341 : memref<128xi32, #tpu.memory_space<vmem>>) semaphore(%run_scoped3A_335 : memref<!tpu.dma_semaphore, #tpu.memory_space<semaphore_mem>>) {add = true}
            %dma_wait3A_344 = arith.constant 0 : i32
            %dma_wait3A_345 = tpu.memref_slice %arg23[%run_scoped3A_332, %dma_wait3A_344] : memref<1x128xf32, #tpu.memory_space<vmem>> -> memref<1x128xf32, #tpu.memory_space<vmem>>
            %dma_wait3A_346 = tpu.memref_squeeze %dma_wait3A_345 : memref<1x128xf32, #tpu.memory_space<vmem>> -> memref<128xf32, #tpu.memory_space<vmem>>
            %dma_wait3A_347 = arith.constant 0 : i32
            %dma_wait3A_348 = tpu.memref_slice %arg13[%run_scoped3A_333, %run_scoped3A_334, %dma_wait3A_347] : memref<1x2x128xi32, #tpu.memory_space<vmem>> -> memref<1x1x128xi32, #tpu.memory_space<vmem>>
            %dma_wait3A_349 = tpu.memref_squeeze %dma_wait3A_348 : memref<1x1x128xi32, #tpu.memory_space<vmem>> -> memref<128xi32, #tpu.memory_space<vmem>>
            %dma_wait3A_350 = arith.constant 0 : i32
            %dma_wait3A_351 = tpu.memref_slice %arg24[%dma_wait3A_350] : memref<10240xf32, #tpu.memory_space<vmem_shared>> -> memref<10240xf32, #tpu.memory_space<vmem_shared>>
            tpu.wait_indirect_dma semaphore(%run_scoped3A_335 : memref<!tpu.dma_semaphore, #tpu.memory_space<semaphore_mem>>) src(%dma_wait3A_346 : memref<128xf32, #tpu.memory_space<vmem>>) dst(%dma_wait3A_351 : memref<10240xf32, #tpu.memory_space<vmem_shared>>)
            tpu.yield
          }) : () -> ()
        } else {
        }
        %add3A_280 = arith.constant 2 : i32
        %add3A_281 = arith.addi %add3A_244, %add3A_280 : i32
        %lt3A_282 = arith.constant 157 : i32
        %lt3A_283 = arith.cmpi slt, %add3A_281, %lt3A_282 : i32
        %convert_element_type3A_284 = arith.extui %lt3A_283 : i1 to i32
        %cond3A_285 = arith.constant 0 : i32
        %cond3A_286 = arith.cmpi ne, %convert_element_type3A_284, %cond3A_285 : i32
        scf.if %cond3A_286 {
          %add3A_332 = arith.addi %select_n3A, %add3A_244 : i32
          %add3A_333 = arith.constant 2 : i32
          %add3A_334 = arith.addi %add3A_332, %add3A_333 : i32
          %dma_start3A_335 = arith.constant 0 : i32
          %dma_start3A_336 = arith.constant 0 : i32
          %dma_start3A_337 = tpu.memref_slice %arg6[%add3A_334, %dma_start3A_335, %dma_start3A_336] : memref<2500x2x128xi32, #tpu.memory_space<hbm>> -> memref<1x2x128xi32, #tpu.memory_space<hbm>>
          %dma_start3A_338 = arith.constant 0 : i32
          %dma_start3A_339 = arith.constant 0 : i32
          %dma_start3A_340 = tpu.memref_slice %arg6[%add3A_334, %dma_start3A_338, %dma_start3A_339] : memref<2500x2x128xi32, #tpu.memory_space<hbm>> -> memref<1x2x128xi32, #tpu.memory_space<hbm>>
          tpu.enqueue_dma source(%dma_start3A_340 : memref<1x2x128xi32, #tpu.memory_space<hbm>>) target(%arg13 : memref<1x2x128xi32, #tpu.memory_space<vmem>>) target_semaphore(%arg21 : memref<!tpu.dma_semaphore, #tpu.memory_space<semaphore_mem>>)
        } else {
        }
        %add3A_287 = arith.constant 1 : i32
        %add3A_288 = arith.addi %add3A_244, %add3A_287 : i32
        %dma_wait3A_289 = arith.constant 0 : i32
        %dma_wait3A_290 = arith.constant 0 : i32
        %dma_wait3A_291 = arith.constant 0 : i32
        %dma_wait3A_292 = tpu.memref_slice %arg13[%dma_wait3A_289, %dma_wait3A_290, %dma_wait3A_291] : memref<1x2x128xi32, #tpu.memory_space<vmem>> -> memref<1x1x128xi32, #tpu.memory_space<vmem>>
        %dma_wait3A_293 = tpu.memref_squeeze %dma_wait3A_292 : memref<1x1x128xi32, #tpu.memory_space<vmem>> -> memref<128xi32, #tpu.memory_space<vmem>>
        %dma_wait3A_294 = arith.constant 0 : i32
        %dma_wait3A_295 = arith.constant 0 : i32
        %dma_wait3A_296 = tpu.memref_slice %arg4[%dma_wait3A_294, %dma_wait3A_295] : memref<10240x128xf32, #tpu.memory_space<hbm>> -> memref<10240x128xf32, #tpu.memory_space<hbm>>
        tpu.wait_indirect_dma semaphore(%arg20 : memref<!tpu.dma_semaphore, #tpu.memory_space<semaphore_mem>>) src(%dma_wait3A_296 : memref<10240x128xf32, #tpu.memory_space<hbm>>) dst(%arg16 : memref<128x128xf32, #tpu.memory_space<vmem>>)
        %dma_wait3A_297 = arith.constant 0 : i32
        %dma_wait3A_298 = arith.constant 0 : i32
        %dma_wait3A_299 = tpu.memref_slice %arg6[%select_n3A, %dma_wait3A_297, %dma_wait3A_298] : memref<2500x2x128xi32, #tpu.memory_space<hbm>> -> memref<1x2x128xi32, #tpu.memory_space<hbm>>
        %dma_wait3A_300 = arith.constant 0 : i32
        %dma_wait3A_301 = arith.constant 0 : i32
        %dma_wait3A_302 = tpu.memref_slice %arg6[%select_n3A, %dma_wait3A_300, %dma_wait3A_301] : memref<2500x2x128xi32, #tpu.memory_space<hbm>> -> memref<1x2x128xi32, #tpu.memory_space<hbm>>
        tpu.wait_dma2 semaphore(%arg21 : memref<!tpu.dma_semaphore, #tpu.memory_space<semaphore_mem>>) src(%dma_wait3A_302 : memref<1x2x128xi32, #tpu.memory_space<hbm>>) dst(%arg13 : memref<1x2x128xi32, #tpu.memory_space<vmem>>)
        %dma_start3A_303 = arith.constant 0 : i32
        %dma_start3A_304 = arith.constant 0 : i32
        %dma_start3A_305 = arith.constant 0 : i32
        %dma_start3A_306 = arith.constant 0 : i32
        %dma_start3A_307 = tpu.memref_slice %arg15[%dma_start3A_305, %dma_start3A_306] : memref<128x128xf32, #tpu.memory_space<vmem>> -> memref<128x128xf32, #tpu.memory_space<vmem>>
        %dma_start3A_308 = arith.constant 0 : i32
        %dma_start3A_309 = tpu.memref_slice %arg13[%dma_start3A_303, %dma_start3A_304, %dma_start3A_308] : memref<1x2x128xi32, #tpu.memory_space<vmem>> -> memref<1x1x128xi32, #tpu.memory_space<vmem>>
        %dma_start3A_310 = tpu.memref_squeeze %dma_start3A_309 : memref<1x1x128xi32, #tpu.memory_space<vmem>> -> memref<128xi32, #tpu.memory_space<vmem>>
        %dma_start3A_311 = arith.constant 0 : i32
        %dma_start3A_312 = arith.constant 0 : i32
        %dma_start3A_313 = tpu.memref_slice %arg4[%dma_start3A_311, %dma_start3A_312] : memref<10240x128xf32, #tpu.memory_space<hbm>> -> memref<10240x128xf32, #tpu.memory_space<hbm>>
        tpu.enqueue_indirect_dma source(%dma_start3A_313 : memref<10240x128xf32, #tpu.memory_space<hbm>>) target(%dma_start3A_307 : memref<128x128xf32, #tpu.memory_space<vmem>>) offsets(%dma_start3A_310 : memref<128xi32, #tpu.memory_space<vmem>>) semaphore(%arg19 : memref<!tpu.dma_semaphore, #tpu.memory_space<semaphore_mem>>)
        %lt3A_314 = arith.cmpi slt, %add3A_288, %sub3A_50 : i32
        %convert_element_type3A_315 = arith.extui %lt3A_314 : i1 to i32
        %cond3A_316 = arith.constant 0 : i32
        %cond3A_317 = arith.cmpi ne, %convert_element_type3A_315, %cond3A_316 : i32
        scf.if %cond3A_317 {
          %run_scoped3A_332 = arith.constant 0 : i32
          %run_scoped3A_333 = arith.constant 1 : i32
          "tpu.region"() ({
            %run_scoped3A_334 = tpu.sem_alloc : memref<!tpu.dma_semaphore, #tpu.memory_space<semaphore_mem>>
            %dma_start3A_335 = arith.constant 0 : i32
            %dma_start3A_336 = tpu.memref_slice %arg14[%run_scoped3A_332, %run_scoped3A_333, %dma_start3A_335] : memref<1x2x128xi32, #tpu.memory_space<vmem>> -> memref<1x1x128xi32, #tpu.memory_space<vmem>>
            %dma_start3A_337 = tpu.memref_squeeze %dma_start3A_336 : memref<1x1x128xi32, #tpu.memory_space<vmem>> -> memref<128xi32, #tpu.memory_space<vmem>>
            %dma_start3A_338 = arith.constant 0 : i32
            %dma_start3A_339 = arith.constant 0 : i32
            %dma_start3A_340 = tpu.memref_slice %arg18[%dma_start3A_338, %dma_start3A_339] : memref<10240x128xf32, #tpu.memory_space<vmem_shared>> -> memref<10240x128xf32, #tpu.memory_space<vmem_shared>>
            tpu.enqueue_indirect_dma source(%arg16 : memref<128x128xf32, #tpu.memory_space<vmem>>) target(%dma_start3A_340 : memref<10240x128xf32, #tpu.memory_space<vmem_shared>>) offsets(%dma_start3A_337 : memref<128xi32, #tpu.memory_space<vmem>>) semaphore(%run_scoped3A_334 : memref<!tpu.dma_semaphore, #tpu.memory_space<semaphore_mem>>) {add = true}
            %dma_wait3A_341 = arith.constant 0 : i32
            %dma_wait3A_342 = tpu.memref_slice %arg14[%run_scoped3A_332, %run_scoped3A_333, %dma_wait3A_341] : memref<1x2x128xi32, #tpu.memory_space<vmem>> -> memref<1x1x128xi32, #tpu.memory_space<vmem>>
            %dma_wait3A_343 = tpu.memref_squeeze %dma_wait3A_342 : memref<1x1x128xi32, #tpu.memory_space<vmem>> -> memref<128xi32, #tpu.memory_space<vmem>>
            %dma_wait3A_344 = arith.constant 0 : i32
            %dma_wait3A_345 = arith.constant 0 : i32
            %dma_wait3A_346 = tpu.memref_slice %arg18[%dma_wait3A_344, %dma_wait3A_345] : memref<10240x128xf32, #tpu.memory_space<vmem_shared>> -> memref<10240x128xf32, #tpu.memory_space<vmem_shared>>
            tpu.wait_indirect_dma semaphore(%run_scoped3A_334 : memref<!tpu.dma_semaphore, #tpu.memory_space<semaphore_mem>>) src(%arg16 : memref<128x128xf32, #tpu.memory_space<vmem>>) dst(%dma_wait3A_346 : memref<10240x128xf32, #tpu.memory_space<vmem_shared>>)
            tpu.yield
          }) : () -> ()
        } else {
        }
        %lt3A_318 = arith.cmpi slt, %add3A_288, %sub3A_50 : i32
        %eq3A_319 = arith.constant 1 : i32
        %eq3A_320 = arith.cmpi eq, %arg0, %eq3A_319 : i32
        %and3A_321 = arith.andi %lt3A_318, %eq3A_320 : i1
        %convert_element_type3A_322 = arith.extui %and3A_321 : i1 to i32
        %cond3A_323 = arith.constant 0 : i32
        %cond3A_324 = arith.cmpi ne, %convert_element_type3A_322, %cond3A_323 : i32
        scf.if %cond3A_324 {
          %run_scoped3A_332 = arith.constant 0 : i32
          %run_scoped3A_333 = arith.constant 0 : i32
          %run_scoped3A_334 = arith.constant 1 : i32
          "tpu.region"() ({
            %run_scoped3A_335 = tpu.sem_alloc : memref<!tpu.dma_semaphore, #tpu.memory_space<semaphore_mem>>
            %dma_start3A_336 = arith.constant 0 : i32
            %dma_start3A_337 = tpu.memref_slice %arg23[%run_scoped3A_332, %dma_start3A_336] : memref<1x128xf32, #tpu.memory_space<vmem>> -> memref<1x128xf32, #tpu.memory_space<vmem>>
            %dma_start3A_338 = tpu.memref_squeeze %dma_start3A_337 : memref<1x128xf32, #tpu.memory_space<vmem>> -> memref<128xf32, #tpu.memory_space<vmem>>
            %dma_start3A_339 = arith.constant 0 : i32
            %dma_start3A_340 = tpu.memref_slice %arg14[%run_scoped3A_333, %run_scoped3A_334, %dma_start3A_339] : memref<1x2x128xi32, #tpu.memory_space<vmem>> -> memref<1x1x128xi32, #tpu.memory_space<vmem>>
            %dma_start3A_341 = tpu.memref_squeeze %dma_start3A_340 : memref<1x1x128xi32, #tpu.memory_space<vmem>> -> memref<128xi32, #tpu.memory_space<vmem>>
            %dma_start3A_342 = arith.constant 0 : i32
            %dma_start3A_343 = tpu.memref_slice %arg24[%dma_start3A_342] : memref<10240xf32, #tpu.memory_space<vmem_shared>> -> memref<10240xf32, #tpu.memory_space<vmem_shared>>
            tpu.enqueue_indirect_dma source(%dma_start3A_338 : memref<128xf32, #tpu.memory_space<vmem>>) target(%dma_start3A_343 : memref<10240xf32, #tpu.memory_space<vmem_shared>>) offsets(%dma_start3A_341 : memref<128xi32, #tpu.memory_space<vmem>>) semaphore(%run_scoped3A_335 : memref<!tpu.dma_semaphore, #tpu.memory_space<semaphore_mem>>) {add = true}
            %dma_wait3A_344 = arith.constant 0 : i32
            %dma_wait3A_345 = tpu.memref_slice %arg23[%run_scoped3A_332, %dma_wait3A_344] : memref<1x128xf32, #tpu.memory_space<vmem>> -> memref<1x128xf32, #tpu.memory_space<vmem>>
            %dma_wait3A_346 = tpu.memref_squeeze %dma_wait3A_345 : memref<1x128xf32, #tpu.memory_space<vmem>> -> memref<128xf32, #tpu.memory_space<vmem>>
            %dma_wait3A_347 = arith.constant 0 : i32
            %dma_wait3A_348 = tpu.memref_slice %arg14[%run_scoped3A_333, %run_scoped3A_334, %dma_wait3A_347] : memref<1x2x128xi32, #tpu.memory_space<vmem>> -> memref<1x1x128xi32, #tpu.memory_space<vmem>>
            %dma_wait3A_349 = tpu.memref_squeeze %dma_wait3A_348 : memref<1x1x128xi32, #tpu.memory_space<vmem>> -> memref<128xi32, #tpu.memory_space<vmem>>
            %dma_wait3A_350 = arith.constant 0 : i32
            %dma_wait3A_351 = tpu.memref_slice %arg24[%dma_wait3A_350] : memref<10240xf32, #tpu.memory_space<vmem_shared>> -> memref<10240xf32, #tpu.memory_space<vmem_shared>>
            tpu.wait_indirect_dma semaphore(%run_scoped3A_335 : memref<!tpu.dma_semaphore, #tpu.memory_space<semaphore_mem>>) src(%dma_wait3A_346 : memref<128xf32, #tpu.memory_space<vmem>>) dst(%dma_wait3A_351 : memref<10240xf32, #tpu.memory_space<vmem_shared>>)
            tpu.yield
          }) : () -> ()
        } else {
        }
        %add3A_325 = arith.constant 2 : i32
        %add3A_326 = arith.addi %add3A_288, %add3A_325 : i32
        %lt3A_327 = arith.constant 157 : i32
        %lt3A_328 = arith.cmpi slt, %add3A_326, %lt3A_327 : i32
        %convert_element_type3A_329 = arith.extui %lt3A_328 : i1 to i32
        %cond3A_330 = arith.constant 0 : i32
        %cond3A_331 = arith.cmpi ne, %convert_element_type3A_329, %cond3A_330 : i32
        scf.if %cond3A_331 {
          %add3A_332 = arith.addi %select_n3A, %add3A_288 : i32
          %add3A_333 = arith.constant 2 : i32
          %add3A_334 = arith.addi %add3A_332, %add3A_333 : i32
          %dma_start3A_335 = arith.constant 0 : i32
          %dma_start3A_336 = arith.constant 0 : i32
          %dma_start3A_337 = tpu.memref_slice %arg6[%add3A_334, %dma_start3A_335, %dma_start3A_336] : memref<2500x2x128xi32, #tpu.memory_space<hbm>> -> memref<1x2x128xi32, #tpu.memory_space<hbm>>
          %dma_start3A_338 = arith.constant 0 : i32
          %dma_start3A_339 = arith.constant 0 : i32
          %dma_start3A_340 = tpu.memref_slice %arg6[%add3A_334, %dma_start3A_338, %dma_start3A_339] : memref<2500x2x128xi32, #tpu.memory_space<hbm>> -> memref<1x2x128xi32, #tpu.memory_space<hbm>>
          tpu.enqueue_dma source(%dma_start3A_340 : memref<1x2x128xi32, #tpu.memory_space<hbm>>) target(%arg14 : memref<1x2x128xi32, #tpu.memory_space<vmem>>) target_semaphore(%arg22 : memref<!tpu.dma_semaphore, #tpu.memory_space<semaphore_mem>>)
        } else {
        }
      }
      %scan3A_163 = arith.constant 78 : i32
      %dma_wait3A = arith.constant 0 : i32
      %dma_wait3A_164 = arith.constant 0 : i32
      %dma_wait3A_165 = arith.constant 0 : i32
      %dma_wait3A_166 = tpu.memref_slice %arg13[%dma_wait3A, %dma_wait3A_164, %dma_wait3A_165] : memref<1x2x128xi32, #tpu.memory_space<vmem>> -> memref<1x1x128xi32, #tpu.memory_space<vmem>>
      %dma_wait3A_167 = tpu.memref_squeeze %dma_wait3A_166 : memref<1x1x128xi32, #tpu.memory_space<vmem>> -> memref<128xi32, #tpu.memory_space<vmem>>
      %dma_wait3A_168 = arith.constant 0 : i32
      %dma_wait3A_169 = arith.constant 0 : i32
      %dma_wait3A_170 = tpu.memref_slice %arg4[%dma_wait3A_168, %dma_wait3A_169] : memref<10240x128xf32, #tpu.memory_space<hbm>> -> memref<10240x128xf32, #tpu.memory_space<hbm>>
      tpu.wait_indirect_dma semaphore(%arg19 : memref<!tpu.dma_semaphore, #tpu.memory_space<semaphore_mem>>) src(%dma_wait3A_170 : memref<10240x128xf32, #tpu.memory_space<hbm>>) dst(%arg15 : memref<128x128xf32, #tpu.memory_space<vmem>>)
      %gt3A = arith.constant 156 : i32
      %gt3A_171 = arith.cmpi sgt, %sub3A_50, %gt3A : i32
      %convert_element_type3A_172 = arith.extui %gt3A_171 : i1 to i32
      %cond3A_173 = arith.constant 0 : i32
      %cond3A_174 = arith.cmpi ne, %convert_element_type3A_172, %cond3A_173 : i32
      scf.if %cond3A_174 {
        %run_scoped3A_240 = arith.constant 0 : i32
        %run_scoped3A_241 = arith.constant 1 : i32
        "tpu.region"() ({
          %run_scoped3A_242 = tpu.sem_alloc : memref<!tpu.dma_semaphore, #tpu.memory_space<semaphore_mem>>
          %dma_start3A_243 = arith.constant 0 : i32
          %dma_start3A_244 = tpu.memref_slice %arg13[%run_scoped3A_240, %run_scoped3A_241, %dma_start3A_243] : memref<1x2x128xi32, #tpu.memory_space<vmem>> -> memref<1x1x128xi32, #tpu.memory_space<vmem>>
          %dma_start3A_245 = tpu.memref_squeeze %dma_start3A_244 : memref<1x1x128xi32, #tpu.memory_space<vmem>> -> memref<128xi32, #tpu.memory_space<vmem>>
          %dma_start3A_246 = arith.constant 0 : i32
          %dma_start3A_247 = arith.constant 0 : i32
          %dma_start3A_248 = tpu.memref_slice %arg18[%dma_start3A_246, %dma_start3A_247] : memref<10240x128xf32, #tpu.memory_space<vmem_shared>> -> memref<10240x128xf32, #tpu.memory_space<vmem_shared>>
          tpu.enqueue_indirect_dma source(%arg15 : memref<128x128xf32, #tpu.memory_space<vmem>>) target(%dma_start3A_248 : memref<10240x128xf32, #tpu.memory_space<vmem_shared>>) offsets(%dma_start3A_245 : memref<128xi32, #tpu.memory_space<vmem>>) semaphore(%run_scoped3A_242 : memref<!tpu.dma_semaphore, #tpu.memory_space<semaphore_mem>>) {add = true}
          %dma_wait3A_249 = arith.constant 0 : i32
          %dma_wait3A_250 = tpu.memref_slice %arg13[%run_scoped3A_240, %run_scoped3A_241, %dma_wait3A_249] : memref<1x2x128xi32, #tpu.memory_space<vmem>> -> memref<1x1x128xi32, #tpu.memory_space<vmem>>
          %dma_wait3A_251 = tpu.memref_squeeze %dma_wait3A_250 : memref<1x1x128xi32, #tpu.memory_space<vmem>> -> memref<128xi32, #tpu.memory_space<vmem>>
          %dma_wait3A_252 = arith.constant 0 : i32
          %dma_wait3A_253 = arith.constant 0 : i32
          %dma_wait3A_254 = tpu.memref_slice %arg18[%dma_wait3A_252, %dma_wait3A_253] : memref<10240x128xf32, #tpu.memory_space<vmem_shared>> -> memref<10240x128xf32, #tpu.memory_space<vmem_shared>>
          tpu.wait_indirect_dma semaphore(%run_scoped3A_242 : memref<!tpu.dma_semaphore, #tpu.memory_space<semaphore_mem>>) src(%arg15 : memref<128x128xf32, #tpu.memory_space<vmem>>) dst(%dma_wait3A_254 : memref<10240x128xf32, #tpu.memory_space<vmem_shared>>)
          tpu.yield
        }) : () -> ()
      } else {
      }
      %gt3A_175 = arith.constant 156 : i32
      %gt3A_176 = arith.cmpi sgt, %sub3A_50, %gt3A_175 : i32
      %eq3A_177 = arith.constant 0 : i32
      %eq3A_178 = arith.cmpi eq, %arg0, %eq3A_177 : i32
      %and3A_179 = arith.andi %gt3A_176, %eq3A_178 : i1
      %convert_element_type3A_180 = arith.extui %and3A_179 : i1 to i32
      %cond3A_181 = arith.constant 0 : i32
      %cond3A_182 = arith.cmpi ne, %convert_element_type3A_180, %cond3A_181 : i32
      scf.if %cond3A_182 {
        %run_scoped3A_240 = arith.constant 0 : i32
        %run_scoped3A_241 = arith.constant 0 : i32
        %run_scoped3A_242 = arith.constant 1 : i32
        "tpu.region"() ({
          %run_scoped3A_243 = tpu.sem_alloc : memref<!tpu.dma_semaphore, #tpu.memory_space<semaphore_mem>>
          %dma_start3A_244 = arith.constant 0 : i32
          %dma_start3A_245 = tpu.memref_slice %arg23[%run_scoped3A_240, %dma_start3A_244] : memref<1x128xf32, #tpu.memory_space<vmem>> -> memref<1x128xf32, #tpu.memory_space<vmem>>
          %dma_start3A_246 = tpu.memref_squeeze %dma_start3A_245 : memref<1x128xf32, #tpu.memory_space<vmem>> -> memref<128xf32, #tpu.memory_space<vmem>>
          %dma_start3A_247 = arith.constant 0 : i32
          %dma_start3A_248 = tpu.memref_slice %arg13[%run_scoped3A_241, %run_scoped3A_242, %dma_start3A_247] : memref<1x2x128xi32, #tpu.memory_space<vmem>> -> memref<1x1x128xi32, #tpu.memory_space<vmem>>
          %dma_start3A_249 = tpu.memref_squeeze %dma_start3A_248 : memref<1x1x128xi32, #tpu.memory_space<vmem>> -> memref<128xi32, #tpu.memory_space<vmem>>
          %dma_start3A_250 = arith.constant 0 : i32
          %dma_start3A_251 = tpu.memref_slice %arg24[%dma_start3A_250] : memref<10240xf32, #tpu.memory_space<vmem_shared>> -> memref<10240xf32, #tpu.memory_space<vmem_shared>>
          tpu.enqueue_indirect_dma source(%dma_start3A_246 : memref<128xf32, #tpu.memory_space<vmem>>) target(%dma_start3A_251 : memref<10240xf32, #tpu.memory_space<vmem_shared>>) offsets(%dma_start3A_249 : memref<128xi32, #tpu.memory_space<vmem>>) semaphore(%run_scoped3A_243 : memref<!tpu.dma_semaphore, #tpu.memory_space<semaphore_mem>>) {add = true}
          %dma_wait3A_252 = arith.constant 0 : i32
          %dma_wait3A_253 = tpu.memref_slice %arg23[%run_scoped3A_240, %dma_wait3A_252] : memref<1x128xf32, #tpu.memory_space<vmem>> -> memref<1x128xf32, #tpu.memory_space<vmem>>
          %dma_wait3A_254 = tpu.memref_squeeze %dma_wait3A_253 : memref<1x128xf32, #tpu.memory_space<vmem>> -> memref<128xf32, #tpu.memory_space<vmem>>
          %dma_wait3A_255 = arith.constant 0 : i32
          %dma_wait3A_256 = tpu.memref_slice %arg13[%run_scoped3A_241, %run_scoped3A_242, %dma_wait3A_255] : memref<1x2x128xi32, #tpu.memory_space<vmem>> -> memref<1x1x128xi32, #tpu.memory_space<vmem>>
          %dma_wait3A_257 = tpu.memref_squeeze %dma_wait3A_256 : memref<1x1x128xi32, #tpu.memory_space<vmem>> -> memref<128xi32, #tpu.memory_space<vmem>>
          %dma_wait3A_258 = arith.constant 0 : i32
          %dma_wait3A_259 = tpu.memref_slice %arg24[%dma_wait3A_258] : memref<10240xf32, #tpu.memory_space<vmem_shared>> -> memref<10240xf32, #tpu.memory_space<vmem_shared>>
          tpu.wait_indirect_dma semaphore(%run_scoped3A_243 : memref<!tpu.dma_semaphore, #tpu.memory_space<semaphore_mem>>) src(%dma_wait3A_254 : memref<128xf32, #tpu.memory_space<vmem>>) dst(%dma_wait3A_259 : memref<10240xf32, #tpu.memory_space<vmem_shared>>)
          tpu.yield
        }) : () -> ()
      } else {
      }
      %barrier3A_183 = arith.constant 0 : index
      tpu.barrier barrier_id(%barrier3A_183)
      "tpu.region"() ({
        %run_scoped3A_240 = tpu.sem_alloc : memref<!tpu.dma_semaphore, #tpu.memory_space<semaphore_mem>>
        %dma_start3A_241 = arith.constant 0 : i32
        %dma_start3A_242 = tpu.memref_slice %arg9[%mul3A_4, %dma_start3A_241] : memref<10240x128xf32, #tpu.memory_space<hbm>> -> memref<640x128xf32, #tpu.memory_space<hbm>>
        %dma_start3A_243 = arith.constant 0 : i32
        %dma_start3A_244 = tpu.memref_slice %arg18[%mul3A_4, %dma_start3A_243] : memref<10240x128xf32, #tpu.memory_space<vmem_shared>> -> memref<640x128xf32, #tpu.memory_space<vmem_shared>>
        tpu.enqueue_dma source(%dma_start3A_244 : memref<640x128xf32, #tpu.memory_space<vmem_shared>>) target(%dma_start3A_242 : memref<640x128xf32, #tpu.memory_space<hbm>>) target_semaphore(%run_scoped3A_240 : memref<!tpu.dma_semaphore, #tpu.memory_space<semaphore_mem>>)
        %dma_wait3A_245 = arith.constant 0 : i32
        %dma_wait3A_246 = tpu.memref_slice %arg9[%mul3A_4, %dma_wait3A_245] : memref<10240x128xf32, #tpu.memory_space<hbm>> -> memref<640x128xf32, #tpu.memory_space<hbm>>
        %dma_wait3A_247 = arith.constant 0 : i32
        %dma_wait3A_248 = tpu.memref_slice %arg18[%mul3A_4, %dma_wait3A_247] : memref<10240x128xf32, #tpu.memory_space<vmem_shared>> -> memref<640x128xf32, #tpu.memory_space<vmem_shared>>
        tpu.wait_dma2 semaphore(%run_scoped3A_240 : memref<!tpu.dma_semaphore, #tpu.memory_space<semaphore_mem>>) src(%dma_wait3A_248 : memref<640x128xf32, #tpu.memory_space<vmem_shared>>) dst(%dma_wait3A_246 : memref<640x128xf32, #tpu.memory_space<hbm>>)
        tpu.yield
      }) : () -> ()
      %mul3A_184 = arith.constant 640 : i32
      %mul3A_185 = arith.muli %arg1, %mul3A_184 : i32
      %eq3A_186 = arith.constant 0 : i32
      %eq3A_187 = arith.cmpi eq, %arg0, %eq3A_186 : i32
      %convert_element_type3A_188 = arith.extui %eq3A_187 : i1 to i32
      %cond3A_189 = arith.constant 0 : i32
      %cond3A_190 = arith.cmpi ne, %convert_element_type3A_188, %cond3A_189 : i32
      scf.if %cond3A_190 {
        "tpu.region"() ({
          %run_scoped3A_240 = tpu.sem_alloc : memref<!tpu.dma_semaphore, #tpu.memory_space<semaphore_mem>>
          %dma_start3A_241 = tpu.memref_slice %arg11[%mul3A_185] : memref<10240xf32, #tpu.memory_space<hbm>> -> memref<640xf32, #tpu.memory_space<hbm>>
          %dma_start3A_242 = tpu.memref_slice %arg24[%mul3A_185] : memref<10240xf32, #tpu.memory_space<vmem_shared>> -> memref<640xf32, #tpu.memory_space<vmem_shared>>
          tpu.enqueue_dma source(%dma_start3A_242 : memref<640xf32, #tpu.memory_space<vmem_shared>>) target(%dma_start3A_241 : memref<640xf32, #tpu.memory_space<hbm>>) target_semaphore(%run_scoped3A_240 : memref<!tpu.dma_semaphore, #tpu.memory_space<semaphore_mem>>)
          %dma_wait3A_243 = tpu.memref_slice %arg11[%mul3A_185] : memref<10240xf32, #tpu.memory_space<hbm>> -> memref<640xf32, #tpu.memory_space<hbm>>
          %dma_wait3A_244 = tpu.memref_slice %arg24[%mul3A_185] : memref<10240xf32, #tpu.memory_space<vmem_shared>> -> memref<640xf32, #tpu.memory_space<vmem_shared>>
          tpu.wait_dma2 semaphore(%run_scoped3A_240 : memref<!tpu.dma_semaphore, #tpu.memory_space<semaphore_mem>>) src(%dma_wait3A_244 : memref<640xf32, #tpu.memory_space<vmem_shared>>) dst(%dma_wait3A_243 : memref<640xf32, #tpu.memory_space<hbm>>)
          tpu.yield
        }) : () -> ()
      } else {
      }
      %eq3A_191 = arith.constant 1 : i32
      %eq3A_192 = arith.cmpi eq, %arg0, %eq3A_191 : i32
      %convert_element_type3A_193 = arith.extui %eq3A_192 : i1 to i32
      %cond3A_194 = arith.constant 0 : i32
      %cond3A_195 = arith.cmpi ne, %convert_element_type3A_193, %cond3A_194 : i32
      scf.if %cond3A_195 {
        "tpu.region"() ({
          %run_scoped3A_240 = tpu.sem_alloc : memref<!tpu.dma_semaphore, #tpu.memory_space<semaphore_mem>>
          %dma_start3A_241 = tpu.memref_slice %arg12[%mul3A_185] : memref<10240xf32, #tpu.memory_space<hbm>> -> memref<640xf32, #tpu.memory_space<hbm>>
          %dma_start3A_242 = tpu.memref_slice %arg24[%mul3A_185] : memref<10240xf32, #tpu.memory_space<vmem_shared>> -> memref<640xf32, #tpu.memory_space<vmem_shared>>
          tpu.enqueue_dma source(%dma_start3A_242 : memref<640xf32, #tpu.memory_space<vmem_shared>>) target(%dma_start3A_241 : memref<640xf32, #tpu.memory_space<hbm>>) target_semaphore(%run_scoped3A_240 : memref<!tpu.dma_semaphore, #tpu.memory_space<semaphore_mem>>)
          %dma_wait3A_243 = tpu.memref_slice %arg12[%mul3A_185] : memref<10240xf32, #tpu.memory_space<hbm>> -> memref<640xf32, #tpu.memory_space<hbm>>
          %dma_wait3A_244 = tpu.memref_slice %arg24[%mul3A_185] : memref<10240xf32, #tpu.memory_space<vmem_shared>> -> memref<640xf32, #tpu.memory_space<vmem_shared>>
          tpu.wait_dma2 semaphore(%run_scoped3A_240 : memref<!tpu.dma_semaphore, #tpu.memory_space<semaphore_mem>>) src(%dma_wait3A_244 : memref<640xf32, #tpu.memory_space<vmem_shared>>) dst(%dma_wait3A_243 : memref<640xf32, #tpu.memory_space<hbm>>)
          tpu.yield
        }) : () -> ()
      } else {
      }
      %scan3A_196 = arith.constant 0 : i32
      %scan3A_197 = arith.constant 20 : i32
      %scan3A_198 = arith.addi %scan3A_196, %scan3A_197 : i32
      %scan3A_199 = arith.constant 1 : i32
      scf.for %scan3A_240 = %scan3A_196 to %scan3A_198 step %scan3A_199  : i32 {
        %mul3A_241 = arith.constant 32 : i32
        %mul3A_242 = arith.muli %scan3A_240, %mul3A_241 : i32
        %add3A_243 = arith.constant 0 : i32
        %add3A_244 = arith.addi %add3A_243, %mul3A_242 : i32
        %add3A_245 = arith.addi %mul3A_4, %add3A_244 : i32
        "tpu.region"() ({
          %run_scoped3A_246 = tpu.sem_alloc : memref<!tpu.dma_semaphore, #tpu.memory_space<semaphore_mem>>
          %dma_start3A_247 = arith.constant 0 : i32
          %dma_start3A_248 = tpu.memref_slice %arg18[%add3A_245, %dma_start3A_247] : memref<10240x128xf32, #tpu.memory_space<vmem_shared>> -> memref<32x128xf32, #tpu.memory_space<vmem_shared>>
          %dma_start3A_249 = arith.constant 0 : i32
          %dma_start3A_250 = tpu.memref_slice %arg18[%add3A_245, %dma_start3A_249] : memref<10240x128xf32, #tpu.memory_space<vmem_shared>> -> memref<32x128xf32, #tpu.memory_space<vmem_shared>>
          tpu.enqueue_dma source(%arg17 : memref<32x128xf32, #tpu.memory_space<vmem>>) target(%dma_start3A_250 : memref<32x128xf32, #tpu.memory_space<vmem_shared>>) target_semaphore(%run_scoped3A_246 : memref<!tpu.dma_semaphore, #tpu.memory_space<semaphore_mem>>)
          %dma_wait3A_251 = arith.constant 0 : i32
          %dma_wait3A_252 = tpu.memref_slice %arg18[%add3A_245, %dma_wait3A_251] : memref<10240x128xf32, #tpu.memory_space<vmem_shared>> -> memref<32x128xf32, #tpu.memory_space<vmem_shared>>
          %dma_wait3A_253 = arith.constant 0 : i32
          %dma_wait3A_254 = tpu.memref_slice %arg18[%add3A_245, %dma_wait3A_253] : memref<10240x128xf32, #tpu.memory_space<vmem_shared>> -> memref<32x128xf32, #tpu.memory_space<vmem_shared>>
          tpu.wait_dma2 semaphore(%run_scoped3A_246 : memref<!tpu.dma_semaphore, #tpu.memory_space<semaphore_mem>>) src(%arg17 : memref<32x128xf32, #tpu.memory_space<vmem>>) dst(%dma_wait3A_254 : memref<32x128xf32, #tpu.memory_space<vmem_shared>>)
          tpu.yield
        }) : () -> ()
      }
      %scan3A_200 = arith.constant 20 : i32
      %barrier3A_201 = arith.constant 0 : index
      tpu.barrier barrier_id(%barrier3A_201)
      "tpu.region"() ({
        %run_scoped3A_240 = tpu.sem_alloc : memref<!tpu.dma_semaphore, #tpu.memory_space<semaphore_mem>>
        %dma_start3A_241 = arith.constant 0 : i32
        %dma_start3A_242 = arith.constant 0 : i32
        %dma_start3A_243 = tpu.memref_slice %arg6[%select_n3A, %dma_start3A_241, %dma_start3A_242] : memref<2500x2x128xi32, #tpu.memory_space<hbm>> -> memref<1x2x128xi32, #tpu.memory_space<hbm>>
        %dma_start3A_244 = arith.constant 0 : i32
        %dma_start3A_245 = arith.constant 0 : i32
        %dma_start3A_246 = tpu.memref_slice %arg6[%select_n3A, %dma_start3A_244, %dma_start3A_245] : memref<2500x2x128xi32, #tpu.memory_space<hbm>> -> memref<1x2x128xi32, #tpu.memory_space<hbm>>
        tpu.enqueue_dma source(%dma_start3A_246 : memref<1x2x128xi32, #tpu.memory_space<hbm>>) target(%arg13 : memref<1x2x128xi32, #tpu.memory_space<vmem>>) target_semaphore(%run_scoped3A_240 : memref<!tpu.dma_semaphore, #tpu.memory_space<semaphore_mem>>)
        %dma_wait3A_247 = arith.constant 0 : i32
        %dma_wait3A_248 = arith.constant 0 : i32
        %dma_wait3A_249 = tpu.memref_slice %arg6[%select_n3A, %dma_wait3A_247, %dma_wait3A_248] : memref<2500x2x128xi32, #tpu.memory_space<hbm>> -> memref<1x2x128xi32, #tpu.memory_space<hbm>>
        %dma_wait3A_250 = arith.constant 0 : i32
        %dma_wait3A_251 = arith.constant 0 : i32
        %dma_wait3A_252 = tpu.memref_slice %arg6[%select_n3A, %dma_wait3A_250, %dma_wait3A_251] : memref<2500x2x128xi32, #tpu.memory_space<hbm>> -> memref<1x2x128xi32, #tpu.memory_space<hbm>>
        tpu.wait_dma2 semaphore(%run_scoped3A_240 : memref<!tpu.dma_semaphore, #tpu.memory_space<semaphore_mem>>) src(%dma_wait3A_252 : memref<1x2x128xi32, #tpu.memory_space<hbm>>) dst(%arg13 : memref<1x2x128xi32, #tpu.memory_space<vmem>>)
        tpu.yield
      }) : () -> ()
      %dma_start3A_202 = arith.constant 0 : i32
      %dma_start3A_203 = arith.constant 0 : i32
      %dma_start3A_204 = arith.constant 0 : i32
      %dma_start3A_205 = arith.constant 0 : i32
      %dma_start3A_206 = tpu.memref_slice %arg15[%dma_start3A_204, %dma_start3A_205] : memref<128x128xf32, #tpu.memory_space<vmem>> -> memref<128x128xf32, #tpu.memory_space<vmem>>
      %dma_start3A_207 = arith.constant 0 : i32
      %dma_start3A_208 = tpu.memref_slice %arg13[%dma_start3A_202, %dma_start3A_203, %dma_start3A_207] : memref<1x2x128xi32, #tpu.memory_space<vmem>> -> memref<1x1x128xi32, #tpu.memory_space<vmem>>
      %dma_start3A_209 = tpu.memref_squeeze %dma_start3A_208 : memref<1x1x128xi32, #tpu.memory_space<vmem>> -> memref<128xi32, #tpu.memory_space<vmem>>
      %dma_start3A_210 = arith.constant 0 : i32
      %dma_start3A_211 = arith.constant 0 : i32
      %dma_start3A_212 = tpu.memref_slice %arg5[%dma_start3A_210, %dma_start3A_211] : memref<10240x128xf32, #tpu.memory_space<hbm>> -> memref<10240x128xf32, #tpu.memory_space<hbm>>
      tpu.enqueue_indirect_dma source(%dma_start3A_212 : memref<10240x128xf32, #tpu.memory_space<hbm>>) target(%dma_start3A_206 : memref<128x128xf32, #tpu.memory_space<vmem>>) offsets(%dma_start3A_209 : memref<128xi32, #tpu.memory_space<vmem>>) semaphore(%arg19 : memref<!tpu.dma_semaphore, #tpu.memory_space<semaphore_mem>>)
      %add3A_213 = arith.constant 1 : i32
      %add3A_214 = arith.addi %select_n3A, %add3A_213 : i32
      %dma_start3A_215 = arith.constant 0 : i32
      %dma_start3A_216 = arith.constant 0 : i32
      %dma_start3A_217 = tpu.memref_slice %arg6[%add3A_214, %dma_start3A_215, %dma_start3A_216] : memref<2500x2x128xi32, #tpu.memory_space<hbm>> -> memref<1x2x128xi32, #tpu.memory_space<hbm>>
      %dma_start3A_218 = arith.constant 0 : i32
      %dma_start3A_219 = arith.constant 0 : i32
      %dma_start3A_220 = tpu.memref_slice %arg6[%add3A_214, %dma_start3A_218, %dma_start3A_219] : memref<2500x2x128xi32, #tpu.memory_space<hbm>> -> memref<1x2x128xi32, #tpu.memory_space<hbm>>
      tpu.enqueue_dma source(%dma_start3A_220 : memref<1x2x128xi32, #tpu.memory_space<hbm>>) target(%arg14 : memref<1x2x128xi32, #tpu.memory_space<vmem>>) target_semaphore(%arg22 : memref<!tpu.dma_semaphore, #tpu.memory_space<semaphore_mem>>)
      %scan3A_221 = arith.constant 0 : i32
      %scan3A_222 = arith.constant 78 : i32
      %scan3A_223 = arith.addi %scan3A_221, %scan3A_222 : i32
      %scan3A_224 = arith.constant 1 : i32
      scf.for %scan3A_240 = %scan3A_221 to %scan3A_223 step %scan3A_224  : i32 {
        %mul3A_241 = arith.constant 2 : i32
        %mul3A_242 = arith.muli %scan3A_240, %mul3A_241 : i32
        %add3A_243 = arith.constant 0 : i32
        %add3A_244 = arith.addi %add3A_243, %mul3A_242 : i32
        %dma_wait3A_245 = arith.constant 0 : i32
        %dma_wait3A_246 = arith.constant 0 : i32
        %dma_wait3A_247 = arith.constant 0 : i32
        %dma_wait3A_248 = tpu.memref_slice %arg13[%dma_wait3A_245, %dma_wait3A_246, %dma_wait3A_247] : memref<1x2x128xi32, #tpu.memory_space<vmem>> -> memref<1x1x128xi32, #tpu.memory_space<vmem>>
        %dma_wait3A_249 = tpu.memref_squeeze %dma_wait3A_248 : memref<1x1x128xi32, #tpu.memory_space<vmem>> -> memref<128xi32, #tpu.memory_space<vmem>>
        %dma_wait3A_250 = arith.constant 0 : i32
        %dma_wait3A_251 = arith.constant 0 : i32
        %dma_wait3A_252 = tpu.memref_slice %arg5[%dma_wait3A_250, %dma_wait3A_251] : memref<10240x128xf32, #tpu.memory_space<hbm>> -> memref<10240x128xf32, #tpu.memory_space<hbm>>
        tpu.wait_indirect_dma semaphore(%arg19 : memref<!tpu.dma_semaphore, #tpu.memory_space<semaphore_mem>>) src(%dma_wait3A_252 : memref<10240x128xf32, #tpu.memory_space<hbm>>) dst(%arg15 : memref<128x128xf32, #tpu.memory_space<vmem>>)
        %dma_wait3A_253 = arith.constant 0 : i32
        %dma_wait3A_254 = arith.constant 0 : i32
        %dma_wait3A_255 = tpu.memref_slice %arg6[%select_n3A, %dma_wait3A_253, %dma_wait3A_254] : memref<2500x2x128xi32, #tpu.memory_space<hbm>> -> memref<1x2x128xi32, #tpu.memory_space<hbm>>
        %dma_wait3A_256 = arith.constant 0 : i32
        %dma_wait3A_257 = arith.constant 0 : i32
        %dma_wait3A_258 = tpu.memref_slice %arg6[%select_n3A, %dma_wait3A_256, %dma_wait3A_257] : memref<2500x2x128xi32, #tpu.memory_space<hbm>> -> memref<1x2x128xi32, #tpu.memory_space<hbm>>
        tpu.wait_dma2 semaphore(%arg22 : memref<!tpu.dma_semaphore, #tpu.memory_space<semaphore_mem>>) src(%dma_wait3A_258 : memref<1x2x128xi32, #tpu.memory_space<hbm>>) dst(%arg14 : memref<1x2x128xi32, #tpu.memory_space<vmem>>)
        %dma_start3A_259 = arith.constant 0 : i32
        %dma_start3A_260 = arith.constant 0 : i32
        %dma_start3A_261 = arith.constant 0 : i32
        %dma_start3A_262 = arith.constant 0 : i32
        %dma_start3A_263 = tpu.memref_slice %arg16[%dma_start3A_261, %dma_start3A_262] : memref<128x128xf32, #tpu.memory_space<vmem>> -> memref<128x128xf32, #tpu.memory_space<vmem>>
        %dma_start3A_264 = arith.constant 0 : i32
        %dma_start3A_265 = tpu.memref_slice %arg14[%dma_start3A_259, %dma_start3A_260, %dma_start3A_264] : memref<1x2x128xi32, #tpu.memory_space<vmem>> -> memref<1x1x128xi32, #tpu.memory_space<vmem>>
        %dma_start3A_266 = tpu.memref_squeeze %dma_start3A_265 : memref<1x1x128xi32, #tpu.memory_space<vmem>> -> memref<128xi32, #tpu.memory_space<vmem>>
        %dma_start3A_267 = arith.constant 0 : i32
        %dma_start3A_268 = arith.constant 0 : i32
        %dma_start3A_269 = tpu.memref_slice %arg5[%dma_start3A_267, %dma_start3A_268] : memref<10240x128xf32, #tpu.memory_space<hbm>> -> memref<10240x128xf32, #tpu.memory_space<hbm>>
        tpu.enqueue_indirect_dma source(%dma_start3A_269 : memref<10240x128xf32, #tpu.memory_space<hbm>>) target(%dma_start3A_263 : memref<128x128xf32, #tpu.memory_space<vmem>>) offsets(%dma_start3A_266 : memref<128xi32, #tpu.memory_space<vmem>>) semaphore(%arg20 : memref<!tpu.dma_semaphore, #tpu.memory_space<semaphore_mem>>)
        %lt3A = arith.cmpi slt, %add3A_244, %sub3A_50 : i32
        %convert_element_type3A_270 = arith.extui %lt3A : i1 to i32
        %cond3A_271 = arith.constant 0 : i32
        %cond3A_272 = arith.cmpi ne, %convert_element_type3A_270, %cond3A_271 : i32
        scf.if %cond3A_272 {
          %run_scoped3A_318 = arith.constant 0 : i32
          %run_scoped3A_319 = arith.constant 1 : i32
          "tpu.region"() ({
            %run_scoped3A_320 = tpu.sem_alloc : memref<!tpu.dma_semaphore, #tpu.memory_space<semaphore_mem>>
            %dma_start3A_321 = arith.constant 0 : i32
            %dma_start3A_322 = tpu.memref_slice %arg13[%run_scoped3A_318, %run_scoped3A_319, %dma_start3A_321] : memref<1x2x128xi32, #tpu.memory_space<vmem>> -> memref<1x1x128xi32, #tpu.memory_space<vmem>>
            %dma_start3A_323 = tpu.memref_squeeze %dma_start3A_322 : memref<1x1x128xi32, #tpu.memory_space<vmem>> -> memref<128xi32, #tpu.memory_space<vmem>>
            %dma_start3A_324 = arith.constant 0 : i32
            %dma_start3A_325 = arith.constant 0 : i32
            %dma_start3A_326 = tpu.memref_slice %arg18[%dma_start3A_324, %dma_start3A_325] : memref<10240x128xf32, #tpu.memory_space<vmem_shared>> -> memref<10240x128xf32, #tpu.memory_space<vmem_shared>>
            tpu.enqueue_indirect_dma source(%arg15 : memref<128x128xf32, #tpu.memory_space<vmem>>) target(%dma_start3A_326 : memref<10240x128xf32, #tpu.memory_space<vmem_shared>>) offsets(%dma_start3A_323 : memref<128xi32, #tpu.memory_space<vmem>>) semaphore(%run_scoped3A_320 : memref<!tpu.dma_semaphore, #tpu.memory_space<semaphore_mem>>) {add = true}
            %dma_wait3A_327 = arith.constant 0 : i32
            %dma_wait3A_328 = tpu.memref_slice %arg13[%run_scoped3A_318, %run_scoped3A_319, %dma_wait3A_327] : memref<1x2x128xi32, #tpu.memory_space<vmem>> -> memref<1x1x128xi32, #tpu.memory_space<vmem>>
            %dma_wait3A_329 = tpu.memref_squeeze %dma_wait3A_328 : memref<1x1x128xi32, #tpu.memory_space<vmem>> -> memref<128xi32, #tpu.memory_space<vmem>>
            %dma_wait3A_330 = arith.constant 0 : i32
            %dma_wait3A_331 = arith.constant 0 : i32
            %dma_wait3A_332 = tpu.memref_slice %arg18[%dma_wait3A_330, %dma_wait3A_331] : memref<10240x128xf32, #tpu.memory_space<vmem_shared>> -> memref<10240x128xf32, #tpu.memory_space<vmem_shared>>
            tpu.wait_indirect_dma semaphore(%run_scoped3A_320 : memref<!tpu.dma_semaphore, #tpu.memory_space<semaphore_mem>>) src(%arg15 : memref<128x128xf32, #tpu.memory_space<vmem>>) dst(%dma_wait3A_332 : memref<10240x128xf32, #tpu.memory_space<vmem_shared>>)
            tpu.yield
          }) : () -> ()
        } else {
        }
        %add3A_273 = arith.constant 2 : i32
        %add3A_274 = arith.addi %add3A_244, %add3A_273 : i32
        %lt3A_275 = arith.constant 157 : i32
        %lt3A_276 = arith.cmpi slt, %add3A_274, %lt3A_275 : i32
        %convert_element_type3A_277 = arith.extui %lt3A_276 : i1 to i32
        %cond3A_278 = arith.constant 0 : i32
        %cond3A_279 = arith.cmpi ne, %convert_element_type3A_277, %cond3A_278 : i32
        scf.if %cond3A_279 {
          %add3A_318 = arith.addi %select_n3A, %add3A_244 : i32
          %add3A_319 = arith.constant 2 : i32
          %add3A_320 = arith.addi %add3A_318, %add3A_319 : i32
          %dma_start3A_321 = arith.constant 0 : i32
          %dma_start3A_322 = arith.constant 0 : i32
          %dma_start3A_323 = tpu.memref_slice %arg6[%add3A_320, %dma_start3A_321, %dma_start3A_322] : memref<2500x2x128xi32, #tpu.memory_space<hbm>> -> memref<1x2x128xi32, #tpu.memory_space<hbm>>
          %dma_start3A_324 = arith.constant 0 : i32
          %dma_start3A_325 = arith.constant 0 : i32
          %dma_start3A_326 = tpu.memref_slice %arg6[%add3A_320, %dma_start3A_324, %dma_start3A_325] : memref<2500x2x128xi32, #tpu.memory_space<hbm>> -> memref<1x2x128xi32, #tpu.memory_space<hbm>>
          tpu.enqueue_dma source(%dma_start3A_326 : memref<1x2x128xi32, #tpu.memory_space<hbm>>) target(%arg13 : memref<1x2x128xi32, #tpu.memory_space<vmem>>) target_semaphore(%arg21 : memref<!tpu.dma_semaphore, #tpu.memory_space<semaphore_mem>>)
        } else {
        }
        %add3A_280 = arith.constant 1 : i32
        %add3A_281 = arith.addi %add3A_244, %add3A_280 : i32
        %dma_wait3A_282 = arith.constant 0 : i32
        %dma_wait3A_283 = arith.constant 0 : i32
        %dma_wait3A_284 = arith.constant 0 : i32
        %dma_wait3A_285 = tpu.memref_slice %arg13[%dma_wait3A_282, %dma_wait3A_283, %dma_wait3A_284] : memref<1x2x128xi32, #tpu.memory_space<vmem>> -> memref<1x1x128xi32, #tpu.memory_space<vmem>>
        %dma_wait3A_286 = tpu.memref_squeeze %dma_wait3A_285 : memref<1x1x128xi32, #tpu.memory_space<vmem>> -> memref<128xi32, #tpu.memory_space<vmem>>
        %dma_wait3A_287 = arith.constant 0 : i32
        %dma_wait3A_288 = arith.constant 0 : i32
        %dma_wait3A_289 = tpu.memref_slice %arg5[%dma_wait3A_287, %dma_wait3A_288] : memref<10240x128xf32, #tpu.memory_space<hbm>> -> memref<10240x128xf32, #tpu.memory_space<hbm>>
        tpu.wait_indirect_dma semaphore(%arg20 : memref<!tpu.dma_semaphore, #tpu.memory_space<semaphore_mem>>) src(%dma_wait3A_289 : memref<10240x128xf32, #tpu.memory_space<hbm>>) dst(%arg16 : memref<128x128xf32, #tpu.memory_space<vmem>>)
        %dma_wait3A_290 = arith.constant 0 : i32
        %dma_wait3A_291 = arith.constant 0 : i32
        %dma_wait3A_292 = tpu.memref_slice %arg6[%select_n3A, %dma_wait3A_290, %dma_wait3A_291] : memref<2500x2x128xi32, #tpu.memory_space<hbm>> -> memref<1x2x128xi32, #tpu.memory_space<hbm>>
        %dma_wait3A_293 = arith.constant 0 : i32
        %dma_wait3A_294 = arith.constant 0 : i32
        %dma_wait3A_295 = tpu.memref_slice %arg6[%select_n3A, %dma_wait3A_293, %dma_wait3A_294] : memref<2500x2x128xi32, #tpu.memory_space<hbm>> -> memref<1x2x128xi32, #tpu.memory_space<hbm>>
        tpu.wait_dma2 semaphore(%arg21 : memref<!tpu.dma_semaphore, #tpu.memory_space<semaphore_mem>>) src(%dma_wait3A_295 : memref<1x2x128xi32, #tpu.memory_space<hbm>>) dst(%arg13 : memref<1x2x128xi32, #tpu.memory_space<vmem>>)
        %dma_start3A_296 = arith.constant 0 : i32
        %dma_start3A_297 = arith.constant 0 : i32
        %dma_start3A_298 = arith.constant 0 : i32
        %dma_start3A_299 = arith.constant 0 : i32
        %dma_start3A_300 = tpu.memref_slice %arg15[%dma_start3A_298, %dma_start3A_299] : memref<128x128xf32, #tpu.memory_space<vmem>> -> memref<128x128xf32, #tpu.memory_space<vmem>>
        %dma_start3A_301 = arith.constant 0 : i32
        %dma_start3A_302 = tpu.memref_slice %arg13[%dma_start3A_296, %dma_start3A_297, %dma_start3A_301] : memref<1x2x128xi32, #tpu.memory_space<vmem>> -> memref<1x1x128xi32, #tpu.memory_space<vmem>>
        %dma_start3A_303 = tpu.memref_squeeze %dma_start3A_302 : memref<1x1x128xi32, #tpu.memory_space<vmem>> -> memref<128xi32, #tpu.memory_space<vmem>>
        %dma_start3A_304 = arith.constant 0 : i32
        %dma_start3A_305 = arith.constant 0 : i32
        %dma_start3A_306 = tpu.memref_slice %arg5[%dma_start3A_304, %dma_start3A_305] : memref<10240x128xf32, #tpu.memory_space<hbm>> -> memref<10240x128xf32, #tpu.memory_space<hbm>>
        tpu.enqueue_indirect_dma source(%dma_start3A_306 : memref<10240x128xf32, #tpu.memory_space<hbm>>) target(%dma_start3A_300 : memref<128x128xf32, #tpu.memory_space<vmem>>) offsets(%dma_start3A_303 : memref<128xi32, #tpu.memory_space<vmem>>) semaphore(%arg19 : memref<!tpu.dma_semaphore, #tpu.memory_space<semaphore_mem>>)
        %lt3A_307 = arith.cmpi slt, %add3A_281, %sub3A_50 : i32
        %convert_element_type3A_308 = arith.extui %lt3A_307 : i1 to i32
        %cond3A_309 = arith.constant 0 : i32
        %cond3A_310 = arith.cmpi ne, %convert_element_type3A_308, %cond3A_309 : i32
        scf.if %cond3A_310 {
          %run_scoped3A_318 = arith.constant 0 : i32
          %run_scoped3A_319 = arith.constant 1 : i32
          "tpu.region"() ({
            %run_scoped3A_320 = tpu.sem_alloc : memref<!tpu.dma_semaphore, #tpu.memory_space<semaphore_mem>>
            %dma_start3A_321 = arith.constant 0 : i32
            %dma_start3A_322 = tpu.memref_slice %arg14[%run_scoped3A_318, %run_scoped3A_319, %dma_start3A_321] : memref<1x2x128xi32, #tpu.memory_space<vmem>> -> memref<1x1x128xi32, #tpu.memory_space<vmem>>
            %dma_start3A_323 = tpu.memref_squeeze %dma_start3A_322 : memref<1x1x128xi32, #tpu.memory_space<vmem>> -> memref<128xi32, #tpu.memory_space<vmem>>
            %dma_start3A_324 = arith.constant 0 : i32
            %dma_start3A_325 = arith.constant 0 : i32
            %dma_start3A_326 = tpu.memref_slice %arg18[%dma_start3A_324, %dma_start3A_325] : memref<10240x128xf32, #tpu.memory_space<vmem_shared>> -> memref<10240x128xf32, #tpu.memory_space<vmem_shared>>
            tpu.enqueue_indirect_dma source(%arg16 : memref<128x128xf32, #tpu.memory_space<vmem>>) target(%dma_start3A_326 : memref<10240x128xf32, #tpu.memory_space<vmem_shared>>) offsets(%dma_start3A_323 : memref<128xi32, #tpu.memory_space<vmem>>) semaphore(%run_scoped3A_320 : memref<!tpu.dma_semaphore, #tpu.memory_space<semaphore_mem>>) {add = true}
            %dma_wait3A_327 = arith.constant 0 : i32
            %dma_wait3A_328 = tpu.memref_slice %arg14[%run_scoped3A_318, %run_scoped3A_319, %dma_wait3A_327] : memref<1x2x128xi32, #tpu.memory_space<vmem>> -> memref<1x1x128xi32, #tpu.memory_space<vmem>>
            %dma_wait3A_329 = tpu.memref_squeeze %dma_wait3A_328 : memref<1x1x128xi32, #tpu.memory_space<vmem>> -> memref<128xi32, #tpu.memory_space<vmem>>
            %dma_wait3A_330 = arith.constant 0 : i32
            %dma_wait3A_331 = arith.constant 0 : i32
            %dma_wait3A_332 = tpu.memref_slice %arg18[%dma_wait3A_330, %dma_wait3A_331] : memref<10240x128xf32, #tpu.memory_space<vmem_shared>> -> memref<10240x128xf32, #tpu.memory_space<vmem_shared>>
            tpu.wait_indirect_dma semaphore(%run_scoped3A_320 : memref<!tpu.dma_semaphore, #tpu.memory_space<semaphore_mem>>) src(%arg16 : memref<128x128xf32, #tpu.memory_space<vmem>>) dst(%dma_wait3A_332 : memref<10240x128xf32, #tpu.memory_space<vmem_shared>>)
            tpu.yield
          }) : () -> ()
        } else {
        }
        %add3A_311 = arith.constant 2 : i32
        %add3A_312 = arith.addi %add3A_281, %add3A_311 : i32
        %lt3A_313 = arith.constant 157 : i32
        %lt3A_314 = arith.cmpi slt, %add3A_312, %lt3A_313 : i32
        %convert_element_type3A_315 = arith.extui %lt3A_314 : i1 to i32
        %cond3A_316 = arith.constant 0 : i32
        %cond3A_317 = arith.cmpi ne, %convert_element_type3A_315, %cond3A_316 : i32
        scf.if %cond3A_317 {
          %add3A_318 = arith.addi %select_n3A, %add3A_281 : i32
          %add3A_319 = arith.constant 2 : i32
          %add3A_320 = arith.addi %add3A_318, %add3A_319 : i32
          %dma_start3A_321 = arith.constant 0 : i32
          %dma_start3A_322 = arith.constant 0 : i32
          %dma_start3A_323 = tpu.memref_slice %arg6[%add3A_320, %dma_start3A_321, %dma_start3A_322] : memref<2500x2x128xi32, #tpu.memory_space<hbm>> -> memref<1x2x128xi32, #tpu.memory_space<hbm>>
          %dma_start3A_324 = arith.constant 0 : i32
          %dma_start3A_325 = arith.constant 0 : i32
          %dma_start3A_326 = tpu.memref_slice %arg6[%add3A_320, %dma_start3A_324, %dma_start3A_325] : memref<2500x2x128xi32, #tpu.memory_space<hbm>> -> memref<1x2x128xi32, #tpu.memory_space<hbm>>
          tpu.enqueue_dma source(%dma_start3A_326 : memref<1x2x128xi32, #tpu.memory_space<hbm>>) target(%arg14 : memref<1x2x128xi32, #tpu.memory_space<vmem>>) target_semaphore(%arg22 : memref<!tpu.dma_semaphore, #tpu.memory_space<semaphore_mem>>)
        } else {
        }
      }
      %scan3A_225 = arith.constant 78 : i32
      %dma_wait3A_226 = arith.constant 0 : i32
      %dma_wait3A_227 = arith.constant 0 : i32
      %dma_wait3A_228 = arith.constant 0 : i32
      %dma_wait3A_229 = tpu.memref_slice %arg13[%dma_wait3A_226, %dma_wait3A_227, %dma_wait3A_228] : memref<1x2x128xi32, #tpu.memory_space<vmem>> -> memref<1x1x128xi32, #tpu.memory_space<vmem>>
      %dma_wait3A_230 = tpu.memref_squeeze %dma_wait3A_229 : memref<1x1x128xi32, #tpu.memory_space<vmem>> -> memref<128xi32, #tpu.memory_space<vmem>>
      %dma_wait3A_231 = arith.constant 0 : i32
      %dma_wait3A_232 = arith.constant 0 : i32
      %dma_wait3A_233 = tpu.memref_slice %arg5[%dma_wait3A_231, %dma_wait3A_232] : memref<10240x128xf32, #tpu.memory_space<hbm>> -> memref<10240x128xf32, #tpu.memory_space<hbm>>
      tpu.wait_indirect_dma semaphore(%arg19 : memref<!tpu.dma_semaphore, #tpu.memory_space<semaphore_mem>>) src(%dma_wait3A_233 : memref<10240x128xf32, #tpu.memory_space<hbm>>) dst(%arg15 : memref<128x128xf32, #tpu.memory_space<vmem>>)
      %gt3A_234 = arith.constant 156 : i32
      %gt3A_235 = arith.cmpi sgt, %sub3A_50, %gt3A_234 : i32
      %convert_element_type3A_236 = arith.extui %gt3A_235 : i1 to i32
      %cond3A_237 = arith.constant 0 : i32
      %cond3A_238 = arith.cmpi ne, %convert_element_type3A_236, %cond3A_237 : i32
      scf.if %cond3A_238 {
        %run_scoped3A_240 = arith.constant 0 : i32
        %run_scoped3A_241 = arith.constant 1 : i32
        "tpu.region"() ({
          %run_scoped3A_242 = tpu.sem_alloc : memref<!tpu.dma_semaphore, #tpu.memory_space<semaphore_mem>>
          %dma_start3A_243 = arith.constant 0 : i32
          %dma_start3A_244 = tpu.memref_slice %arg13[%run_scoped3A_240, %run_scoped3A_241, %dma_start3A_243] : memref<1x2x128xi32, #tpu.memory_space<vmem>> -> memref<1x1x128xi32, #tpu.memory_space<vmem>>
          %dma_start3A_245 = tpu.memref_squeeze %dma_start3A_244 : memref<1x1x128xi32, #tpu.memory_space<vmem>> -> memref<128xi32, #tpu.memory_space<vmem>>
          %dma_start3A_246 = arith.constant 0 : i32
          %dma_start3A_247 = arith.constant 0 : i32
          %dma_start3A_248 = tpu.memref_slice %arg18[%dma_start3A_246, %dma_start3A_247] : memref<10240x128xf32, #tpu.memory_space<vmem_shared>> -> memref<10240x128xf32, #tpu.memory_space<vmem_shared>>
          tpu.enqueue_indirect_dma source(%arg15 : memref<128x128xf32, #tpu.memory_space<vmem>>) target(%dma_start3A_248 : memref<10240x128xf32, #tpu.memory_space<vmem_shared>>) offsets(%dma_start3A_245 : memref<128xi32, #tpu.memory_space<vmem>>) semaphore(%run_scoped3A_242 : memref<!tpu.dma_semaphore, #tpu.memory_space<semaphore_mem>>) {add = true}
          %dma_wait3A_249 = arith.constant 0 : i32
          %dma_wait3A_250 = tpu.memref_slice %arg13[%run_scoped3A_240, %run_scoped3A_241, %dma_wait3A_249] : memref<1x2x128xi32, #tpu.memory_space<vmem>> -> memref<1x1x128xi32, #tpu.memory_space<vmem>>
          %dma_wait3A_251 = tpu.memref_squeeze %dma_wait3A_250 : memref<1x1x128xi32, #tpu.memory_space<vmem>> -> memref<128xi32, #tpu.memory_space<vmem>>
          %dma_wait3A_252 = arith.constant 0 : i32
          %dma_wait3A_253 = arith.constant 0 : i32
          %dma_wait3A_254 = tpu.memref_slice %arg18[%dma_wait3A_252, %dma_wait3A_253] : memref<10240x128xf32, #tpu.memory_space<vmem_shared>> -> memref<10240x128xf32, #tpu.memory_space<vmem_shared>>
          tpu.wait_indirect_dma semaphore(%run_scoped3A_242 : memref<!tpu.dma_semaphore, #tpu.memory_space<semaphore_mem>>) src(%arg15 : memref<128x128xf32, #tpu.memory_space<vmem>>) dst(%dma_wait3A_254 : memref<10240x128xf32, #tpu.memory_space<vmem_shared>>)
          tpu.yield
        }) : () -> ()
      } else {
      }
      %barrier3A_239 = arith.constant 0 : index
      tpu.barrier barrier_id(%barrier3A_239)
      "tpu.region"() ({
        %run_scoped3A_240 = tpu.sem_alloc : memref<!tpu.dma_semaphore, #tpu.memory_space<semaphore_mem>>
        %dma_start3A_241 = arith.constant 0 : i32
        %dma_start3A_242 = tpu.memref_slice %arg10[%mul3A_4, %dma_start3A_241] : memref<10240x128xf32, #tpu.memory_space<hbm>> -> memref<640x128xf32, #tpu.memory_space<hbm>>
        %dma_start3A_243 = arith.constant 0 : i32
        %dma_start3A_244 = tpu.memref_slice %arg18[%mul3A_4, %dma_start3A_243] : memref<10240x128xf32, #tpu.memory_space<vmem_shared>> -> memref<640x128xf32, #tpu.memory_space<vmem_shared>>
        tpu.enqueue_dma source(%dma_start3A_244 : memref<640x128xf32, #tpu.memory_space<vmem_shared>>) target(%dma_start3A_242 : memref<640x128xf32, #tpu.memory_space<hbm>>) target_semaphore(%run_scoped3A_240 : memref<!tpu.dma_semaphore, #tpu.memory_space<semaphore_mem>>)
        %dma_wait3A_245 = arith.constant 0 : i32
        %dma_wait3A_246 = tpu.memref_slice %arg10[%mul3A_4, %dma_wait3A_245] : memref<10240x128xf32, #tpu.memory_space<hbm>> -> memref<640x128xf32, #tpu.memory_space<hbm>>
        %dma_wait3A_247 = arith.constant 0 : i32
        %dma_wait3A_248 = tpu.memref_slice %arg18[%mul3A_4, %dma_wait3A_247] : memref<10240x128xf32, #tpu.memory_space<vmem_shared>> -> memref<640x128xf32, #tpu.memory_space<vmem_shared>>
        tpu.wait_dma2 semaphore(%run_scoped3A_240 : memref<!tpu.dma_semaphore, #tpu.memory_space<semaphore_mem>>) src(%dma_wait3A_248 : memref<640x128xf32, #tpu.memory_space<vmem_shared>>) dst(%dma_wait3A_246 : memref<640x128xf32, #tpu.memory_space<hbm>>)
        tpu.yield
      }) : () -> ()
    } else {
    }
    return
  }
}

module attributes {stable_mosaic.version = 14 : i64} {
  func.func @body(%arg0: i32, %arg1: memref<1000x4x128xf32, #tpu.memory_space<vmem>>, %arg2: memref<128x128xf32, #tpu.memory_space<vmem>>, %arg3: memref<1000x128xf32, #tpu.memory_space<vmem>>, %arg4: memref<1000x128xf32, #tpu.memory_space<vmem>>, %arg5: memref<1000x128xf32, #tpu.memory_space<vmem>>, %arg6: memref<1000x128xf32, #tpu.memory_space<vmem>>) attributes {dimension_semantics = [#tpu.dimension_semantics<arbitrary>], iteration_bounds = array<i64: 10>, scalar_prefetch = 0 : i64, scratch_operands = 0 : i64, tpu.core_type = #tpu.core_type<tc>, window_params = [{transform_indices = @transform_0, window_bounds = array<i64: 1000, 4, 128>}, {pipeline_mode = #tpu.pipeline_mode<synchronous>, transform_indices = @transform_1, window_bounds = array<i64: 128, 128>}, {transform_indices = @transform_2, window_bounds = array<i64: 1000, 128>}, {transform_indices = @transform_3, window_bounds = array<i64: 1000, 128>}, {transform_indices = @transform_4, window_bounds = array<i64: 1000, 128>}, {transform_indices = @transform_5, window_bounds = array<i64: 1000, 128>}]} {
    %get3A = arith.constant 0 : index
    %get3A_0 = arith.constant 0 : index
    %get3A_1 = arith.constant 0 : index
    %get3A_2 = vector.load %arg1[%get3A, %get3A_0, %get3A_1] : memref<1000x4x128xf32, #tpu.memory_space<vmem>>, vector<1000x1x128xf32>
    %get3A_3 = vector.shape_cast %get3A_2 : vector<1000x1x128xf32> to vector<1000x128xf32>
    %get3A_4 = arith.constant 0 : index
    %get3A_5 = arith.constant 0 : index
    %get3A_6 = vector.load %arg2[%get3A_4, %get3A_5] : memref<128x128xf32, #tpu.memory_space<vmem>>, vector<128x128xf32>
    %dot_general3A = arith.constant dense<0.000000e+00> : vector<1000x128xf32>
    %dot_general3A_7 = tpu.matmul %get3A_3, %get3A_6, %dot_general3A {dimension_numbers = #tpu.dot_dimension_numbers<[1], [0], [0], [1], [0, 0, 1, 1], [], []>, precision = #tpu.contract_precision<fp32>, transpose_lhs_hint = false} : vector<1000x128xf32>, vector<128x128xf32>, vector<1000x128xf32> -> vector<1000x128xf32>
    %swap3A = arith.constant 0 : index
    %swap3A_8 = arith.constant 0 : index
    %swap3A_9 = vector.load %arg3[%swap3A, %swap3A_8] : memref<1000x128xf32, #tpu.memory_space<vmem>>, vector<1000x128xf32>
    tpu.vector_store %arg3[%swap3A, %swap3A_8], %dot_general3A_7 {strides = array<i32>} : memref<1000x128xf32, #tpu.memory_space<vmem>>, vector<1000x128xf32>,
    %get3A_10 = arith.constant 0 : index
    %get3A_11 = arith.constant 1 : index
    %get3A_12 = arith.constant 0 : index
    %get3A_13 = vector.load %arg1[%get3A_10, %get3A_11, %get3A_12] : memref<1000x4x128xf32, #tpu.memory_space<vmem>>, vector<1000x1x128xf32>
    %get3A_14 = vector.shape_cast %get3A_13 : vector<1000x1x128xf32> to vector<1000x128xf32>
    %get3A_15 = arith.constant 0 : index
    %get3A_16 = arith.constant 0 : index
    %get3A_17 = vector.load %arg2[%get3A_15, %get3A_16] : memref<128x128xf32, #tpu.memory_space<vmem>>, vector<128x128xf32>
    %dot_general3A_18 = arith.constant dense<0.000000e+00> : vector<1000x128xf32>
    %dot_general3A_19 = tpu.matmul %get3A_14, %get3A_17, %dot_general3A_18 {dimension_numbers = #tpu.dot_dimension_numbers<[1], [0], [0], [1], [0, 0, 1, 1], [], []>, precision = #tpu.contract_precision<fp32>, transpose_lhs_hint = false} : vector<1000x128xf32>, vector<128x128xf32>, vector<1000x128xf32> -> vector<1000x128xf32>
    %swap3A_20 = arith.constant 0 : index
    %swap3A_21 = arith.constant 0 : index
    %swap3A_22 = vector.load %arg4[%swap3A_20, %swap3A_21] : memref<1000x128xf32, #tpu.memory_space<vmem>>, vector<1000x128xf32>
    tpu.vector_store %arg4[%swap3A_20, %swap3A_21], %dot_general3A_19 {strides = array<i32>} : memref<1000x128xf32, #tpu.memory_space<vmem>>, vector<1000x128xf32>,
    %get3A_23 = arith.constant 0 : index
    %get3A_24 = arith.constant 2 : index
    %get3A_25 = arith.constant 0 : index
    %get3A_26 = vector.load %arg1[%get3A_23, %get3A_24, %get3A_25] : memref<1000x4x128xf32, #tpu.memory_space<vmem>>, vector<1000x1x128xf32>
    %get3A_27 = vector.shape_cast %get3A_26 : vector<1000x1x128xf32> to vector<1000x128xf32>
    %get3A_28 = arith.constant 0 : index
    %get3A_29 = arith.constant 0 : index
    %get3A_30 = vector.load %arg2[%get3A_28, %get3A_29] : memref<128x128xf32, #tpu.memory_space<vmem>>, vector<128x128xf32>
    %dot_general3A_31 = arith.constant dense<0.000000e+00> : vector<1000x128xf32>
    %dot_general3A_32 = tpu.matmul %get3A_27, %get3A_30, %dot_general3A_31 {dimension_numbers = #tpu.dot_dimension_numbers<[1], [0], [0], [1], [0, 0, 1, 1], [], []>, precision = #tpu.contract_precision<fp32>, transpose_lhs_hint = false} : vector<1000x128xf32>, vector<128x128xf32>, vector<1000x128xf32> -> vector<1000x128xf32>
    %swap3A_33 = arith.constant 0 : index
    %swap3A_34 = arith.constant 0 : index
    %swap3A_35 = vector.load %arg5[%swap3A_33, %swap3A_34] : memref<1000x128xf32, #tpu.memory_space<vmem>>, vector<1000x128xf32>
    tpu.vector_store %arg5[%swap3A_33, %swap3A_34], %dot_general3A_32 {strides = array<i32>} : memref<1000x128xf32, #tpu.memory_space<vmem>>, vector<1000x128xf32>,
    %get3A_36 = arith.constant 0 : index
    %get3A_37 = arith.constant 3 : index
    %get3A_38 = arith.constant 0 : index
    %get3A_39 = vector.load %arg1[%get3A_36, %get3A_37, %get3A_38] : memref<1000x4x128xf32, #tpu.memory_space<vmem>>, vector<1000x1x128xf32>
    %get3A_40 = vector.shape_cast %get3A_39 : vector<1000x1x128xf32> to vector<1000x128xf32>
    %get3A_41 = arith.constant 0 : index
    %get3A_42 = arith.constant 0 : index
    %get3A_43 = vector.load %arg2[%get3A_41, %get3A_42] : memref<128x128xf32, #tpu.memory_space<vmem>>, vector<128x128xf32>
    %dot_general3A_44 = arith.constant dense<0.000000e+00> : vector<1000x128xf32>
    %dot_general3A_45 = tpu.matmul %get3A_40, %get3A_43, %dot_general3A_44 {dimension_numbers = #tpu.dot_dimension_numbers<[1], [0], [0], [1], [0, 0, 1, 1], [], []>, precision = #tpu.contract_precision<fp32>, transpose_lhs_hint = false} : vector<1000x128xf32>, vector<128x128xf32>, vector<1000x128xf32> -> vector<1000x128xf32>
    %swap3A_46 = arith.constant 0 : index
    %swap3A_47 = arith.constant 0 : index
    %swap3A_48 = vector.load %arg6[%swap3A_46, %swap3A_47] : memref<1000x128xf32, #tpu.memory_space<vmem>>, vector<1000x128xf32>
    tpu.vector_store %arg6[%swap3A_46, %swap3A_47], %dot_general3A_45 {strides = array<i32>} : memref<1000x128xf32, #tpu.memory_space<vmem>>, vector<1000x128xf32>,
    return
  }
  func.func @transform_0(%arg0: i32) -> (i32, i32, i32) {
    %c0_i32 = arith.constant 0 : i32
    %c0_i32_0 = arith.constant 0 : i32
    %c0_i32_1 = arith.constant 0 : i32
    return %arg0, %c0_i32, %c0_i32_0 : i32, i32, i32
  }
  func.func @transform_1(%arg0: i32) -> (i32, i32) {
    %c0_i32 = arith.constant 0 : i32
    %c0_i32_0 = arith.constant 0 : i32
    %c0_i32_1 = arith.constant 0 : i32
    return %c0_i32, %c0_i32_0 : i32, i32
  }
  func.func @transform_2(%arg0: i32) -> (i32, i32) {
    %c0_i32 = arith.constant 0 : i32
    %c0_i32_0 = arith.constant 0 : i32
    return %arg0, %c0_i32 : i32, i32
  }
  func.func @transform_3(%arg0: i32) -> (i32, i32) {
    %c0_i32 = arith.constant 0 : i32
    %c0_i32_0 = arith.constant 0 : i32
    return %arg0, %c0_i32 : i32, i32
  }
  func.func @transform_4(%arg0: i32) -> (i32, i32) {
    %c0_i32 = arith.constant 0 : i32
    %c0_i32_0 = arith.constant 0 : i32
    return %arg0, %c0_i32 : i32, i32
  }
  func.func @transform_5(%arg0: i32) -> (i32, i32) {
    %c0_i32 = arith.constant 0 : i32
    %c0_i32_0 = arith.constant 0 : i32
    return %arg0, %c0_i32 : i32, i32
  }
}

module attributes {stable_mosaic.version = 14 : i64} {
  func.func @body(%arg0: i32, %arg1: memref<1024x128xf32, #tpu.memory_space<vmem>>, %arg2: memref<1024x128xf32, #tpu.memory_space<vmem>>, %arg3: memref<1024x128xf32, #tpu.memory_space<vmem>>, %arg4: memref<1024x128xf32, #tpu.memory_space<vmem>>, %arg5: memref<1024x1xf32, #tpu.memory_space<vmem>>, %arg6: memref<1024x1xf32, #tpu.memory_space<vmem>>, %arg7: memref<128x64xf32, #tpu.memory_space<vmem>>, %arg8: memref<1024x128xf32, #tpu.memory_space<vmem>>, %arg9: memref<1024x128xf32, #tpu.memory_space<vmem>>) attributes {dimension_semantics = [#tpu.dimension_semantics<arbitrary>], iteration_bounds = array<i64: 10>, scalar_prefetch = 0 : i64, scratch_operands = 0 : i64, tpu.core_type = #tpu.core_type<tc>, window_params = [{transform_indices = @transform_0, window_bounds = array<i64: 1024, 128>}, {transform_indices = @transform_1, window_bounds = array<i64: 1024, 128>}, {transform_indices = @transform_2, window_bounds = array<i64: 1024, 128>}, {transform_indices = @transform_3, window_bounds = array<i64: 1024, 128>}, {transform_indices = @transform_4, window_bounds = array<i64: 1024, 1>}, {transform_indices = @transform_5, window_bounds = array<i64: 1024, 1>}, {pipeline_mode = #tpu.pipeline_mode<synchronous>, transform_indices = @transform_6, window_bounds = array<i64: 128, 64>}, {transform_indices = @transform_7, window_bounds = array<i64: 1024, 128>}, {transform_indices = @transform_8, window_bounds = array<i64: 1024, 128>}]} {
    %get3A = arith.constant 0 : index
    %get3A_0 = arith.constant 0 : index
    %get3A_1 = vector.load %arg5[%get3A, %get3A_0] : memref<1024x1xf32, #tpu.memory_space<vmem>>, vector<1024x1xf32>
    %get3A_2 = arith.constant 0 : index
    %get3A_3 = arith.constant 0 : index
    %get3A_4 = vector.load %arg6[%get3A_2, %get3A_3] : memref<1024x1xf32, #tpu.memory_space<vmem>>, vector<1024x1xf32>
    %add3A = arith.addf %get3A_1, %get3A_4 : vector<1024x1xf32>
    %max3A = arith.constant 1.000000e+00 : f32
    %max3A_5 = vector.broadcast %max3A : f32 to vector<1024x1xf32>
    %max3A_6 = arith.maximumf %add3A, %max3A_5 : vector<1024x1xf32>
    %div3A = arith.constant 1.000000e+00 : f32
    %div3A_7 = vector.broadcast %div3A : f32 to vector<1024x1xf32>
    %div3A_8 = arith.divf %div3A_7, %max3A_6 : vector<1024x1xf32>
    %get3A_9 = arith.constant 0 : index
    %get3A_10 = arith.constant 0 : index
    %get3A_11 = vector.load %arg1[%get3A_9, %get3A_10] : memref<1024x128xf32, #tpu.memory_space<vmem>>, vector<1024x128xf32>
    %mul3A = vector.broadcast %div3A_8 : vector<1024x1xf32> to vector<1024x128xf32>
    %mul3A_12 = arith.mulf %get3A_11, %mul3A : vector<1024x128xf32>
    %max3A_13 = arith.constant 0.000000e+00 : f32
    %max3A_14 = vector.broadcast %max3A_13 : f32 to vector<1024x128xf32>
    %max3A_15 = arith.maximumf %mul3A_12, %max3A_14 : vector<1024x128xf32>
    %get3A_16 = arith.constant 0 : index
    %get3A_17 = arith.constant 0 : index
    %get3A_18 = vector.load %arg7[%get3A_16, %get3A_17] : memref<128x64xf32, #tpu.memory_space<vmem>>, vector<128x64xf32>
    %dot_general3A = arith.constant dense<0.000000e+00> : vector<1024x64xf32>
    %dot_general3A_19 = tpu.matmul %max3A_15, %get3A_18, %dot_general3A {dimension_numbers = #tpu.dot_dimension_numbers<[1], [0], [0], [1], [0, 0, 1, 1], [], []>, precision = #tpu.contract_precision<fp32>, transpose_lhs_hint = false} : vector<1024x128xf32>, vector<128x64xf32>, vector<1024x64xf32> -> vector<1024x64xf32>
    %get3A_20 = arith.constant 0 : index
    %get3A_21 = arith.constant 0 : index
    %get3A_22 = vector.load %arg2[%get3A_20, %get3A_21] : memref<1024x128xf32, #tpu.memory_space<vmem>>, vector<1024x128xf32>
    %mul3A_23 = vector.broadcast %div3A_8 : vector<1024x1xf32> to vector<1024x128xf32>
    %mul3A_24 = arith.mulf %get3A_22, %mul3A_23 : vector<1024x128xf32>
    %max3A_25 = arith.constant 0.000000e+00 : f32
    %max3A_26 = vector.broadcast %max3A_25 : f32 to vector<1024x128xf32>
    %max3A_27 = arith.maximumf %mul3A_24, %max3A_26 : vector<1024x128xf32>
    %get3A_28 = arith.constant 0 : index
    %get3A_29 = arith.constant 0 : index
    %get3A_30 = vector.load %arg7[%get3A_28, %get3A_29] : memref<128x64xf32, #tpu.memory_space<vmem>>, vector<128x64xf32>
    %dot_general3A_31 = arith.constant dense<0.000000e+00> : vector<1024x64xf32>
    %dot_general3A_32 = tpu.matmul %max3A_27, %get3A_30, %dot_general3A_31 {dimension_numbers = #tpu.dot_dimension_numbers<[1], [0], [0], [1], [0, 0, 1, 1], [], []>, precision = #tpu.contract_precision<fp32>, transpose_lhs_hint = false} : vector<1024x128xf32>, vector<128x64xf32>, vector<1024x64xf32> -> vector<1024x64xf32>
    %get3A_33 = arith.constant 0 : index
    %get3A_34 = arith.constant 0 : index
    %get3A_35 = vector.load %arg3[%get3A_33, %get3A_34] : memref<1024x128xf32, #tpu.memory_space<vmem>>, vector<1024x128xf32>
    %mul3A_36 = vector.broadcast %div3A_8 : vector<1024x1xf32> to vector<1024x128xf32>
    %mul3A_37 = arith.mulf %get3A_35, %mul3A_36 : vector<1024x128xf32>
    %max3A_38 = arith.constant 0.000000e+00 : f32
    %max3A_39 = vector.broadcast %max3A_38 : f32 to vector<1024x128xf32>
    %max3A_40 = arith.maximumf %mul3A_37, %max3A_39 : vector<1024x128xf32>
    %get3A_41 = arith.constant 0 : index
    %get3A_42 = arith.constant 0 : index
    %get3A_43 = vector.load %arg7[%get3A_41, %get3A_42] : memref<128x64xf32, #tpu.memory_space<vmem>>, vector<128x64xf32>
    %dot_general3A_44 = arith.constant dense<0.000000e+00> : vector<1024x64xf32>
    %dot_general3A_45 = tpu.matmul %max3A_40, %get3A_43, %dot_general3A_44 {dimension_numbers = #tpu.dot_dimension_numbers<[1], [0], [0], [1], [0, 0, 1, 1], [], []>, precision = #tpu.contract_precision<fp32>, transpose_lhs_hint = false} : vector<1024x128xf32>, vector<128x64xf32>, vector<1024x64xf32> -> vector<1024x64xf32>
    %get3A_46 = arith.constant 0 : index
    %get3A_47 = arith.constant 0 : index
    %get3A_48 = vector.load %arg4[%get3A_46, %get3A_47] : memref<1024x128xf32, #tpu.memory_space<vmem>>, vector<1024x128xf32>
    %mul3A_49 = vector.broadcast %div3A_8 : vector<1024x1xf32> to vector<1024x128xf32>
    %mul3A_50 = arith.mulf %get3A_48, %mul3A_49 : vector<1024x128xf32>
    %max3A_51 = arith.constant 0.000000e+00 : f32
    %max3A_52 = vector.broadcast %max3A_51 : f32 to vector<1024x128xf32>
    %max3A_53 = arith.maximumf %mul3A_50, %max3A_52 : vector<1024x128xf32>
    %get3A_54 = arith.constant 0 : index
    %get3A_55 = arith.constant 0 : index
    %get3A_56 = vector.load %arg7[%get3A_54, %get3A_55] : memref<128x64xf32, #tpu.memory_space<vmem>>, vector<128x64xf32>
    %dot_general3A_57 = arith.constant dense<0.000000e+00> : vector<1024x64xf32>
    %dot_general3A_58 = tpu.matmul %max3A_53, %get3A_56, %dot_general3A_57 {dimension_numbers = #tpu.dot_dimension_numbers<[1], [0], [0], [1], [0, 0, 1, 1], [], []>, precision = #tpu.contract_precision<fp32>, transpose_lhs_hint = false} : vector<1024x128xf32>, vector<128x64xf32>, vector<1024x64xf32> -> vector<1024x64xf32>
    %concatenate3A = tpu.concatenate %dot_general3A_19, %dot_general3A_32 in 1 : vector<1024x64xf32>, vector<1024x64xf32> -> vector<1024x128xf32>
    %swap3A = arith.constant 0 : index
    %swap3A_59 = arith.constant 0 : index
    %swap3A_60 = vector.load %arg8[%swap3A, %swap3A_59] : memref<1024x128xf32, #tpu.memory_space<vmem>>, vector<1024x128xf32>
    tpu.vector_store %arg8[%swap3A, %swap3A_59], %concatenate3A {strides = array<i32>} : memref<1024x128xf32, #tpu.memory_space<vmem>>, vector<1024x128xf32>,
    %concatenate3A_61 = tpu.concatenate %dot_general3A_45, %dot_general3A_58 in 1 : vector<1024x64xf32>, vector<1024x64xf32> -> vector<1024x128xf32>
    %swap3A_62 = arith.constant 0 : index
    %swap3A_63 = arith.constant 0 : index
    %swap3A_64 = vector.load %arg9[%swap3A_62, %swap3A_63] : memref<1024x128xf32, #tpu.memory_space<vmem>>, vector<1024x128xf32>
    tpu.vector_store %arg9[%swap3A_62, %swap3A_63], %concatenate3A_61 {strides = array<i32>} : memref<1024x128xf32, #tpu.memory_space<vmem>>, vector<1024x128xf32>,
    return
  }
  func.func @transform_0(%arg0: i32) -> (i32, i32) {
    %c0_i32 = arith.constant 0 : i32
    %c0_i32_0 = arith.constant 0 : i32
    return %arg0, %c0_i32 : i32, i32
  }
  func.func @transform_1(%arg0: i32) -> (i32, i32) {
    %c0_i32 = arith.constant 0 : i32
    %c0_i32_0 = arith.constant 0 : i32
    return %arg0, %c0_i32 : i32, i32
  }
  func.func @transform_2(%arg0: i32) -> (i32, i32) {
    %c0_i32 = arith.constant 0 : i32
    %c0_i32_0 = arith.constant 0 : i32
    return %arg0, %c0_i32 : i32, i32
  }
  func.func @transform_3(%arg0: i32) -> (i32, i32) {
    %c0_i32 = arith.constant 0 : i32
    %c0_i32_0 = arith.constant 0 : i32
    return %arg0, %c0_i32 : i32, i32
  }
  func.func @transform_4(%arg0: i32) -> (i32, i32) {
    %c0_i32 = arith.constant 0 : i32
    %c0_i32_0 = arith.constant 0 : i32
    return %arg0, %c0_i32 : i32, i32
  }
  func.func @transform_5(%arg0: i32) -> (i32, i32) {
    %c0_i32 = arith.constant 0 : i32
    %c0_i32_0 = arith.constant 0 : i32
    return %arg0, %c0_i32 : i32, i32
  }
  func.func @transform_6(%arg0: i32) -> (i32, i32) {
    %c0_i32 = arith.constant 0 : i32
    %c0_i32_0 = arith.constant 0 : i32
    %c0_i32_1 = arith.constant 0 : i32
    return %c0_i32, %c0_i32_0 : i32, i32
  }
  func.func @transform_7(%arg0: i32) -> (i32, i32) {
    %c0_i32 = arith.constant 0 : i32
    %c0_i32_0 = arith.constant 0 : i32
    return %arg0, %c0_i32 : i32, i32
  }
  func.func @transform_8(%arg0: i32) -> (i32, i32) {
    %c0_i32 = arith.constant 0 : i32
    %c0_i32_0 = arith.constant 0 : i32
    return %arg0, %c0_i32 : i32, i32
  }
}

module attributes {stable_mosaic.version = 14 : i64} {
  func.func @body(%arg0: i32, %arg1: memref<1024x128xf32, #tpu.memory_space<vmem>>, %arg2: memref<1024x128xf32, #tpu.memory_space<vmem>>, %arg3: memref<1024x1xf32, #tpu.memory_space<vmem>>, %arg4: memref<1024x1xf32, #tpu.memory_space<vmem>>, %arg5: memref<64x64xf32, #tpu.memory_space<vmem>>, %arg6: memref<1024x128xf32, #tpu.memory_space<vmem>>, %arg7: memref<1024x128xf32, #tpu.memory_space<vmem>>) attributes {dimension_semantics = [#tpu.dimension_semantics<arbitrary>], iteration_bounds = array<i64: 10>, scalar_prefetch = 0 : i64, scratch_operands = 0 : i64, tpu.core_type = #tpu.core_type<tc>, window_params = [{transform_indices = @transform_0, window_bounds = array<i64: 1024, 128>}, {transform_indices = @transform_1, window_bounds = array<i64: 1024, 128>}, {transform_indices = @transform_2, window_bounds = array<i64: 1024, 1>}, {transform_indices = @transform_3, window_bounds = array<i64: 1024, 1>}, {pipeline_mode = #tpu.pipeline_mode<synchronous>, transform_indices = @transform_4, window_bounds = array<i64: 64, 64>}, {transform_indices = @transform_5, window_bounds = array<i64: 1024, 128>}, {transform_indices = @transform_6, window_bounds = array<i64: 1024, 128>}]} {
    %get3A = arith.constant 0 : index
    %get3A_0 = arith.constant 0 : index
    %get3A_1 = vector.load %arg3[%get3A, %get3A_0] : memref<1024x1xf32, #tpu.memory_space<vmem>>, vector<1024x1xf32>
    %get3A_2 = arith.constant 0 : index
    %get3A_3 = arith.constant 0 : index
    %get3A_4 = vector.load %arg4[%get3A_2, %get3A_3] : memref<1024x1xf32, #tpu.memory_space<vmem>>, vector<1024x1xf32>
    %add3A = arith.addf %get3A_1, %get3A_4 : vector<1024x1xf32>
    %max3A = arith.constant 1.000000e+00 : f32
    %max3A_5 = vector.broadcast %max3A : f32 to vector<1024x1xf32>
    %max3A_6 = arith.maximumf %add3A, %max3A_5 : vector<1024x1xf32>
    %div3A = arith.constant 1.000000e+00 : f32
    %div3A_7 = vector.broadcast %div3A : f32 to vector<1024x1xf32>
    %div3A_8 = arith.divf %div3A_7, %max3A_6 : vector<1024x1xf32>
    %get3A_9 = arith.constant 0 : index
    %get3A_10 = arith.constant 0 : index
    %get3A_11 = vector.load %arg1[%get3A_9, %get3A_10] : memref<1024x128xf32, #tpu.memory_space<vmem>>, vector<1024x64xf32>
    %mul3A = vector.broadcast %div3A_8 : vector<1024x1xf32> to vector<1024x64xf32>
    %mul3A_12 = arith.mulf %get3A_11, %mul3A : vector<1024x64xf32>
    %max3A_13 = arith.constant 0.000000e+00 : f32
    %max3A_14 = vector.broadcast %max3A_13 : f32 to vector<1024x64xf32>
    %max3A_15 = arith.maximumf %mul3A_12, %max3A_14 : vector<1024x64xf32>
    %get3A_16 = arith.constant 0 : index
    %get3A_17 = arith.constant 0 : index
    %get3A_18 = vector.load %arg5[%get3A_16, %get3A_17] : memref<64x64xf32, #tpu.memory_space<vmem>>, vector<64x64xf32>
    %dot_general3A = arith.constant dense<0.000000e+00> : vector<1024x64xf32>
    %dot_general3A_19 = tpu.matmul %max3A_15, %get3A_18, %dot_general3A {dimension_numbers = #tpu.dot_dimension_numbers<[1], [0], [0], [1], [0, 0, 1, 1], [], []>, precision = #tpu.contract_precision<fp32>, transpose_lhs_hint = false} : vector<1024x64xf32>, vector<64x64xf32>, vector<1024x64xf32> -> vector<1024x64xf32>
    %get3A_20 = arith.constant 0 : index
    %get3A_21 = arith.constant 64 : index
    %get3A_22 = vector.load %arg1[%get3A_20, %get3A_21] : memref<1024x128xf32, #tpu.memory_space<vmem>>, vector<1024x64xf32>
    %mul3A_23 = vector.broadcast %div3A_8 : vector<1024x1xf32> to vector<1024x64xf32>
    %mul3A_24 = arith.mulf %get3A_22, %mul3A_23 : vector<1024x64xf32>
    %max3A_25 = arith.constant 0.000000e+00 : f32
    %max3A_26 = vector.broadcast %max3A_25 : f32 to vector<1024x64xf32>
    %max3A_27 = arith.maximumf %mul3A_24, %max3A_26 : vector<1024x64xf32>
    %get3A_28 = arith.constant 0 : index
    %get3A_29 = arith.constant 0 : index
    %get3A_30 = vector.load %arg5[%get3A_28, %get3A_29] : memref<64x64xf32, #tpu.memory_space<vmem>>, vector<64x64xf32>
    %dot_general3A_31 = arith.constant dense<0.000000e+00> : vector<1024x64xf32>
    %dot_general3A_32 = tpu.matmul %max3A_27, %get3A_30, %dot_general3A_31 {dimension_numbers = #tpu.dot_dimension_numbers<[1], [0], [0], [1], [0, 0, 1, 1], [], []>, precision = #tpu.contract_precision<fp32>, transpose_lhs_hint = false} : vector<1024x64xf32>, vector<64x64xf32>, vector<1024x64xf32> -> vector<1024x64xf32>
    %get3A_33 = arith.constant 0 : index
    %get3A_34 = arith.constant 0 : index
    %get3A_35 = vector.load %arg2[%get3A_33, %get3A_34] : memref<1024x128xf32, #tpu.memory_space<vmem>>, vector<1024x64xf32>
    %mul3A_36 = vector.broadcast %div3A_8 : vector<1024x1xf32> to vector<1024x64xf32>
    %mul3A_37 = arith.mulf %get3A_35, %mul3A_36 : vector<1024x64xf32>
    %max3A_38 = arith.constant 0.000000e+00 : f32
    %max3A_39 = vector.broadcast %max3A_38 : f32 to vector<1024x64xf32>
    %max3A_40 = arith.maximumf %mul3A_37, %max3A_39 : vector<1024x64xf32>
    %get3A_41 = arith.constant 0 : index
    %get3A_42 = arith.constant 0 : index
    %get3A_43 = vector.load %arg5[%get3A_41, %get3A_42] : memref<64x64xf32, #tpu.memory_space<vmem>>, vector<64x64xf32>
    %dot_general3A_44 = arith.constant dense<0.000000e+00> : vector<1024x64xf32>
    %dot_general3A_45 = tpu.matmul %max3A_40, %get3A_43, %dot_general3A_44 {dimension_numbers = #tpu.dot_dimension_numbers<[1], [0], [0], [1], [0, 0, 1, 1], [], []>, precision = #tpu.contract_precision<fp32>, transpose_lhs_hint = false} : vector<1024x64xf32>, vector<64x64xf32>, vector<1024x64xf32> -> vector<1024x64xf32>
    %get3A_46 = arith.constant 0 : index
    %get3A_47 = arith.constant 64 : index
    %get3A_48 = vector.load %arg2[%get3A_46, %get3A_47] : memref<1024x128xf32, #tpu.memory_space<vmem>>, vector<1024x64xf32>
    %mul3A_49 = vector.broadcast %div3A_8 : vector<1024x1xf32> to vector<1024x64xf32>
    %mul3A_50 = arith.mulf %get3A_48, %mul3A_49 : vector<1024x64xf32>
    %max3A_51 = arith.constant 0.000000e+00 : f32
    %max3A_52 = vector.broadcast %max3A_51 : f32 to vector<1024x64xf32>
    %max3A_53 = arith.maximumf %mul3A_50, %max3A_52 : vector<1024x64xf32>
    %get3A_54 = arith.constant 0 : index
    %get3A_55 = arith.constant 0 : index
    %get3A_56 = vector.load %arg5[%get3A_54, %get3A_55] : memref<64x64xf32, #tpu.memory_space<vmem>>, vector<64x64xf32>
    %dot_general3A_57 = arith.constant dense<0.000000e+00> : vector<1024x64xf32>
    %dot_general3A_58 = tpu.matmul %max3A_53, %get3A_56, %dot_general3A_57 {dimension_numbers = #tpu.dot_dimension_numbers<[1], [0], [0], [1], [0, 0, 1, 1], [], []>, precision = #tpu.contract_precision<fp32>, transpose_lhs_hint = false} : vector<1024x64xf32>, vector<64x64xf32>, vector<1024x64xf32> -> vector<1024x64xf32>
    %concatenate3A = tpu.concatenate %dot_general3A_19, %dot_general3A_32 in 1 : vector<1024x64xf32>, vector<1024x64xf32> -> vector<1024x128xf32>
    %swap3A = arith.constant 0 : index
    %swap3A_59 = arith.constant 0 : index
    %swap3A_60 = vector.load %arg6[%swap3A, %swap3A_59] : memref<1024x128xf32, #tpu.memory_space<vmem>>, vector<1024x128xf32>
    tpu.vector_store %arg6[%swap3A, %swap3A_59], %concatenate3A {strides = array<i32>} : memref<1024x128xf32, #tpu.memory_space<vmem>>, vector<1024x128xf32>,
    %concatenate3A_61 = tpu.concatenate %dot_general3A_45, %dot_general3A_58 in 1 : vector<1024x64xf32>, vector<1024x64xf32> -> vector<1024x128xf32>
    %swap3A_62 = arith.constant 0 : index
    %swap3A_63 = arith.constant 0 : index
    %swap3A_64 = vector.load %arg7[%swap3A_62, %swap3A_63] : memref<1024x128xf32, #tpu.memory_space<vmem>>, vector<1024x128xf32>
    tpu.vector_store %arg7[%swap3A_62, %swap3A_63], %concatenate3A_61 {strides = array<i32>} : memref<1024x128xf32, #tpu.memory_space<vmem>>, vector<1024x128xf32>,
    return
  }
  func.func @transform_0(%arg0: i32) -> (i32, i32) {
    %c0_i32 = arith.constant 0 : i32
    %c0_i32_0 = arith.constant 0 : i32
    return %arg0, %c0_i32 : i32, i32
  }
  func.func @transform_1(%arg0: i32) -> (i32, i32) {
    %c0_i32 = arith.constant 0 : i32
    %c0_i32_0 = arith.constant 0 : i32
    return %arg0, %c0_i32 : i32, i32
  }
  func.func @transform_2(%arg0: i32) -> (i32, i32) {
    %c0_i32 = arith.constant 0 : i32
    %c0_i32_0 = arith.constant 0 : i32
    return %arg0, %c0_i32 : i32, i32
  }
  func.func @transform_3(%arg0: i32) -> (i32, i32) {
    %c0_i32 = arith.constant 0 : i32
    %c0_i32_0 = arith.constant 0 : i32
    return %arg0, %c0_i32 : i32, i32
  }
  func.func @transform_4(%arg0: i32) -> (i32, i32) {
    %c0_i32 = arith.constant 0 : i32
    %c0_i32_0 = arith.constant 0 : i32
    %c0_i32_1 = arith.constant 0 : i32
    return %c0_i32, %c0_i32_0 : i32, i32
  }
  func.func @transform_5(%arg0: i32) -> (i32, i32) {
    %c0_i32 = arith.constant 0 : i32
    %c0_i32_0 = arith.constant 0 : i32
    return %arg0, %c0_i32 : i32, i32
  }
  func.func @transform_6(%arg0: i32) -> (i32, i32) {
    %c0_i32 = arith.constant 0 : i32
    %c0_i32_0 = arith.constant 0 : i32
    return %arg0, %c0_i32 : i32, i32
  }
}

module attributes {stable_mosaic.version = 14 : i64} {
  func.func @body(%arg0: i32, %arg1: memref<1024x128xf32, #tpu.memory_space<vmem>>, %arg2: memref<1024x128xf32, #tpu.memory_space<vmem>>, %arg3: memref<1024x1xf32, #tpu.memory_space<vmem>>, %arg4: memref<1024x1xf32, #tpu.memory_space<vmem>>, %arg5: memref<64x32xf32, #tpu.memory_space<vmem>>, %arg6: memref<1x32xf32, #tpu.memory_space<vmem>>, %arg7: memref<1x32xf32, #tpu.memory_space<vmem>>, %arg8: memref<1024x64xf32, #tpu.memory_space<vmem>>) attributes {dimension_semantics = [#tpu.dimension_semantics<arbitrary>], iteration_bounds = array<i64: 10>, scalar_prefetch = 0 : i64, scratch_operands = 0 : i64, tpu.core_type = #tpu.core_type<tc>, window_params = [{transform_indices = @transform_0, window_bounds = array<i64: 1024, 128>}, {transform_indices = @transform_1, window_bounds = array<i64: 1024, 128>}, {transform_indices = @transform_2, window_bounds = array<i64: 1024, 1>}, {transform_indices = @transform_3, window_bounds = array<i64: 1024, 1>}, {pipeline_mode = #tpu.pipeline_mode<synchronous>, transform_indices = @transform_4, window_bounds = array<i64: 64, 32>}, {pipeline_mode = #tpu.pipeline_mode<synchronous>, transform_indices = @transform_5, window_bounds = array<i64: 1, 32>}, {pipeline_mode = #tpu.pipeline_mode<synchronous>, transform_indices = @transform_6, window_bounds = array<i64: 1, 32>}, {transform_indices = @transform_7, window_bounds = array<i64: 1024, 64>}]} {
    %get3A = arith.constant 0 : index
    %get3A_0 = arith.constant 0 : index
    %get3A_1 = vector.load %arg3[%get3A, %get3A_0] : memref<1024x1xf32, #tpu.memory_space<vmem>>, vector<1024x1xf32>
    %get3A_2 = arith.constant 0 : index
    %get3A_3 = arith.constant 0 : index
    %get3A_4 = vector.load %arg4[%get3A_2, %get3A_3] : memref<1024x1xf32, #tpu.memory_space<vmem>>, vector<1024x1xf32>
    %add3A = arith.addf %get3A_1, %get3A_4 : vector<1024x1xf32>
    %max3A = arith.constant 1.000000e+00 : f32
    %max3A_5 = vector.broadcast %max3A : f32 to vector<1024x1xf32>
    %max3A_6 = arith.maximumf %add3A, %max3A_5 : vector<1024x1xf32>
    %div3A = arith.constant 1.000000e+00 : f32
    %div3A_7 = vector.broadcast %div3A : f32 to vector<1024x1xf32>
    %div3A_8 = arith.divf %div3A_7, %max3A_6 : vector<1024x1xf32>
    %get3A_9 = arith.constant 0 : index
    %get3A_10 = arith.constant 0 : index
    %get3A_11 = vector.load %arg1[%get3A_9, %get3A_10] : memref<1024x128xf32, #tpu.memory_space<vmem>>, vector<1024x64xf32>
    %mul3A = vector.broadcast %div3A_8 : vector<1024x1xf32> to vector<1024x64xf32>
    %mul3A_12 = arith.mulf %get3A_11, %mul3A : vector<1024x64xf32>
    %max3A_13 = arith.constant 0.000000e+00 : f32
    %max3A_14 = vector.broadcast %max3A_13 : f32 to vector<1024x64xf32>
    %max3A_15 = arith.maximumf %mul3A_12, %max3A_14 : vector<1024x64xf32>
    %get3A_16 = arith.constant 0 : index
    %get3A_17 = arith.constant 0 : index
    %get3A_18 = vector.load %arg5[%get3A_16, %get3A_17] : memref<64x32xf32, #tpu.memory_space<vmem>>, vector<64x32xf32>
    %dot_general3A = arith.constant dense<0.000000e+00> : vector<1024x32xf32>
    %dot_general3A_19 = tpu.matmul %max3A_15, %get3A_18, %dot_general3A {dimension_numbers = #tpu.dot_dimension_numbers<[1], [0], [0], [1], [0, 0, 1, 1], [], []>, precision = #tpu.contract_precision<fp32>, transpose_lhs_hint = false} : vector<1024x64xf32>, vector<64x32xf32>, vector<1024x32xf32> -> vector<1024x32xf32>
    %get3A_20 = arith.constant 0 : index
    %get3A_21 = arith.constant 0 : index
    %get3A_22 = vector.load %arg6[%get3A_20, %get3A_21] : memref<1x32xf32, #tpu.memory_space<vmem>>, vector<1x32xf32>
    %add3A_23 = vector.broadcast %get3A_22 : vector<1x32xf32> to vector<1024x32xf32>
    %add3A_24 = arith.addf %dot_general3A_19, %add3A_23 : vector<1024x32xf32>
    %tanh3A = math.tanh %add3A_24 : vector<1024x32xf32>
    %get3A_25 = arith.constant 0 : index
    %get3A_26 = arith.constant 0 : index
    %get3A_27 = vector.load %arg7[%get3A_25, %get3A_26] : memref<1x32xf32, #tpu.memory_space<vmem>>, vector<1x32xf32>
    %mul3A_28 = vector.broadcast %get3A_27 : vector<1x32xf32> to vector<1024x32xf32>
    %mul3A_29 = arith.mulf %tanh3A, %mul3A_28 : vector<1024x32xf32>
    %reduce_sum3A = arith.constant dense<0.000000e+00> : vector<1024xf32>
    %reduce_sum3A_30 = vector.multi_reduction <add>, %mul3A_29, %reduce_sum3A [1] : vector<1024x32xf32> to vector<1024xf32>
    %broadcast_in_dim3A = vector.shape_cast %reduce_sum3A_30 : vector<1024xf32> to vector<1024x1xf32>
    %get3A_31 = arith.constant 0 : index
    %get3A_32 = arith.constant 64 : index
    %get3A_33 = vector.load %arg1[%get3A_31, %get3A_32] : memref<1024x128xf32, #tpu.memory_space<vmem>>, vector<1024x64xf32>
    %mul3A_34 = vector.broadcast %div3A_8 : vector<1024x1xf32> to vector<1024x64xf32>
    %mul3A_35 = arith.mulf %get3A_33, %mul3A_34 : vector<1024x64xf32>
    %max3A_36 = arith.constant 0.000000e+00 : f32
    %max3A_37 = vector.broadcast %max3A_36 : f32 to vector<1024x64xf32>
    %max3A_38 = arith.maximumf %mul3A_35, %max3A_37 : vector<1024x64xf32>
    %get3A_39 = arith.constant 0 : index
    %get3A_40 = arith.constant 0 : index
    %get3A_41 = vector.load %arg5[%get3A_39, %get3A_40] : memref<64x32xf32, #tpu.memory_space<vmem>>, vector<64x32xf32>
    %dot_general3A_42 = arith.constant dense<0.000000e+00> : vector<1024x32xf32>
    %dot_general3A_43 = tpu.matmul %max3A_38, %get3A_41, %dot_general3A_42 {dimension_numbers = #tpu.dot_dimension_numbers<[1], [0], [0], [1], [0, 0, 1, 1], [], []>, precision = #tpu.contract_precision<fp32>, transpose_lhs_hint = false} : vector<1024x64xf32>, vector<64x32xf32>, vector<1024x32xf32> -> vector<1024x32xf32>
    %get3A_44 = arith.constant 0 : index
    %get3A_45 = arith.constant 0 : index
    %get3A_46 = vector.load %arg6[%get3A_44, %get3A_45] : memref<1x32xf32, #tpu.memory_space<vmem>>, vector<1x32xf32>
    %add3A_47 = vector.broadcast %get3A_46 : vector<1x32xf32> to vector<1024x32xf32>
    %add3A_48 = arith.addf %dot_general3A_43, %add3A_47 : vector<1024x32xf32>
    %tanh3A_49 = math.tanh %add3A_48 : vector<1024x32xf32>
    %get3A_50 = arith.constant 0 : index
    %get3A_51 = arith.constant 0 : index
    %get3A_52 = vector.load %arg7[%get3A_50, %get3A_51] : memref<1x32xf32, #tpu.memory_space<vmem>>, vector<1x32xf32>
    %mul3A_53 = vector.broadcast %get3A_52 : vector<1x32xf32> to vector<1024x32xf32>
    %mul3A_54 = arith.mulf %tanh3A_49, %mul3A_53 : vector<1024x32xf32>
    %reduce_sum3A_55 = arith.constant dense<0.000000e+00> : vector<1024xf32>
    %reduce_sum3A_56 = vector.multi_reduction <add>, %mul3A_54, %reduce_sum3A_55 [1] : vector<1024x32xf32> to vector<1024xf32>
    %broadcast_in_dim3A_57 = vector.shape_cast %reduce_sum3A_56 : vector<1024xf32> to vector<1024x1xf32>
    %get3A_58 = arith.constant 0 : index
    %get3A_59 = arith.constant 0 : index
    %get3A_60 = vector.load %arg2[%get3A_58, %get3A_59] : memref<1024x128xf32, #tpu.memory_space<vmem>>, vector<1024x64xf32>
    %mul3A_61 = vector.broadcast %div3A_8 : vector<1024x1xf32> to vector<1024x64xf32>
    %mul3A_62 = arith.mulf %get3A_60, %mul3A_61 : vector<1024x64xf32>
    %max3A_63 = arith.constant 0.000000e+00 : f32
    %max3A_64 = vector.broadcast %max3A_63 : f32 to vector<1024x64xf32>
    %max3A_65 = arith.maximumf %mul3A_62, %max3A_64 : vector<1024x64xf32>
    %get3A_66 = arith.constant 0 : index
    %get3A_67 = arith.constant 0 : index
    %get3A_68 = vector.load %arg5[%get3A_66, %get3A_67] : memref<64x32xf32, #tpu.memory_space<vmem>>, vector<64x32xf32>
    %dot_general3A_69 = arith.constant dense<0.000000e+00> : vector<1024x32xf32>
    %dot_general3A_70 = tpu.matmul %max3A_65, %get3A_68, %dot_general3A_69 {dimension_numbers = #tpu.dot_dimension_numbers<[1], [0], [0], [1], [0, 0, 1, 1], [], []>, precision = #tpu.contract_precision<fp32>, transpose_lhs_hint = false} : vector<1024x64xf32>, vector<64x32xf32>, vector<1024x32xf32> -> vector<1024x32xf32>
    %get3A_71 = arith.constant 0 : index
    %get3A_72 = arith.constant 0 : index
    %get3A_73 = vector.load %arg6[%get3A_71, %get3A_72] : memref<1x32xf32, #tpu.memory_space<vmem>>, vector<1x32xf32>
    %add3A_74 = vector.broadcast %get3A_73 : vector<1x32xf32> to vector<1024x32xf32>
    %add3A_75 = arith.addf %dot_general3A_70, %add3A_74 : vector<1024x32xf32>
    %tanh3A_76 = math.tanh %add3A_75 : vector<1024x32xf32>
    %get3A_77 = arith.constant 0 : index
    %get3A_78 = arith.constant 0 : index
    %get3A_79 = vector.load %arg7[%get3A_77, %get3A_78] : memref<1x32xf32, #tpu.memory_space<vmem>>, vector<1x32xf32>
    %mul3A_80 = vector.broadcast %get3A_79 : vector<1x32xf32> to vector<1024x32xf32>
    %mul3A_81 = arith.mulf %tanh3A_76, %mul3A_80 : vector<1024x32xf32>
    %reduce_sum3A_82 = arith.constant dense<0.000000e+00> : vector<1024xf32>
    %reduce_sum3A_83 = vector.multi_reduction <add>, %mul3A_81, %reduce_sum3A_82 [1] : vector<1024x32xf32> to vector<1024xf32>
    %broadcast_in_dim3A_84 = vector.shape_cast %reduce_sum3A_83 : vector<1024xf32> to vector<1024x1xf32>
    %get3A_85 = arith.constant 0 : index
    %get3A_86 = arith.constant 64 : index
    %get3A_87 = vector.load %arg2[%get3A_85, %get3A_86] : memref<1024x128xf32, #tpu.memory_space<vmem>>, vector<1024x64xf32>
    %mul3A_88 = vector.broadcast %div3A_8 : vector<1024x1xf32> to vector<1024x64xf32>
    %mul3A_89 = arith.mulf %get3A_87, %mul3A_88 : vector<1024x64xf32>
    %max3A_90 = arith.constant 0.000000e+00 : f32
    %max3A_91 = vector.broadcast %max3A_90 : f32 to vector<1024x64xf32>
    %max3A_92 = arith.maximumf %mul3A_89, %max3A_91 : vector<1024x64xf32>
    %get3A_93 = arith.constant 0 : index
    %get3A_94 = arith.constant 0 : index
    %get3A_95 = vector.load %arg5[%get3A_93, %get3A_94] : memref<64x32xf32, #tpu.memory_space<vmem>>, vector<64x32xf32>
    %dot_general3A_96 = arith.constant dense<0.000000e+00> : vector<1024x32xf32>
    %dot_general3A_97 = tpu.matmul %max3A_92, %get3A_95, %dot_general3A_96 {dimension_numbers = #tpu.dot_dimension_numbers<[1], [0], [0], [1], [0, 0, 1, 1], [], []>, precision = #tpu.contract_precision<fp32>, transpose_lhs_hint = false} : vector<1024x64xf32>, vector<64x32xf32>, vector<1024x32xf32> -> vector<1024x32xf32>
    %get3A_98 = arith.constant 0 : index
    %get3A_99 = arith.constant 0 : index
    %get3A_100 = vector.load %arg6[%get3A_98, %get3A_99] : memref<1x32xf32, #tpu.memory_space<vmem>>, vector<1x32xf32>
    %add3A_101 = vector.broadcast %get3A_100 : vector<1x32xf32> to vector<1024x32xf32>
    %add3A_102 = arith.addf %dot_general3A_97, %add3A_101 : vector<1024x32xf32>
    %tanh3A_103 = math.tanh %add3A_102 : vector<1024x32xf32>
    %get3A_104 = arith.constant 0 : index
    %get3A_105 = arith.constant 0 : index
    %get3A_106 = vector.load %arg7[%get3A_104, %get3A_105] : memref<1x32xf32, #tpu.memory_space<vmem>>, vector<1x32xf32>
    %mul3A_107 = vector.broadcast %get3A_106 : vector<1x32xf32> to vector<1024x32xf32>
    %mul3A_108 = arith.mulf %tanh3A_103, %mul3A_107 : vector<1024x32xf32>
    %reduce_sum3A_109 = arith.constant dense<0.000000e+00> : vector<1024xf32>
    %reduce_sum3A_110 = vector.multi_reduction <add>, %mul3A_108, %reduce_sum3A_109 [1] : vector<1024x32xf32> to vector<1024xf32>
    %broadcast_in_dim3A_111 = vector.shape_cast %reduce_sum3A_110 : vector<1024xf32> to vector<1024x1xf32>
    %max3A_112 = arith.maximumf %broadcast_in_dim3A, %broadcast_in_dim3A_57 : vector<1024x1xf32>
    %max3A_113 = arith.maximumf %broadcast_in_dim3A_84, %broadcast_in_dim3A_111 : vector<1024x1xf32>
    %max3A_114 = arith.maximumf %max3A_112, %max3A_113 : vector<1024x1xf32>
    %sub3A = arith.subf %broadcast_in_dim3A, %max3A_114 : vector<1024x1xf32>
    %exp3A = math.exp %sub3A : vector<1024x1xf32>
    %sub3A_115 = arith.subf %broadcast_in_dim3A_57, %max3A_114 : vector<1024x1xf32>
    %exp3A_116 = math.exp %sub3A_115 : vector<1024x1xf32>
    %sub3A_117 = arith.subf %broadcast_in_dim3A_84, %max3A_114 : vector<1024x1xf32>
    %exp3A_118 = math.exp %sub3A_117 : vector<1024x1xf32>
    %sub3A_119 = arith.subf %broadcast_in_dim3A_111, %max3A_114 : vector<1024x1xf32>
    %exp3A_120 = math.exp %sub3A_119 : vector<1024x1xf32>
    %add3A_121 = arith.addf %exp3A, %exp3A_116 : vector<1024x1xf32>
    %add3A_122 = arith.addf %add3A_121, %exp3A_118 : vector<1024x1xf32>
    %add3A_123 = arith.addf %add3A_122, %exp3A_120 : vector<1024x1xf32>
    %div3A_124 = arith.divf %exp3A, %add3A_123 : vector<1024x1xf32>
    %mul3A_125 = vector.broadcast %div3A_124 : vector<1024x1xf32> to vector<1024x64xf32>
    %mul3A_126 = arith.mulf %mul3A_125, %max3A_15 : vector<1024x64xf32>
    %div3A_127 = arith.divf %exp3A_116, %add3A_123 : vector<1024x1xf32>
    %mul3A_128 = vector.broadcast %div3A_127 : vector<1024x1xf32> to vector<1024x64xf32>
    %mul3A_129 = arith.mulf %mul3A_128, %max3A_38 : vector<1024x64xf32>
    %add3A_130 = arith.addf %mul3A_126, %mul3A_129 : vector<1024x64xf32>
    %div3A_131 = arith.divf %exp3A_118, %add3A_123 : vector<1024x1xf32>
    %mul3A_132 = vector.broadcast %div3A_131 : vector<1024x1xf32> to vector<1024x64xf32>
    %mul3A_133 = arith.mulf %mul3A_132, %max3A_65 : vector<1024x64xf32>
    %add3A_134 = arith.addf %add3A_130, %mul3A_133 : vector<1024x64xf32>
    %div3A_135 = arith.divf %exp3A_120, %add3A_123 : vector<1024x1xf32>
    %mul3A_136 = vector.broadcast %div3A_135 : vector<1024x1xf32> to vector<1024x64xf32>
    %mul3A_137 = arith.mulf %mul3A_136, %max3A_92 : vector<1024x64xf32>
    %add3A_138 = arith.addf %add3A_134, %mul3A_137 : vector<1024x64xf32>
    %swap3A = arith.constant 0 : index
    %swap3A_139 = arith.constant 0 : index
    %swap3A_140 = vector.load %arg8[%swap3A, %swap3A_139] : memref<1024x64xf32, #tpu.memory_space<vmem>>, vector<1024x64xf32>
    tpu.vector_store %arg8[%swap3A, %swap3A_139], %add3A_138 {strides = array<i32>} : memref<1024x64xf32, #tpu.memory_space<vmem>>, vector<1024x64xf32>,
    return
  }
  func.func @transform_0(%arg0: i32) -> (i32, i32) {
    %c0_i32 = arith.constant 0 : i32
    %c0_i32_0 = arith.constant 0 : i32
    return %arg0, %c0_i32 : i32, i32
  }
  func.func @transform_1(%arg0: i32) -> (i32, i32) {
    %c0_i32 = arith.constant 0 : i32
    %c0_i32_0 = arith.constant 0 : i32
    return %arg0, %c0_i32 : i32, i32
  }
  func.func @transform_2(%arg0: i32) -> (i32, i32) {
    %c0_i32 = arith.constant 0 : i32
    %c0_i32_0 = arith.constant 0 : i32
    return %arg0, %c0_i32 : i32, i32
  }
  func.func @transform_3(%arg0: i32) -> (i32, i32) {
    %c0_i32 = arith.constant 0 : i32
    %c0_i32_0 = arith.constant 0 : i32
    return %arg0, %c0_i32 : i32, i32
  }
  func.func @transform_4(%arg0: i32) -> (i32, i32) {
    %c0_i32 = arith.constant 0 : i32
    %c0_i32_0 = arith.constant 0 : i32
    %c0_i32_1 = arith.constant 0 : i32
    return %c0_i32, %c0_i32_0 : i32, i32
  }
  func.func @transform_5(%arg0: i32) -> (i32, i32) {
    %c0_i32 = arith.constant 0 : i32
    %c0_i32_0 = arith.constant 0 : i32
    %c0_i32_1 = arith.constant 0 : i32
    return %c0_i32, %c0_i32_0 : i32, i32
  }
  func.func @transform_6(%arg0: i32) -> (i32, i32) {
    %c0_i32 = arith.constant 0 : i32
    %c0_i32_0 = arith.constant 0 : i32
    %c0_i32_1 = arith.constant 0 : i32
    return %c0_i32, %c0_i32_0 : i32, i32
  }
  func.func @transform_7(%arg0: i32) -> (i32, i32) {
    %c0_i32 = arith.constant 0 : i32
    %c0_i32_0 = arith.constant 0 : i32
    return %arg0, %c0_i32 : i32, i32
  }
}

</mosaic_0001>

<sc_bundles>
// kernel: kernel.12.cloned.1.call-start
scs
__scs_entry_jumppad:
0x0: {  	(pc) =	sbr.rel $0x88, $3  }
0x1: {  	(tag) =	ssettag $0x0;
	lr =	simm.s32 $0x1  }
0x2: {  	[smem:$0x3F99] =	sst lr;
	_ =	strace $0xD0000000  }
0x3: {  	_ = 	snop  }
0x4: {  	_ = 	snop  }
0x5: {  	_ = 	snop  }
0x6: {  	_ = 	snop  }
0x7: {  	_ = 	snop  }
__scs_overlays_trampoline_lowered:
0x8: {  	[smem:$0x3FA8] =	sst s0  }
0x9: {  	[smem:$0x3FA9] =	sst s1  }
0xa: {  	[smem:$0x3FAA] =	sst s2  }
0xb: {  	[smem:$0x3FAB] =	sst s3  }
0xc: {  	[smem:$0x3FAC] =	sst s4  }
0xd: {  	[smem:$0x3FAD] =	sst s5  }
0xe: {  	[smem:$0x3FAE] =	sst s6  }
0xf: {  	[smem:$0x3FAF] =	sst s7  }
0x10: {  	[smem:$0x3FB0] =	sst s8  }
0x11: {  	[smem:$0x3FB1] =	sst s9;
	s0 =	simm.s32 @!p0 $0x0  }
0x12: {  	s1 =	sld [smem:$0x3F97];
	s0 =	simm.s32 @p0 $0x1  }
0x13: {  	[smem:$0x3FB2] =	sst s0;
	s0 =	simm.s32 @!p1 $0x0  }
0x14: {  	s2 =	sld [smem:$0x3F96];
	s0 =	simm.s32 @p1 $0x1  }
0x15: {  	[smem:$0x3FB3] =	sst s0;
	s0 =	simm.s32 @!p2 $0x0  }
0x16: {  	s3 =	sld [smem:$0x3FDB];
	s0 =	simm.s32 @p2 $0x1  }
0x17: {  	s4 =	simm.s32 $0x1BF5;
	[smem:$0x3FB5] =	sst s0  }
0x18: {  	s0 =	sld [smem:$0x3F98];
	_ =	swait.ge [sflag:s4], $0x0  }
0x19: {  	s7 =	sld [smem:$0x3F99]  }
0x1a: {  	s8 =	sadd.s32 $0xFFFFE003, lr  }
0x1b: {  	s9 =	sadd.s32 $0xFFFFFEF7, lr;
	s5 =	simm.s32 $0xFFFFFFFF;
	p2 =	slt.u32 s8, $0xFFFFF086  }
0x1c: {  	p1 =	slt.u32 s9, $0xF7A;
	s5 =	simm.s32 @!p2 $0x0  }
0x1d: {  	s5 =	simm.s32 @p1 $0x1;
	p0 =	seq.s32 s7, s2  }
0x1e: {  	s7 =	smul.u32 @!p0 $0xF7A, s2;
	p2 =	seq.s32 @!p0 s5, $0x0  }
0x1f: {  	s9 =	smul.u32 $0xF7A, s1;
	s8 =	simm.s32 @!p0 $0x1BF5;
	p2 =	por !p2, p0  }
0x20: {  	[sflag:s8] =	ssyncset.s32 @!p0 $0xFFFFF086;
	s6 =	sadd.s32 @!p0 s3, s7;
	s7 =	simm.s32 @!p0 $0x108  }
0x21: {  	s3 =	sadd.s32 s3, s9;
	s6 =	sadd.s32 @!p0 $0x88, s6;
	s7 =	simm.s32 @p2 $0x1082  }
0x22: {  	[simem:s7], [sflag:s8] =	dma.local @!p0 [hbm:s6], $0xF7A  }
0x23: {  	s9 =	sor.u32 $0xD0000000, s2;
	s6 =	simm.s32 $0x108;
	_ =	swait.ge @!p0 [sflag:s8], $0x0  }
0x24: {  	s3 =	sadd.s32 $0x88, s3;
	s6 =	simm.s32 @!p1 $0x1082;
	[sflag:s4] =	ssyncset.s32 $0xFFFFF086  }
0x25: {  	[simem:s6], [sflag:s4] =	dma.local [hbm:s3], $0xF7A  }
0x26: {  	[smem:$0x3F99] =	sst s1;
	(tag) =	ssettag s2;
	_ =	strace s9  }
0x27: {  	s1 =	sld [smem:$0x3FA9]  }
0x28: {  	s2 =	sld [smem:$0x3FAA]  }
0x29: {  	s4 =	sld [smem:$0x3FAC]  }
0x2a: {  	p0 =	seq.s32 s5, $0x0;
	s5 =	sld [smem:$0x3FAD]  }
0x2b: {  	s6 =	sld [smem:$0x3FAE]  }
0x2c: {  	s7 =	sld [smem:$0x3FAF]  }
0x2d: {  	s3 =	simm.s32 $0x108;
	s8 =	sld [smem:$0x3FB0]  }
0x2e: {  	s3 =	simm.s32 @!p0 $0x1082;
	s9 =	sld [smem:$0x3FB1]  }
0x2f: {  	lr =	sadd.s32 s0, s3;
	s0 =	sld [smem:$0x3FA8]  }
0x30: {  	s3 =	sld [smem:$0x3FAB]  }
0x31: {  	[smem:$0x3FB4] =	sst s10  }
0x32: {  	s10 =	sld [smem:$0x3FB2];
	_ =	sdelay $0x3  }
0x33: {  	p0 =	seq.s32 s10, $0x1;
	s10 =	sld [smem:$0x3FB4];
	_ =	sdelay $0x3  }
0x34: {  	[smem:$0x3FB4] =	sst s10  }
0x35: {  	s10 =	sld [smem:$0x3FB3];
	_ =	sdelay $0x3  }
0x36: {  	p1 =	seq.s32 s10, $0x1;
	s10 =	sld [smem:$0x3FB4];
	_ =	sdelay $0x3  }
0x37: {  	[smem:$0x3FB4] =	sst s10  }
0x38: {  	s10 =	sld [smem:$0x3FB5]  }
0x39: {  	_ = 	snop;
	(pc) =	sbr.ind lr, $3  }
0x3a: {  	_ = 	snop  }
0x3b: {  	_ = 	snop  }
0x3c: {  	p2 =	seq.s32 s10, $0x1;
	s10 =	sld [smem:$0x3FB4]  }
0x3d: {  	_ =	shalt  }
0x3e: {  	_ =	shalt  }
0x3f: {  	_ =	shalt  }
0x40: {  	_ =	shalt  }
0x41: {  	_ =	shalt  }
0x42: {  	_ =	shalt  }
0x43: {  	_ =	shalt  }
0x44: {  	_ =	shalt  }
0x45: {  	_ =	shalt  }
0x46: {  	_ =	shalt  }
0x47: {  	_ =	shalt  }
0x48: {  	_ =	shalt  }
0x49: {  	_ =	shalt  }
0x4a: {  	_ =	shalt  }
0x4b: {  	_ =	shalt  }
0x4c: {  	_ =	shalt  }
0x4d: {  	_ =	shalt  }
0x4e: {  	_ =	shalt  }
0x4f: {  	_ =	shalt  }
0x50: {  	_ =	shalt  }
0x51: {  	_ =	shalt  }
0x52: {  	_ =	shalt  }
0x53: {  	_ =	shalt  }
0x54: {  	_ =	shalt  }
0x55: {  	_ =	shalt  }
0x56: {  	_ =	shalt  }
0x57: {  	_ =	shalt  }
0x58: {  	_ =	shalt  }
0x59: {  	_ =	shalt  }
0x5a: {  	_ =	shalt  }
0x5b: {  	_ =	shalt  }
0x5c: {  	_ =	shalt  }
0x5d: {  	_ =	shalt  }
0x5e: {  	_ =	shalt  }
0x5f: {  	_ =	shalt  }
0x60: {  	_ =	shalt  }
0x61: {  	_ =	shalt  }
0x62: {  	_ =	shalt  }
0x63: {  	_ =	shalt  }
0x64: {  	_ =	shalt  }
0x65: {  	_ =	shalt  }
0x66: {  	_ =	shalt  }
0x67: {  	_ =	shalt  }
0x68: {  	_ =	shalt  }
0x69: {  	_ =	shalt  }
0x6a: {  	_ =	shalt  }
0x6b: {  	_ =	shalt  }
0x6c: {  	_ =	shalt  }
0x6d: {  	_ =	shalt  }
0x6e: {  	_ =	shalt  }
0x6f: {  	_ =	shalt  }
0x70: {  	_ =	shalt  }
0x71: {  	_ =	shalt  }
0x72: {  	_ =	shalt  }
0x73: {  	_ =	shalt  }
0x74: {  	_ =	shalt  }
0x75: {  	_ =	shalt  }
0x76: {  	_ =	shalt  }
0x77: {  	_ =	shalt  }
0x78: {  	_ =	shalt  }
0x79: {  	_ =	shalt  }
0x7a: {  	_ =	shalt  }
0x7b: {  	_ =	shalt  }
0x7c: {  	_ =	shalt  }
0x7d: {  	_ =	shalt  }
0x7e: {  	_ =	shalt  }
0x7f: {  	_ =	shalt  }
0x80: {  	_ =	shalt  }
0x81: {  	_ =	shalt  }
0x82: {  	_ =	shalt  }
0x83: {  	_ =	shalt  }
0x84: {  	_ =	shalt  }
0x85: {  	_ =	shalt  }
0x86: {  	_ =	shalt  }
0x87: {  	_ =	shalt  }
.Lfunc_end0:
.L_simem_size_0:
called_computation.1_lowered:
.L_overlay_start_0:
0x88: {  	s2 =	sld [smem:$0x3FD9]  }
0x89: {  	s3 =	sld [smem:$0x3FFE];
	_ =	sdelay $0x1  }
0x8a: {  	s1 =	srdreg.scid  }
0x8b: {  	s0 =	sand.u32 $0x1, s1  }
0x8c: {  	s17 =	sshll.u32 s0, $0xA;
	s2 =	sadd.s32 s3, s2  }
0x8d: {  	s2 =	sadd.s32 s2, s17  }
0x8e: {  	[smem:$0x3FC0] =	sst s2  }
0x8f: {  	_ = 	snop  }
0x90: {  	s2 =	sld [smem:$0x3FC8];
	(tm) =	ssettm $0x1  }
0x91: {  	s18 =	sld [smem:$0x3FFB];
	_ =	sdelay $0x3  }
0x92: {  	_ =	strace s18  }
0x93: {  	s3 =	sld [smem:$0x3FFC];
	_ =	sdelay $0x3  }
0x94: {  	_ =	strace s3  }
0x95: {  	s3 =	sld [smem:$0x3FFD];
	_ =	sdelay $0x3  }
0x96: {  	_ =	strace s3  }
0x97: {  	_ =	strace $0x8FFFFFFF  }
0x98: {  	s19 =	sld [smem:$0x3FDB];
	_ =	sdelay $0x1  }
0x99: {  	s4 =	simm.s32 $_scs_section_size  }
0x9a: {  	s5 =	simm.s32 $_size__tile_overlayer_lowered;
	s6 =	simm.s32 $_tile_overlayer_lowered  }
0x9b: {  	s22 =	simm.s32 $0x1BFF;
	s21 =	sshll.u32 s6, $0x1;
	s3 =	sadd.s32 s4, s19  }
0x9c: {  	s7 =	simm.s32 $0x0;
	s20 =	sshll.u32 s5, $0x1;
	s5 =	sadd.s32 s21, s3  }
0x9d: {  	[timem:s7], [sflag:s22] =	dma.local [hbm:s5], s20  }
0x9e: {  	_ =	swait.ge [sflag:s22], s20  }
0x9f: {  	s4 =	ssub.s32 $0x0, s20;
	[sflag:s22] =	ssyncset.done $0x0  }
0xa0: {  	[sflag:s22] =	ssyncadd.s32 s4;
	_ =	sdelay $0x1  }
0xa1: {  	s23 =	simm.s32 $0x1B8B  }
0xa2: {  	_ =	swait.ge [sflag:s23], $0x1  }
0xa3: {  	[sflag:s23] =	ssyncset.done $0x0  }
0xa4: {  	s25 =	simm.s32 $0x1B8E;
	s24 =	sld [smem:$0x3FFE];
	[sflag:s23] =	ssyncadd.s32 $0xFFFFFFFF  }
0xa5: {  	s26 =	simm.s32 $execute0_lowered;
	[smem:$0x3FD2] =	sst s25  }
0xa6: {  	s5 =	sshll.u32 s26, $0x1;
	_ =	strace $0x80000049;
	[dreg:$0x1] =	wrdreg $0xFFFFFFFF  }
0xa7: {  	s28 =	simm.s32 $_size_execute0_lowered;
	s3 =	sadd.s32 s3, s5;
	[dreg:$0x0] =	wrdreg $0x0  }
0xa8: {  	s5 =	sshll.u32 s28, $0x1;
	[dreg:$0x2] =	wrdreg s3  }
0xa9: {  	[dreg:$0x3] =	wrdreg s5  }
0xaa: {  	[dreg:$0x4] =	wrdreg $0xC0  }
0xab: {  	_ =	task [dreg:s7], $0x5FFFF  }
0xac: {  	[dreg:$0x1] =	wrdreg $0xFFFFFFFF  }
0xad: {  	[dreg:$0x0] =	wrdreg $0x60  }
0xae: {  	[dreg:$0x2] =	wrdreg s24  }
0xaf: {  	[dreg:$0x3] =	wrdreg s2  }
0xb0: {  	[dreg:$0x4] =	wrdreg $0x92000  }
0xb1: {  	[dreg:$0x5] =	wrdreg $0x9  }
0xb2: {  	_ =	task.clear_ibuf [dreg:s7], $0x6FFFF;
	_ =	strace $0x90000049  }
0xb3: {  	s29 =	simm.s32 $0x9;
	_ =	strace $0x8000004B  }
0xb4: {  	_ =	swait.ge [sflag:s29], $0x1  }
0xb5: {  	[sflag:s29] =	ssyncadd.s32 $0xFFFFFFFF  }
0xb6: {  	_ =	strace $0x9000004B  }
0xb7: {  	_ =	sfence  }
0xb8: {  	s30 =	sld [smem:$0x0];
	_ =	sdelay $0x2  }
0xb9: {  	s31 =	sshll.u32 s1, $0xD;
	s1 =	sshrl.u32 s1, $0x2  }
0xba: {  	s3 =	sand.u32 $0x4000, s31;
	s1 =	sadd.s32 s1, s30  }
0xbb: {  	s0 =	sor.u32 s3, s0;
	s1 =	sshll.u32 s1, $0x11  }
0xbc: {  	s0 =	sor.u32 s1, s0  }
0xbd: {  	s0 =	sadd.s32 $0x8F2B, s0  }
0xbe: {  	[sflag:s0] =	ssyncadd.remote.s32 $0x1  }
0xbf: {  	_ =	sfence.sel $0xFFFF  }
0xc0: {  	[dreg:$0x0] =	wrdreg $0xFFFFFFFF;
	(pc) =	sbr.abs _section_cstart, $3  }
0xc1: {  	[dreg:$0x1] =	wrdreg $0xFFFFFFFF  }
0xc2: {  	_ =	task.clear_ibuf [dreg:s7], $0x2FFFF;
	_ =	strace $0x9FFFFFFF  }
0xc3: {  	(tm) =	ssettm $0x7FFFFFFF  }
tec
execute0_lowered:
.L_overlay_start_1:
0x0: {  	(tag) =	ssettag $0x1  }
0x1: {  	s0 =	rddreg [dreg:$0x0]  }
0x2: {  	s1 =	rddreg [dreg:$0x1]  }
0x3: {  	s2 =	rddreg [dreg:$0x2];
	s11 =	stileid.u32  }
0x4: {  	s3 =	simm.s32 $0x0;
	s4 =	srdreg.scid;
	s6 =	smul.u32 $0x2800, s11  }
0x5: {  	[smem:$0x7FF] =	sst s3;
	s7 =	sand.u32 $0x1, s4;
	s8 =	smul.u32 $0x9C4, s11  }
0x6: {  	s4 =	sadd.s32 $0x55000, s0;
	s5 =	sadd.s32 $0x7D000, s0;
	s11 =	smul.u32 $0x50000, s11  }
0x7: {  	_ =	strace $0x8000004A;
	s9 =	ssub.s32 $0x2, s7;
	p0 =	seq.s32 s7, $0x1  }
0x8: {  	s0 =	sadd.s32 s6, s0;
	s26 =	sshrl.u32 s9, $0x1;
	s10 =	sadd.s32 $0x9C4, s8  }
0x9: {  	s8 =	sshrl.u32 s8, $0x4;
	s28 =	sshrl.u32 s11, $0x2;
	s10 =	sshrl.u32 s10, $0x4  }
0xa: {  	s9 =	ssub.s32 s9, s26;
	s11 =	sadd.s32 $0xA5000, s0;
	s0 =	sadd.s32 $0xCD000, s0  }
0xb: {  	s6 =	ssub.s32 s10, s8;
	s8 =	sshll.u32 s8, $0x5;
	[dreg:$0x5] =	wrdreg s11  }
0xc: {  	[dreg:$0x6] =	wrdreg s0;
	s12 =	smax.u32 s9, $0x1;
	s7 =	sadd.s32 s1, s8  }
0xd: {  	s8 =	sadd.s32 s28, s2;
	[dreg:$0x7] =	wrdreg s12;
	s1 =	sadd.s32 $0x20, s7  }
0xe: {  	s13 =	sadd.s32 $0x1000, s8;
	[dreg:$0x4] =	wrdreg s1  }
0xf: {  	s14 =	sadd.s32 $0x2000, s8;
	[dreg:$0x8] =	wrdreg s13  }
0x10: {  	s15 =	sadd.s32 $0x3000, s8;
	[dreg:$0x9] =	wrdreg s14  }
0x11: {  	s16 =	sadd.s32 $0x4000, s8;
	[dreg:$0xa] =	wrdreg s15  }
0x12: {  	s11 =	simm.s32 $0x8200;
	s17 =	sadd.s32 $0x5000, s8;
	[dreg:$0xb] =	wrdreg s16  }
0x13: {  	s9 =	simm.s32 $0x5;
	s18 =	sadd.s32 $0x6000, s8;
	[dreg:$0xc] =	wrdreg s17  }
0x14: {  	p1 =	slt.s32 s6, $0x9B;
	s19 =	sadd.s32 $0x7000, s8;
	[dreg:$0xd] =	wrdreg s18  }
0x15: {  	p2 =	slt.s32 s6, $0x9C;
	s20 =	sadd.s32 $0x8000, s8;
	[dreg:$0xe] =	wrdreg s19  }
0x16: {  	p3 =	slt.s32 s6, $0x9D;
	s21 =	sadd.s32 $0x9000, s8;
	[dreg:$0xf] =	wrdreg s20  }
0x17: {  	p4 =	sgt.s32 s6, $0x9C;
	s22 =	sadd.s32 $0xA000, s8;
	[dreg:$0x10] =	wrdreg s21  }
0x18: {  	s12 =	simm.s32 $0x80;
	s23 =	sadd.s32 $0xB000, s8;
	[dreg:$0x11] =	wrdreg s22  }
0x19: {  	s24 =	sadd.s32 $0xC000, s8;
	s25 =	sadd.s32 $0xD000, s8;
	[dreg:$0x12] =	wrdreg s23  }
0x1a: {  	s26 =	sadd.s32 $0xE000, s8;
	s28 =	sadd.s32 $0xF000, s8;
	[dreg:$0x13] =	wrdreg s24  }
0x1b: {  	s29 =	sadd.s32 $0x10000, s8;
	s30 =	sadd.s32 $0x11000, s8;
	[dreg:$0x14] =	wrdreg s25  }
.Ltmp0:
0x1c: {  	s31 =	sadd.s32 $0x12000, s8;
	[dreg:$0x15] =	wrdreg s26;
	(pc) =	sbr.rel .LBB2_1-.Ltmp0, $4  }
0x1d: {  	s0 =	sadd.s32 $0x13000, s8;
	[dreg:$0x16] =	wrdreg s28;
	s1 =	sadd.s32 $0x1380, s7  }
0x1e: {  	s23 =	sadd.s32 $0x60, s7;
	s13 =	simm.s32 $0x200;
	s14 =	simm.s32 $0x100  }
0x1f: {  	s15 =	simm.s32 $0x1;
	s16 =	simm.s32 $0x4;
	s17 =	simm.s32 $0x4200  }
0x20: {  	v0 =	vimm.f32 $0.0e+00;
	s18 =	simm.s32 $0x2;
	s19 =	simm.s32 $0x3;
	s20 =	simm.s32 $0x0  }
.LBB2_12:
0x21: {  	[spmem:s2] =	stream.indirect.scatter.add.f32 [tilespmem:s13], [sflag:$0x5], $0x80, s12, s12, $0xb8;
	[tilespmem:$0x1D200] =	vst v63  }
0x22: {  	s21 =	simm.s32 $0x5  }
.LBB2_13:
0x23: {  	_ =	swait.ge [sflag:s21], $0x4000  }
0x24: {  	[sflag:s21] =	ssyncset.done $0x0  }
0x25: {  	[sflag:s21] =	ssyncadd.s32 $0xFFFFC000  }
.LBB2_14:
0x26: {  	s21 =	stileid.u32  }
0x27: {  	s21 =	sshll.u32 s21, $0x6  }
0x28: {  	[bflag:$0x0] =	sbarrier.arrive $0xFFFF;
	s22 =	sshrl.u32 s8, $0x3;
	s21 =	sor.u32 $0x1C05, s21  }
0x29: {  	[hbm:s10], [sflag:s21] =	dma.local [spmem:s22], $0x2800  }
0x2a: {  	_ =	swait.ge [sflag:s9], $0x2800  }
0x2b: {  	s20 =	sadd.s32 $0x1, s20;
	s28 =	rddreg [dreg:$0x7]  }
0x2c: {  	p5 =	sne.s32 s20, s28  }
.Ltmp1:
0x2d: {  	_ = 	snop;
	(pc) =	sbr.rel @!p5 .LBB2_15-.Ltmp1, $3  }
0x2e: {  	_ =	sdelay $0x1  }
0x2f: {  	[sflag:s9] =	ssyncset.done $0x0  }
0x30: {  	[sflag:s9] =	ssyncadd.s32 $0xFFFFD800  }
.LBB2_1:
0x31: {  	s10 =	simm.s32 $0x0;
	s21 =	simm.s32 $0x200  }
.LBB2_2:
0x32: {  	p5 =	sne.s32 s21, $0x3E00;
	[tilespmem:s10+$0x8270] =	vst v0  }
0x33: {  	[tilespmem:s10+$0x8200] =	vst v0  }
0x34: {  	[tilespmem:s10+$0x8210] =	vst v0  }
.Ltmp2:
0x35: {  	[tilespmem:s10+$0x8220] =	vst v0;
	(pc) =	sbr.rel @p5 .LBB2_2-.Ltmp2, $4  }
0x36: {  	[tilespmem:s10+$0x8230] =	vst v0  }
0x37: {  	[tilespmem:s10+$0x8240] =	vst v0  }
0x38: {  	[tilespmem:s10+$0x8250] =	vst v0  }
0x39: {  	[tilespmem:s10+$0x8260] =	vst v0;
	s10 =	sshra.s32 s21, $0x2;
	s21 =	sadd.s32 $0x200, s21  }
0x3a: {  	[tilespmem:s10+$0x8270] =	vst v0  }
0x3b: {  	[tilespmem:s10+$0x8200] =	vst v0  }
0x3c: {  	[tilespmem:s10+$0x8210] =	vst v0  }
0x3d: {  	[tilespmem:s10+$0x8220] =	vst v0  }
0x3e: {  	[tilespmem:s10+$0x8230] =	vst v0  }
0x3f: {  	[tilespmem:s10+$0x8240] =	vst v0  }
0x40: {  	[tilespmem:s10+$0x8250] =	vst v0  }
.Ltmp3:
0x41: {  	[tilespmem:s10+$0x8260] =	vst v0;
	(pc) =	sbr.rel @!p0 .LBB2_4-.Ltmp3, $4  }
0x42: {  	[spmem:s8] =	stream.linear.scatter [tilespmem:s11], [sflag:$0x5], $0x1000, $0x38;
	[tilespmem:$0x1D200] =	vst v63  }
0x43: {  	_ =	swait.ge [sflag:s9], $0x1000  }
0x44: {  	[sflag:s9] =	ssyncset.done $0x0  }
0x45: {  	[sflag:s9] =	ssyncadd.s32 $0xFFFFF000  }
0x46: {  	s10 =	rddreg [dreg:$0x8]  }
0x47: {  	[spmem:s10] =	stream.linear.scatter [tilespmem:s11], [sflag:$0x5], $0x1000, $0x38;
	[tilespmem:$0x1D200] =	vst v63  }
0x48: {  	_ =	swait.ge [sflag:s9], $0x1000  }
0x49: {  	[sflag:s9] =	ssyncset.done $0x0  }
0x4a: {  	s24 =	rddreg [dreg:$0x9];
	[sflag:s9] =	ssyncadd.s32 $0xFFFFF000  }
0x4b: {  	[spmem:s24] =	stream.linear.scatter [tilespmem:s11], [sflag:$0x5], $0x1000, $0x38;
	[tilespmem:$0x1D200] =	vst v63  }
0x4c: {  	_ =	swait.ge [sflag:s9], $0x1000  }
0x4d: {  	[sflag:s9] =	ssyncset.done $0x0  }
0x4e: {  	s25 =	rddreg [dreg:$0xa];
	[sflag:s9] =	ssyncadd.s32 $0xFFFFF000  }
0x4f: {  	[spmem:s25] =	stream.linear.scatter [tilespmem:s11], [sflag:$0x5], $0x1000, $0x38;
	[tilespmem:$0x1D200] =	vst v63  }
0x50: {  	_ =	swait.ge [sflag:s9], $0x1000  }
0x51: {  	[sflag:s9] =	ssyncset.done $0x0  }
0x52: {  	s26 =	rddreg [dreg:$0xb];
	[sflag:s9] =	ssyncadd.s32 $0xFFFFF000  }
0x53: {  	[spmem:s26] =	stream.linear.scatter [tilespmem:s11], [sflag:$0x5], $0x1000, $0x38;
	[tilespmem:$0x1D200] =	vst v63  }
0x54: {  	_ =	swait.ge [sflag:s9], $0x1000  }
0x55: {  	[sflag:s9] =	ssyncset.done $0x0  }
0x56: {  	s28 =	rddreg [dreg:$0xc];
	[sflag:s9] =	ssyncadd.s32 $0xFFFFF000  }
0x57: {  	[spmem:s28] =	stream.linear.scatter [tilespmem:s11], [sflag:$0x5], $0x1000, $0x38;
	[tilespmem:$0x1D200] =	vst v63  }
0x58: {  	_ =	swait.ge [sflag:s9], $0x1000  }
0x59: {  	[sflag:s9] =	ssyncset.done $0x0  }
0x5a: {  	s21 =	rddreg [dreg:$0xd];
	[sflag:s9] =	ssyncadd.s32 $0xFFFFF000  }
0x5b: {  	[spmem:s21] =	stream.linear.scatter [tilespmem:s11], [sflag:$0x5], $0x1000, $0x38;
	[tilespmem:$0x1D200] =	vst v63  }
0x5c: {  	_ =	swait.ge [sflag:s9], $0x1000  }
0x5d: {  	[sflag:s9] =	ssyncset.done $0x0  }
0x5e: {  	s22 =	rddreg [dreg:$0xe];
	[sflag:s9] =	ssyncadd.s32 $0xFFFFF000  }
0x5f: {  	[spmem:s22] =	stream.linear.scatter [tilespmem:s11], [sflag:$0x5], $0x1000, $0x38;
	[tilespmem:$0x1D200] =	vst v63  }
0x60: {  	_ =	swait.ge [sflag:s9], $0x1000  }
0x61: {  	[sflag:s9] =	ssyncset.done $0x0  }
0x62: {  	s24 =	rddreg [dreg:$0xf];
	[sflag:s9] =	ssyncadd.s32 $0xFFFFF000  }
0x63: {  	[spmem:s24] =	stream.linear.scatter [tilespmem:s11], [sflag:$0x5], $0x1000, $0x38;
	[tilespmem:$0x1D200] =	vst v63  }
0x64: {  	_ =	swait.ge [sflag:s9], $0x1000  }
0x65: {  	[sflag:s9] =	ssyncset.done $0x0  }
0x66: {  	s25 =	rddreg [dreg:$0x10];
	[sflag:s9] =	ssyncadd.s32 $0xFFFFF000  }
0x67: {  	[spmem:s25] =	stream.linear.scatter [tilespmem:s11], [sflag:$0x5], $0x1000, $0x38;
	[tilespmem:$0x1D200] =	vst v63  }
0x68: {  	_ =	swait.ge [sflag:s9], $0x1000  }
0x69: {  	[sflag:s9] =	ssyncset.done $0x0  }
0x6a: {  	s26 =	rddreg [dreg:$0x11];
	[sflag:s9] =	ssyncadd.s32 $0xFFFFF000  }
0x6b: {  	[spmem:s26] =	stream.linear.scatter [tilespmem:s11], [sflag:$0x5], $0x1000, $0x38;
	[tilespmem:$0x1D200] =	vst v63  }
0x6c: {  	_ =	swait.ge [sflag:s9], $0x1000  }
0x6d: {  	[sflag:s9] =	ssyncset.done $0x0  }
0x6e: {  	s28 =	rddreg [dreg:$0x12];
	[sflag:s9] =	ssyncadd.s32 $0xFFFFF000  }
0x6f: {  	[spmem:s28] =	stream.linear.scatter [tilespmem:s11], [sflag:$0x5], $0x1000, $0x38;
	[tilespmem:$0x1D200] =	vst v63  }
0x70: {  	_ =	swait.ge [sflag:s9], $0x1000  }
0x71: {  	[sflag:s9] =	ssyncset.done $0x0  }
0x72: {  	s21 =	rddreg [dreg:$0x13];
	[sflag:s9] =	ssyncadd.s32 $0xFFFFF000  }
0x73: {  	[spmem:s21] =	stream.linear.scatter [tilespmem:s11], [sflag:$0x5], $0x1000, $0x38;
	[tilespmem:$0x1D200] =	vst v63  }
0x74: {  	_ =	swait.ge [sflag:s9], $0x1000  }
0x75: {  	[sflag:s9] =	ssyncset.done $0x0  }
0x76: {  	s22 =	rddreg [dreg:$0x14];
	[sflag:s9] =	ssyncadd.s32 $0xFFFFF000  }
0x77: {  	[spmem:s22] =	stream.linear.scatter [tilespmem:s11], [sflag:$0x5], $0x1000, $0x38;
	[tilespmem:$0x1D200] =	vst v63  }
0x78: {  	_ =	swait.ge [sflag:s9], $0x1000  }
0x79: {  	[sflag:s9] =	ssyncset.done $0x0  }
0x7a: {  	s24 =	rddreg [dreg:$0x15];
	[sflag:s9] =	ssyncadd.s32 $0xFFFFF000  }
0x7b: {  	[spmem:s24] =	stream.linear.scatter [tilespmem:s11], [sflag:$0x5], $0x1000, $0x38;
	[tilespmem:$0x1D200] =	vst v63  }
0x7c: {  	_ =	swait.ge [sflag:s9], $0x1000  }
0x7d: {  	[sflag:s9] =	ssyncset.done $0x0  }
0x7e: {  	s25 =	rddreg [dreg:$0x16];
	[sflag:s9] =	ssyncadd.s32 $0xFFFFF000  }
0x7f: {  	[spmem:s25] =	stream.linear.scatter [tilespmem:s11], [sflag:$0x5], $0x1000, $0x38;
	[tilespmem:$0x1D200] =	vst v63  }
0x80: {  	_ =	swait.ge [sflag:s9], $0x1000  }
0x81: {  	[sflag:s9] =	ssyncset.done $0x0  }
0x82: {  	[sflag:s9] =	ssyncadd.s32 $0xFFFFF000  }
0x83: {  	[spmem:s29] =	stream.linear.scatter [tilespmem:s11], [sflag:$0x5], $0x1000, $0x38;
	[tilespmem:$0x1D200] =	vst v63  }
0x84: {  	_ =	swait.ge [sflag:s9], $0x1000  }
0x85: {  	[sflag:s9] =	ssyncset.done $0x0  }
0x86: {  	[sflag:s9] =	ssyncadd.s32 $0xFFFFF000  }
0x87: {  	[spmem:s30] =	stream.linear.scatter [tilespmem:s11], [sflag:$0x5], $0x1000, $0x38;
	[tilespmem:$0x1D200] =	vst v63  }
0x88: {  	_ =	swait.ge [sflag:s9], $0x1000  }
0x89: {  	[sflag:s9] =	ssyncset.done $0x0  }
0x8a: {  	[sflag:s9] =	ssyncadd.s32 $0xFFFFF000  }
0x8b: {  	[spmem:s31] =	stream.linear.scatter [tilespmem:s11], [sflag:$0x5], $0x1000, $0x38;
	[tilespmem:$0x1D200] =	vst v63  }
0x8c: {  	_ =	swait.ge [sflag:s9], $0x1000  }
0x8d: {  	[sflag:s9] =	ssyncset.done $0x0  }
0x8e: {  	[sflag:s9] =	ssyncadd.s32 $0xFFFFF000  }
0x8f: {  	[spmem:s0] =	stream.linear.scatter [tilespmem:s11], [sflag:$0x5], $0x1000, $0x38;
	[tilespmem:$0x1D200] =	vst v63  }
0x90: {  	_ =	swait.ge [sflag:s9], $0x1000  }
0x91: {  	[sflag:s9] =	ssyncset.done $0x0  }
0x92: {  	[sflag:s9] =	ssyncadd.s32 $0xFFFFF000  }
0x93: {  	[bflag:$0x0] =	sbarrier.arrive $0xFFFF  }
0x94: {  	[tilespmem:s3], [sflag:$0x5] =	stream.linear.gather [hbm4b:s7+s3], $0x100, $0x38;
	[tilespmem:$0x1D200] =	vst v63  }
0x95: {  	_ =	swait.ge [sflag:s9], $0x100  }
0x96: {  	[sflag:s9] =	ssyncset.done $0x0  }
0x97: {  	[sflag:s9] =	ssyncadd.s32 $0xFFFFFF00  }
0x98: {  	[tilespmem:s13], [sflag:$0x1] =	stream.indirect.gather [hbm4b:s5+s12], $0x80, s3, s12, $0xb8;
	[tilespmem:$0x1D200] =	vst v63  }
0x99: {  	s26 =	rddreg [dreg:$0x4]  }
0x9a: {  	[tilespmem:s14], [sflag:$0x4] =	stream.linear.gather [hbm4b:s26+s3], $0x100, $0x38;
	[tilespmem:$0x1D200] =	vst v63  }
0x9b: {  	_ =	swait.ge [sflag:s15], $0x4000  }
0x9c: {  	[sflag:s15] =	ssyncset.done $0x0  }
0x9d: {  	[sflag:s15] =	ssyncadd.s32 $0xFFFFC000  }
0x9e: {  	_ =	swait.ge [sflag:s16], $0x100  }
0x9f: {  	[sflag:s16] =	ssyncset.done $0x0  }
0xa0: {  	p5 =	sle.s32 s6, $0x0;
	[sflag:s16] =	ssyncadd.s32 $0xFFFFFF00  }
0xa1: {  	[tilespmem:s17], [sflag:$0x2] =	stream.indirect.gather [hbm4b:s5+s12], $0x80, s14, s12, $0xb8;
	[tilespmem:$0x1D200] =	vst v63  }
0xa2: {  	s10 =	simm.s32 @!p5 $0x80;
	s21 =	simm.s32 @!p5 $0x200;
	s22 =	simm.s32 @!p5 $0x5  }
0xa3: {  	[spmem:s2] =	stream.indirect.scatter.add.f32 @!p5 [tilespmem:s21], [sflag:$0x5], $0x80, s10, s10, $0xb8;
	[tilespmem:$0x1D200] =	vst v63  }
0xa4: {  	_ =	swait.ge @!p5 [sflag:s22], $0x4000  }
0xa5: {  	[sflag:s22] =	ssyncset.done @!p5 $0x0  }
0xa6: {  	s28 =	sadd.s32 $0xFFFFFFE0, s23;
	[sflag:s22] =	ssyncadd.s32 @!p5 $0xFFFFC000  }
0xa7: {  	[tilespmem:s3], [sflag:$0x3] =	stream.linear.gather [hbm4b:s28+s3], $0x100, $0x38;
	[tilespmem:$0x1D200] =	vst v63  }
0xa8: {  	_ =	swait.ge [sflag:s18], $0x4000  }
0xa9: {  	[sflag:s18] =	ssyncset.done $0x0  }
0xaa: {  	[sflag:s18] =	ssyncadd.s32 $0xFFFFC000  }
0xab: {  	_ =	swait.ge [sflag:s19], $0x100  }
0xac: {  	[sflag:s19] =	ssyncset.done $0x0  }
0xad: {  	p6 =	sle.s32 s6, $0x1;
	[sflag:s19] =	ssyncadd.s32 $0xFFFFFF00  }
0xae: {  	[tilespmem:s13], [sflag:$0x1] =	stream.indirect.gather [hbm4b:s5+s12], $0x80, s3, s12, $0xb8;
	[tilespmem:$0x1D200] =	vst v63  }
0xaf: {  	s10 =	simm.s32 @!p6 $0x80;
	s21 =	simm.s32 @!p6 $0x180;
	s22 =	simm.s32 @!p6 $0x4200  }
0xb0: {  	[spmem:s2] =	stream.indirect.scatter.add.f32 @!p6 [tilespmem:s22], [sflag:$0x5], $0x80, s21, s10, $0xb8;
	[tilespmem:$0x1D200] =	vst v63  }
0xb1: {  	s24 =	simm.s32 @!p6 $0x5;
	s21 =	simm.s32 $0x3  }
0xb2: {  	s10 =	smov.u32 s23;
	s22 =	smov.u32 s23;
	_ =	swait.ge @!p6 [sflag:s24], $0x4000  }
.LBB2_9:
0xb3: {  	[sflag:s24] =	ssyncset.done @!p6 $0x0  }
0xb4: {  	s10 =	sadd.s32 $0x40, s10;
	s25 =	smov.u32 s21;
	s21 =	sadd.s32 $0x2, s21  }
0xb5: {  	p5 =	sne.s32 s21, $0x9B;
	[sflag:s24] =	ssyncadd.s32 @!p6 $0xFFFFC000  }
0xb6: {  	[tilespmem:s14], [sflag:$0x4] =	stream.linear.gather [hbm4b:s22+s3], $0x100, $0x38;
	[tilespmem:$0x1D200] =	vst v63  }
0xb7: {  	s22 =	smov.u32 s10;
	_ =	swait.ge [sflag:s15], $0x4000  }
0xb8: {  	[sflag:s15] =	ssyncset.done $0x0  }
0xb9: {  	[sflag:s15] =	ssyncadd.s32 $0xFFFFC000  }
0xba: {  	_ =	swait.ge [sflag:s16], $0x100  }
0xbb: {  	s24 =	sadd.s32 $0xFFFFFFFF, s25;
	[sflag:s16] =	ssyncset.done $0x0  }
0xbc: {  	p6 =	sge.s32 s24, s6;
	[sflag:s16] =	ssyncadd.s32 $0xFFFFFF00  }
0xbd: {  	[tilespmem:s17], [sflag:$0x2] =	stream.indirect.gather [hbm4b:s5+s12], $0x80, s14, s12, $0xb8;
	[tilespmem:$0x1D200] =	vst v63  }
0xbe: {  	s24 =	simm.s32 @!p6 $0x80;
	s26 =	simm.s32 @!p6 $0x200;
	s28 =	simm.s32 @!p6 $0x5  }
0xbf: {  	[spmem:s2] =	stream.indirect.scatter.add.f32 @!p6 [tilespmem:s26], [sflag:$0x5], $0x80, s24, s24, $0xb8;
	[tilespmem:$0x1D200] =	vst v63  }
0xc0: {  	_ =	swait.ge @!p6 [sflag:s28], $0x4000  }
0xc1: {  	s24 =	sadd.s32 $0xFFFFFFE0, s10;
	[sflag:s28] =	ssyncset.done @!p6 $0x0  }
0xc2: {  	[sflag:s28] =	ssyncadd.s32 @!p6 $0xFFFFC000  }
0xc3: {  	[tilespmem:s3], [sflag:$0x3] =	stream.linear.gather [hbm4b:s24+s3], $0x100, $0x38;
	[tilespmem:$0x1D200] =	vst v63  }
0xc4: {  	_ =	swait.ge [sflag:s18], $0x4000  }
0xc5: {  	[sflag:s18] =	ssyncset.done $0x0  }
0xc6: {  	[sflag:s18] =	ssyncadd.s32 $0xFFFFC000  }
0xc7: {  	_ =	swait.ge [sflag:s19], $0x100  }
0xc8: {  	p6 =	sge.s32 s25, s6;
	[sflag:s19] =	ssyncset.done $0x0  }
0xc9: {  	s25 =	simm.s32 @!p6 $0x80;
	[sflag:s19] =	ssyncadd.s32 $0xFFFFFF00  }
.Ltmp4:
0xca: {  	s26 =	simm.s32 @!p6 $0x180;
	s28 =	simm.s32 @!p6 $0x4200;
	(pc) =	sbr.rel @p5 .LBB2_9-.Ltmp4, $4  }
0xcb: {  	[tilespmem:s13], [sflag:$0x1] =	stream.indirect.gather [hbm4b:s5+s12], $0x80, s3, s12, $0xb8;
	[tilespmem:$0x1D200] =	vst v63  }
0xcc: {  	s24 =	simm.s32 @!p6 $0x5  }
0xcd: {  	[spmem:s2] =	stream.indirect.scatter.add.f32 @!p6 [tilespmem:s28], [sflag:$0x5], $0x80, s26, s25, $0xb8;
	[tilespmem:$0x1D200] =	vst v63  }
0xce: {  	_ =	swait.ge @!p6 [sflag:s24], $0x4000  }
0xcf: {  	[sflag:s24] =	ssyncset.done @!p6 $0x0  }
0xd0: {  	[sflag:s24] =	ssyncadd.s32 @!p6 $0xFFFFC000  }
0xd1: {  	[tilespmem:s14], [sflag:$0x4] =	stream.linear.gather [hbm4b:s22+s3], $0x100, $0x38;
	[tilespmem:$0x1D200] =	vst v63  }
0xd2: {  	_ =	swait.ge [sflag:s15], $0x4000  }
0xd3: {  	[sflag:s15] =	ssyncset.done $0x0  }
0xd4: {  	[sflag:s15] =	ssyncadd.s32 $0xFFFFC000  }
0xd5: {  	_ =	swait.ge [sflag:s16], $0x100  }
0xd6: {  	[sflag:s16] =	ssyncset.done $0x0  }
0xd7: {  	[sflag:s16] =	ssyncadd.s32 $0xFFFFFF00  }
0xd8: {  	[tilespmem:s17], [sflag:$0x2] =	stream.indirect.gather [hbm4b:s5+s12], $0x80, s14, s12, $0xb8;
	[tilespmem:$0x1D200] =	vst v63  }
0xd9: {  	s10 =	simm.s32 @!p1 $0x80;
	s21 =	simm.s32 @!p1 $0x200  }
0xda: {  	[spmem:s2] =	stream.indirect.scatter.add.f32 @!p1 [tilespmem:s21], [sflag:$0x5], $0x80, s10, s10, $0xb8;
	[tilespmem:$0x1D200] =	vst v63  }
0xdb: {  	s10 =	simm.s32 @!p1 $0x5  }
0xdc: {  	_ =	swait.ge @!p1 [sflag:s10], $0x4000  }
0xdd: {  	[sflag:s10] =	ssyncset.done @!p1 $0x0  }
0xde: {  	[sflag:s10] =	ssyncadd.s32 @!p1 $0xFFFFC000  }
0xdf: {  	[tilespmem:s3], [sflag:$0x3] =	stream.linear.gather [hbm4b:s1+s3], $0x100, $0x38;
	[tilespmem:$0x1D200] =	vst v63  }
0xe0: {  	_ =	swait.ge [sflag:s18], $0x4000  }
0xe1: {  	[sflag:s18] =	ssyncset.done $0x0  }
.Ltmp5:
0xe2: {  	[sflag:s18] =	ssyncadd.s32 $0xFFFFC000;
	(pc) =	sbr.rel @p2 .LBB2_13-.Ltmp5, $4  }
0xe3: {  	_ =	swait.ge [sflag:s19], $0x100  }
0xe4: {  	[sflag:s19] =	ssyncset.done $0x0  }
0xe5: {  	s21 =	simm.s32 $0x1;
	s10 =	rddreg [dreg:$0x6];
	[sflag:s19] =	ssyncadd.s32 $0xFFFFFF00  }
0xe6: {  	[tilespmem:s13], [sflag:$0x1] =	stream.indirect.gather [hbm4b:s5+s12], $0x80, s3, s12, $0xb8;
	[tilespmem:$0x1D200] =	vst v63  }
0xe7: {  	s10 =	simm.s32 $0x180  }
0xe8: {  	[spmem:s2] =	stream.indirect.scatter.add.f32 [tilespmem:s17], [sflag:$0x5], $0x80, s10, s12, $0xb8;
	[tilespmem:$0x1D200] =	vst v63  }
0xe9: {  	_ =	swait.ge [sflag:s9], $0x4000  }
.Ltmp6:
0xea: {  	[sflag:s9] =	ssyncset.done $0x0;
	(pc) =	sbr.rel @p3 .LBB2_14-.Ltmp6, $4  }
.Ltmp7:
0xeb: {  	[sflag:s9] =	ssyncadd.s32 $0xFFFFC000;
	(pc) =	sbr.rel @!p3 .LBB2_12-.Ltmp7, $4  }
0xec: {  	_ =	swait.ge [sflag:s15], $0x4000  }
0xed: {  	[sflag:s15] =	ssyncset.done $0x0  }
0xee: {  	s10 =	rddreg [dreg:$0x6];
	[sflag:s15] =	ssyncadd.s32 $0xFFFFC000  }
0xef: {  	_ = 	snop  }
.LBB2_4:
0xf0: {  	s10 =	rddreg [dreg:$0x8]  }
0xf1: {  	[spmem:s10] =	stream.linear.scatter [tilespmem:s11], [sflag:$0x5], $0x1000, $0x38;
	[tilespmem:$0x1D200] =	vst v63  }
0xf2: {  	_ =	swait.ge [sflag:s9], $0x1000  }
0xf3: {  	[sflag:s9] =	ssyncset.done $0x0  }
0xf4: {  	s24 =	rddreg [dreg:$0x9];
	[sflag:s9] =	ssyncadd.s32 $0xFFFFF000  }
0xf5: {  	[spmem:s24] =	stream.linear.scatter [tilespmem:s11], [sflag:$0x5], $0x1000, $0x38;
	[tilespmem:$0x1D200] =	vst v63  }
0xf6: {  	_ =	swait.ge [sflag:s9], $0x1000  }
0xf7: {  	[sflag:s9] =	ssyncset.done $0x0  }
0xf8: {  	s25 =	rddreg [dreg:$0xa];
	[sflag:s9] =	ssyncadd.s32 $0xFFFFF000  }
0xf9: {  	[spmem:s25] =	stream.linear.scatter [tilespmem:s11], [sflag:$0x5], $0x1000, $0x38;
	[tilespmem:$0x1D200] =	vst v63  }
0xfa: {  	_ =	swait.ge [sflag:s9], $0x1000  }
0xfb: {  	[sflag:s9] =	ssyncset.done $0x0  }
0xfc: {  	s26 =	rddreg [dreg:$0xb];
	[sflag:s9] =	ssyncadd.s32 $0xFFFFF000  }
0xfd: {  	[spmem:s26] =	stream.linear.scatter [tilespmem:s11], [sflag:$0x5], $0x1000, $0x38;
	[tilespmem:$0x1D200] =	vst v63  }
0xfe: {  	_ =	swait.ge [sflag:s9], $0x1000  }
0xff: {  	[sflag:s9] =	ssyncset.done $0x0  }
0x100: {  	s28 =	rddreg [dreg:$0xc];
	[sflag:s9] =	ssyncadd.s32 $0xFFFFF000  }
0x101: {  	[spmem:s28] =	stream.linear.scatter [tilespmem:s11], [sflag:$0x5], $0x1000, $0x38;
	[tilespmem:$0x1D200] =	vst v63  }
0x102: {  	_ =	swait.ge [sflag:s9], $0x1000  }
0x103: {  	[sflag:s9] =	ssyncset.done $0x0  }
0x104: {  	s21 =	rddreg [dreg:$0xd];
	[sflag:s9] =	ssyncadd.s32 $0xFFFFF000  }
0x105: {  	[spmem:s21] =	stream.linear.scatter [tilespmem:s11], [sflag:$0x5], $0x1000, $0x38;
	[tilespmem:$0x1D200] =	vst v63  }
0x106: {  	_ =	swait.ge [sflag:s9], $0x1000  }
0x107: {  	[sflag:s9] =	ssyncset.done $0x0  }
0x108: {  	s22 =	rddreg [dreg:$0xe];
	[sflag:s9] =	ssyncadd.s32 $0xFFFFF000  }
0x109: {  	[spmem:s22] =	stream.linear.scatter [tilespmem:s11], [sflag:$0x5], $0x1000, $0x38;
	[tilespmem:$0x1D200] =	vst v63  }
0x10a: {  	_ =	swait.ge [sflag:s9], $0x1000  }
0x10b: {  	[sflag:s9] =	ssyncset.done $0x0  }
0x10c: {  	s24 =	rddreg [dreg:$0xf];
	[sflag:s9] =	ssyncadd.s32 $0xFFFFF000  }
0x10d: {  	[spmem:s24] =	stream.linear.scatter [tilespmem:s11], [sflag:$0x5], $0x1000, $0x38;
	[tilespmem:$0x1D200] =	vst v63  }
0x10e: {  	_ =	swait.ge [sflag:s9], $0x1000  }
0x10f: {  	[sflag:s9] =	ssyncset.done $0x0  }
0x110: {  	s25 =	rddreg [dreg:$0x10];
	[sflag:s9] =	ssyncadd.s32 $0xFFFFF000  }
0x111: {  	[spmem:s25] =	stream.linear.scatter [tilespmem:s11], [sflag:$0x5], $0x1000, $0x38;
	[tilespmem:$0x1D200] =	vst v63  }
0x112: {  	_ =	swait.ge [sflag:s9], $0x1000  }
0x113: {  	[sflag:s9] =	ssyncset.done $0x0  }
0x114: {  	s26 =	rddreg [dreg:$0x11];
	[sflag:s9] =	ssyncadd.s32 $0xFFFFF000  }
0x115: {  	[spmem:s26] =	stream.linear.scatter [tilespmem:s11], [sflag:$0x5], $0x1000, $0x38;
	[tilespmem:$0x1D200] =	vst v63  }
0x116: {  	_ =	swait.ge [sflag:s9], $0x1000  }
0x117: {  	[sflag:s9] =	ssyncset.done $0x0  }
0x118: {  	s28 =	rddreg [dreg:$0x12];
	[sflag:s9] =	ssyncadd.s32 $0xFFFFF000  }
0x119: {  	[spmem:s28] =	stream.linear.scatter [tilespmem:s11], [sflag:$0x5], $0x1000, $0x38;
	[tilespmem:$0x1D200] =	vst v63  }
0x11a: {  	_ =	swait.ge [sflag:s9], $0x1000  }
0x11b: {  	[sflag:s9] =	ssyncset.done $0x0  }
0x11c: {  	s21 =	rddreg [dreg:$0x13];
	[sflag:s9] =	ssyncadd.s32 $0xFFFFF000  }
0x11d: {  	[spmem:s21] =	stream.linear.scatter [tilespmem:s11], [sflag:$0x5], $0x1000, $0x38;
	[tilespmem:$0x1D200] =	vst v63  }
0x11e: {  	_ =	swait.ge [sflag:s9], $0x1000  }
0x11f: {  	[sflag:s9] =	ssyncset.done $0x0  }
0x120: {  	s22 =	rddreg [dreg:$0x14];
	[sflag:s9] =	ssyncadd.s32 $0xFFFFF000  }
0x121: {  	[spmem:s22] =	stream.linear.scatter [tilespmem:s11], [sflag:$0x5], $0x1000, $0x38;
	[tilespmem:$0x1D200] =	vst v63  }
0x122: {  	_ =	swait.ge [sflag:s9], $0x1000  }
0x123: {  	[sflag:s9] =	ssyncset.done $0x0  }
0x124: {  	s24 =	rddreg [dreg:$0x15];
	[sflag:s9] =	ssyncadd.s32 $0xFFFFF000  }
0x125: {  	[spmem:s24] =	stream.linear.scatter [tilespmem:s11], [sflag:$0x5], $0x1000, $0x38;
	[tilespmem:$0x1D200] =	vst v63  }
0x126: {  	_ =	swait.ge [sflag:s9], $0x1000  }
0x127: {  	[sflag:s9] =	ssyncset.done $0x0  }
0x128: {  	s25 =	rddreg [dreg:$0x16];
	[sflag:s9] =	ssyncadd.s32 $0xFFFFF000  }
0x129: {  	[spmem:s25] =	stream.linear.scatter [tilespmem:s11], [sflag:$0x5], $0x1000, $0x38;
	[tilespmem:$0x1D200] =	vst v63  }
0x12a: {  	_ =	swait.ge [sflag:s9], $0x1000  }
0x12b: {  	[sflag:s9] =	ssyncset.done $0x0  }
0x12c: {  	[sflag:s9] =	ssyncadd.s32 $0xFFFFF000  }
0x12d: {  	[spmem:s29] =	stream.linear.scatter [tilespmem:s11], [sflag:$0x5], $0x1000, $0x38;
	[tilespmem:$0x1D200] =	vst v63  }
0x12e: {  	_ =	swait.ge [sflag:s9], $0x1000  }
0x12f: {  	[sflag:s9] =	ssyncset.done $0x0  }
0x130: {  	[sflag:s9] =	ssyncadd.s32 $0xFFFFF000  }
0x131: {  	[spmem:s30] =	stream.linear.scatter [tilespmem:s11], [sflag:$0x5], $0x1000, $0x38;
	[tilespmem:$0x1D200] =	vst v63  }
0x132: {  	_ =	swait.ge [sflag:s9], $0x1000  }
0x133: {  	[sflag:s9] =	ssyncset.done $0x0  }
0x134: {  	[sflag:s9] =	ssyncadd.s32 $0xFFFFF000  }
0x135: {  	[spmem:s31] =	stream.linear.scatter [tilespmem:s11], [sflag:$0x5], $0x1000, $0x38;
	[tilespmem:$0x1D200] =	vst v63  }
0x136: {  	_ =	swait.ge [sflag:s9], $0x1000  }
0x137: {  	[sflag:s9] =	ssyncset.done $0x0  }
0x138: {  	[sflag:s9] =	ssyncadd.s32 $0xFFFFF000  }
0x139: {  	[spmem:s0] =	stream.linear.scatter [tilespmem:s11], [sflag:$0x5], $0x1000, $0x38;
	[tilespmem:$0x1D200] =	vst v63  }
0x13a: {  	_ =	swait.ge [sflag:s9], $0x1000  }
0x13b: {  	[sflag:s9] =	ssyncset.done $0x0  }
0x13c: {  	[sflag:s9] =	ssyncadd.s32 $0xFFFFF000  }
0x13d: {  	[bflag:$0x0] =	sbarrier.arrive $0xFFFF  }
0x13e: {  	[tilespmem:s3], [sflag:$0x5] =	stream.linear.gather [hbm4b:s7+s3], $0x100, $0x38;
	[tilespmem:$0x1D200] =	vst v63  }
0x13f: {  	_ =	swait.ge [sflag:s9], $0x100  }
0x140: {  	[sflag:s9] =	ssyncset.done $0x0  }
0x141: {  	[sflag:s9] =	ssyncadd.s32 $0xFFFFFF00  }
0x142: {  	[tilespmem:s13], [sflag:$0x1] =	stream.indirect.gather [hbm4b:s4+s12], $0x80, s3, s12, $0xb8;
	[tilespmem:$0x1D200] =	vst v63  }
0x143: {  	s26 =	rddreg [dreg:$0x4]  }
0x144: {  	[tilespmem:s14], [sflag:$0x4] =	stream.linear.gather [hbm4b:s26+s3], $0x100, $0x38;
	[tilespmem:$0x1D200] =	vst v63  }
0x145: {  	_ =	swait.ge [sflag:s15], $0x4000  }
0x146: {  	[sflag:s15] =	ssyncset.done $0x0  }
0x147: {  	[sflag:s15] =	ssyncadd.s32 $0xFFFFC000  }
0x148: {  	_ =	swait.ge [sflag:s16], $0x100  }
0x149: {  	[sflag:s16] =	ssyncset.done $0x0  }
0x14a: {  	p5 =	sle.s32 s6, $0x0;
	[sflag:s16] =	ssyncadd.s32 $0xFFFFFF00  }
0x14b: {  	[tilespmem:s17], [sflag:$0x2] =	stream.indirect.gather [hbm4b:s4+s12], $0x80, s14, s12, $0xb8;
	[tilespmem:$0x1D200] =	vst v63  }
0x14c: {  	s10 =	simm.s32 @!p5 $0x80;
	s21 =	simm.s32 @!p5 $0x200;
	s22 =	simm.s32 @!p5 $0x5  }
0x14d: {  	[spmem:s2] =	stream.indirect.scatter.add.f32 @!p5 [tilespmem:s21], [sflag:$0x5], $0x80, s10, s10, $0xb8;
	[tilespmem:$0x1D200] =	vst v63  }
0x14e: {  	_ =	swait.ge @!p5 [sflag:s22], $0x4000  }
0x14f: {  	[sflag:s22] =	ssyncset.done @!p5 $0x0  }
0x150: {  	s28 =	sadd.s32 $0xFFFFFFE0, s23;
	[sflag:s22] =	ssyncadd.s32 @!p5 $0xFFFFC000  }
0x151: {  	[tilespmem:s3], [sflag:$0x3] =	stream.linear.gather [hbm4b:s28+s3], $0x100, $0x38;
	[tilespmem:$0x1D200] =	vst v63  }
0x152: {  	_ =	swait.ge [sflag:s18], $0x4000  }
0x153: {  	[sflag:s18] =	ssyncset.done $0x0  }
0x154: {  	[sflag:s18] =	ssyncadd.s32 $0xFFFFC000  }
0x155: {  	_ =	swait.ge [sflag:s19], $0x100  }
0x156: {  	[sflag:s19] =	ssyncset.done $0x0  }
0x157: {  	p6 =	sle.s32 s6, $0x1;
	[sflag:s19] =	ssyncadd.s32 $0xFFFFFF00  }
0x158: {  	[tilespmem:s13], [sflag:$0x1] =	stream.indirect.gather [hbm4b:s4+s12], $0x80, s3, s12, $0xb8;
	[tilespmem:$0x1D200] =	vst v63  }
0x159: {  	s10 =	simm.s32 @!p6 $0x80;
	s21 =	simm.s32 @!p6 $0x180;
	s22 =	simm.s32 @!p6 $0x4200  }
0x15a: {  	[spmem:s2] =	stream.indirect.scatter.add.f32 @!p6 [tilespmem:s22], [sflag:$0x5], $0x80, s21, s10, $0xb8;
	[tilespmem:$0x1D200] =	vst v63  }
0x15b: {  	s24 =	simm.s32 @!p6 $0x5;
	s21 =	simm.s32 $0x3  }
0x15c: {  	s10 =	smov.u32 s23;
	s22 =	smov.u32 s23;
	_ =	swait.ge @!p6 [sflag:s24], $0x4000  }
.LBB2_5:
0x15d: {  	[sflag:s24] =	ssyncset.done @!p6 $0x0  }
0x15e: {  	s10 =	sadd.s32 $0x40, s10;
	s25 =	smov.u32 s21;
	s21 =	sadd.s32 $0x2, s21  }
0x15f: {  	p5 =	sne.s32 s21, $0x9B;
	[sflag:s24] =	ssyncadd.s32 @!p6 $0xFFFFC000  }
0x160: {  	[tilespmem:s14], [sflag:$0x4] =	stream.linear.gather [hbm4b:s22+s3], $0x100, $0x38;
	[tilespmem:$0x1D200] =	vst v63  }
0x161: {  	s22 =	smov.u32 s10;
	_ =	swait.ge [sflag:s15], $0x4000  }
0x162: {  	[sflag:s15] =	ssyncset.done $0x0  }
0x163: {  	[sflag:s15] =	ssyncadd.s32 $0xFFFFC000  }
0x164: {  	_ =	swait.ge [sflag:s16], $0x100  }
0x165: {  	s24 =	sadd.s32 $0xFFFFFFFF, s25;
	[sflag:s16] =	ssyncset.done $0x0  }
0x166: {  	p6 =	sge.s32 s24, s6;
	[sflag:s16] =	ssyncadd.s32 $0xFFFFFF00  }
0x167: {  	[tilespmem:s17], [sflag:$0x2] =	stream.indirect.gather [hbm4b:s4+s12], $0x80, s14, s12, $0xb8;
	[tilespmem:$0x1D200] =	vst v63  }
0x168: {  	s24 =	simm.s32 @!p6 $0x80;
	s26 =	simm.s32 @!p6 $0x200;
	s28 =	simm.s32 @!p6 $0x5  }
0x169: {  	[spmem:s2] =	stream.indirect.scatter.add.f32 @!p6 [tilespmem:s26], [sflag:$0x5], $0x80, s24, s24, $0xb8;
	[tilespmem:$0x1D200] =	vst v63  }
0x16a: {  	_ =	swait.ge @!p6 [sflag:s28], $0x4000  }
0x16b: {  	s24 =	sadd.s32 $0xFFFFFFE0, s10;
	[sflag:s28] =	ssyncset.done @!p6 $0x0  }
0x16c: {  	[sflag:s28] =	ssyncadd.s32 @!p6 $0xFFFFC000  }
0x16d: {  	[tilespmem:s3], [sflag:$0x3] =	stream.linear.gather [hbm4b:s24+s3], $0x100, $0x38;
	[tilespmem:$0x1D200] =	vst v63  }
0x16e: {  	_ =	swait.ge [sflag:s18], $0x4000  }
0x16f: {  	[sflag:s18] =	ssyncset.done $0x0  }
0x170: {  	[sflag:s18] =	ssyncadd.s32 $0xFFFFC000  }
0x171: {  	_ =	swait.ge [sflag:s19], $0x100  }
0x172: {  	p6 =	sge.s32 s25, s6;
	[sflag:s19] =	ssyncset.done $0x0  }
0x173: {  	s25 =	simm.s32 @!p6 $0x80;
	[sflag:s19] =	ssyncadd.s32 $0xFFFFFF00  }
.Ltmp8:
0x174: {  	s26 =	simm.s32 @!p6 $0x180;
	s28 =	simm.s32 @!p6 $0x4200;
	(pc) =	sbr.rel @p5 .LBB2_5-.Ltmp8, $4  }
0x175: {  	[tilespmem:s13], [sflag:$0x1] =	stream.indirect.gather [hbm4b:s4+s12], $0x80, s3, s12, $0xb8;
	[tilespmem:$0x1D200] =	vst v63  }
0x176: {  	s24 =	simm.s32 @!p6 $0x5  }
0x177: {  	[spmem:s2] =	stream.indirect.scatter.add.f32 @!p6 [tilespmem:s28], [sflag:$0x5], $0x80, s26, s25, $0xb8;
	[tilespmem:$0x1D200] =	vst v63  }
0x178: {  	_ =	swait.ge @!p6 [sflag:s24], $0x4000  }
0x179: {  	[sflag:s24] =	ssyncset.done @!p6 $0x0  }
0x17a: {  	[sflag:s24] =	ssyncadd.s32 @!p6 $0xFFFFC000  }
0x17b: {  	[tilespmem:s14], [sflag:$0x4] =	stream.linear.gather [hbm4b:s22+s3], $0x100, $0x38;
	[tilespmem:$0x1D200] =	vst v63  }
0x17c: {  	_ =	swait.ge [sflag:s15], $0x4000  }
0x17d: {  	[sflag:s15] =	ssyncset.done $0x0  }
0x17e: {  	[sflag:s15] =	ssyncadd.s32 $0xFFFFC000  }
0x17f: {  	_ =	swait.ge [sflag:s16], $0x100  }
0x180: {  	[sflag:s16] =	ssyncset.done $0x0  }
0x181: {  	[sflag:s16] =	ssyncadd.s32 $0xFFFFFF00  }
0x182: {  	[tilespmem:s17], [sflag:$0x2] =	stream.indirect.gather [hbm4b:s4+s12], $0x80, s14, s12, $0xb8;
	[tilespmem:$0x1D200] =	vst v63  }
0x183: {  	s10 =	simm.s32 @!p1 $0x80;
	s21 =	simm.s32 @!p1 $0x200  }
0x184: {  	[spmem:s2] =	stream.indirect.scatter.add.f32 @!p1 [tilespmem:s21], [sflag:$0x5], $0x80, s10, s10, $0xb8;
	[tilespmem:$0x1D200] =	vst v63  }
0x185: {  	s10 =	simm.s32 @!p1 $0x5  }
0x186: {  	_ =	swait.ge @!p1 [sflag:s10], $0x4000  }
0x187: {  	[sflag:s10] =	ssyncset.done @!p1 $0x0  }
0x188: {  	[sflag:s10] =	ssyncadd.s32 @!p1 $0xFFFFC000  }
0x189: {  	[tilespmem:s3], [sflag:$0x3] =	stream.linear.gather [hbm4b:s1+s3], $0x100, $0x38;
	[tilespmem:$0x1D200] =	vst v63  }
0x18a: {  	_ =	swait.ge [sflag:s18], $0x4000  }
0x18b: {  	[sflag:s18] =	ssyncset.done $0x0  }
.Ltmp9:
0x18c: {  	[sflag:s18] =	ssyncadd.s32 $0xFFFFC000;
	(pc) =	sbr.rel @p2 .LBB2_13-.Ltmp9, $4  }
0x18d: {  	_ =	swait.ge [sflag:s19], $0x100  }
0x18e: {  	[sflag:s19] =	ssyncset.done $0x0  }
0x18f: {  	s21 =	simm.s32 $0x1;
	s10 =	rddreg [dreg:$0x5];
	[sflag:s19] =	ssyncadd.s32 $0xFFFFFF00  }
0x190: {  	[tilespmem:s13], [sflag:$0x1] =	stream.indirect.gather [hbm4b:s4+s12], $0x80, s3, s12, $0xb8;
	[tilespmem:$0x1D200] =	vst v63  }
0x191: {  	s10 =	simm.s32 $0x180  }
0x192: {  	[spmem:s2] =	stream.indirect.scatter.add.f32 [tilespmem:s17], [sflag:$0x5], $0x80, s10, s12, $0xb8;
	[tilespmem:$0x1D200] =	vst v63  }
0x193: {  	_ =	swait.ge [sflag:s9], $0x4000  }
.Ltmp10:
0x194: {  	[sflag:s9] =	ssyncset.done $0x0;
	(pc) =	sbr.rel @p4 .LBB2_12-.Ltmp10, $4  }
.Ltmp11:
0x195: {  	[sflag:s9] =	ssyncadd.s32 $0xFFFFC000;
	(pc) =	sbr.rel @!p4 .LBB2_14-.Ltmp11, $4  }
0x196: {  	_ =	swait.ge [sflag:s15], $0x4000  }
0x197: {  	[sflag:s15] =	ssyncset.done $0x0  }
0x198: {  	s10 =	rddreg [dreg:$0x5];
	[sflag:s15] =	ssyncadd.s32 $0xFFFFC000  }
0x199: {  	_ = 	snop  }
.LBB2_15:
0x19a: {  	_ =	sfence.sel $0x180000  }
0x19b: {  	[bflag:$0x0] =	sbarrier.arrive $0xFFFF  }
0x19c: {  	_ =	strace $0x9000004A  }
0x19d: {  	s0 =	stileid.u32;
	[bflag:$0x2] =	sbarrier.arrive $0xFFFF  }
0x19e: {  	p0 =	sne.s32 s0, $0x0;
	s0 =	rddreg [dreg:$0x3]  }
0x19f: {  	s0 =	sadd.s32 @!p0 $0x100000, s0  }
0x1a0: {  	[sflag:s0] =	ssyncadd.tile.s32 @!p0 $0x1;
	_ =	shalt  }
.Lfunc_end2:
_tile_overlayer_lowered:
.L_overlay_start_2:
0x1a1: {  	(tag) =	ssettag $0x2  }
0x1a2: {  	s0 =	rddreg [dreg:$0x0];
	s2 =	stileid.u32  }
0x1a3: {  	s1 =	rddreg [dreg:$0x1];
	p0 =	sne.s32 s2, $0x0  }
0x1a4: {  	s3 =	rddreg [dreg:$0x2];
	[bflag:$0x3] =	sbarrier.arrive $0xFFFF;
	s2 =	simm.s32 @!p0 $0x1C05  }
0x1a5: {  	[timem:s3], [sflag:s2] =	dma.local @!p0 [hbm:s0], s1  }
0x1a6: {  	s0 =	simm.s32 @!p0 $0x5  }
0x1a7: {  	_ =	swait.ge @!p0 [sflag:s0], s1  }
0x1a8: {  	s1 =	ssub.s32 @!p0 $0x0, s1;
	[sflag:s0] =	ssyncset.done @!p0 $0x0  }
0x1a9: {  	[sflag:s0] =	ssyncadd.s32 @!p0 s1  }
0x1aa: {  	[bflag:$0x3] =	sbarrier.arrive $0xFFFF  }
0x1ab: {  	_ =	shalt  }

// kernel: kernel.15.cloned.1.call-start
scs
__scs_entry_jumppad:
0x0: {  	(pc) =	sbr.rel $0x88, $3  }
0x1: {  	(tag) =	ssettag $0x0;
	lr =	simm.s32 $0x1  }
0x2: {  	[smem:$0x3F99] =	sst lr;
	_ =	strace $0xD0000000  }
0x3: {  	_ = 	snop  }
0x4: {  	_ = 	snop  }
0x5: {  	_ = 	snop  }
0x6: {  	_ = 	snop  }
0x7: {  	_ = 	snop  }
__scs_overlays_trampoline_lowered:
0x8: {  	[smem:$0x3FA8] =	sst s0  }
0x9: {  	[smem:$0x3FA9] =	sst s1  }
0xa: {  	[smem:$0x3FAA] =	sst s2  }
0xb: {  	[smem:$0x3FAB] =	sst s3  }
0xc: {  	[smem:$0x3FAC] =	sst s4  }
0xd: {  	[smem:$0x3FAD] =	sst s5  }
0xe: {  	[smem:$0x3FAE] =	sst s6  }
0xf: {  	[smem:$0x3FAF] =	sst s7  }
0x10: {  	[smem:$0x3FB0] =	sst s8  }
0x11: {  	[smem:$0x3FB1] =	sst s9;
	s0 =	simm.s32 @!p0 $0x0  }
0x12: {  	s1 =	sld [smem:$0x3F97];
	s0 =	simm.s32 @p0 $0x1  }
0x13: {  	[smem:$0x3FB2] =	sst s0;
	s0 =	simm.s32 @!p1 $0x0  }
0x14: {  	s2 =	sld [smem:$0x3F96];
	s0 =	simm.s32 @p1 $0x1  }
0x15: {  	[smem:$0x3FB3] =	sst s0;
	s0 =	simm.s32 @!p2 $0x0  }
0x16: {  	s3 =	sld [smem:$0x3FDB];
	s0 =	simm.s32 @p2 $0x1  }
0x17: {  	s4 =	simm.s32 $0x1BF5;
	[smem:$0x3FB5] =	sst s0  }
0x18: {  	s0 =	sld [smem:$0x3F98];
	_ =	swait.ge [sflag:s4], $0x0  }
0x19: {  	s7 =	sld [smem:$0x3F99]  }
0x1a: {  	s8 =	sadd.s32 $0xFFFFE003, lr  }
0x1b: {  	s9 =	sadd.s32 $0xFFFFFEF7, lr;
	s5 =	simm.s32 $0xFFFFFFFF;
	p2 =	slt.u32 s8, $0xFFFFF086  }
0x1c: {  	p1 =	slt.u32 s9, $0xF7A;
	s5 =	simm.s32 @!p2 $0x0  }
0x1d: {  	s5 =	simm.s32 @p1 $0x1;
	p0 =	seq.s32 s7, s2  }
0x1e: {  	s7 =	smul.u32 @!p0 $0xF7A, s2;
	p2 =	seq.s32 @!p0 s5, $0x0  }
0x1f: {  	s9 =	smul.u32 $0xF7A, s1;
	s8 =	simm.s32 @!p0 $0x1BF5;
	p2 =	por !p2, p0  }
0x20: {  	[sflag:s8] =	ssyncset.s32 @!p0 $0xFFFFF086;
	s6 =	sadd.s32 @!p0 s3, s7;
	s7 =	simm.s32 @!p0 $0x108  }
0x21: {  	s3 =	sadd.s32 s3, s9;
	s6 =	sadd.s32 @!p0 $0x88, s6;
	s7 =	simm.s32 @p2 $0x1082  }
0x22: {  	[simem:s7], [sflag:s8] =	dma.local @!p0 [hbm:s6], $0xF7A  }
0x23: {  	s9 =	sor.u32 $0xD0000000, s2;
	s6 =	simm.s32 $0x108;
	_ =	swait.ge @!p0 [sflag:s8], $0x0  }
0x24: {  	s3 =	sadd.s32 $0x88, s3;
	s6 =	simm.s32 @!p1 $0x1082;
	[sflag:s4] =	ssyncset.s32 $0xFFFFF086  }
0x25: {  	[simem:s6], [sflag:s4] =	dma.local [hbm:s3], $0xF7A  }
0x26: {  	[smem:$0x3F99] =	sst s1;
	(tag) =	ssettag s2;
	_ =	strace s9  }
0x27: {  	s1 =	sld [smem:$0x3FA9]  }
0x28: {  	s2 =	sld [smem:$0x3FAA]  }
0x29: {  	s4 =	sld [smem:$0x3FAC]  }
0x2a: {  	p0 =	seq.s32 s5, $0x0;
	s5 =	sld [smem:$0x3FAD]  }
0x2b: {  	s6 =	sld [smem:$0x3FAE]  }
0x2c: {  	s7 =	sld [smem:$0x3FAF]  }
0x2d: {  	s3 =	simm.s32 $0x108;
	s8 =	sld [smem:$0x3FB0]  }
0x2e: {  	s3 =	simm.s32 @!p0 $0x1082;
	s9 =	sld [smem:$0x3FB1]  }
0x2f: {  	lr =	sadd.s32 s0, s3;
	s0 =	sld [smem:$0x3FA8]  }
0x30: {  	s3 =	sld [smem:$0x3FAB]  }
0x31: {  	[smem:$0x3FB4] =	sst s10  }
0x32: {  	s10 =	sld [smem:$0x3FB2];
	_ =	sdelay $0x3  }
0x33: {  	p0 =	seq.s32 s10, $0x1;
	s10 =	sld [smem:$0x3FB4];
	_ =	sdelay $0x3  }
0x34: {  	[smem:$0x3FB4] =	sst s10  }
0x35: {  	s10 =	sld [smem:$0x3FB3];
	_ =	sdelay $0x3  }
0x36: {  	p1 =	seq.s32 s10, $0x1;
	s10 =	sld [smem:$0x3FB4];
	_ =	sdelay $0x3  }
0x37: {  	[smem:$0x3FB4] =	sst s10  }
0x38: {  	s10 =	sld [smem:$0x3FB5]  }
0x39: {  	_ = 	snop;
	(pc) =	sbr.ind lr, $3  }
0x3a: {  	_ = 	snop  }
0x3b: {  	_ = 	snop  }
0x3c: {  	p2 =	seq.s32 s10, $0x1;
	s10 =	sld [smem:$0x3FB4]  }
0x3d: {  	_ =	shalt  }
0x3e: {  	_ =	shalt  }
0x3f: {  	_ =	shalt  }
0x40: {  	_ =	shalt  }
0x41: {  	_ =	shalt  }
0x42: {  	_ =	shalt  }
0x43: {  	_ =	shalt  }
0x44: {  	_ =	shalt  }
0x45: {  	_ =	shalt  }
0x46: {  	_ =	shalt  }
0x47: {  	_ =	shalt  }
0x48: {  	_ =	shalt  }
0x49: {  	_ =	shalt  }
0x4a: {  	_ =	shalt  }
0x4b: {  	_ =	shalt  }
0x4c: {  	_ =	shalt  }
0x4d: {  	_ =	shalt  }
0x4e: {  	_ =	shalt  }
0x4f: {  	_ =	shalt  }
0x50: {  	_ =	shalt  }
0x51: {  	_ =	shalt  }
0x52: {  	_ =	shalt  }
0x53: {  	_ =	shalt  }
0x54: {  	_ =	shalt  }
0x55: {  	_ =	shalt  }
0x56: {  	_ =	shalt  }
0x57: {  	_ =	shalt  }
0x58: {  	_ =	shalt  }
0x59: {  	_ =	shalt  }
0x5a: {  	_ =	shalt  }
0x5b: {  	_ =	shalt  }
0x5c: {  	_ =	shalt  }
0x5d: {  	_ =	shalt  }
0x5e: {  	_ =	shalt  }
0x5f: {  	_ =	shalt  }
0x60: {  	_ =	shalt  }
0x61: {  	_ =	shalt  }
0x62: {  	_ =	shalt  }
0x63: {  	_ =	shalt  }
0x64: {  	_ =	shalt  }
0x65: {  	_ =	shalt  }
0x66: {  	_ =	shalt  }
0x67: {  	_ =	shalt  }
0x68: {  	_ =	shalt  }
0x69: {  	_ =	shalt  }
0x6a: {  	_ =	shalt  }
0x6b: {  	_ =	shalt  }
0x6c: {  	_ =	shalt  }
0x6d: {  	_ =	shalt  }
0x6e: {  	_ =	shalt  }
0x6f: {  	_ =	shalt  }
0x70: {  	_ =	shalt  }
0x71: {  	_ =	shalt  }
0x72: {  	_ =	shalt  }
0x73: {  	_ =	shalt  }
0x74: {  	_ =	shalt  }
0x75: {  	_ =	shalt  }
0x76: {  	_ =	shalt  }
0x77: {  	_ =	shalt  }
0x78: {  	_ =	shalt  }
0x79: {  	_ =	shalt  }
0x7a: {  	_ =	shalt  }
0x7b: {  	_ =	shalt  }
0x7c: {  	_ =	shalt  }
0x7d: {  	_ =	shalt  }
0x7e: {  	_ =	shalt  }
0x7f: {  	_ =	shalt  }
0x80: {  	_ =	shalt  }
0x81: {  	_ =	shalt  }
0x82: {  	_ =	shalt  }
0x83: {  	_ =	shalt  }
0x84: {  	_ =	shalt  }
0x85: {  	_ =	shalt  }
0x86: {  	_ =	shalt  }
0x87: {  	_ =	shalt  }
.Lfunc_end0:
.L_simem_size_0:
called_computation.2_lowered:
.L_overlay_start_0:
0x88: {  	s2 =	sld [smem:$0x3FD9]  }
0x89: {  	s3 =	sld [smem:$0x3FFE];
	_ =	sdelay $0x1  }
0x8a: {  	s1 =	srdreg.scid  }
0x8b: {  	s0 =	sand.u32 $0x1, s1  }
0x8c: {  	s17 =	sshll.u32 s0, $0xA;
	s2 =	sadd.s32 s3, s2  }
0x8d: {  	s2 =	sadd.s32 s2, s17  }
0x8e: {  	[smem:$0x3FC0] =	sst s2  }
0x8f: {  	_ = 	snop  }
0x90: {  	s2 =	sld [smem:$0x3FC8];
	(tm) =	ssettm $0x1  }
0x91: {  	s18 =	sld [smem:$0x3FFB];
	_ =	sdelay $0x3  }
0x92: {  	_ =	strace s18  }
0x93: {  	s3 =	sld [smem:$0x3FFC];
	_ =	sdelay $0x3  }
0x94: {  	_ =	strace s3  }
0x95: {  	s3 =	sld [smem:$0x3FFD];
	_ =	sdelay $0x3  }
0x96: {  	_ =	strace s3  }
0x97: {  	_ =	strace $0x8FFFFFFF  }
0x98: {  	s19 =	sld [smem:$0x3FDB];
	_ =	sdelay $0x1  }
0x99: {  	s4 =	simm.s32 $_scs_section_size  }
0x9a: {  	s5 =	simm.s32 $_size__tile_overlayer_lowered;
	s6 =	simm.s32 $_tile_overlayer_lowered  }
0x9b: {  	s22 =	simm.s32 $0x1BFF;
	s21 =	sshll.u32 s6, $0x1;
	s3 =	sadd.s32 s4, s19  }
0x9c: {  	s7 =	simm.s32 $0x0;
	s20 =	sshll.u32 s5, $0x1;
	s5 =	sadd.s32 s21, s3  }
0x9d: {  	[timem:s7], [sflag:s22] =	dma.local [hbm:s5], s20  }
0x9e: {  	_ =	swait.ge [sflag:s22], s20  }
0x9f: {  	s4 =	ssub.s32 $0x0, s20;
	[sflag:s22] =	ssyncset.done $0x0  }
0xa0: {  	[sflag:s22] =	ssyncadd.s32 s4;
	_ =	sdelay $0x1  }
0xa1: {  	s23 =	simm.s32 $0x1B8B  }
0xa2: {  	_ =	swait.ge [sflag:s23], $0x1  }
0xa3: {  	[sflag:s23] =	ssyncset.done $0x0  }
0xa4: {  	s25 =	simm.s32 $0x1B8E;
	s24 =	sld [smem:$0x3FFE];
	[sflag:s23] =	ssyncadd.s32 $0xFFFFFFFF  }
0xa5: {  	s26 =	simm.s32 $execute0_lowered;
	[smem:$0x3FD2] =	sst s25  }
0xa6: {  	s5 =	sshll.u32 s26, $0x1;
	_ =	strace $0x8000004C;
	[dreg:$0x1] =	wrdreg $0xFFFFFFFF  }
0xa7: {  	s28 =	simm.s32 $_size_execute0_lowered;
	s3 =	sadd.s32 s3, s5;
	[dreg:$0x0] =	wrdreg $0x0  }
0xa8: {  	s5 =	sshll.u32 s28, $0x1;
	[dreg:$0x2] =	wrdreg s3  }
0xa9: {  	[dreg:$0x3] =	wrdreg s5  }
0xaa: {  	[dreg:$0x4] =	wrdreg $0xC0  }
0xab: {  	_ =	task [dreg:s7], $0x5FFFF  }
0xac: {  	[dreg:$0x1] =	wrdreg $0xFFFFFFFF  }
0xad: {  	[dreg:$0x0] =	wrdreg $0x60  }
0xae: {  	[dreg:$0x2] =	wrdreg s24  }
0xaf: {  	[dreg:$0x3] =	wrdreg s2  }
0xb0: {  	[dreg:$0x4] =	wrdreg $0x92000  }
0xb1: {  	[dreg:$0x5] =	wrdreg $0x9  }
0xb2: {  	_ =	task.clear_ibuf [dreg:s7], $0x6FFFF;
	_ =	strace $0x9000004C  }
0xb3: {  	s29 =	simm.s32 $0x9;
	_ =	strace $0x8000004E  }
0xb4: {  	_ =	swait.ge [sflag:s29], $0x1  }
0xb5: {  	[sflag:s29] =	ssyncadd.s32 $0xFFFFFFFF  }
0xb6: {  	_ =	strace $0x9000004E  }
0xb7: {  	_ =	sfence  }
0xb8: {  	s30 =	sld [smem:$0x0];
	_ =	sdelay $0x2  }
0xb9: {  	s31 =	sshll.u32 s1, $0xD;
	s1 =	sshrl.u32 s1, $0x2  }
0xba: {  	s3 =	sand.u32 $0x4000, s31;
	s1 =	sadd.s32 s1, s30  }
0xbb: {  	s0 =	sor.u32 s3, s0;
	s1 =	sshll.u32 s1, $0x11  }
0xbc: {  	s0 =	sor.u32 s1, s0  }
0xbd: {  	s0 =	sadd.s32 $0x8F2B, s0  }
0xbe: {  	[sflag:s0] =	ssyncadd.remote.s32 $0x1  }
0xbf: {  	_ =	sfence.sel $0xFFFF  }
0xc0: {  	[dreg:$0x0] =	wrdreg $0xFFFFFFFF;
	(pc) =	sbr.abs _section_cstart, $3  }
0xc1: {  	[dreg:$0x1] =	wrdreg $0xFFFFFFFF  }
0xc2: {  	_ =	task.clear_ibuf [dreg:s7], $0x2FFFF;
	_ =	strace $0x9FFFFFFF  }
0xc3: {  	(tm) =	ssettm $0x7FFFFFFF  }
tec
execute0_lowered:
.L_overlay_start_1:
0x0: {  	(tag) =	ssettag $0x1  }
0x1: {  	s0 =	rddreg [dreg:$0x0]  }
0x2: {  	s1 =	rddreg [dreg:$0x1]  }
0x3: {  	s2 =	rddreg [dreg:$0x2];
	s11 =	stileid.u32  }
0x4: {  	s3 =	simm.s32 $0x0;
	s4 =	srdreg.scid;
	s6 =	smul.u32 $0x2800, s11  }
0x5: {  	[smem:$0x7FF] =	sst s3;
	s7 =	sand.u32 $0x1, s4;
	s8 =	smul.u32 $0x9C4, s11  }
0x6: {  	s4 =	sadd.s32 $0x55000, s0;
	s5 =	sadd.s32 $0x7D000, s0;
	s11 =	smul.u32 $0x50000, s11  }
0x7: {  	_ =	strace $0x8000004D;
	s9 =	ssub.s32 $0x2, s7;
	p0 =	seq.s32 s7, $0x1  }
0x8: {  	s0 =	sadd.s32 s6, s0;
	s26 =	sshrl.u32 s9, $0x1;
	s10 =	sadd.s32 $0x9C4, s8  }
0x9: {  	s8 =	sshrl.u32 s8, $0x4;
	s28 =	sshrl.u32 s11, $0x2;
	s10 =	sshrl.u32 s10, $0x4  }
0xa: {  	s9 =	ssub.s32 s9, s26;
	s11 =	sadd.s32 $0xA5000, s0;
	s0 =	sadd.s32 $0xCD000, s0  }
0xb: {  	s6 =	ssub.s32 s10, s8;
	s8 =	sshll.u32 s8, $0x5;
	[dreg:$0x5] =	wrdreg s11  }
0xc: {  	[dreg:$0x6] =	wrdreg s0;
	s12 =	smax.u32 s9, $0x1;
	s7 =	sadd.s32 s1, s8  }
0xd: {  	s8 =	sadd.s32 s28, s2;
	[dreg:$0x7] =	wrdreg s12;
	s1 =	sadd.s32 $0x20, s7  }
0xe: {  	s13 =	sadd.s32 $0x1000, s8;
	[dreg:$0x4] =	wrdreg s1  }
0xf: {  	s14 =	sadd.s32 $0x2000, s8;
	[dreg:$0x8] =	wrdreg s13  }
0x10: {  	s15 =	sadd.s32 $0x3000, s8;
	[dreg:$0x9] =	wrdreg s14  }
0x11: {  	s16 =	sadd.s32 $0x4000, s8;
	[dreg:$0xa] =	wrdreg s15  }
0x12: {  	s11 =	simm.s32 $0x8200;
	s17 =	sadd.s32 $0x5000, s8;
	[dreg:$0xb] =	wrdreg s16  }
0x13: {  	s9 =	simm.s32 $0x5;
	s18 =	sadd.s32 $0x6000, s8;
	[dreg:$0xc] =	wrdreg s17  }
0x14: {  	p1 =	slt.s32 s6, $0x9B;
	s19 =	sadd.s32 $0x7000, s8;
	[dreg:$0xd] =	wrdreg s18  }
0x15: {  	p2 =	slt.s32 s6, $0x9C;
	s20 =	sadd.s32 $0x8000, s8;
	[dreg:$0xe] =	wrdreg s19  }
0x16: {  	p3 =	slt.s32 s6, $0x9D;
	s21 =	sadd.s32 $0x9000, s8;
	[dreg:$0xf] =	wrdreg s20  }
0x17: {  	p4 =	sgt.s32 s6, $0x9C;
	s22 =	sadd.s32 $0xA000, s8;
	[dreg:$0x10] =	wrdreg s21  }
0x18: {  	s12 =	simm.s32 $0x80;
	s23 =	sadd.s32 $0xB000, s8;
	[dreg:$0x11] =	wrdreg s22  }
0x19: {  	s24 =	sadd.s32 $0xC000, s8;
	s25 =	sadd.s32 $0xD000, s8;
	[dreg:$0x12] =	wrdreg s23  }
0x1a: {  	s26 =	sadd.s32 $0xE000, s8;
	s28 =	sadd.s32 $0xF000, s8;
	[dreg:$0x13] =	wrdreg s24  }
0x1b: {  	s29 =	sadd.s32 $0x10000, s8;
	s30 =	sadd.s32 $0x11000, s8;
	[dreg:$0x14] =	wrdreg s25  }
.Ltmp0:
0x1c: {  	s31 =	sadd.s32 $0x12000, s8;
	[dreg:$0x15] =	wrdreg s26;
	(pc) =	sbr.rel .LBB2_1-.Ltmp0, $4  }
0x1d: {  	s0 =	sadd.s32 $0x13000, s8;
	[dreg:$0x16] =	wrdreg s28;
	s1 =	sadd.s32 $0x1380, s7  }
0x1e: {  	s23 =	sadd.s32 $0x60, s7;
	s13 =	simm.s32 $0x200;
	s14 =	simm.s32 $0x100  }
0x1f: {  	s15 =	simm.s32 $0x1;
	s16 =	simm.s32 $0x4;
	s17 =	simm.s32 $0x4200  }
0x20: {  	v0 =	vimm.f32 $0.0e+00;
	s18 =	simm.s32 $0x2;
	s19 =	simm.s32 $0x3;
	s20 =	simm.s32 $0x0  }
.LBB2_12:
0x21: {  	[spmem:s2] =	stream.indirect.scatter.add.f32 [tilespmem:s13], [sflag:$0x5], $0x80, s12, s12, $0xb8;
	[tilespmem:$0x1D200] =	vst v63  }
0x22: {  	s21 =	simm.s32 $0x5  }
.LBB2_13:
0x23: {  	_ =	swait.ge [sflag:s21], $0x4000  }
0x24: {  	[sflag:s21] =	ssyncset.done $0x0  }
0x25: {  	[sflag:s21] =	ssyncadd.s32 $0xFFFFC000  }
.LBB2_14:
0x26: {  	s21 =	stileid.u32  }
0x27: {  	s21 =	sshll.u32 s21, $0x6  }
0x28: {  	[bflag:$0x0] =	sbarrier.arrive $0xFFFF;
	s22 =	sshrl.u32 s8, $0x3;
	s21 =	sor.u32 $0x1C05, s21  }
0x29: {  	[hbm:s10], [sflag:s21] =	dma.local [spmem:s22], $0x2800  }
0x2a: {  	_ =	swait.ge [sflag:s9], $0x2800  }
0x2b: {  	s20 =	sadd.s32 $0x1, s20;
	s28 =	rddreg [dreg:$0x7]  }
0x2c: {  	p5 =	sne.s32 s20, s28  }
.Ltmp1:
0x2d: {  	_ = 	snop;
	(pc) =	sbr.rel @!p5 .LBB2_15-.Ltmp1, $3  }
0x2e: {  	_ =	sdelay $0x1  }
0x2f: {  	[sflag:s9] =	ssyncset.done $0x0  }
0x30: {  	[sflag:s9] =	ssyncadd.s32 $0xFFFFD800  }
.LBB2_1:
0x31: {  	s10 =	simm.s32 $0x0;
	s21 =	simm.s32 $0x200  }
.LBB2_2:
0x32: {  	p5 =	sne.s32 s21, $0x3E00;
	[tilespmem:s10+$0x8270] =	vst v0  }
0x33: {  	[tilespmem:s10+$0x8200] =	vst v0  }
0x34: {  	[tilespmem:s10+$0x8210] =	vst v0  }
.Ltmp2:
0x35: {  	[tilespmem:s10+$0x8220] =	vst v0;
	(pc) =	sbr.rel @p5 .LBB2_2-.Ltmp2, $4  }
0x36: {  	[tilespmem:s10+$0x8230] =	vst v0  }
0x37: {  	[tilespmem:s10+$0x8240] =	vst v0  }
0x38: {  	[tilespmem:s10+$0x8250] =	vst v0  }
0x39: {  	[tilespmem:s10+$0x8260] =	vst v0;
	s10 =	sshra.s32 s21, $0x2;
	s21 =	sadd.s32 $0x200, s21  }
0x3a: {  	[tilespmem:s10+$0x8270] =	vst v0  }
0x3b: {  	[tilespmem:s10+$0x8200] =	vst v0  }
0x3c: {  	[tilespmem:s10+$0x8210] =	vst v0  }
0x3d: {  	[tilespmem:s10+$0x8220] =	vst v0  }
0x3e: {  	[tilespmem:s10+$0x8230] =	vst v0  }
0x3f: {  	[tilespmem:s10+$0x8240] =	vst v0  }
0x40: {  	[tilespmem:s10+$0x8250] =	vst v0  }
.Ltmp3:
0x41: {  	[tilespmem:s10+$0x8260] =	vst v0;
	(pc) =	sbr.rel @!p0 .LBB2_4-.Ltmp3, $4  }
0x42: {  	[spmem:s8] =	stream.linear.scatter [tilespmem:s11], [sflag:$0x5], $0x1000, $0x38;
	[tilespmem:$0x1D200] =	vst v63  }
0x43: {  	_ =	swait.ge [sflag:s9], $0x1000  }
0x44: {  	[sflag:s9] =	ssyncset.done $0x0  }
0x45: {  	[sflag:s9] =	ssyncadd.s32 $0xFFFFF000  }
0x46: {  	s10 =	rddreg [dreg:$0x8]  }
0x47: {  	[spmem:s10] =	stream.linear.scatter [tilespmem:s11], [sflag:$0x5], $0x1000, $0x38;
	[tilespmem:$0x1D200] =	vst v63  }
0x48: {  	_ =	swait.ge [sflag:s9], $0x1000  }
0x49: {  	[sflag:s9] =	ssyncset.done $0x0  }
0x4a: {  	s24 =	rddreg [dreg:$0x9];
	[sflag:s9] =	ssyncadd.s32 $0xFFFFF000  }
0x4b: {  	[spmem:s24] =	stream.linear.scatter [tilespmem:s11], [sflag:$0x5], $0x1000, $0x38;
	[tilespmem:$0x1D200] =	vst v63  }
0x4c: {  	_ =	swait.ge [sflag:s9], $0x1000  }
0x4d: {  	[sflag:s9] =	ssyncset.done $0x0  }
0x4e: {  	s25 =	rddreg [dreg:$0xa];
	[sflag:s9] =	ssyncadd.s32 $0xFFFFF000  }
0x4f: {  	[spmem:s25] =	stream.linear.scatter [tilespmem:s11], [sflag:$0x5], $0x1000, $0x38;
	[tilespmem:$0x1D200] =	vst v63  }
0x50: {  	_ =	swait.ge [sflag:s9], $0x1000  }
0x51: {  	[sflag:s9] =	ssyncset.done $0x0  }
0x52: {  	s26 =	rddreg [dreg:$0xb];
	[sflag:s9] =	ssyncadd.s32 $0xFFFFF000  }
0x53: {  	[spmem:s26] =	stream.linear.scatter [tilespmem:s11], [sflag:$0x5], $0x1000, $0x38;
	[tilespmem:$0x1D200] =	vst v63  }
0x54: {  	_ =	swait.ge [sflag:s9], $0x1000  }
0x55: {  	[sflag:s9] =	ssyncset.done $0x0  }
0x56: {  	s28 =	rddreg [dreg:$0xc];
	[sflag:s9] =	ssyncadd.s32 $0xFFFFF000  }
0x57: {  	[spmem:s28] =	stream.linear.scatter [tilespmem:s11], [sflag:$0x5], $0x1000, $0x38;
	[tilespmem:$0x1D200] =	vst v63  }
0x58: {  	_ =	swait.ge [sflag:s9], $0x1000  }
0x59: {  	[sflag:s9] =	ssyncset.done $0x0  }
0x5a: {  	s21 =	rddreg [dreg:$0xd];
	[sflag:s9] =	ssyncadd.s32 $0xFFFFF000  }
0x5b: {  	[spmem:s21] =	stream.linear.scatter [tilespmem:s11], [sflag:$0x5], $0x1000, $0x38;
	[tilespmem:$0x1D200] =	vst v63  }
0x5c: {  	_ =	swait.ge [sflag:s9], $0x1000  }
0x5d: {  	[sflag:s9] =	ssyncset.done $0x0  }
0x5e: {  	s22 =	rddreg [dreg:$0xe];
	[sflag:s9] =	ssyncadd.s32 $0xFFFFF000  }
0x5f: {  	[spmem:s22] =	stream.linear.scatter [tilespmem:s11], [sflag:$0x5], $0x1000, $0x38;
	[tilespmem:$0x1D200] =	vst v63  }
0x60: {  	_ =	swait.ge [sflag:s9], $0x1000  }
0x61: {  	[sflag:s9] =	ssyncset.done $0x0  }
0x62: {  	s24 =	rddreg [dreg:$0xf];
	[sflag:s9] =	ssyncadd.s32 $0xFFFFF000  }
0x63: {  	[spmem:s24] =	stream.linear.scatter [tilespmem:s11], [sflag:$0x5], $0x1000, $0x38;
	[tilespmem:$0x1D200] =	vst v63  }
0x64: {  	_ =	swait.ge [sflag:s9], $0x1000  }
0x65: {  	[sflag:s9] =	ssyncset.done $0x0  }
0x66: {  	s25 =	rddreg [dreg:$0x10];
	[sflag:s9] =	ssyncadd.s32 $0xFFFFF000  }
0x67: {  	[spmem:s25] =	stream.linear.scatter [tilespmem:s11], [sflag:$0x5], $0x1000, $0x38;
	[tilespmem:$0x1D200] =	vst v63  }
0x68: {  	_ =	swait.ge [sflag:s9], $0x1000  }
0x69: {  	[sflag:s9] =	ssyncset.done $0x0  }
0x6a: {  	s26 =	rddreg [dreg:$0x11];
	[sflag:s9] =	ssyncadd.s32 $0xFFFFF000  }
0x6b: {  	[spmem:s26] =	stream.linear.scatter [tilespmem:s11], [sflag:$0x5], $0x1000, $0x38;
	[tilespmem:$0x1D200] =	vst v63  }
0x6c: {  	_ =	swait.ge [sflag:s9], $0x1000  }
0x6d: {  	[sflag:s9] =	ssyncset.done $0x0  }
0x6e: {  	s28 =	rddreg [dreg:$0x12];
	[sflag:s9] =	ssyncadd.s32 $0xFFFFF000  }
0x6f: {  	[spmem:s28] =	stream.linear.scatter [tilespmem:s11], [sflag:$0x5], $0x1000, $0x38;
	[tilespmem:$0x1D200] =	vst v63  }
0x70: {  	_ =	swait.ge [sflag:s9], $0x1000  }
0x71: {  	[sflag:s9] =	ssyncset.done $0x0  }
0x72: {  	s21 =	rddreg [dreg:$0x13];
	[sflag:s9] =	ssyncadd.s32 $0xFFFFF000  }
0x73: {  	[spmem:s21] =	stream.linear.scatter [tilespmem:s11], [sflag:$0x5], $0x1000, $0x38;
	[tilespmem:$0x1D200] =	vst v63  }
0x74: {  	_ =	swait.ge [sflag:s9], $0x1000  }
0x75: {  	[sflag:s9] =	ssyncset.done $0x0  }
0x76: {  	s22 =	rddreg [dreg:$0x14];
	[sflag:s9] =	ssyncadd.s32 $0xFFFFF000  }
0x77: {  	[spmem:s22] =	stream.linear.scatter [tilespmem:s11], [sflag:$0x5], $0x1000, $0x38;
	[tilespmem:$0x1D200] =	vst v63  }
0x78: {  	_ =	swait.ge [sflag:s9], $0x1000  }
0x79: {  	[sflag:s9] =	ssyncset.done $0x0  }
0x7a: {  	s24 =	rddreg [dreg:$0x15];
	[sflag:s9] =	ssyncadd.s32 $0xFFFFF000  }
0x7b: {  	[spmem:s24] =	stream.linear.scatter [tilespmem:s11], [sflag:$0x5], $0x1000, $0x38;
	[tilespmem:$0x1D200] =	vst v63  }
0x7c: {  	_ =	swait.ge [sflag:s9], $0x1000  }
0x7d: {  	[sflag:s9] =	ssyncset.done $0x0  }
0x7e: {  	s25 =	rddreg [dreg:$0x16];
	[sflag:s9] =	ssyncadd.s32 $0xFFFFF000  }
0x7f: {  	[spmem:s25] =	stream.linear.scatter [tilespmem:s11], [sflag:$0x5], $0x1000, $0x38;
	[tilespmem:$0x1D200] =	vst v63  }
0x80: {  	_ =	swait.ge [sflag:s9], $0x1000  }
0x81: {  	[sflag:s9] =	ssyncset.done $0x0  }
0x82: {  	[sflag:s9] =	ssyncadd.s32 $0xFFFFF000  }
0x83: {  	[spmem:s29] =	stream.linear.scatter [tilespmem:s11], [sflag:$0x5], $0x1000, $0x38;
	[tilespmem:$0x1D200] =	vst v63  }
0x84: {  	_ =	swait.ge [sflag:s9], $0x1000  }
0x85: {  	[sflag:s9] =	ssyncset.done $0x0  }
0x86: {  	[sflag:s9] =	ssyncadd.s32 $0xFFFFF000  }
0x87: {  	[spmem:s30] =	stream.linear.scatter [tilespmem:s11], [sflag:$0x5], $0x1000, $0x38;
	[tilespmem:$0x1D200] =	vst v63  }
0x88: {  	_ =	swait.ge [sflag:s9], $0x1000  }
0x89: {  	[sflag:s9] =	ssyncset.done $0x0  }
0x8a: {  	[sflag:s9] =	ssyncadd.s32 $0xFFFFF000  }
0x8b: {  	[spmem:s31] =	stream.linear.scatter [tilespmem:s11], [sflag:$0x5], $0x1000, $0x38;
	[tilespmem:$0x1D200] =	vst v63  }
0x8c: {  	_ =	swait.ge [sflag:s9], $0x1000  }
0x8d: {  	[sflag:s9] =	ssyncset.done $0x0  }
0x8e: {  	[sflag:s9] =	ssyncadd.s32 $0xFFFFF000  }
0x8f: {  	[spmem:s0] =	stream.linear.scatter [tilespmem:s11], [sflag:$0x5], $0x1000, $0x38;
	[tilespmem:$0x1D200] =	vst v63  }
0x90: {  	_ =	swait.ge [sflag:s9], $0x1000  }
0x91: {  	[sflag:s9] =	ssyncset.done $0x0  }
0x92: {  	[sflag:s9] =	ssyncadd.s32 $0xFFFFF000  }
0x93: {  	[bflag:$0x0] =	sbarrier.arrive $0xFFFF  }
0x94: {  	[tilespmem:s3], [sflag:$0x5] =	stream.linear.gather [hbm4b:s7+s3], $0x100, $0x38;
	[tilespmem:$0x1D200] =	vst v63  }
0x95: {  	_ =	swait.ge [sflag:s9], $0x100  }
0x96: {  	[sflag:s9] =	ssyncset.done $0x0  }
0x97: {  	[sflag:s9] =	ssyncadd.s32 $0xFFFFFF00  }
0x98: {  	[tilespmem:s13], [sflag:$0x1] =	stream.indirect.gather [hbm4b:s5+s12], $0x80, s3, s12, $0xb8;
	[tilespmem:$0x1D200] =	vst v63  }
0x99: {  	s26 =	rddreg [dreg:$0x4]  }
0x9a: {  	[tilespmem:s14], [sflag:$0x4] =	stream.linear.gather [hbm4b:s26+s3], $0x100, $0x38;
	[tilespmem:$0x1D200] =	vst v63  }
0x9b: {  	_ =	swait.ge [sflag:s15], $0x4000  }
0x9c: {  	[sflag:s15] =	ssyncset.done $0x0  }
0x9d: {  	[sflag:s15] =	ssyncadd.s32 $0xFFFFC000  }
0x9e: {  	_ =	swait.ge [sflag:s16], $0x100  }
0x9f: {  	[sflag:s16] =	ssyncset.done $0x0  }
0xa0: {  	p5 =	sle.s32 s6, $0x0;
	[sflag:s16] =	ssyncadd.s32 $0xFFFFFF00  }
0xa1: {  	[tilespmem:s17], [sflag:$0x2] =	stream.indirect.gather [hbm4b:s5+s12], $0x80, s14, s12, $0xb8;
	[tilespmem:$0x1D200] =	vst v63  }
0xa2: {  	s10 =	simm.s32 @!p5 $0x80;
	s21 =	simm.s32 @!p5 $0x200;
	s22 =	simm.s32 @!p5 $0x5  }
0xa3: {  	[spmem:s2] =	stream.indirect.scatter.add.f32 @!p5 [tilespmem:s21], [sflag:$0x5], $0x80, s10, s10, $0xb8;
	[tilespmem:$0x1D200] =	vst v63  }
0xa4: {  	_ =	swait.ge @!p5 [sflag:s22], $0x4000  }
0xa5: {  	[sflag:s22] =	ssyncset.done @!p5 $0x0  }
0xa6: {  	s28 =	sadd.s32 $0xFFFFFFE0, s23;
	[sflag:s22] =	ssyncadd.s32 @!p5 $0xFFFFC000  }
0xa7: {  	[tilespmem:s3], [sflag:$0x3] =	stream.linear.gather [hbm4b:s28+s3], $0x100, $0x38;
	[tilespmem:$0x1D200] =	vst v63  }
0xa8: {  	_ =	swait.ge [sflag:s18], $0x4000  }
0xa9: {  	[sflag:s18] =	ssyncset.done $0x0  }
0xaa: {  	[sflag:s18] =	ssyncadd.s32 $0xFFFFC000  }
0xab: {  	_ =	swait.ge [sflag:s19], $0x100  }
0xac: {  	[sflag:s19] =	ssyncset.done $0x0  }
0xad: {  	p6 =	sle.s32 s6, $0x1;
	[sflag:s19] =	ssyncadd.s32 $0xFFFFFF00  }
0xae: {  	[tilespmem:s13], [sflag:$0x1] =	stream.indirect.gather [hbm4b:s5+s12], $0x80, s3, s12, $0xb8;
	[tilespmem:$0x1D200] =	vst v63  }
0xaf: {  	s10 =	simm.s32 @!p6 $0x80;
	s21 =	simm.s32 @!p6 $0x180;
	s22 =	simm.s32 @!p6 $0x4200  }
0xb0: {  	[spmem:s2] =	stream.indirect.scatter.add.f32 @!p6 [tilespmem:s22], [sflag:$0x5], $0x80, s21, s10, $0xb8;
	[tilespmem:$0x1D200] =	vst v63  }
0xb1: {  	s24 =	simm.s32 @!p6 $0x5;
	s21 =	simm.s32 $0x3  }
0xb2: {  	s10 =	smov.u32 s23;
	s22 =	smov.u32 s23;
	_ =	swait.ge @!p6 [sflag:s24], $0x4000  }
.LBB2_9:
0xb3: {  	[sflag:s24] =	ssyncset.done @!p6 $0x0  }
0xb4: {  	s10 =	sadd.s32 $0x40, s10;
	s25 =	smov.u32 s21;
	s21 =	sadd.s32 $0x2, s21  }
0xb5: {  	p5 =	sne.s32 s21, $0x9B;
	[sflag:s24] =	ssyncadd.s32 @!p6 $0xFFFFC000  }
0xb6: {  	[tilespmem:s14], [sflag:$0x4] =	stream.linear.gather [hbm4b:s22+s3], $0x100, $0x38;
	[tilespmem:$0x1D200] =	vst v63  }
0xb7: {  	s22 =	smov.u32 s10;
	_ =	swait.ge [sflag:s15], $0x4000  }
0xb8: {  	[sflag:s15] =	ssyncset.done $0x0  }
0xb9: {  	[sflag:s15] =	ssyncadd.s32 $0xFFFFC000  }
0xba: {  	_ =	swait.ge [sflag:s16], $0x100  }
0xbb: {  	s24 =	sadd.s32 $0xFFFFFFFF, s25;
	[sflag:s16] =	ssyncset.done $0x0  }
0xbc: {  	p6 =	sge.s32 s24, s6;
	[sflag:s16] =	ssyncadd.s32 $0xFFFFFF00  }
0xbd: {  	[tilespmem:s17], [sflag:$0x2] =	stream.indirect.gather [hbm4b:s5+s12], $0x80, s14, s12, $0xb8;
	[tilespmem:$0x1D200] =	vst v63  }
0xbe: {  	s24 =	simm.s32 @!p6 $0x80;
	s26 =	simm.s32 @!p6 $0x200;
	s28 =	simm.s32 @!p6 $0x5  }
0xbf: {  	[spmem:s2] =	stream.indirect.scatter.add.f32 @!p6 [tilespmem:s26], [sflag:$0x5], $0x80, s24, s24, $0xb8;
	[tilespmem:$0x1D200] =	vst v63  }
0xc0: {  	_ =	swait.ge @!p6 [sflag:s28], $0x4000  }
0xc1: {  	s24 =	sadd.s32 $0xFFFFFFE0, s10;
	[sflag:s28] =	ssyncset.done @!p6 $0x0  }
0xc2: {  	[sflag:s28] =	ssyncadd.s32 @!p6 $0xFFFFC000  }
0xc3: {  	[tilespmem:s3], [sflag:$0x3] =	stream.linear.gather [hbm4b:s24+s3], $0x100, $0x38;
	[tilespmem:$0x1D200] =	vst v63  }
0xc4: {  	_ =	swait.ge [sflag:s18], $0x4000  }
0xc5: {  	[sflag:s18] =	ssyncset.done $0x0  }
0xc6: {  	[sflag:s18] =	ssyncadd.s32 $0xFFFFC000  }
0xc7: {  	_ =	swait.ge [sflag:s19], $0x100  }
0xc8: {  	p6 =	sge.s32 s25, s6;
	[sflag:s19] =	ssyncset.done $0x0  }
0xc9: {  	s25 =	simm.s32 @!p6 $0x80;
	[sflag:s19] =	ssyncadd.s32 $0xFFFFFF00  }
.Ltmp4:
0xca: {  	s26 =	simm.s32 @!p6 $0x180;
	s28 =	simm.s32 @!p6 $0x4200;
	(pc) =	sbr.rel @p5 .LBB2_9-.Ltmp4, $4  }
0xcb: {  	[tilespmem:s13], [sflag:$0x1] =	stream.indirect.gather [hbm4b:s5+s12], $0x80, s3, s12, $0xb8;
	[tilespmem:$0x1D200] =	vst v63  }
0xcc: {  	s24 =	simm.s32 @!p6 $0x5  }
0xcd: {  	[spmem:s2] =	stream.indirect.scatter.add.f32 @!p6 [tilespmem:s28], [sflag:$0x5], $0x80, s26, s25, $0xb8;
	[tilespmem:$0x1D200] =	vst v63  }
0xce: {  	_ =	swait.ge @!p6 [sflag:s24], $0x4000  }
0xcf: {  	[sflag:s24] =	ssyncset.done @!p6 $0x0  }
0xd0: {  	[sflag:s24] =	ssyncadd.s32 @!p6 $0xFFFFC000  }
0xd1: {  	[tilespmem:s14], [sflag:$0x4] =	stream.linear.gather [hbm4b:s22+s3], $0x100, $0x38;
	[tilespmem:$0x1D200] =	vst v63  }
0xd2: {  	_ =	swait.ge [sflag:s15], $0x4000  }
0xd3: {  	[sflag:s15] =	ssyncset.done $0x0  }
0xd4: {  	[sflag:s15] =	ssyncadd.s32 $0xFFFFC000  }
0xd5: {  	_ =	swait.ge [sflag:s16], $0x100  }
0xd6: {  	[sflag:s16] =	ssyncset.done $0x0  }
0xd7: {  	[sflag:s16] =	ssyncadd.s32 $0xFFFFFF00  }
0xd8: {  	[tilespmem:s17], [sflag:$0x2] =	stream.indirect.gather [hbm4b:s5+s12], $0x80, s14, s12, $0xb8;
	[tilespmem:$0x1D200] =	vst v63  }
0xd9: {  	s10 =	simm.s32 @!p1 $0x80;
	s21 =	simm.s32 @!p1 $0x200  }
0xda: {  	[spmem:s2] =	stream.indirect.scatter.add.f32 @!p1 [tilespmem:s21], [sflag:$0x5], $0x80, s10, s10, $0xb8;
	[tilespmem:$0x1D200] =	vst v63  }
0xdb: {  	s10 =	simm.s32 @!p1 $0x5  }
0xdc: {  	_ =	swait.ge @!p1 [sflag:s10], $0x4000  }
0xdd: {  	[sflag:s10] =	ssyncset.done @!p1 $0x0  }
0xde: {  	[sflag:s10] =	ssyncadd.s32 @!p1 $0xFFFFC000  }
0xdf: {  	[tilespmem:s3], [sflag:$0x3] =	stream.linear.gather [hbm4b:s1+s3], $0x100, $0x38;
	[tilespmem:$0x1D200] =	vst v63  }
0xe0: {  	_ =	swait.ge [sflag:s18], $0x4000  }
0xe1: {  	[sflag:s18] =	ssyncset.done $0x0  }
.Ltmp5:
0xe2: {  	[sflag:s18] =	ssyncadd.s32 $0xFFFFC000;
	(pc) =	sbr.rel @p2 .LBB2_13-.Ltmp5, $4  }
0xe3: {  	_ =	swait.ge [sflag:s19], $0x100  }
0xe4: {  	[sflag:s19] =	ssyncset.done $0x0  }
0xe5: {  	s21 =	simm.s32 $0x1;
	s10 =	rddreg [dreg:$0x6];
	[sflag:s19] =	ssyncadd.s32 $0xFFFFFF00  }
0xe6: {  	[tilespmem:s13], [sflag:$0x1] =	stream.indirect.gather [hbm4b:s5+s12], $0x80, s3, s12, $0xb8;
	[tilespmem:$0x1D200] =	vst v63  }
0xe7: {  	s10 =	simm.s32 $0x180  }
0xe8: {  	[spmem:s2] =	stream.indirect.scatter.add.f32 [tilespmem:s17], [sflag:$0x5], $0x80, s10, s12, $0xb8;
	[tilespmem:$0x1D200] =	vst v63  }
0xe9: {  	_ =	swait.ge [sflag:s9], $0x4000  }
.Ltmp6:
0xea: {  	[sflag:s9] =	ssyncset.done $0x0;
	(pc) =	sbr.rel @p3 .LBB2_14-.Ltmp6, $4  }
.Ltmp7:
0xeb: {  	[sflag:s9] =	ssyncadd.s32 $0xFFFFC000;
	(pc) =	sbr.rel @!p3 .LBB2_12-.Ltmp7, $4  }
0xec: {  	_ =	swait.ge [sflag:s15], $0x4000  }
0xed: {  	[sflag:s15] =	ssyncset.done $0x0  }
0xee: {  	s10 =	rddreg [dreg:$0x6];
	[sflag:s15] =	ssyncadd.s32 $0xFFFFC000  }
0xef: {  	_ = 	snop  }
.LBB2_4:
0xf0: {  	s10 =	rddreg [dreg:$0x8]  }
0xf1: {  	[spmem:s10] =	stream.linear.scatter [tilespmem:s11], [sflag:$0x5], $0x1000, $0x38;
	[tilespmem:$0x1D200] =	vst v63  }
0xf2: {  	_ =	swait.ge [sflag:s9], $0x1000  }
0xf3: {  	[sflag:s9] =	ssyncset.done $0x0  }
0xf4: {  	s24 =	rddreg [dreg:$0x9];
	[sflag:s9] =	ssyncadd.s32 $0xFFFFF000  }
0xf5: {  	[spmem:s24] =	stream.linear.scatter [tilespmem:s11], [sflag:$0x5], $0x1000, $0x38;
	[tilespmem:$0x1D200] =	vst v63  }
0xf6: {  	_ =	swait.ge [sflag:s9], $0x1000  }
0xf7: {  	[sflag:s9] =	ssyncset.done $0x0  }
0xf8: {  	s25 =	rddreg [dreg:$0xa];
	[sflag:s9] =	ssyncadd.s32 $0xFFFFF000  }
0xf9: {  	[spmem:s25] =	stream.linear.scatter [tilespmem:s11], [sflag:$0x5], $0x1000, $0x38;
	[tilespmem:$0x1D200] =	vst v63  }
0xfa: {  	_ =	swait.ge [sflag:s9], $0x1000  }
0xfb: {  	[sflag:s9] =	ssyncset.done $0x0  }
0xfc: {  	s26 =	rddreg [dreg:$0xb];
	[sflag:s9] =	ssyncadd.s32 $0xFFFFF000  }
0xfd: {  	[spmem:s26] =	stream.linear.scatter [tilespmem:s11], [sflag:$0x5], $0x1000, $0x38;
	[tilespmem:$0x1D200] =	vst v63  }
0xfe: {  	_ =	swait.ge [sflag:s9], $0x1000  }
0xff: {  	[sflag:s9] =	ssyncset.done $0x0  }
0x100: {  	s28 =	rddreg [dreg:$0xc];
	[sflag:s9] =	ssyncadd.s32 $0xFFFFF000  }
0x101: {  	[spmem:s28] =	stream.linear.scatter [tilespmem:s11], [sflag:$0x5], $0x1000, $0x38;
	[tilespmem:$0x1D200] =	vst v63  }
0x102: {  	_ =	swait.ge [sflag:s9], $0x1000  }
0x103: {  	[sflag:s9] =	ssyncset.done $0x0  }
0x104: {  	s21 =	rddreg [dreg:$0xd];
	[sflag:s9] =	ssyncadd.s32 $0xFFFFF000  }
0x105: {  	[spmem:s21] =	stream.linear.scatter [tilespmem:s11], [sflag:$0x5], $0x1000, $0x38;
	[tilespmem:$0x1D200] =	vst v63  }
0x106: {  	_ =	swait.ge [sflag:s9], $0x1000  }
0x107: {  	[sflag:s9] =	ssyncset.done $0x0  }
0x108: {  	s22 =	rddreg [dreg:$0xe];
	[sflag:s9] =	ssyncadd.s32 $0xFFFFF000  }
0x109: {  	[spmem:s22] =	stream.linear.scatter [tilespmem:s11], [sflag:$0x5], $0x1000, $0x38;
	[tilespmem:$0x1D200] =	vst v63  }
0x10a: {  	_ =	swait.ge [sflag:s9], $0x1000  }
0x10b: {  	[sflag:s9] =	ssyncset.done $0x0  }
0x10c: {  	s24 =	rddreg [dreg:$0xf];
	[sflag:s9] =	ssyncadd.s32 $0xFFFFF000  }
0x10d: {  	[spmem:s24] =	stream.linear.scatter [tilespmem:s11], [sflag:$0x5], $0x1000, $0x38;
	[tilespmem:$0x1D200] =	vst v63  }
0x10e: {  	_ =	swait.ge [sflag:s9], $0x1000  }
0x10f: {  	[sflag:s9] =	ssyncset.done $0x0  }
0x110: {  	s25 =	rddreg [dreg:$0x10];
	[sflag:s9] =	ssyncadd.s32 $0xFFFFF000  }
0x111: {  	[spmem:s25] =	stream.linear.scatter [tilespmem:s11], [sflag:$0x5], $0x1000, $0x38;
	[tilespmem:$0x1D200] =	vst v63  }
0x112: {  	_ =	swait.ge [sflag:s9], $0x1000  }
0x113: {  	[sflag:s9] =	ssyncset.done $0x0  }
0x114: {  	s26 =	rddreg [dreg:$0x11];
	[sflag:s9] =	ssyncadd.s32 $0xFFFFF000  }
0x115: {  	[spmem:s26] =	stream.linear.scatter [tilespmem:s11], [sflag:$0x5], $0x1000, $0x38;
	[tilespmem:$0x1D200] =	vst v63  }
0x116: {  	_ =	swait.ge [sflag:s9], $0x1000  }
0x117: {  	[sflag:s9] =	ssyncset.done $0x0  }
0x118: {  	s28 =	rddreg [dreg:$0x12];
	[sflag:s9] =	ssyncadd.s32 $0xFFFFF000  }
0x119: {  	[spmem:s28] =	stream.linear.scatter [tilespmem:s11], [sflag:$0x5], $0x1000, $0x38;
	[tilespmem:$0x1D200] =	vst v63  }
0x11a: {  	_ =	swait.ge [sflag:s9], $0x1000  }
0x11b: {  	[sflag:s9] =	ssyncset.done $0x0  }
0x11c: {  	s21 =	rddreg [dreg:$0x13];
	[sflag:s9] =	ssyncadd.s32 $0xFFFFF000  }
0x11d: {  	[spmem:s21] =	stream.linear.scatter [tilespmem:s11], [sflag:$0x5], $0x1000, $0x38;
	[tilespmem:$0x1D200] =	vst v63  }
0x11e: {  	_ =	swait.ge [sflag:s9], $0x1000  }
0x11f: {  	[sflag:s9] =	ssyncset.done $0x0  }
0x120: {  	s22 =	rddreg [dreg:$0x14];
	[sflag:s9] =	ssyncadd.s32 $0xFFFFF000  }
0x121: {  	[spmem:s22] =	stream.linear.scatter [tilespmem:s11], [sflag:$0x5], $0x1000, $0x38;
	[tilespmem:$0x1D200] =	vst v63  }
0x122: {  	_ =	swait.ge [sflag:s9], $0x1000  }
0x123: {  	[sflag:s9] =	ssyncset.done $0x0  }
0x124: {  	s24 =	rddreg [dreg:$0x15];
	[sflag:s9] =	ssyncadd.s32 $0xFFFFF000  }
0x125: {  	[spmem:s24] =	stream.linear.scatter [tilespmem:s11], [sflag:$0x5], $0x1000, $0x38;
	[tilespmem:$0x1D200] =	vst v63  }
0x126: {  	_ =	swait.ge [sflag:s9], $0x1000  }
0x127: {  	[sflag:s9] =	ssyncset.done $0x0  }
0x128: {  	s25 =	rddreg [dreg:$0x16];
	[sflag:s9] =	ssyncadd.s32 $0xFFFFF000  }
0x129: {  	[spmem:s25] =	stream.linear.scatter [tilespmem:s11], [sflag:$0x5], $0x1000, $0x38;
	[tilespmem:$0x1D200] =	vst v63  }
0x12a: {  	_ =	swait.ge [sflag:s9], $0x1000  }
0x12b: {  	[sflag:s9] =	ssyncset.done $0x0  }
0x12c: {  	[sflag:s9] =	ssyncadd.s32 $0xFFFFF000  }
0x12d: {  	[spmem:s29] =	stream.linear.scatter [tilespmem:s11], [sflag:$0x5], $0x1000, $0x38;
	[tilespmem:$0x1D200] =	vst v63  }
0x12e: {  	_ =	swait.ge [sflag:s9], $0x1000  }
0x12f: {  	[sflag:s9] =	ssyncset.done $0x0  }
0x130: {  	[sflag:s9] =	ssyncadd.s32 $0xFFFFF000  }
0x131: {  	[spmem:s30] =	stream.linear.scatter [tilespmem:s11], [sflag:$0x5], $0x1000, $0x38;
	[tilespmem:$0x1D200] =	vst v63  }
0x132: {  	_ =	swait.ge [sflag:s9], $0x1000  }
0x133: {  	[sflag:s9] =	ssyncset.done $0x0  }
0x134: {  	[sflag:s9] =	ssyncadd.s32 $0xFFFFF000  }
0x135: {  	[spmem:s31] =	stream.linear.scatter [tilespmem:s11], [sflag:$0x5], $0x1000, $0x38;
	[tilespmem:$0x1D200] =	vst v63  }
0x136: {  	_ =	swait.ge [sflag:s9], $0x1000  }
0x137: {  	[sflag:s9] =	ssyncset.done $0x0  }
0x138: {  	[sflag:s9] =	ssyncadd.s32 $0xFFFFF000  }
0x139: {  	[spmem:s0] =	stream.linear.scatter [tilespmem:s11], [sflag:$0x5], $0x1000, $0x38;
	[tilespmem:$0x1D200] =	vst v63  }
0x13a: {  	_ =	swait.ge [sflag:s9], $0x1000  }
0x13b: {  	[sflag:s9] =	ssyncset.done $0x0  }
0x13c: {  	[sflag:s9] =	ssyncadd.s32 $0xFFFFF000  }
0x13d: {  	[bflag:$0x0] =	sbarrier.arrive $0xFFFF  }
0x13e: {  	[tilespmem:s3], [sflag:$0x5] =	stream.linear.gather [hbm4b:s7+s3], $0x100, $0x38;
	[tilespmem:$0x1D200] =	vst v63  }
0x13f: {  	_ =	swait.ge [sflag:s9], $0x100  }
0x140: {  	[sflag:s9] =	ssyncset.done $0x0  }
0x141: {  	[sflag:s9] =	ssyncadd.s32 $0xFFFFFF00  }
0x142: {  	[tilespmem:s13], [sflag:$0x1] =	stream.indirect.gather [hbm4b:s4+s12], $0x80, s3, s12, $0xb8;
	[tilespmem:$0x1D200] =	vst v63  }
0x143: {  	s26 =	rddreg [dreg:$0x4]  }
0x144: {  	[tilespmem:s14], [sflag:$0x4] =	stream.linear.gather [hbm4b:s26+s3], $0x100, $0x38;
	[tilespmem:$0x1D200] =	vst v63  }
0x145: {  	_ =	swait.ge [sflag:s15], $0x4000  }
0x146: {  	[sflag:s15] =	ssyncset.done $0x0  }
0x147: {  	[sflag:s15] =	ssyncadd.s32 $0xFFFFC000  }
0x148: {  	_ =	swait.ge [sflag:s16], $0x100  }
0x149: {  	[sflag:s16] =	ssyncset.done $0x0  }
0x14a: {  	p5 =	sle.s32 s6, $0x0;
	[sflag:s16] =	ssyncadd.s32 $0xFFFFFF00  }
0x14b: {  	[tilespmem:s17], [sflag:$0x2] =	stream.indirect.gather [hbm4b:s4+s12], $0x80, s14, s12, $0xb8;
	[tilespmem:$0x1D200] =	vst v63  }
0x14c: {  	s10 =	simm.s32 @!p5 $0x80;
	s21 =	simm.s32 @!p5 $0x200;
	s22 =	simm.s32 @!p5 $0x5  }
0x14d: {  	[spmem:s2] =	stream.indirect.scatter.add.f32 @!p5 [tilespmem:s21], [sflag:$0x5], $0x80, s10, s10, $0xb8;
	[tilespmem:$0x1D200] =	vst v63  }
0x14e: {  	_ =	swait.ge @!p5 [sflag:s22], $0x4000  }
0x14f: {  	[sflag:s22] =	ssyncset.done @!p5 $0x0  }
0x150: {  	s28 =	sadd.s32 $0xFFFFFFE0, s23;
	[sflag:s22] =	ssyncadd.s32 @!p5 $0xFFFFC000  }
0x151: {  	[tilespmem:s3], [sflag:$0x3] =	stream.linear.gather [hbm4b:s28+s3], $0x100, $0x38;
	[tilespmem:$0x1D200] =	vst v63  }
0x152: {  	_ =	swait.ge [sflag:s18], $0x4000  }
0x153: {  	[sflag:s18] =	ssyncset.done $0x0  }
0x154: {  	[sflag:s18] =	ssyncadd.s32 $0xFFFFC000  }
0x155: {  	_ =	swait.ge [sflag:s19], $0x100  }
0x156: {  	[sflag:s19] =	ssyncset.done $0x0  }
0x157: {  	p6 =	sle.s32 s6, $0x1;
	[sflag:s19] =	ssyncadd.s32 $0xFFFFFF00  }
0x158: {  	[tilespmem:s13], [sflag:$0x1] =	stream.indirect.gather [hbm4b:s4+s12], $0x80, s3, s12, $0xb8;
	[tilespmem:$0x1D200] =	vst v63  }
0x159: {  	s10 =	simm.s32 @!p6 $0x80;
	s21 =	simm.s32 @!p6 $0x180;
	s22 =	simm.s32 @!p6 $0x4200  }
0x15a: {  	[spmem:s2] =	stream.indirect.scatter.add.f32 @!p6 [tilespmem:s22], [sflag:$0x5], $0x80, s21, s10, $0xb8;
	[tilespmem:$0x1D200] =	vst v63  }
0x15b: {  	s24 =	simm.s32 @!p6 $0x5;
	s21 =	simm.s32 $0x3  }
0x15c: {  	s10 =	smov.u32 s23;
	s22 =	smov.u32 s23;
	_ =	swait.ge @!p6 [sflag:s24], $0x4000  }
.LBB2_5:
0x15d: {  	[sflag:s24] =	ssyncset.done @!p6 $0x0  }
0x15e: {  	s10 =	sadd.s32 $0x40, s10;
	s25 =	smov.u32 s21;
	s21 =	sadd.s32 $0x2, s21  }
0x15f: {  	p5 =	sne.s32 s21, $0x9B;
	[sflag:s24] =	ssyncadd.s32 @!p6 $0xFFFFC000  }
0x160: {  	[tilespmem:s14], [sflag:$0x4] =	stream.linear.gather [hbm4b:s22+s3], $0x100, $0x38;
	[tilespmem:$0x1D200] =	vst v63  }
0x161: {  	s22 =	smov.u32 s10;
	_ =	swait.ge [sflag:s15], $0x4000  }
0x162: {  	[sflag:s15] =	ssyncset.done $0x0  }
0x163: {  	[sflag:s15] =	ssyncadd.s32 $0xFFFFC000  }
0x164: {  	_ =	swait.ge [sflag:s16], $0x100  }
0x165: {  	s24 =	sadd.s32 $0xFFFFFFFF, s25;
	[sflag:s16] =	ssyncset.done $0x0  }
0x166: {  	p6 =	sge.s32 s24, s6;
	[sflag:s16] =	ssyncadd.s32 $0xFFFFFF00  }
0x167: {  	[tilespmem:s17], [sflag:$0x2] =	stream.indirect.gather [hbm4b:s4+s12], $0x80, s14, s12, $0xb8;
	[tilespmem:$0x1D200] =	vst v63  }
0x168: {  	s24 =	simm.s32 @!p6 $0x80;
	s26 =	simm.s32 @!p6 $0x200;
	s28 =	simm.s32 @!p6 $0x5  }
0x169: {  	[spmem:s2] =	stream.indirect.scatter.add.f32 @!p6 [tilespmem:s26], [sflag:$0x5], $0x80, s24, s24, $0xb8;
	[tilespmem:$0x1D200] =	vst v63  }
0x16a: {  	_ =	swait.ge @!p6 [sflag:s28], $0x4000  }
0x16b: {  	s24 =	sadd.s32 $0xFFFFFFE0, s10;
	[sflag:s28] =	ssyncset.done @!p6 $0x0  }
0x16c: {  	[sflag:s28] =	ssyncadd.s32 @!p6 $0xFFFFC000  }
0x16d: {  	[tilespmem:s3], [sflag:$0x3] =	stream.linear.gather [hbm4b:s24+s3], $0x100, $0x38;
	[tilespmem:$0x1D200] =	vst v63  }
0x16e: {  	_ =	swait.ge [sflag:s18], $0x4000  }
0x16f: {  	[sflag:s18] =	ssyncset.done $0x0  }
0x170: {  	[sflag:s18] =	ssyncadd.s32 $0xFFFFC000  }
0x171: {  	_ =	swait.ge [sflag:s19], $0x100  }
0x172: {  	p6 =	sge.s32 s25, s6;
	[sflag:s19] =	ssyncset.done $0x0  }
0x173: {  	s25 =	simm.s32 @!p6 $0x80;
	[sflag:s19] =	ssyncadd.s32 $0xFFFFFF00  }
.Ltmp8:
0x174: {  	s26 =	simm.s32 @!p6 $0x180;
	s28 =	simm.s32 @!p6 $0x4200;
	(pc) =	sbr.rel @p5 .LBB2_5-.Ltmp8, $4  }
0x175: {  	[tilespmem:s13], [sflag:$0x1] =	stream.indirect.gather [hbm4b:s4+s12], $0x80, s3, s12, $0xb8;
	[tilespmem:$0x1D200] =	vst v63  }
0x176: {  	s24 =	simm.s32 @!p6 $0x5  }
0x177: {  	[spmem:s2] =	stream.indirect.scatter.add.f32 @!p6 [tilespmem:s28], [sflag:$0x5], $0x80, s26, s25, $0xb8;
	[tilespmem:$0x1D200] =	vst v63  }
0x178: {  	_ =	swait.ge @!p6 [sflag:s24], $0x4000  }
0x179: {  	[sflag:s24] =	ssyncset.done @!p6 $0x0  }
0x17a: {  	[sflag:s24] =	ssyncadd.s32 @!p6 $0xFFFFC000  }
0x17b: {  	[tilespmem:s14], [sflag:$0x4] =	stream.linear.gather [hbm4b:s22+s3], $0x100, $0x38;
	[tilespmem:$0x1D200] =	vst v63  }
0x17c: {  	_ =	swait.ge [sflag:s15], $0x4000  }
0x17d: {  	[sflag:s15] =	ssyncset.done $0x0  }
0x17e: {  	[sflag:s15] =	ssyncadd.s32 $0xFFFFC000  }
0x17f: {  	_ =	swait.ge [sflag:s16], $0x100  }
0x180: {  	[sflag:s16] =	ssyncset.done $0x0  }
0x181: {  	[sflag:s16] =	ssyncadd.s32 $0xFFFFFF00  }
0x182: {  	[tilespmem:s17], [sflag:$0x2] =	stream.indirect.gather [hbm4b:s4+s12], $0x80, s14, s12, $0xb8;
	[tilespmem:$0x1D200] =	vst v63  }
0x183: {  	s10 =	simm.s32 @!p1 $0x80;
	s21 =	simm.s32 @!p1 $0x200  }
0x184: {  	[spmem:s2] =	stream.indirect.scatter.add.f32 @!p1 [tilespmem:s21], [sflag:$0x5], $0x80, s10, s10, $0xb8;
	[tilespmem:$0x1D200] =	vst v63  }
0x185: {  	s10 =	simm.s32 @!p1 $0x5  }
0x186: {  	_ =	swait.ge @!p1 [sflag:s10], $0x4000  }
0x187: {  	[sflag:s10] =	ssyncset.done @!p1 $0x0  }
0x188: {  	[sflag:s10] =	ssyncadd.s32 @!p1 $0xFFFFC000  }
0x189: {  	[tilespmem:s3], [sflag:$0x3] =	stream.linear.gather [hbm4b:s1+s3], $0x100, $0x38;
	[tilespmem:$0x1D200] =	vst v63  }
0x18a: {  	_ =	swait.ge [sflag:s18], $0x4000  }
0x18b: {  	[sflag:s18] =	ssyncset.done $0x0  }
.Ltmp9:
0x18c: {  	[sflag:s18] =	ssyncadd.s32 $0xFFFFC000;
	(pc) =	sbr.rel @p2 .LBB2_13-.Ltmp9, $4  }
0x18d: {  	_ =	swait.ge [sflag:s19], $0x100  }
0x18e: {  	[sflag:s19] =	ssyncset.done $0x0  }
0x18f: {  	s21 =	simm.s32 $0x1;
	s10 =	rddreg [dreg:$0x5];
	[sflag:s19] =	ssyncadd.s32 $0xFFFFFF00  }
0x190: {  	[tilespmem:s13], [sflag:$0x1] =	stream.indirect.gather [hbm4b:s4+s12], $0x80, s3, s12, $0xb8;
	[tilespmem:$0x1D200] =	vst v63  }
0x191: {  	s10 =	simm.s32 $0x180  }
0x192: {  	[spmem:s2] =	stream.indirect.scatter.add.f32 [tilespmem:s17], [sflag:$0x5], $0x80, s10, s12, $0xb8;
	[tilespmem:$0x1D200] =	vst v63  }
0x193: {  	_ =	swait.ge [sflag:s9], $0x4000  }
.Ltmp10:
0x194: {  	[sflag:s9] =	ssyncset.done $0x0;
	(pc) =	sbr.rel @p4 .LBB2_12-.Ltmp10, $4  }
.Ltmp11:
0x195: {  	[sflag:s9] =	ssyncadd.s32 $0xFFFFC000;
	(pc) =	sbr.rel @!p4 .LBB2_14-.Ltmp11, $4  }
0x196: {  	_ =	swait.ge [sflag:s15], $0x4000  }
0x197: {  	[sflag:s15] =	ssyncset.done $0x0  }
0x198: {  	s10 =	rddreg [dreg:$0x5];
	[sflag:s15] =	ssyncadd.s32 $0xFFFFC000  }
0x199: {  	_ = 	snop  }
.LBB2_15:
0x19a: {  	_ =	sfence.sel $0x180000  }
0x19b: {  	[bflag:$0x0] =	sbarrier.arrive $0xFFFF  }
0x19c: {  	_ =	strace $0x9000004D  }
0x19d: {  	s0 =	stileid.u32;
	[bflag:$0x2] =	sbarrier.arrive $0xFFFF  }
0x19e: {  	p0 =	sne.s32 s0, $0x0;
	s0 =	rddreg [dreg:$0x3]  }
0x19f: {  	s0 =	sadd.s32 @!p0 $0x100000, s0  }
0x1a0: {  	[sflag:s0] =	ssyncadd.tile.s32 @!p0 $0x1;
	_ =	shalt  }
.Lfunc_end2:
_tile_overlayer_lowered:
.L_overlay_start_2:
0x1a1: {  	(tag) =	ssettag $0x2  }
0x1a2: {  	s0 =	rddreg [dreg:$0x0];
	s2 =	stileid.u32  }
0x1a3: {  	s1 =	rddreg [dreg:$0x1];
	p0 =	sne.s32 s2, $0x0  }
0x1a4: {  	s3 =	rddreg [dreg:$0x2];
	[bflag:$0x3] =	sbarrier.arrive $0xFFFF;
	s2 =	simm.s32 @!p0 $0x1C05  }
0x1a5: {  	[timem:s3], [sflag:s2] =	dma.local @!p0 [hbm:s0], s1  }
0x1a6: {  	s0 =	simm.s32 @!p0 $0x5  }
0x1a7: {  	_ =	swait.ge @!p0 [sflag:s0], s1  }
0x1a8: {  	s1 =	ssub.s32 @!p0 $0x0, s1;
	[sflag:s0] =	ssyncset.done @!p0 $0x0  }
0x1a9: {  	[sflag:s0] =	ssyncadd.s32 @!p0 s1  }
0x1aa: {  	[bflag:$0x3] =	sbarrier.arrive $0xFFFF  }
0x1ab: {  	_ =	shalt  }

// kernel: kernel.9.cloned.1.call-start
scs
__scs_entry_jumppad:
0x0: {  	(pc) =	sbr.rel $0x88, $3  }
0x1: {  	(tag) =	ssettag $0x0;
	lr =	simm.s32 $0x1  }
0x2: {  	[smem:$0x3F99] =	sst lr;
	_ =	strace $0xD0000000  }
0x3: {  	_ = 	snop  }
0x4: {  	_ = 	snop  }
0x5: {  	_ = 	snop  }
0x6: {  	_ = 	snop  }
0x7: {  	_ = 	snop  }
__scs_overlays_trampoline_lowered:
0x8: {  	[smem:$0x3FA8] =	sst s0  }
0x9: {  	[smem:$0x3FA9] =	sst s1  }
0xa: {  	[smem:$0x3FAA] =	sst s2  }
0xb: {  	[smem:$0x3FAB] =	sst s3  }
0xc: {  	[smem:$0x3FAC] =	sst s4  }
0xd: {  	[smem:$0x3FAD] =	sst s5  }
0xe: {  	[smem:$0x3FAE] =	sst s6  }
0xf: {  	[smem:$0x3FAF] =	sst s7  }
0x10: {  	[smem:$0x3FB0] =	sst s8  }
0x11: {  	[smem:$0x3FB1] =	sst s9;
	s0 =	simm.s32 @!p0 $0x0  }
0x12: {  	s1 =	sld [smem:$0x3F97];
	s0 =	simm.s32 @p0 $0x1  }
0x13: {  	[smem:$0x3FB2] =	sst s0;
	s0 =	simm.s32 @!p1 $0x0  }
0x14: {  	s2 =	sld [smem:$0x3F96];
	s0 =	simm.s32 @p1 $0x1  }
0x15: {  	[smem:$0x3FB3] =	sst s0;
	s0 =	simm.s32 @!p2 $0x0  }
0x16: {  	s3 =	sld [smem:$0x3FDB];
	s0 =	simm.s32 @p2 $0x1  }
0x17: {  	s4 =	simm.s32 $0x1BF5;
	[smem:$0x3FB5] =	sst s0  }
0x18: {  	s0 =	sld [smem:$0x3F98];
	_ =	swait.ge [sflag:s4], $0x0  }
0x19: {  	s7 =	sld [smem:$0x3F99]  }
0x1a: {  	s8 =	sadd.s32 $0xFFFFE003, lr  }
0x1b: {  	s9 =	sadd.s32 $0xFFFFFEF7, lr;
	s5 =	simm.s32 $0xFFFFFFFF;
	p2 =	slt.u32 s8, $0xFFFFF086  }
0x1c: {  	p1 =	slt.u32 s9, $0xF7A;
	s5 =	simm.s32 @!p2 $0x0  }
0x1d: {  	s5 =	simm.s32 @p1 $0x1;
	p0 =	seq.s32 s7, s2  }
0x1e: {  	s7 =	smul.u32 @!p0 $0xF7A, s2;
	p2 =	seq.s32 @!p0 s5, $0x0  }
0x1f: {  	s9 =	smul.u32 $0xF7A, s1;
	s8 =	simm.s32 @!p0 $0x1BF5;
	p2 =	por !p2, p0  }
0x20: {  	[sflag:s8] =	ssyncset.s32 @!p0 $0xFFFFF086;
	s6 =	sadd.s32 @!p0 s3, s7;
	s7 =	simm.s32 @!p0 $0x108  }
0x21: {  	s3 =	sadd.s32 s3, s9;
	s6 =	sadd.s32 @!p0 $0x88, s6;
	s7 =	simm.s32 @p2 $0x1082  }
0x22: {  	[simem:s7], [sflag:s8] =	dma.local @!p0 [hbm:s6], $0xF7A  }
0x23: {  	s9 =	sor.u32 $0xD0000000, s2;
	s6 =	simm.s32 $0x108;
	_ =	swait.ge @!p0 [sflag:s8], $0x0  }
0x24: {  	s3 =	sadd.s32 $0x88, s3;
	s6 =	simm.s32 @!p1 $0x1082;
	[sflag:s4] =	ssyncset.s32 $0xFFFFF086  }
0x25: {  	[simem:s6], [sflag:s4] =	dma.local [hbm:s3], $0xF7A  }
0x26: {  	[smem:$0x3F99] =	sst s1;
	(tag) =	ssettag s2;
	_ =	strace s9  }
0x27: {  	s1 =	sld [smem:$0x3FA9]  }
0x28: {  	s2 =	sld [smem:$0x3FAA]  }
0x29: {  	s4 =	sld [smem:$0x3FAC]  }
0x2a: {  	p0 =	seq.s32 s5, $0x0;
	s5 =	sld [smem:$0x3FAD]  }
0x2b: {  	s6 =	sld [smem:$0x3FAE]  }
0x2c: {  	s7 =	sld [smem:$0x3FAF]  }
0x2d: {  	s3 =	simm.s32 $0x108;
	s8 =	sld [smem:$0x3FB0]  }
0x2e: {  	s3 =	simm.s32 @!p0 $0x1082;
	s9 =	sld [smem:$0x3FB1]  }
0x2f: {  	lr =	sadd.s32 s0, s3;
	s0 =	sld [smem:$0x3FA8]  }
0x30: {  	s3 =	sld [smem:$0x3FAB]  }
0x31: {  	[smem:$0x3FB4] =	sst s10  }
0x32: {  	s10 =	sld [smem:$0x3FB2];
	_ =	sdelay $0x3  }
0x33: {  	p0 =	seq.s32 s10, $0x1;
	s10 =	sld [smem:$0x3FB4];
	_ =	sdelay $0x3  }
0x34: {  	[smem:$0x3FB4] =	sst s10  }
0x35: {  	s10 =	sld [smem:$0x3FB3];
	_ =	sdelay $0x3  }
0x36: {  	p1 =	seq.s32 s10, $0x1;
	s10 =	sld [smem:$0x3FB4];
	_ =	sdelay $0x3  }
0x37: {  	[smem:$0x3FB4] =	sst s10  }
0x38: {  	s10 =	sld [smem:$0x3FB5]  }
0x39: {  	_ = 	snop;
	(pc) =	sbr.ind lr, $3  }
0x3a: {  	_ = 	snop  }
0x3b: {  	_ = 	snop  }
0x3c: {  	p2 =	seq.s32 s10, $0x1;
	s10 =	sld [smem:$0x3FB4]  }
0x3d: {  	_ =	shalt  }
0x3e: {  	_ =	shalt  }
0x3f: {  	_ =	shalt  }
0x40: {  	_ =	shalt  }
0x41: {  	_ =	shalt  }
0x42: {  	_ =	shalt  }
0x43: {  	_ =	shalt  }
0x44: {  	_ =	shalt  }
0x45: {  	_ =	shalt  }
0x46: {  	_ =	shalt  }
0x47: {  	_ =	shalt  }
0x48: {  	_ =	shalt  }
0x49: {  	_ =	shalt  }
0x4a: {  	_ =	shalt  }
0x4b: {  	_ =	shalt  }
0x4c: {  	_ =	shalt  }
0x4d: {  	_ =	shalt  }
0x4e: {  	_ =	shalt  }
0x4f: {  	_ =	shalt  }
0x50: {  	_ =	shalt  }
0x51: {  	_ =	shalt  }
0x52: {  	_ =	shalt  }
0x53: {  	_ =	shalt  }
0x54: {  	_ =	shalt  }
0x55: {  	_ =	shalt  }
0x56: {  	_ =	shalt  }
0x57: {  	_ =	shalt  }
0x58: {  	_ =	shalt  }
0x59: {  	_ =	shalt  }
0x5a: {  	_ =	shalt  }
0x5b: {  	_ =	shalt  }
0x5c: {  	_ =	shalt  }
0x5d: {  	_ =	shalt  }
0x5e: {  	_ =	shalt  }
0x5f: {  	_ =	shalt  }
0x60: {  	_ =	shalt  }
0x61: {  	_ =	shalt  }
0x62: {  	_ =	shalt  }
0x63: {  	_ =	shalt  }
0x64: {  	_ =	shalt  }
0x65: {  	_ =	shalt  }
0x66: {  	_ =	shalt  }
0x67: {  	_ =	shalt  }
0x68: {  	_ =	shalt  }
0x69: {  	_ =	shalt  }
0x6a: {  	_ =	shalt  }
0x6b: {  	_ =	shalt  }
0x6c: {  	_ =	shalt  }
0x6d: {  	_ =	shalt  }
0x6e: {  	_ =	shalt  }
0x6f: {  	_ =	shalt  }
0x70: {  	_ =	shalt  }
0x71: {  	_ =	shalt  }
0x72: {  	_ =	shalt  }
0x73: {  	_ =	shalt  }
0x74: {  	_ =	shalt  }
0x75: {  	_ =	shalt  }
0x76: {  	_ =	shalt  }
0x77: {  	_ =	shalt  }
0x78: {  	_ =	shalt  }
0x79: {  	_ =	shalt  }
0x7a: {  	_ =	shalt  }
0x7b: {  	_ =	shalt  }
0x7c: {  	_ =	shalt  }
0x7d: {  	_ =	shalt  }
0x7e: {  	_ =	shalt  }
0x7f: {  	_ =	shalt  }
0x80: {  	_ =	shalt  }
0x81: {  	_ =	shalt  }
0x82: {  	_ =	shalt  }
0x83: {  	_ =	shalt  }
0x84: {  	_ =	shalt  }
0x85: {  	_ =	shalt  }
0x86: {  	_ =	shalt  }
0x87: {  	_ =	shalt  }
.Lfunc_end0:
.L_simem_size_0:
called_computation_lowered:
.L_overlay_start_0:
0x88: {  	s2 =	sld [smem:$0x3FD9]  }
0x89: {  	s3 =	sld [smem:$0x3FFE];
	_ =	sdelay $0x1  }
0x8a: {  	s1 =	srdreg.scid  }
0x8b: {  	s0 =	sand.u32 $0x1, s1  }
0x8c: {  	s17 =	sshll.u32 s0, $0xA;
	s2 =	sadd.s32 s3, s2  }
0x8d: {  	s2 =	sadd.s32 s2, s17  }
0x8e: {  	[smem:$0x3FC0] =	sst s2  }
0x8f: {  	_ = 	snop  }
0x90: {  	s2 =	sld [smem:$0x3FC8]  }
0x91: {  	s18 =	sld [smem:$0x3FD0];
	(tm) =	ssettm $0x1  }
0x92: {  	s4 =	sld [smem:$0x3FFB];
	_ =	sdelay $0x3  }
0x93: {  	_ =	strace s4  }
0x94: {  	s4 =	sld [smem:$0x3FFC];
	_ =	sdelay $0x3  }
0x95: {  	_ =	strace s4  }
0x96: {  	s4 =	sld [smem:$0x3FFD];
	_ =	sdelay $0x3  }
0x97: {  	_ =	strace s4  }
0x98: {  	_ =	strace $0x8FFFFFFF  }
0x99: {  	s19 =	sld [smem:$0x3FDB];
	_ =	sdelay $0x1  }
0x9a: {  	s5 =	simm.s32 $_scs_section_size  }
0x9b: {  	s6 =	simm.s32 $_size__tile_overlayer_lowered;
	s7 =	simm.s32 $_tile_overlayer_lowered  }
0x9c: {  	s22 =	simm.s32 $0x1BFF;
	s21 =	sshll.u32 s7, $0x1;
	s4 =	sadd.s32 s5, s19  }
0x9d: {  	s8 =	simm.s32 $0x0;
	s20 =	sshll.u32 s6, $0x1;
	s6 =	sadd.s32 s21, s4  }
0x9e: {  	[timem:s8], [sflag:s22] =	dma.local [hbm:s6], s20  }
0x9f: {  	_ =	swait.ge [sflag:s22], s20  }
0xa0: {  	s5 =	ssub.s32 $0x0, s20;
	[sflag:s22] =	ssyncset.done $0x0  }
0xa1: {  	[sflag:s22] =	ssyncadd.s32 s5;
	_ =	sdelay $0x1  }
0xa2: {  	s23 =	simm.s32 $0x1B8B  }
0xa3: {  	_ =	swait.ge [sflag:s23], $0x1  }
0xa4: {  	[sflag:s23] =	ssyncset.done $0x0  }
0xa5: {  	s25 =	simm.s32 $0x1B8E;
	s24 =	sld [smem:$0x3FFE];
	[sflag:s23] =	ssyncadd.s32 $0xFFFFFFFF  }
0xa6: {  	s26 =	simm.s32 $execute0_lowered;
	[smem:$0x3FD2] =	sst s25  }
0xa7: {  	s6 =	sshll.u32 s26, $0x1;
	_ =	strace $0x80000046;
	[dreg:$0x1] =	wrdreg $0xFFFFFFFF  }
0xa8: {  	s28 =	simm.s32 $_size_execute0_lowered;
	s4 =	sadd.s32 s4, s6;
	[dreg:$0x0] =	wrdreg $0x0  }
0xa9: {  	s6 =	sshll.u32 s28, $0x1;
	[dreg:$0x2] =	wrdreg s4  }
0xaa: {  	[dreg:$0x3] =	wrdreg s6  }
0xab: {  	[dreg:$0x4] =	wrdreg $0xC0  }
0xac: {  	_ =	task [dreg:s8], $0x5FFFF  }
0xad: {  	[dreg:$0x1] =	wrdreg $0xFFFFFFFF  }
0xae: {  	[dreg:$0x0] =	wrdreg $0x60  }
0xaf: {  	[dreg:$0x2] =	wrdreg s24  }
0xb0: {  	[dreg:$0x3] =	wrdreg s2  }
0xb1: {  	[dreg:$0x4] =	wrdreg s18  }
0xb2: {  	[dreg:$0x5] =	wrdreg $0x92000  }
0xb3: {  	[dreg:$0x6] =	wrdreg $0x1D2800  }
0xb4: {  	[dreg:$0x7] =	wrdreg $0x9  }
0xb5: {  	_ =	task.clear_ibuf [dreg:s8], $0x8FFFF;
	_ =	strace $0x90000046  }
0xb6: {  	s29 =	simm.s32 $0x9;
	_ =	strace $0x80000048  }
0xb7: {  	_ =	swait.ge [sflag:s29], $0x1  }
0xb8: {  	[sflag:s29] =	ssyncadd.s32 $0xFFFFFFFF  }
0xb9: {  	_ =	strace $0x90000048  }
0xba: {  	_ =	sfence  }
0xbb: {  	s30 =	sld [smem:$0x0];
	_ =	sdelay $0x2  }
0xbc: {  	s31 =	sshll.u32 s1, $0xD;
	s1 =	sshrl.u32 s1, $0x2  }
0xbd: {  	s3 =	sand.u32 $0x4000, s31;
	s1 =	sadd.s32 s1, s30  }
0xbe: {  	s0 =	sor.u32 s3, s0;
	s1 =	sshll.u32 s1, $0x11  }
0xbf: {  	s0 =	sor.u32 s1, s0  }
0xc0: {  	s0 =	sadd.s32 $0x8F2B, s0  }
0xc1: {  	[sflag:s0] =	ssyncadd.remote.s32 $0x1  }
0xc2: {  	_ =	sfence.sel $0xFFFF  }
0xc3: {  	[dreg:$0x0] =	wrdreg $0xFFFFFFFF;
	(pc) =	sbr.abs _section_cstart, $3  }
0xc4: {  	[dreg:$0x1] =	wrdreg $0xFFFFFFFF  }
0xc5: {  	_ =	task.clear_ibuf [dreg:s8], $0x2FFFF;
	_ =	strace $0x9FFFFFFF  }
0xc6: {  	(tm) =	ssettm $0x7FFFFFFF  }
0xc7: {  	_ =	shalt  }
tec
execute0_lowered:
.L_overlay_start_1:
0x0: {  	(tag) =	ssettag $0x1  }
0x1: {  	s0 =	rddreg [dreg:$0x0]  }
0x2: {  	s3 =	rddreg [dreg:$0x1]  }
0x3: {  	s11 =	rddreg [dreg:$0x2]  }
0x4: {  	s1 =	rddreg [dreg:$0x3]  }
0x5: {  	s2 =	rddreg [dreg:$0x4]  }
0x6: {  	s4 =	simm.s32 $0x0;
	s16 =	stileid.u32;
	s8 =	srdreg.scid  }
0x7: {  	[smem:$0x7FF] =	sst s4;
	s5 =	sadd.s32 $0x5000, s0;
	s9 =	smul.u32 $0x2800, s16  }
0x8: {  	s6 =	sadd.s32 $0x2D000, s0;
	s7 =	sadd.s32 $0x55000, s0;
	s10 =	smul.u32 $0x280, s16  }
0x9: {  	s12 =	sand.u32 $0x1, s8;
	s8 =	sadd.s32 $0x7D000, s0;
	s14 =	smul.u32 $0x9C4, s16  }
0xa: {  	s21 =	smul.u32 $0x50000, s16;
	s17 =	sadd.s32 s9, s0;
	s9 =	sadd.s32 s10, s2  }
0xb: {  	_ =	strace $0x80000047;
	s13 =	ssub.s32 $0x2, s12;
	s20 =	sadd.s32 $0x80, s9  }
0xc: {  	s18 =	sshrl.u32 s10, $0x3;
	s22 =	sadd.s32 $0x100, s9;
	[dreg:$0x6] =	wrdreg s20  }
0xd: {  	s15 =	sshrl.u32 s13, $0x1;
	s23 =	sadd.s32 $0x180, s9;
	[dreg:$0x7] =	wrdreg s22  }
0xe: {  	s19 =	sadd.s32 $0x9C4, s14;
	s24 =	sadd.s32 $0x200, s9;
	[dreg:$0x8] =	wrdreg s23  }
0xf: {  	s0 =	sadd.s32 s18, s0;
	s26 =	sadd.s32 $0xF5600, s17;
	[dreg:$0x9] =	wrdreg s24  }
0x10: {  	s13 =	ssub.s32 s13, s15;
	s18 =	sadd.s32 s11, s18;
	[dreg:$0xb] =	wrdreg s26  }
0x11: {  	s15 =	sshrl.u32 s19, $0x4;
	s19 =	sadd.s32 $0xA5600, s17;
	[dreg:$0xe] =	wrdreg s18  }
0x12: {  	s28 =	simm.s32 $0x5;
	s0 =	sadd.s32 $0xA5000, s0;
	[dreg:$0xf] =	wrdreg s19  }
0x13: {  	s25 =	sshrl.u32 s21, $0x2;
	s20 =	sadd.s32 $0xCD600, s17;
	[dreg:$0xc] =	wrdreg s0  }
0x14: {  	s16 =	sadd.s32 s25, s1;
	s21 =	smax.u32 s13, $0x1;
	[dreg:$0x10] =	wrdreg s20  }
0x15: {  	s29 =	simm.s32 $0x80;
	s22 =	sadd.s32 $0x1000, s16;
	[dreg:$0x11] =	wrdreg s21  }
0x16: {  	s30 =	simm.s32 $0x200;
	s23 =	sadd.s32 $0x2000, s16;
	[dreg:$0x12] =	wrdreg s22  }
0x17: {  	s31 =	simm.s32 $0x100;
	s24 =	sadd.s32 $0x3000, s16;
	[dreg:$0x13] =	wrdreg s23  }
0x18: {  	p1 =	seq.s32 s12, $0x0;
	s25 =	sadd.s32 $0x4000, s16;
	[dreg:$0x14] =	wrdreg s24  }
0x19: {  	s14 =	sshrl.u32 s14, $0x4;
	s26 =	sadd.s32 $0x5000, s16;
	[dreg:$0x15] =	wrdreg s25  }
0x1a: {  	s10 =	ssub.s32 s15, s14;
	s11 =	sadd.s32 $0x7000, s16;
	[dreg:$0x16] =	wrdreg s26  }
0x1b: {  	s14 =	sshll.u32 s14, $0x5;
	s12 =	sadd.s32 $0x8000, s16;
	[dreg:$0x18] =	wrdreg s11  }
0x1c: {  	s13 =	sadd.s32 $0x9000, s16;
	s18 =	sadd.s32 $0xC000, s16;
	[dreg:$0x19] =	wrdreg s12  }
0x1d: {  	s19 =	sadd.s32 $0xD000, s16;
	s15 =	sadd.s32 s3, s14;
	[dreg:$0x1a] =	wrdreg s13  }
0x1e: {  	s14 =	sadd.s32 $0x11D600, s17;
	p0 =	sgt.s32 s10, $0x9B;
	[dreg:$0x1d] =	wrdreg s18  }
0x1f: {  	p2 =	slt.s32 s10, $0x9B;
	p4 =	slt.s32 s10, $0x9C;
	[dreg:$0x1e] =	wrdreg s19  }
0x20: {  	p5 =	sgt.s32 s10, $0x9C;
	s17 =	sadd.s32 $0xB000, s16;
	[dreg:$0xd] =	wrdreg s14  }
0x21: {  	s20 =	sadd.s32 $0xE000, s16;
	s21 =	sadd.s32 $0xF000, s16;
	[dreg:$0x1c] =	wrdreg s17  }
0x22: {  	s22 =	sadd.s32 $0x10000, s16;
	s23 =	sadd.s32 $0x11000, s16;
	[dreg:$0x1f] =	wrdreg s20  }
0x23: {  	s24 =	sadd.s32 $0x12000, s16;
	s25 =	sadd.s32 $0x13000, s16;
	[smem:$0x7F8] =	sst s21  }
0x24: {  	s18 =	simm.s32 $0x4;
	s19 =	simm.s32 $0x4200;
	[smem:$0x7F9] =	sst s22  }
0x25: {  	s3 =	sadd.s32 $0x20, s15;
	p3 =	slt.s32 @p0 s10, $0x9D;
	[smem:$0x7FA] =	sst s23  }
0x26: {  	s0 =	simm.s32 @!p5 $0x0;
	s14 =	sadd.s32 $0xA000, s16;
	[smem:$0x7FB] =	sst s24  }
0x27: {  	[smem:$0x7FC] =	sst s25;
	s26 =	sadd.s32 $0x1380, s15;
	s12 =	sadd.s32 $0x60, s15  }
0x28: {  	s21 =	simm.s32 $0x2;
	s22 =	simm.s32 $0x3;
	[dreg:$0xa] =	wrdreg s3  }
.Ltmp0:
0x29: {  	s20 =	simm.s32 $0x0;
	[dreg:$0x1b] =	wrdreg s14;
	(pc) =	sbr.rel .LBB2_1-.Ltmp0, $4  }
0x2a: {  	s0 =	simm.s32 @p5 $0x1;
	p5 =	slt.s32 s10, $0x9D;
	[smem:$0x7FD] =	sst s26  }
0x2b: {  	s3 =	sadd.s32 $0x6000, s16;
	[smem:$0x7F6] =	sst s0;
	s0 =	simm.s32 @!p5 $0x0  }
0x2c: {  	p3 =	por p3, !p0;
	[dreg:$0x17] =	wrdreg s3;
	s0 =	simm.s32 @p5 $0x1  }
0x2d: {  	v0 =	vimm.f32 $0.0e+00;
	v1 =	vimm.f32 $1.000000000e+00;
	s26 =	simm.s32 $0x8200;
	[smem:$0x7F7] =	sst s0;
	s0 =	simm.s32 $0x1  }
.LBB2_13:
0x2e: {  	s3 =	rddreg [dreg:$0xd]  }
.LBB2_23:
0x2f: {  	_ =	swait.ge [sflag:s11], $0x4000  }
0x30: {  	[sflag:s11] =	ssyncset.done $0x0  }
0x31: {  	[sflag:s11] =	ssyncadd.s32 $0xFFFFC000  }
.LBB2_24:
0x32: {  	[bflag:$0x0] =	sbarrier.arrive $0xFFFF;
	s11 =	sshrl.u32 s16, $0x3  }
0x33: {  	[hbm:s3], [sflag:s23] =	dma.local [spmem:s11], $0x2800  }
0x34: {  	_ =	swait.ge [sflag:s28], $0x2800  }
0x35: {  	s20 =	sadd.s32 $0x1, s20;
	s25 =	rddreg [dreg:$0x11]  }
0x36: {  	p5 =	sne.s32 s20, s25  }
.Ltmp1:
0x37: {  	_ = 	snop;
	(pc) =	sbr.rel @!p5 .LBB2_25-.Ltmp1, $3  }
0x38: {  	_ =	sdelay $0x1  }
0x39: {  	[sflag:s28] =	ssyncset.done $0x0  }
0x3a: {  	[sflag:s28] =	ssyncadd.s32 $0xFFFFD800  }
.LBB2_1:
0x3b: {  	s3 =	simm.s32 $0x0;
	s11 =	simm.s32 $0x200  }
.LBB2_2:
0x3c: {  	p5 =	sne.s32 s11, $0x3E00;
	[tilespmem:s3+$0x8270] =	vst v0  }
0x3d: {  	[tilespmem:s3+$0x8200] =	vst v0  }
0x3e: {  	[tilespmem:s3+$0x8210] =	vst v0  }
.Ltmp2:
0x3f: {  	[tilespmem:s3+$0x8220] =	vst v0;
	(pc) =	sbr.rel @p5 .LBB2_2-.Ltmp2, $4  }
0x40: {  	[tilespmem:s3+$0x8230] =	vst v0  }
0x41: {  	[tilespmem:s3+$0x8240] =	vst v0  }
0x42: {  	[tilespmem:s3+$0x8250] =	vst v0  }
0x43: {  	[tilespmem:s3+$0x8260] =	vst v0;
	s3 =	sshra.s32 s11, $0x2;
	s11 =	sadd.s32 $0x200, s11  }
0x44: {  	[tilespmem:s3+$0x8270] =	vst v0  }
0x45: {  	[tilespmem:s3+$0x8200] =	vst v0  }
0x46: {  	[tilespmem:s3+$0x8210] =	vst v0  }
0x47: {  	[tilespmem:s3+$0x8220] =	vst v0  }
0x48: {  	[tilespmem:s3+$0x8230] =	vst v0  }
0x49: {  	[tilespmem:s3+$0x8240] =	vst v0  }
0x4a: {  	[tilespmem:s3+$0x8250] =	vst v0  }
0x4b: {  	[tilespmem:s3+$0x8260] =	vst v0  }
0x4c: {  	[tilespmem:$0x1D200] =	vst v1  }
0x4d: {  	[tilespmem:$0x1D210] =	vst v1  }
0x4e: {  	[tilespmem:$0x1D220] =	vst v1  }
0x4f: {  	[tilespmem:$0x1D230] =	vst v1  }
0x50: {  	[tilespmem:$0x1D240] =	vst v1  }
0x51: {  	[tilespmem:$0x1D250] =	vst v1  }
0x52: {  	[tilespmem:$0x1D260] =	vst v1  }
0x53: {  	[tilespmem:$0x1D270] =	vst v1  }
0x54: {  	[spmem:s9] =	stream.linear.scatter [tilespmem:s26], [sflag:$0x5], $0x80, $0x38;
	[tilespmem:$0x1D500] =	vst v63  }
0x55: {  	_ =	swait.ge [sflag:s28], $0x80  }
0x56: {  	[sflag:s28] =	ssyncset.done $0x0  }
0x57: {  	s17 =	rddreg [dreg:$0x6];
	[sflag:s28] =	ssyncadd.s32 $0xFFFFFF80  }
0x58: {  	[spmem:s17] =	stream.linear.scatter [tilespmem:s26], [sflag:$0x5], $0x80, $0x38;
	[tilespmem:$0x1D500] =	vst v63  }
0x59: {  	_ =	swait.ge [sflag:s28], $0x80  }
0x5a: {  	[sflag:s28] =	ssyncset.done $0x0  }
0x5b: {  	s23 =	rddreg [dreg:$0x7];
	[sflag:s28] =	ssyncadd.s32 $0xFFFFFF80  }
0x5c: {  	[spmem:s23] =	stream.linear.scatter [tilespmem:s26], [sflag:$0x5], $0x80, $0x38;
	[tilespmem:$0x1D500] =	vst v63  }
0x5d: {  	_ =	swait.ge [sflag:s28], $0x80  }
0x5e: {  	[sflag:s28] =	ssyncset.done $0x0  }
0x5f: {  	s24 =	rddreg [dreg:$0x8];
	[sflag:s28] =	ssyncadd.s32 $0xFFFFFF80  }
0x60: {  	[spmem:s24] =	stream.linear.scatter [tilespmem:s26], [sflag:$0x5], $0x80, $0x38;
	[tilespmem:$0x1D500] =	vst v63  }
0x61: {  	_ =	swait.ge [sflag:s28], $0x80  }
0x62: {  	[sflag:s28] =	ssyncset.done $0x0  }
0x63: {  	s25 =	rddreg [dreg:$0x9];
	[sflag:s28] =	ssyncadd.s32 $0xFFFFFF80  }
0x64: {  	[spmem:s25] =	stream.linear.scatter [tilespmem:s26], [sflag:$0x5], $0x80, $0x38;
	[tilespmem:$0x1D500] =	vst v63  }
0x65: {  	_ =	swait.ge [sflag:s28], $0x80  }
0x66: {  	[sflag:s28] =	ssyncset.done $0x0  }
.Ltmp3:
0x67: {  	[sflag:s28] =	ssyncadd.s32 $0xFFFFFF80;
	(pc) =	sbr.rel @!p1 .LBB2_4-.Ltmp3, $4  }
0x68: {  	[spmem:s16] =	stream.linear.scatter [tilespmem:s26], [sflag:$0x5], $0x1000, $0x38;
	[tilespmem:$0x1D500] =	vst v63  }
0x69: {  	_ =	swait.ge [sflag:s28], $0x1000  }
0x6a: {  	[sflag:s28] =	ssyncset.done $0x0  }
0x6b: {  	[sflag:s28] =	ssyncadd.s32 $0xFFFFF000  }
0x6c: {  	s3 =	rddreg [dreg:$0x12]  }
0x6d: {  	[spmem:s3] =	stream.linear.scatter [tilespmem:s26], [sflag:$0x5], $0x1000, $0x38;
	[tilespmem:$0x1D500] =	vst v63  }
0x6e: {  	_ =	swait.ge [sflag:s28], $0x1000  }
0x6f: {  	[sflag:s28] =	ssyncset.done $0x0  }
0x70: {  	s14 =	rddreg [dreg:$0x13];
	[sflag:s28] =	ssyncadd.s32 $0xFFFFF000  }
0x71: {  	[spmem:s14] =	stream.linear.scatter [tilespmem:s26], [sflag:$0x5], $0x1000, $0x38;
	[tilespmem:$0x1D500] =	vst v63  }
0x72: {  	_ =	swait.ge [sflag:s28], $0x1000  }
0x73: {  	[sflag:s28] =	ssyncset.done $0x0  }
0x74: {  	s17 =	rddreg [dreg:$0x14];
	[sflag:s28] =	ssyncadd.s32 $0xFFFFF000  }
0x75: {  	[spmem:s17] =	stream.linear.scatter [tilespmem:s26], [sflag:$0x5], $0x1000, $0x38;
	[tilespmem:$0x1D500] =	vst v63  }
0x76: {  	_ =	swait.ge [sflag:s28], $0x1000  }
0x77: {  	[sflag:s28] =	ssyncset.done $0x0  }
0x78: {  	s23 =	rddreg [dreg:$0x15];
	[sflag:s28] =	ssyncadd.s32 $0xFFFFF000  }
0x79: {  	[spmem:s23] =	stream.linear.scatter [tilespmem:s26], [sflag:$0x5], $0x1000, $0x38;
	[tilespmem:$0x1D500] =	vst v63  }
0x7a: {  	_ =	swait.ge [sflag:s28], $0x1000  }
0x7b: {  	[sflag:s28] =	ssyncset.done $0x0  }
0x7c: {  	s24 =	rddreg [dreg:$0x16];
	[sflag:s28] =	ssyncadd.s32 $0xFFFFF000  }
0x7d: {  	[spmem:s24] =	stream.linear.scatter [tilespmem:s26], [sflag:$0x5], $0x1000, $0x38;
	[tilespmem:$0x1D500] =	vst v63  }
0x7e: {  	_ =	swait.ge [sflag:s28], $0x1000  }
0x7f: {  	[sflag:s28] =	ssyncset.done $0x0  }
0x80: {  	s25 =	rddreg [dreg:$0x17];
	[sflag:s28] =	ssyncadd.s32 $0xFFFFF000  }
0x81: {  	[spmem:s25] =	stream.linear.scatter [tilespmem:s26], [sflag:$0x5], $0x1000, $0x38;
	[tilespmem:$0x1D500] =	vst v63  }
0x82: {  	_ =	swait.ge [sflag:s28], $0x1000  }
0x83: {  	[sflag:s28] =	ssyncset.done $0x0  }
0x84: {  	s11 =	rddreg [dreg:$0x18];
	[sflag:s28] =	ssyncadd.s32 $0xFFFFF000  }
0x85: {  	[spmem:s11] =	stream.linear.scatter [tilespmem:s26], [sflag:$0x5], $0x1000, $0x38;
	[tilespmem:$0x1D500] =	vst v63  }
0x86: {  	_ =	swait.ge [sflag:s28], $0x1000  }
0x87: {  	[sflag:s28] =	ssyncset.done $0x0  }
0x88: {  	s13 =	rddreg [dreg:$0x19];
	[sflag:s28] =	ssyncadd.s32 $0xFFFFF000  }
0x89: {  	[spmem:s13] =	stream.linear.scatter [tilespmem:s26], [sflag:$0x5], $0x1000, $0x38;
	[tilespmem:$0x1D500] =	vst v63  }
0x8a: {  	_ =	swait.ge [sflag:s28], $0x1000  }
0x8b: {  	[sflag:s28] =	ssyncset.done $0x0  }
0x8c: {  	s14 =	rddreg [dreg:$0x1a];
	[sflag:s28] =	ssyncadd.s32 $0xFFFFF000  }
0x8d: {  	[spmem:s14] =	stream.linear.scatter [tilespmem:s26], [sflag:$0x5], $0x1000, $0x38;
	[tilespmem:$0x1D500] =	vst v63  }
0x8e: {  	_ =	swait.ge [sflag:s28], $0x1000  }
0x8f: {  	[sflag:s28] =	ssyncset.done $0x0  }
0x90: {  	s17 =	rddreg [dreg:$0x1b];
	[sflag:s28] =	ssyncadd.s32 $0xFFFFF000  }
0x91: {  	[spmem:s17] =	stream.linear.scatter [tilespmem:s26], [sflag:$0x5], $0x1000, $0x38;
	[tilespmem:$0x1D500] =	vst v63  }
0x92: {  	_ =	swait.ge [sflag:s28], $0x1000  }
0x93: {  	[sflag:s28] =	ssyncset.done $0x0  }
0x94: {  	s23 =	rddreg [dreg:$0x1c];
	[sflag:s28] =	ssyncadd.s32 $0xFFFFF000  }
0x95: {  	[spmem:s23] =	stream.linear.scatter [tilespmem:s26], [sflag:$0x5], $0x1000, $0x38;
	[tilespmem:$0x1D500] =	vst v63  }
0x96: {  	_ =	swait.ge [sflag:s28], $0x1000  }
0x97: {  	[sflag:s28] =	ssyncset.done $0x0  }
0x98: {  	s24 =	rddreg [dreg:$0x1d];
	[sflag:s28] =	ssyncadd.s32 $0xFFFFF000  }
0x99: {  	[spmem:s24] =	stream.linear.scatter [tilespmem:s26], [sflag:$0x5], $0x1000, $0x38;
	[tilespmem:$0x1D500] =	vst v63  }
0x9a: {  	_ =	swait.ge [sflag:s28], $0x1000  }
0x9b: {  	[sflag:s28] =	ssyncset.done $0x0  }
0x9c: {  	s25 =	rddreg [dreg:$0x1e];
	[sflag:s28] =	ssyncadd.s32 $0xFFFFF000  }
0x9d: {  	[spmem:s25] =	stream.linear.scatter [tilespmem:s26], [sflag:$0x5], $0x1000, $0x38;
	[tilespmem:$0x1D500] =	vst v63  }
0x9e: {  	_ =	swait.ge [sflag:s28], $0x1000  }
0x9f: {  	[sflag:s28] =	ssyncset.done $0x0  }
0xa0: {  	s11 =	rddreg [dreg:$0x1f];
	[sflag:s28] =	ssyncadd.s32 $0xFFFFF000  }
0xa1: {  	[spmem:s11] =	stream.linear.scatter [tilespmem:s26], [sflag:$0x5], $0x1000, $0x38;
	[tilespmem:$0x1D500] =	vst v63  }
0xa2: {  	_ =	swait.ge [sflag:s28], $0x1000  }
0xa3: {  	s13 =	sld [smem:$0x7F8]  }
0xa4: {  	[sflag:s28] =	ssyncset.done $0x0  }
0xa5: {  	[sflag:s28] =	ssyncadd.s32 $0xFFFFF000  }
0xa6: {  	[spmem:s13] =	stream.linear.scatter [tilespmem:s26], [sflag:$0x5], $0x1000, $0x38;
	[tilespmem:$0x1D500] =	vst v63  }
0xa7: {  	_ =	swait.ge [sflag:s28], $0x1000  }
0xa8: {  	s14 =	sld [smem:$0x7F9]  }
0xa9: {  	[sflag:s28] =	ssyncset.done $0x0  }
0xaa: {  	[sflag:s28] =	ssyncadd.s32 $0xFFFFF000  }
0xab: {  	[spmem:s14] =	stream.linear.scatter [tilespmem:s26], [sflag:$0x5], $0x1000, $0x38;
	[tilespmem:$0x1D500] =	vst v63  }
0xac: {  	_ =	swait.ge [sflag:s28], $0x1000  }
0xad: {  	s17 =	sld [smem:$0x7FA]  }
0xae: {  	[sflag:s28] =	ssyncset.done $0x0  }
0xaf: {  	[sflag:s28] =	ssyncadd.s32 $0xFFFFF000  }
0xb0: {  	[spmem:s17] =	stream.linear.scatter [tilespmem:s26], [sflag:$0x5], $0x1000, $0x38;
	[tilespmem:$0x1D500] =	vst v63  }
0xb1: {  	_ =	swait.ge [sflag:s28], $0x1000  }
0xb2: {  	s23 =	sld [smem:$0x7FB]  }
0xb3: {  	[sflag:s28] =	ssyncset.done $0x0  }
0xb4: {  	[sflag:s28] =	ssyncadd.s32 $0xFFFFF000  }
0xb5: {  	[spmem:s23] =	stream.linear.scatter [tilespmem:s26], [sflag:$0x5], $0x1000, $0x38;
	[tilespmem:$0x1D500] =	vst v63  }
0xb6: {  	_ =	swait.ge [sflag:s28], $0x1000  }
0xb7: {  	s24 =	sld [smem:$0x7FC]  }
0xb8: {  	[sflag:s28] =	ssyncset.done $0x0  }
0xb9: {  	[sflag:s28] =	ssyncadd.s32 $0xFFFFF000  }
0xba: {  	[spmem:s24] =	stream.linear.scatter [tilespmem:s26], [sflag:$0x5], $0x1000, $0x38;
	[tilespmem:$0x1D500] =	vst v63  }
0xbb: {  	_ =	swait.ge [sflag:s28], $0x1000  }
0xbc: {  	[sflag:s28] =	ssyncset.done $0x0  }
0xbd: {  	[sflag:s28] =	ssyncadd.s32 $0xFFFFF000  }
0xbe: {  	[bflag:$0x0] =	sbarrier.arrive $0xFFFF  }
0xbf: {  	[tilespmem:s4], [sflag:$0x5] =	stream.linear.gather [hbm4b:s15+s4], $0x100, $0x38;
	[tilespmem:$0x1D500] =	vst v63  }
0xc0: {  	_ =	swait.ge [sflag:s28], $0x100  }
0xc1: {  	[sflag:s28] =	ssyncset.done $0x0  }
0xc2: {  	[sflag:s28] =	ssyncadd.s32 $0xFFFFFF00  }
0xc3: {  	[tilespmem:s30], [sflag:$0x1] =	stream.indirect.gather [hbm4b:s5+s29], $0x80, s4, s29, $0xb8;
	[tilespmem:$0x1D500] =	vst v63  }
0xc4: {  	s25 =	rddreg [dreg:$0xa]  }
0xc5: {  	[tilespmem:s31], [sflag:$0x4] =	stream.linear.gather [hbm4b:s25+s4], $0x100, $0x38;
	[tilespmem:$0x1D500] =	vst v63  }
0xc6: {  	_ =	swait.ge [sflag:s0], $0x4000  }
0xc7: {  	[sflag:s0] =	ssyncset.done $0x0  }
0xc8: {  	[sflag:s0] =	ssyncadd.s32 $0xFFFFC000  }
0xc9: {  	_ =	swait.ge [sflag:s18], $0x100  }
0xca: {  	[sflag:s18] =	ssyncset.done $0x0  }
0xcb: {  	p5 =	sle.s32 s10, $0x0;
	[sflag:s18] =	ssyncadd.s32 $0xFFFFFF00  }
0xcc: {  	[tilespmem:s19], [sflag:$0x2] =	stream.indirect.gather [hbm4b:s5+s29], $0x80, s31, s29, $0xb8;
	[tilespmem:$0x1D500] =	vst v63  }
0xcd: {  	s3 =	simm.s32 @!p5 $0x80;
	s11 =	simm.s32 @!p5 $0x200;
	s13 =	simm.s32 @!p5 $0x5  }
0xce: {  	[spmem:s1] =	stream.indirect.scatter.add.f32 @!p5 [tilespmem:s11], [sflag:$0x5], $0x80, s3, s3, $0xb8;
	[tilespmem:$0x1D500] =	vst v63  }
0xcf: {  	_ =	swait.ge @!p5 [sflag:s13], $0x4000  }
0xd0: {  	[sflag:s13] =	ssyncset.done @!p5 $0x0  }
0xd1: {  	s11 =	simm.s32 @!p5 $0x1D200;
	[sflag:s13] =	ssyncadd.s32 @!p5 $0xFFFFC000  }
0xd2: {  	[spmem:s2] =	stream.indirect.scatter.add.f32 @!p5 [tilespmem:s11], [sflag:$0x5], $0x1, s3, s3, $0xb8;
	[tilespmem:$0x1D500] =	vst v63  }
0xd3: {  	_ =	swait.ge @!p5 [sflag:s13], $0x80  }
0xd4: {  	[sflag:s13] =	ssyncset.done @!p5 $0x0  }
0xd5: {  	s3 =	sadd.s32 $0xFFFFFFE0, s12;
	[sflag:s13] =	ssyncadd.s32 @!p5 $0xFFFFFF80  }
0xd6: {  	[tilespmem:s4], [sflag:$0x3] =	stream.linear.gather [hbm4b:s3+s4], $0x100, $0x38;
	[tilespmem:$0x1D500] =	vst v63  }
0xd7: {  	_ =	swait.ge [sflag:s21], $0x4000  }
0xd8: {  	[sflag:s21] =	ssyncset.done $0x0  }
0xd9: {  	[sflag:s21] =	ssyncadd.s32 $0xFFFFC000  }
0xda: {  	_ =	swait.ge [sflag:s22], $0x100  }
0xdb: {  	[sflag:s22] =	ssyncset.done $0x0  }
0xdc: {  	p6 =	sle.s32 s10, $0x1;
	[sflag:s22] =	ssyncadd.s32 $0xFFFFFF00  }
0xdd: {  	[tilespmem:s30], [sflag:$0x1] =	stream.indirect.gather [hbm4b:s5+s29], $0x80, s4, s29, $0xb8;
	[tilespmem:$0x1D500] =	vst v63  }
0xde: {  	s23 =	simm.s32 @!p6 $0x4200;
	s11 =	simm.s32 @!p6 $0x80;
	s13 =	simm.s32 @!p6 $0x180  }
0xdf: {  	[spmem:s1] =	stream.indirect.scatter.add.f32 @!p6 [tilespmem:s23], [sflag:$0x5], $0x80, s13, s11, $0xb8;
	[tilespmem:$0x1D500] =	vst v63  }
0xe0: {  	s25 =	smov.u32 s12;
	s13 =	simm.s32 @!p6 $0x5  }
0xe1: {  	s23 =	simm.s32 $0x3;
	s11 =	smov.u32 s12;
	_ =	swait.ge @!p6 [sflag:s13], $0x4000  }
.LBB2_15:
0xe2: {  	[sflag:s13] =	ssyncset.done @!p6 $0x0  }
0xe3: {  	s25 =	sadd.s32 $0x40, s25;
	s14 =	smov.u32 s23;
	s23 =	sadd.s32 $0x2, s23  }
0xe4: {  	p5 =	sne.s32 s23, $0x9B;
	[sflag:s13] =	ssyncadd.s32 @!p6 $0xFFFFC000  }
0xe5: {  	[tilespmem:s31], [sflag:$0x4] =	stream.linear.gather [hbm4b:s11+s4], $0x100, $0x38;
	[tilespmem:$0x1D500] =	vst v63  }
0xe6: {  	s11 =	smov.u32 s25;
	_ =	swait.ge [sflag:s0], $0x4000  }
0xe7: {  	[sflag:s0] =	ssyncset.done $0x0  }
0xe8: {  	[sflag:s0] =	ssyncadd.s32 $0xFFFFC000  }
0xe9: {  	_ =	swait.ge [sflag:s18], $0x100  }
0xea: {  	s13 =	sadd.s32 $0xFFFFFFFF, s14;
	[sflag:s18] =	ssyncset.done $0x0  }
0xeb: {  	p6 =	sge.s32 s13, s10;
	[sflag:s18] =	ssyncadd.s32 $0xFFFFFF00  }
0xec: {  	[tilespmem:s19], [sflag:$0x2] =	stream.indirect.gather [hbm4b:s5+s29], $0x80, s31, s29, $0xb8;
	[tilespmem:$0x1D500] =	vst v63  }
0xed: {  	s13 =	simm.s32 @!p6 $0x80;
	s24 =	simm.s32 @!p6 $0x200;
	s17 =	simm.s32 @!p6 $0x5  }
0xee: {  	[spmem:s1] =	stream.indirect.scatter.add.f32 @!p6 [tilespmem:s24], [sflag:$0x5], $0x80, s13, s13, $0xb8;
	[tilespmem:$0x1D500] =	vst v63  }
0xef: {  	_ =	swait.ge @!p6 [sflag:s17], $0x4000  }
0xf0: {  	s24 =	simm.s32 @!p6 $0x1D200;
	[sflag:s17] =	ssyncset.done @!p6 $0x0  }
0xf1: {  	[sflag:s17] =	ssyncadd.s32 @!p6 $0xFFFFC000  }
0xf2: {  	[spmem:s2] =	stream.indirect.scatter.add.f32 @!p6 [tilespmem:s24], [sflag:$0x5], $0x1, s13, s13, $0xb8;
	[tilespmem:$0x1D500] =	vst v63  }
0xf3: {  	_ =	swait.ge @!p6 [sflag:s17], $0x80  }
0xf4: {  	s13 =	sadd.s32 $0xFFFFFFE0, s25;
	[sflag:s17] =	ssyncset.done @!p6 $0x0  }
0xf5: {  	[sflag:s17] =	ssyncadd.s32 @!p6 $0xFFFFFF80  }
0xf6: {  	[tilespmem:s4], [sflag:$0x3] =	stream.linear.gather [hbm4b:s13+s4], $0x100, $0x38;
	[tilespmem:$0x1D500] =	vst v63  }
0xf7: {  	_ =	swait.ge [sflag:s21], $0x4000  }
0xf8: {  	[sflag:s21] =	ssyncset.done $0x0  }
0xf9: {  	[sflag:s21] =	ssyncadd.s32 $0xFFFFC000  }
0xfa: {  	_ =	swait.ge [sflag:s22], $0x100  }
0xfb: {  	p6 =	sge.s32 s14, s10;
	[sflag:s22] =	ssyncset.done $0x0  }
0xfc: {  	s14 =	simm.s32 @!p6 $0x80;
	[sflag:s22] =	ssyncadd.s32 $0xFFFFFF00  }
.Ltmp4:
0xfd: {  	s17 =	simm.s32 @!p6 $0x180;
	s24 =	simm.s32 @!p6 $0x4200;
	(pc) =	sbr.rel @p5 .LBB2_15-.Ltmp4, $4  }
0xfe: {  	[tilespmem:s30], [sflag:$0x1] =	stream.indirect.gather [hbm4b:s5+s29], $0x80, s4, s29, $0xb8;
	[tilespmem:$0x1D500] =	vst v63  }
0xff: {  	s13 =	simm.s32 @!p6 $0x5  }
0x100: {  	[spmem:s1] =	stream.indirect.scatter.add.f32 @!p6 [tilespmem:s24], [sflag:$0x5], $0x80, s17, s14, $0xb8;
	[tilespmem:$0x1D500] =	vst v63  }
0x101: {  	_ =	swait.ge @!p6 [sflag:s13], $0x4000  }
0x102: {  	[sflag:s13] =	ssyncset.done @!p6 $0x0  }
0x103: {  	[sflag:s13] =	ssyncadd.s32 @!p6 $0xFFFFC000  }
0x104: {  	[tilespmem:s31], [sflag:$0x4] =	stream.linear.gather [hbm4b:s11+s4], $0x100, $0x38;
	[tilespmem:$0x1D500] =	vst v63  }
0x105: {  	_ =	swait.ge [sflag:s0], $0x4000  }
0x106: {  	[sflag:s0] =	ssyncset.done $0x0  }
0x107: {  	[sflag:s0] =	ssyncadd.s32 $0xFFFFC000  }
0x108: {  	_ =	swait.ge [sflag:s18], $0x100  }
0x109: {  	[sflag:s18] =	ssyncset.done $0x0  }
0x10a: {  	[sflag:s18] =	ssyncadd.s32 $0xFFFFFF00  }
0x10b: {  	[tilespmem:s19], [sflag:$0x2] =	stream.indirect.gather [hbm4b:s5+s29], $0x80, s31, s29, $0xb8;
	[tilespmem:$0x1D500] =	vst v63  }
0x10c: {  	s13 =	simm.s32 @!p2 $0x200;
	s11 =	simm.s32 @!p2 $0x80  }
0x10d: {  	[spmem:s1] =	stream.indirect.scatter.add.f32 @!p2 [tilespmem:s13], [sflag:$0x5], $0x80, s11, s11, $0xb8;
	[tilespmem:$0x1D500] =	vst v63  }
0x10e: {  	s13 =	simm.s32 @!p2 $0x5  }
0x10f: {  	_ =	swait.ge @!p2 [sflag:s13], $0x4000  }
0x110: {  	[sflag:s13] =	ssyncset.done @!p2 $0x0  }
0x111: {  	s14 =	simm.s32 @!p2 $0x1D200;
	[sflag:s13] =	ssyncadd.s32 @!p2 $0xFFFFC000  }
0x112: {  	[spmem:s2] =	stream.indirect.scatter.add.f32 @!p2 [tilespmem:s14], [sflag:$0x5], $0x1, s11, s11, $0xb8;
	[tilespmem:$0x1D500] =	vst v63  }
0x113: {  	_ =	swait.ge @!p2 [sflag:s13], $0x80  }
0x114: {  	s25 =	sld [smem:$0x7FD]  }
0x115: {  	[sflag:s13] =	ssyncset.done @!p2 $0x0  }
0x116: {  	[sflag:s13] =	ssyncadd.s32 @!p2 $0xFFFFFF80  }
0x117: {  	[tilespmem:s4], [sflag:$0x3] =	stream.linear.gather [hbm4b:s25+s4], $0x100, $0x38;
	[tilespmem:$0x1D500] =	vst v63  }
0x118: {  	_ =	swait.ge [sflag:s21], $0x4000  }
0x119: {  	[sflag:s21] =	ssyncset.done $0x0  }
0x11a: {  	[sflag:s21] =	ssyncadd.s32 $0xFFFFC000  }
0x11b: {  	_ =	swait.ge [sflag:s22], $0x100  }
0x11c: {  	[sflag:s22] =	ssyncset.done $0x0  }
0x11d: {  	[sflag:s22] =	ssyncadd.s32 $0xFFFFFF00  }
0x11e: {  	[tilespmem:s30], [sflag:$0x1] =	stream.indirect.gather [hbm4b:s5+s29], $0x80, s4, s29, $0xb8;
	[tilespmem:$0x1D500] =	vst v63  }
0x11f: {  	s11 =	simm.s32 @p0 $0x80;
	s14 =	simm.s32 @p0 $0x4200;
	s13 =	simm.s32 @p0 $0x180  }
0x120: {  	[spmem:s1] =	stream.indirect.scatter.add.f32 @p0 [tilespmem:s14], [sflag:$0x5], $0x80, s13, s11, $0xb8;
	[tilespmem:$0x1D500] =	vst v63  }
0x121: {  	s11 =	simm.s32 @p0 $0x5  }
0x122: {  	_ =	swait.ge @p0 [sflag:s11], $0x4000  }
0x123: {  	[sflag:s11] =	ssyncset.done @p0 $0x0  }
0x124: {  	[sflag:s11] =	ssyncadd.s32 @p0 $0xFFFFC000;
	s11 =	simm.s32 @p0 $0x1  }
0x125: {  	_ =	swait.ge @p0 [sflag:s11], $0x4000  }
0x126: {  	[sflag:s11] =	ssyncset.done @p0 $0x0  }
0x127: {  	s13 =	simm.s32 @!p3 $0x200;
	[sflag:s11] =	ssyncadd.s32 @p0 $0xFFFFC000;
	s11 =	simm.s32 @!p3 $0x80  }
0x128: {  	[spmem:s1] =	stream.indirect.scatter.add.f32 @!p3 [tilespmem:s13], [sflag:$0x5], $0x80, s11, s11, $0xb8;
	[tilespmem:$0x1D500] =	vst v63  }
0x129: {  	s13 =	simm.s32 @!p3 $0x5  }
0x12a: {  	_ =	swait.ge @!p3 [sflag:s13], $0x4000  }
0x12b: {  	[sflag:s13] =	ssyncset.done @!p3 $0x0  }
0x12c: {  	s14 =	simm.s32 @!p3 $0x1D200;
	[sflag:s13] =	ssyncadd.s32 @!p3 $0xFFFFC000  }
0x12d: {  	[spmem:s2] =	stream.indirect.scatter.add.f32 @!p3 [tilespmem:s14], [sflag:$0x5], $0x1, s11, s11, $0xb8;
	[tilespmem:$0x1D500] =	vst v63  }
0x12e: {  	_ =	swait.ge @!p3 [sflag:s13], $0x80  }
0x12f: {  	[sflag:s13] =	ssyncset.done @!p3 $0x0  }
0x130: {  	s11 =	simm.s32 @!p0 $0x1;
	[sflag:s13] =	ssyncadd.s32 @!p3 $0xFFFFFF80  }
0x131: {  	_ =	swait.ge @!p0 [sflag:s11], $0x4000  }
0x132: {  	[sflag:s11] =	ssyncset.done @!p0 $0x0  }
0x133: {  	s13 =	stileid.u32;
	[sflag:s11] =	ssyncadd.s32 @!p0 $0xFFFFC000  }
0x134: {  	s11 =	sshll.u32 s13, $0x6;
	[bflag:$0x0] =	sbarrier.arrive $0xFFFF  }
0x135: {  	s14 =	sshrl.u32 s16, $0x3;
	s23 =	sor.u32 $0x1C05, s11;
	s17 =	rddreg [dreg:$0xf]  }
0x136: {  	[hbm:s17], [sflag:s23] =	dma.local [spmem:s14], $0x2800  }
0x137: {  	_ =	swait.ge [sflag:s28], $0x2800  }
0x138: {  	[sflag:s28] =	ssyncset.done $0x0  }
0x139: {  	s24 =	sshrl.u32 s9, $0x3;
	s25 =	rddreg [dreg:$0xe];
	[sflag:s28] =	ssyncadd.s32 $0xFFFFD800  }
0x13a: {  	[hbm:s25], [sflag:s23] =	dma.local [spmem:s24], $0x50  }
0x13b: {  	_ =	swait.ge [sflag:s28], $0x50  }
0x13c: {  	[sflag:s28] =	ssyncset.done $0x0  }
0x13d: {  	[sflag:s28] =	ssyncadd.s32 $0xFFFFFFB0  }
0x13e: {  	[spmem:s16] =	stream.linear.scatter [tilespmem:s26], [sflag:$0x5], $0x1000, $0x38;
	[tilespmem:$0x1D500] =	vst v63  }
0x13f: {  	_ =	swait.ge [sflag:s28], $0x1000  }
0x140: {  	[sflag:s28] =	ssyncset.done $0x0  }
0x141: {  	s13 =	rddreg [dreg:$0x12];
	[sflag:s28] =	ssyncadd.s32 $0xFFFFF000  }
0x142: {  	[spmem:s13] =	stream.linear.scatter [tilespmem:s26], [sflag:$0x5], $0x1000, $0x38;
	[tilespmem:$0x1D500] =	vst v63  }
0x143: {  	_ =	swait.ge [sflag:s28], $0x1000  }
0x144: {  	[sflag:s28] =	ssyncset.done $0x0  }
0x145: {  	s14 =	rddreg [dreg:$0x13];
	[sflag:s28] =	ssyncadd.s32 $0xFFFFF000  }
0x146: {  	[spmem:s14] =	stream.linear.scatter [tilespmem:s26], [sflag:$0x5], $0x1000, $0x38;
	[tilespmem:$0x1D500] =	vst v63  }
0x147: {  	_ =	swait.ge [sflag:s28], $0x1000  }
0x148: {  	[sflag:s28] =	ssyncset.done $0x0  }
0x149: {  	s17 =	rddreg [dreg:$0x14];
	[sflag:s28] =	ssyncadd.s32 $0xFFFFF000  }
0x14a: {  	[spmem:s17] =	stream.linear.scatter [tilespmem:s26], [sflag:$0x5], $0x1000, $0x38;
	[tilespmem:$0x1D500] =	vst v63  }
0x14b: {  	_ =	swait.ge [sflag:s28], $0x1000  }
0x14c: {  	[sflag:s28] =	ssyncset.done $0x0  }
0x14d: {  	s24 =	rddreg [dreg:$0x15];
	[sflag:s28] =	ssyncadd.s32 $0xFFFFF000  }
0x14e: {  	[spmem:s24] =	stream.linear.scatter [tilespmem:s26], [sflag:$0x5], $0x1000, $0x38;
	[tilespmem:$0x1D500] =	vst v63  }
0x14f: {  	_ =	swait.ge [sflag:s28], $0x1000  }
0x150: {  	[sflag:s28] =	ssyncset.done $0x0  }
0x151: {  	s25 =	rddreg [dreg:$0x16];
	[sflag:s28] =	ssyncadd.s32 $0xFFFFF000  }
0x152: {  	[spmem:s25] =	stream.linear.scatter [tilespmem:s26], [sflag:$0x5], $0x1000, $0x38;
	[tilespmem:$0x1D500] =	vst v63  }
0x153: {  	_ =	swait.ge [sflag:s28], $0x1000  }
0x154: {  	[sflag:s28] =	ssyncset.done $0x0  }
0x155: {  	s13 =	rddreg [dreg:$0x17];
	[sflag:s28] =	ssyncadd.s32 $0xFFFFF000  }
0x156: {  	[spmem:s13] =	stream.linear.scatter [tilespmem:s26], [sflag:$0x5], $0x1000, $0x38;
	[tilespmem:$0x1D500] =	vst v63  }
0x157: {  	_ =	swait.ge [sflag:s28], $0x1000  }
0x158: {  	[sflag:s28] =	ssyncset.done $0x0  }
0x159: {  	s14 =	rddreg [dreg:$0x18];
	[sflag:s28] =	ssyncadd.s32 $0xFFFFF000  }
0x15a: {  	[spmem:s14] =	stream.linear.scatter [tilespmem:s26], [sflag:$0x5], $0x1000, $0x38;
	[tilespmem:$0x1D500] =	vst v63  }
0x15b: {  	_ =	swait.ge [sflag:s28], $0x1000  }
0x15c: {  	[sflag:s28] =	ssyncset.done $0x0  }
0x15d: {  	s17 =	rddreg [dreg:$0x19];
	[sflag:s28] =	ssyncadd.s32 $0xFFFFF000  }
0x15e: {  	[spmem:s17] =	stream.linear.scatter [tilespmem:s26], [sflag:$0x5], $0x1000, $0x38;
	[tilespmem:$0x1D500] =	vst v63  }
0x15f: {  	_ =	swait.ge [sflag:s28], $0x1000  }
0x160: {  	[sflag:s28] =	ssyncset.done $0x0  }
0x161: {  	s24 =	rddreg [dreg:$0x1a];
	[sflag:s28] =	ssyncadd.s32 $0xFFFFF000  }
0x162: {  	[spmem:s24] =	stream.linear.scatter [tilespmem:s26], [sflag:$0x5], $0x1000, $0x38;
	[tilespmem:$0x1D500] =	vst v63  }
0x163: {  	_ =	swait.ge [sflag:s28], $0x1000  }
0x164: {  	[sflag:s28] =	ssyncset.done $0x0  }
0x165: {  	s25 =	rddreg [dreg:$0x1b];
	[sflag:s28] =	ssyncadd.s32 $0xFFFFF000  }
0x166: {  	[spmem:s25] =	stream.linear.scatter [tilespmem:s26], [sflag:$0x5], $0x1000, $0x38;
	[tilespmem:$0x1D500] =	vst v63  }
0x167: {  	_ =	swait.ge [sflag:s28], $0x1000  }
0x168: {  	[sflag:s28] =	ssyncset.done $0x0  }
0x169: {  	s13 =	rddreg [dreg:$0x1c];
	[sflag:s28] =	ssyncadd.s32 $0xFFFFF000  }
0x16a: {  	[spmem:s13] =	stream.linear.scatter [tilespmem:s26], [sflag:$0x5], $0x1000, $0x38;
	[tilespmem:$0x1D500] =	vst v63  }
0x16b: {  	_ =	swait.ge [sflag:s28], $0x1000  }
0x16c: {  	[sflag:s28] =	ssyncset.done $0x0  }
0x16d: {  	s14 =	rddreg [dreg:$0x1d];
	[sflag:s28] =	ssyncadd.s32 $0xFFFFF000  }
0x16e: {  	[spmem:s14] =	stream.linear.scatter [tilespmem:s26], [sflag:$0x5], $0x1000, $0x38;
	[tilespmem:$0x1D500] =	vst v63  }
0x16f: {  	_ =	swait.ge [sflag:s28], $0x1000  }
0x170: {  	[sflag:s28] =	ssyncset.done $0x0  }
0x171: {  	s17 =	rddreg [dreg:$0x1e];
	[sflag:s28] =	ssyncadd.s32 $0xFFFFF000  }
0x172: {  	[spmem:s17] =	stream.linear.scatter [tilespmem:s26], [sflag:$0x5], $0x1000, $0x38;
	[tilespmem:$0x1D500] =	vst v63  }
0x173: {  	_ =	swait.ge [sflag:s28], $0x1000  }
0x174: {  	[sflag:s28] =	ssyncset.done $0x0  }
0x175: {  	s24 =	rddreg [dreg:$0x1f];
	[sflag:s28] =	ssyncadd.s32 $0xFFFFF000  }
0x176: {  	[spmem:s24] =	stream.linear.scatter [tilespmem:s26], [sflag:$0x5], $0x1000, $0x38;
	[tilespmem:$0x1D500] =	vst v63  }
0x177: {  	_ =	swait.ge [sflag:s28], $0x1000  }
0x178: {  	s25 =	sld [smem:$0x7F8]  }
0x179: {  	[sflag:s28] =	ssyncset.done $0x0  }
0x17a: {  	[sflag:s28] =	ssyncadd.s32 $0xFFFFF000  }
0x17b: {  	[spmem:s25] =	stream.linear.scatter [tilespmem:s26], [sflag:$0x5], $0x1000, $0x38;
	[tilespmem:$0x1D500] =	vst v63  }
0x17c: {  	_ =	swait.ge [sflag:s28], $0x1000  }
0x17d: {  	s13 =	sld [smem:$0x7F9]  }
0x17e: {  	[sflag:s28] =	ssyncset.done $0x0  }
0x17f: {  	[sflag:s28] =	ssyncadd.s32 $0xFFFFF000  }
0x180: {  	[spmem:s13] =	stream.linear.scatter [tilespmem:s26], [sflag:$0x5], $0x1000, $0x38;
	[tilespmem:$0x1D500] =	vst v63  }
0x181: {  	_ =	swait.ge [sflag:s28], $0x1000  }
0x182: {  	s14 =	sld [smem:$0x7FA]  }
0x183: {  	[sflag:s28] =	ssyncset.done $0x0  }
0x184: {  	[sflag:s28] =	ssyncadd.s32 $0xFFFFF000  }
0x185: {  	[spmem:s14] =	stream.linear.scatter [tilespmem:s26], [sflag:$0x5], $0x1000, $0x38;
	[tilespmem:$0x1D500] =	vst v63  }
0x186: {  	_ =	swait.ge [sflag:s28], $0x1000  }
0x187: {  	s17 =	sld [smem:$0x7FB]  }
0x188: {  	[sflag:s28] =	ssyncset.done $0x0  }
0x189: {  	[sflag:s28] =	ssyncadd.s32 $0xFFFFF000  }
0x18a: {  	[spmem:s17] =	stream.linear.scatter [tilespmem:s26], [sflag:$0x5], $0x1000, $0x38;
	[tilespmem:$0x1D500] =	vst v63  }
0x18b: {  	_ =	swait.ge [sflag:s28], $0x1000  }
0x18c: {  	s24 =	sld [smem:$0x7FC]  }
0x18d: {  	[sflag:s28] =	ssyncset.done $0x0  }
0x18e: {  	[sflag:s28] =	ssyncadd.s32 $0xFFFFF000  }
0x18f: {  	[spmem:s24] =	stream.linear.scatter [tilespmem:s26], [sflag:$0x5], $0x1000, $0x38;
	[tilespmem:$0x1D500] =	vst v63  }
0x190: {  	_ =	swait.ge [sflag:s28], $0x1000  }
0x191: {  	[sflag:s28] =	ssyncset.done $0x0  }
0x192: {  	[sflag:s28] =	ssyncadd.s32 $0xFFFFF000  }
0x193: {  	[bflag:$0x0] =	sbarrier.arrive $0xFFFF  }
0x194: {  	[tilespmem:s4], [sflag:$0x5] =	stream.linear.gather [hbm4b:s15+s4], $0x100, $0x38;
	[tilespmem:$0x1D500] =	vst v63  }
0x195: {  	_ =	swait.ge [sflag:s28], $0x100  }
0x196: {  	[sflag:s28] =	ssyncset.done $0x0  }
0x197: {  	[sflag:s28] =	ssyncadd.s32 $0xFFFFFF00  }
0x198: {  	[tilespmem:s30], [sflag:$0x1] =	stream.indirect.gather [hbm4b:s6+s29], $0x80, s4, s29, $0xb8;
	[tilespmem:$0x1D500] =	vst v63  }
0x199: {  	s25 =	rddreg [dreg:$0xa]  }
0x19a: {  	[tilespmem:s31], [sflag:$0x4] =	stream.linear.gather [hbm4b:s25+s4], $0x100, $0x38;
	[tilespmem:$0x1D500] =	vst v63  }
0x19b: {  	_ =	swait.ge [sflag:s0], $0x4000  }
0x19c: {  	[sflag:s0] =	ssyncset.done $0x0  }
0x19d: {  	[sflag:s0] =	ssyncadd.s32 $0xFFFFC000  }
0x19e: {  	_ =	swait.ge [sflag:s18], $0x100  }
0x19f: {  	[sflag:s18] =	ssyncset.done $0x0  }
0x1a0: {  	p5 =	sle.s32 s10, $0x0;
	[sflag:s18] =	ssyncadd.s32 $0xFFFFFF00  }
0x1a1: {  	[tilespmem:s19], [sflag:$0x2] =	stream.indirect.gather [hbm4b:s6+s29], $0x80, s31, s29, $0xb8;
	[tilespmem:$0x1D500] =	vst v63  }
0x1a2: {  	s11 =	simm.s32 @!p5 $0x80;
	s13 =	simm.s32 @!p5 $0x200;
	s14 =	simm.s32 @!p5 $0x5  }
0x1a3: {  	[spmem:s1] =	stream.indirect.scatter.add.f32 @!p5 [tilespmem:s13], [sflag:$0x5], $0x80, s11, s11, $0xb8;
	[tilespmem:$0x1D500] =	vst v63  }
0x1a4: {  	_ =	swait.ge @!p5 [sflag:s14], $0x4000  }
0x1a5: {  	[sflag:s14] =	ssyncset.done @!p5 $0x0  }
0x1a6: {  	[sflag:s14] =	ssyncadd.s32 @!p5 $0xFFFFC000  }
0x1a7: {  	[tilespmem:s4], [sflag:$0x3] =	stream.linear.gather [hbm4b:s3+s4], $0x100, $0x38;
	[tilespmem:$0x1D500] =	vst v63  }
0x1a8: {  	_ =	swait.ge [sflag:s21], $0x4000  }
0x1a9: {  	[sflag:s21] =	ssyncset.done $0x0  }
0x1aa: {  	[sflag:s21] =	ssyncadd.s32 $0xFFFFC000  }
0x1ab: {  	_ =	swait.ge [sflag:s22], $0x100  }
0x1ac: {  	[sflag:s22] =	ssyncset.done $0x0  }
0x1ad: {  	p6 =	sle.s32 s10, $0x1;
	[sflag:s22] =	ssyncadd.s32 $0xFFFFFF00  }
0x1ae: {  	[tilespmem:s30], [sflag:$0x1] =	stream.indirect.gather [hbm4b:s6+s29], $0x80, s4, s29, $0xb8;
	[tilespmem:$0x1D500] =	vst v63  }
0x1af: {  	s11 =	simm.s32 @!p6 $0x180;
	s13 =	simm.s32 @!p6 $0x4200;
	s3 =	simm.s32 @!p6 $0x80  }
0x1b0: {  	[spmem:s1] =	stream.indirect.scatter.add.f32 @!p6 [tilespmem:s13], [sflag:$0x5], $0x80, s11, s3, $0xb8;
	[tilespmem:$0x1D500] =	vst v63  }
0x1b1: {  	s25 =	smov.u32 s12;
	s13 =	simm.s32 @!p6 $0x5  }
0x1b2: {  	s3 =	simm.s32 $0x3;
	s11 =	smov.u32 s12;
	_ =	swait.ge @!p6 [sflag:s13], $0x4000  }
.LBB2_17:
0x1b3: {  	[sflag:s13] =	ssyncset.done @!p6 $0x0  }
0x1b4: {  	s11 =	sadd.s32 $0x40, s11;
	s14 =	smov.u32 s3;
	s3 =	sadd.s32 $0x2, s3  }
0x1b5: {  	p5 =	sne.s32 s3, $0x9B;
	[sflag:s13] =	ssyncadd.s32 @!p6 $0xFFFFC000  }
0x1b6: {  	[tilespmem:s31], [sflag:$0x4] =	stream.linear.gather [hbm4b:s25+s4], $0x100, $0x38;
	[tilespmem:$0x1D500] =	vst v63  }
0x1b7: {  	s25 =	smov.u32 s11;
	_ =	swait.ge [sflag:s0], $0x4000  }
0x1b8: {  	[sflag:s0] =	ssyncset.done $0x0  }
0x1b9: {  	[sflag:s0] =	ssyncadd.s32 $0xFFFFC000  }
0x1ba: {  	_ =	swait.ge [sflag:s18], $0x100  }
0x1bb: {  	s13 =	sadd.s32 $0xFFFFFFFF, s14;
	[sflag:s18] =	ssyncset.done $0x0  }
0x1bc: {  	p6 =	sge.s32 s13, s10;
	[sflag:s18] =	ssyncadd.s32 $0xFFFFFF00  }
0x1bd: {  	[tilespmem:s19], [sflag:$0x2] =	stream.indirect.gather [hbm4b:s6+s29], $0x80, s31, s29, $0xb8;
	[tilespmem:$0x1D500] =	vst v63  }
0x1be: {  	s13 =	simm.s32 @!p6 $0x80;
	s17 =	simm.s32 @!p6 $0x200;
	s24 =	simm.s32 @!p6 $0x5  }
0x1bf: {  	[spmem:s1] =	stream.indirect.scatter.add.f32 @!p6 [tilespmem:s17], [sflag:$0x5], $0x80, s13, s13, $0xb8;
	[tilespmem:$0x1D500] =	vst v63  }
0x1c0: {  	_ =	swait.ge @!p6 [sflag:s24], $0x4000  }
0x1c1: {  	s13 =	sadd.s32 $0xFFFFFFE0, s11;
	[sflag:s24] =	ssyncset.done @!p6 $0x0  }
0x1c2: {  	[sflag:s24] =	ssyncadd.s32 @!p6 $0xFFFFC000  }
0x1c3: {  	[tilespmem:s4], [sflag:$0x3] =	stream.linear.gather [hbm4b:s13+s4], $0x100, $0x38;
	[tilespmem:$0x1D500] =	vst v63  }
0x1c4: {  	_ =	swait.ge [sflag:s21], $0x4000  }
0x1c5: {  	[sflag:s21] =	ssyncset.done $0x0  }
0x1c6: {  	[sflag:s21] =	ssyncadd.s32 $0xFFFFC000  }
0x1c7: {  	_ =	swait.ge [sflag:s22], $0x100  }
0x1c8: {  	p6 =	sge.s32 s14, s10;
	[sflag:s22] =	ssyncset.done $0x0  }
0x1c9: {  	s14 =	simm.s32 @!p6 $0x80;
	[sflag:s22] =	ssyncadd.s32 $0xFFFFFF00  }
.Ltmp5:
0x1ca: {  	s17 =	simm.s32 @!p6 $0x180;
	s24 =	simm.s32 @!p6 $0x4200;
	(pc) =	sbr.rel @p5 .LBB2_17-.Ltmp5, $4  }
0x1cb: {  	[tilespmem:s30], [sflag:$0x1] =	stream.indirect.gather [hbm4b:s6+s29], $0x80, s4, s29, $0xb8;
	[tilespmem:$0x1D500] =	vst v63  }
0x1cc: {  	s13 =	simm.s32 @!p6 $0x5  }
0x1cd: {  	[spmem:s1] =	stream.indirect.scatter.add.f32 @!p6 [tilespmem:s24], [sflag:$0x5], $0x80, s17, s14, $0xb8;
	[tilespmem:$0x1D500] =	vst v63  }
0x1ce: {  	_ =	swait.ge @!p6 [sflag:s13], $0x4000  }
0x1cf: {  	[sflag:s13] =	ssyncset.done @!p6 $0x0  }
0x1d0: {  	[sflag:s13] =	ssyncadd.s32 @!p6 $0xFFFFC000  }
0x1d1: {  	[tilespmem:s31], [sflag:$0x4] =	stream.linear.gather [hbm4b:s25+s4], $0x100, $0x38;
	[tilespmem:$0x1D500] =	vst v63  }
0x1d2: {  	_ =	swait.ge [sflag:s0], $0x4000  }
0x1d3: {  	[sflag:s0] =	ssyncset.done $0x0  }
0x1d4: {  	[sflag:s0] =	ssyncadd.s32 $0xFFFFC000  }
0x1d5: {  	_ =	swait.ge [sflag:s18], $0x100  }
0x1d6: {  	[sflag:s18] =	ssyncset.done $0x0  }
0x1d7: {  	[sflag:s18] =	ssyncadd.s32 $0xFFFFFF00  }
0x1d8: {  	[tilespmem:s19], [sflag:$0x2] =	stream.indirect.gather [hbm4b:s6+s29], $0x80, s31, s29, $0xb8;
	[tilespmem:$0x1D500] =	vst v63  }
0x1d9: {  	s3 =	simm.s32 @!p2 $0x80;
	s11 =	simm.s32 @!p2 $0x200  }
0x1da: {  	[spmem:s1] =	stream.indirect.scatter.add.f32 @!p2 [tilespmem:s11], [sflag:$0x5], $0x80, s3, s3, $0xb8;
	[tilespmem:$0x1D500] =	vst v63  }
0x1db: {  	s3 =	simm.s32 @!p2 $0x5  }
0x1dc: {  	_ =	swait.ge @!p2 [sflag:s3], $0x4000  }
0x1dd: {  	s25 =	sld [smem:$0x7FD]  }
0x1de: {  	[sflag:s3] =	ssyncset.done @!p2 $0x0  }
0x1df: {  	[sflag:s3] =	ssyncadd.s32 @!p2 $0xFFFFC000  }
0x1e0: {  	[tilespmem:s4], [sflag:$0x3] =	stream.linear.gather [hbm4b:s25+s4], $0x100, $0x38;
	[tilespmem:$0x1D500] =	vst v63  }
0x1e1: {  	_ =	swait.ge [sflag:s21], $0x4000  }
0x1e2: {  	[sflag:s21] =	ssyncset.done $0x0  }
.Ltmp6:
0x1e3: {  	[sflag:s21] =	ssyncadd.s32 $0xFFFFC000;
	(pc) =	sbr.rel @p4 .LBB2_19-.Ltmp6, $4  }
0x1e4: {  	_ =	swait.ge [sflag:s22], $0x100  }
0x1e5: {  	[sflag:s22] =	ssyncset.done $0x0  }
0x1e6: {  	s11 =	simm.s32 $0x1;
	[sflag:s22] =	ssyncadd.s32 $0xFFFFFF00  }
0x1e7: {  	[tilespmem:s30], [sflag:$0x1] =	stream.indirect.gather [hbm4b:s6+s29], $0x80, s4, s29, $0xb8;
	[tilespmem:$0x1D500] =	vst v63  }
0x1e8: {  	s3 =	simm.s32 $0x180  }
0x1e9: {  	[spmem:s1] =	stream.indirect.scatter.add.f32 [tilespmem:s19], [sflag:$0x5], $0x80, s3, s29, $0xb8;
	[tilespmem:$0x1D500] =	vst v63  }
0x1ea: {  	_ =	swait.ge [sflag:s28], $0x4000  }
0x1eb: {  	[sflag:s28] =	ssyncset.done $0x0  }
0x1ec: {  	[sflag:s28] =	ssyncadd.s32 $0xFFFFC000  }
0x1ed: {  	_ =	swait.ge [sflag:s0], $0x4000  }
0x1ee: {  	s11 =	sld [smem:$0x7F6];
	_ =	sdelay $0x2  }
0x1ef: {  	p5 =	seq.s32 s11, $0x1  }
.Ltmp7:
0x1f0: {  	_ = 	snop;
	(pc) =	sbr.rel @p5 .LBB2_22-.Ltmp7, $4  }
.Ltmp8:
0x1f1: {  	_ = 	snop;
	(pc) =	sbr.rel @!p5 .LBB2_24-.Ltmp8, $4  }
0x1f2: {  	_ = 	snop  }
0x1f3: {  	[sflag:s0] =	ssyncset.done $0x0  }
0x1f4: {  	s3 =	rddreg [dreg:$0x10];
	[sflag:s0] =	ssyncadd.s32 $0xFFFFC000  }
0x1f5: {  	_ = 	snop  }
.LBB2_4:
0x1f6: {  	s3 =	rddreg [dreg:$0x12]  }
0x1f7: {  	[spmem:s3] =	stream.linear.scatter [tilespmem:s26], [sflag:$0x5], $0x1000, $0x38;
	[tilespmem:$0x1D500] =	vst v63  }
0x1f8: {  	_ =	swait.ge [sflag:s28], $0x1000  }
0x1f9: {  	[sflag:s28] =	ssyncset.done $0x0  }
0x1fa: {  	s14 =	rddreg [dreg:$0x13];
	[sflag:s28] =	ssyncadd.s32 $0xFFFFF000  }
0x1fb: {  	[spmem:s14] =	stream.linear.scatter [tilespmem:s26], [sflag:$0x5], $0x1000, $0x38;
	[tilespmem:$0x1D500] =	vst v63  }
0x1fc: {  	_ =	swait.ge [sflag:s28], $0x1000  }
0x1fd: {  	[sflag:s28] =	ssyncset.done $0x0  }
0x1fe: {  	s17 =	rddreg [dreg:$0x14];
	[sflag:s28] =	ssyncadd.s32 $0xFFFFF000  }
0x1ff: {  	[spmem:s17] =	stream.linear.scatter [tilespmem:s26], [sflag:$0x5], $0x1000, $0x38;
	[tilespmem:$0x1D500] =	vst v63  }
0x200: {  	_ =	swait.ge [sflag:s28], $0x1000  }
0x201: {  	[sflag:s28] =	ssyncset.done $0x0  }
0x202: {  	s23 =	rddreg [dreg:$0x15];
	[sflag:s28] =	ssyncadd.s32 $0xFFFFF000  }
0x203: {  	[spmem:s23] =	stream.linear.scatter [tilespmem:s26], [sflag:$0x5], $0x1000, $0x38;
	[tilespmem:$0x1D500] =	vst v63  }
0x204: {  	_ =	swait.ge [sflag:s28], $0x1000  }
0x205: {  	[sflag:s28] =	ssyncset.done $0x0  }
0x206: {  	s24 =	rddreg [dreg:$0x16];
	[sflag:s28] =	ssyncadd.s32 $0xFFFFF000  }
0x207: {  	[spmem:s24] =	stream.linear.scatter [tilespmem:s26], [sflag:$0x5], $0x1000, $0x38;
	[tilespmem:$0x1D500] =	vst v63  }
0x208: {  	_ =	swait.ge [sflag:s28], $0x1000  }
0x209: {  	[sflag:s28] =	ssyncset.done $0x0  }
0x20a: {  	s25 =	rddreg [dreg:$0x17];
	[sflag:s28] =	ssyncadd.s32 $0xFFFFF000  }
0x20b: {  	[spmem:s25] =	stream.linear.scatter [tilespmem:s26], [sflag:$0x5], $0x1000, $0x38;
	[tilespmem:$0x1D500] =	vst v63  }
0x20c: {  	_ =	swait.ge [sflag:s28], $0x1000  }
0x20d: {  	[sflag:s28] =	ssyncset.done $0x0  }
0x20e: {  	s11 =	rddreg [dreg:$0x18];
	[sflag:s28] =	ssyncadd.s32 $0xFFFFF000  }
0x20f: {  	[spmem:s11] =	stream.linear.scatter [tilespmem:s26], [sflag:$0x5], $0x1000, $0x38;
	[tilespmem:$0x1D500] =	vst v63  }
0x210: {  	_ =	swait.ge [sflag:s28], $0x1000  }
0x211: {  	[sflag:s28] =	ssyncset.done $0x0  }
0x212: {  	s13 =	rddreg [dreg:$0x19];
	[sflag:s28] =	ssyncadd.s32 $0xFFFFF000  }
0x213: {  	[spmem:s13] =	stream.linear.scatter [tilespmem:s26], [sflag:$0x5], $0x1000, $0x38;
	[tilespmem:$0x1D500] =	vst v63  }
0x214: {  	_ =	swait.ge [sflag:s28], $0x1000  }
0x215: {  	[sflag:s28] =	ssyncset.done $0x0  }
0x216: {  	s14 =	rddreg [dreg:$0x1a];
	[sflag:s28] =	ssyncadd.s32 $0xFFFFF000  }
0x217: {  	[spmem:s14] =	stream.linear.scatter [tilespmem:s26], [sflag:$0x5], $0x1000, $0x38;
	[tilespmem:$0x1D500] =	vst v63  }
0x218: {  	_ =	swait.ge [sflag:s28], $0x1000  }
0x219: {  	[sflag:s28] =	ssyncset.done $0x0  }
0x21a: {  	s17 =	rddreg [dreg:$0x1b];
	[sflag:s28] =	ssyncadd.s32 $0xFFFFF000  }
0x21b: {  	[spmem:s17] =	stream.linear.scatter [tilespmem:s26], [sflag:$0x5], $0x1000, $0x38;
	[tilespmem:$0x1D500] =	vst v63  }
0x21c: {  	_ =	swait.ge [sflag:s28], $0x1000  }
0x21d: {  	[sflag:s28] =	ssyncset.done $0x0  }
0x21e: {  	s23 =	rddreg [dreg:$0x1c];
	[sflag:s28] =	ssyncadd.s32 $0xFFFFF000  }
0x21f: {  	[spmem:s23] =	stream.linear.scatter [tilespmem:s26], [sflag:$0x5], $0x1000, $0x38;
	[tilespmem:$0x1D500] =	vst v63  }
0x220: {  	_ =	swait.ge [sflag:s28], $0x1000  }
0x221: {  	[sflag:s28] =	ssyncset.done $0x0  }
0x222: {  	s24 =	rddreg [dreg:$0x1d];
	[sflag:s28] =	ssyncadd.s32 $0xFFFFF000  }
0x223: {  	[spmem:s24] =	stream.linear.scatter [tilespmem:s26], [sflag:$0x5], $0x1000, $0x38;
	[tilespmem:$0x1D500] =	vst v63  }
0x224: {  	_ =	swait.ge [sflag:s28], $0x1000  }
0x225: {  	[sflag:s28] =	ssyncset.done $0x0  }
0x226: {  	s25 =	rddreg [dreg:$0x1e];
	[sflag:s28] =	ssyncadd.s32 $0xFFFFF000  }
0x227: {  	[spmem:s25] =	stream.linear.scatter [tilespmem:s26], [sflag:$0x5], $0x1000, $0x38;
	[tilespmem:$0x1D500] =	vst v63  }
0x228: {  	_ =	swait.ge [sflag:s28], $0x1000  }
0x229: {  	[sflag:s28] =	ssyncset.done $0x0  }
0x22a: {  	s11 =	rddreg [dreg:$0x1f];
	[sflag:s28] =	ssyncadd.s32 $0xFFFFF000  }
0x22b: {  	[spmem:s11] =	stream.linear.scatter [tilespmem:s26], [sflag:$0x5], $0x1000, $0x38;
	[tilespmem:$0x1D500] =	vst v63  }
0x22c: {  	_ =	swait.ge [sflag:s28], $0x1000  }
0x22d: {  	s13 =	sld [smem:$0x7F8]  }
0x22e: {  	[sflag:s28] =	ssyncset.done $0x0  }
0x22f: {  	[sflag:s28] =	ssyncadd.s32 $0xFFFFF000  }
0x230: {  	[spmem:s13] =	stream.linear.scatter [tilespmem:s26], [sflag:$0x5], $0x1000, $0x38;
	[tilespmem:$0x1D500] =	vst v63  }
0x231: {  	_ =	swait.ge [sflag:s28], $0x1000  }
0x232: {  	s14 =	sld [smem:$0x7F9]  }
0x233: {  	[sflag:s28] =	ssyncset.done $0x0  }
0x234: {  	[sflag:s28] =	ssyncadd.s32 $0xFFFFF000  }
0x235: {  	[spmem:s14] =	stream.linear.scatter [tilespmem:s26], [sflag:$0x5], $0x1000, $0x38;
	[tilespmem:$0x1D500] =	vst v63  }
0x236: {  	_ =	swait.ge [sflag:s28], $0x1000  }
0x237: {  	s17 =	sld [smem:$0x7FA]  }
0x238: {  	[sflag:s28] =	ssyncset.done $0x0  }
0x239: {  	[sflag:s28] =	ssyncadd.s32 $0xFFFFF000  }
0x23a: {  	[spmem:s17] =	stream.linear.scatter [tilespmem:s26], [sflag:$0x5], $0x1000, $0x38;
	[tilespmem:$0x1D500] =	vst v63  }
0x23b: {  	_ =	swait.ge [sflag:s28], $0x1000  }
0x23c: {  	s23 =	sld [smem:$0x7FB]  }
0x23d: {  	[sflag:s28] =	ssyncset.done $0x0  }
0x23e: {  	[sflag:s28] =	ssyncadd.s32 $0xFFFFF000  }
0x23f: {  	[spmem:s23] =	stream.linear.scatter [tilespmem:s26], [sflag:$0x5], $0x1000, $0x38;
	[tilespmem:$0x1D500] =	vst v63  }
0x240: {  	_ =	swait.ge [sflag:s28], $0x1000  }
0x241: {  	s24 =	sld [smem:$0x7FC]  }
0x242: {  	[sflag:s28] =	ssyncset.done $0x0  }
0x243: {  	[sflag:s28] =	ssyncadd.s32 $0xFFFFF000  }
0x244: {  	[spmem:s24] =	stream.linear.scatter [tilespmem:s26], [sflag:$0x5], $0x1000, $0x38;
	[tilespmem:$0x1D500] =	vst v63  }
0x245: {  	_ =	swait.ge [sflag:s28], $0x1000  }
0x246: {  	[sflag:s28] =	ssyncset.done $0x0  }
0x247: {  	[sflag:s28] =	ssyncadd.s32 $0xFFFFF000  }
0x248: {  	[bflag:$0x0] =	sbarrier.arrive $0xFFFF  }
0x249: {  	[tilespmem:s4], [sflag:$0x5] =	stream.linear.gather [hbm4b:s15+s4], $0x100, $0x38;
	[tilespmem:$0x1D500] =	vst v63  }
0x24a: {  	_ =	swait.ge [sflag:s28], $0x100  }
0x24b: {  	[sflag:s28] =	ssyncset.done $0x0  }
0x24c: {  	[sflag:s28] =	ssyncadd.s32 $0xFFFFFF00  }
0x24d: {  	[tilespmem:s30], [sflag:$0x1] =	stream.indirect.gather [hbm4b:s7+s29], $0x80, s4, s29, $0xb8;
	[tilespmem:$0x1D500] =	vst v63  }
0x24e: {  	s25 =	rddreg [dreg:$0xa]  }
0x24f: {  	[tilespmem:s31], [sflag:$0x4] =	stream.linear.gather [hbm4b:s25+s4], $0x100, $0x38;
	[tilespmem:$0x1D500] =	vst v63  }
0x250: {  	_ =	swait.ge [sflag:s0], $0x4000  }
0x251: {  	[sflag:s0] =	ssyncset.done $0x0  }
0x252: {  	[sflag:s0] =	ssyncadd.s32 $0xFFFFC000  }
0x253: {  	_ =	swait.ge [sflag:s18], $0x100  }
0x254: {  	[sflag:s18] =	ssyncset.done $0x0  }
0x255: {  	p5 =	sle.s32 s10, $0x0;
	[sflag:s18] =	ssyncadd.s32 $0xFFFFFF00  }
0x256: {  	[tilespmem:s19], [sflag:$0x2] =	stream.indirect.gather [hbm4b:s7+s29], $0x80, s31, s29, $0xb8;
	[tilespmem:$0x1D500] =	vst v63  }
0x257: {  	s3 =	simm.s32 @!p5 $0x80;
	s11 =	simm.s32 @!p5 $0x200;
	s13 =	simm.s32 @!p5 $0x5  }
0x258: {  	[spmem:s1] =	stream.indirect.scatter.add.f32 @!p5 [tilespmem:s11], [sflag:$0x5], $0x80, s3, s3, $0xb8;
	[tilespmem:$0x1D500] =	vst v63  }
0x259: {  	_ =	swait.ge @!p5 [sflag:s13], $0x4000  }
0x25a: {  	[sflag:s13] =	ssyncset.done @!p5 $0x0  }
0x25b: {  	s3 =	sadd.s32 $0xFFFFFFE0, s12;
	[sflag:s13] =	ssyncadd.s32 @!p5 $0xFFFFC000  }
0x25c: {  	[tilespmem:s4], [sflag:$0x3] =	stream.linear.gather [hbm4b:s3+s4], $0x100, $0x38;
	[tilespmem:$0x1D500] =	vst v63  }
0x25d: {  	_ =	swait.ge [sflag:s21], $0x4000  }
0x25e: {  	[sflag:s21] =	ssyncset.done $0x0  }
0x25f: {  	[sflag:s21] =	ssyncadd.s32 $0xFFFFC000  }
0x260: {  	_ =	swait.ge [sflag:s22], $0x100  }
0x261: {  	p6 =	sle.s32 s10, $0x1;
	[sflag:s22] =	ssyncset.done $0x0  }
0x262: {  	s14 =	simm.s32 @!p6 $0x4200;
	[sflag:s22] =	ssyncadd.s32 $0xFFFFFF00  }
0x263: {  	[tilespmem:s30], [sflag:$0x1] =	stream.indirect.gather [hbm4b:s7+s29], $0x80, s4, s29, $0xb8;
	[tilespmem:$0x1D500] =	vst v63  }
0x264: {  	s17 =	simm.s32 @!p6 $0x80;
	s11 =	simm.s32 @!p6 $0x180;
	s13 =	simm.s32 @!p6 $0x5  }
0x265: {  	[spmem:s1] =	stream.indirect.scatter.add.f32 @!p6 [tilespmem:s14], [sflag:$0x5], $0x80, s11, s17, $0xb8;
	[tilespmem:$0x1D500] =	vst v63  }
0x266: {  	_ =	swait.ge @!p6 [sflag:s13], $0x4000  }
0x267: {  	[sflag:s13] =	ssyncset.done @!p6 $0x0  }
0x268: {  	s23 =	simm.s32 $0x3;
	s14 =	simm.s32 @!p6 $0x1D200;
	[sflag:s13] =	ssyncadd.s32 @!p6 $0xFFFFC000  }
0x269: {  	[spmem:s2] =	stream.indirect.scatter.add.f32 @!p6 [tilespmem:s14], [sflag:$0x5], $0x1, s11, s17, $0xb8;
	[tilespmem:$0x1D500] =	vst v63  }
0x26a: {  	s25 =	smov.u32 s12;
	s11 =	smov.u32 s12;
	_ =	swait.ge @!p6 [sflag:s13], $0x80  }
.LBB2_5:
0x26b: {  	[sflag:s13] =	ssyncset.done @!p6 $0x0  }
0x26c: {  	s11 =	sadd.s32 $0x40, s11;
	s14 =	smov.u32 s23;
	s23 =	sadd.s32 $0x2, s23  }
0x26d: {  	p5 =	sne.s32 s23, $0x9B;
	[sflag:s13] =	ssyncadd.s32 @!p6 $0xFFFFFF80  }
0x26e: {  	[tilespmem:s31], [sflag:$0x4] =	stream.linear.gather [hbm4b:s25+s4], $0x100, $0x38;
	[tilespmem:$0x1D500] =	vst v63  }
0x26f: {  	s25 =	smov.u32 s11;
	_ =	swait.ge [sflag:s0], $0x4000  }
0x270: {  	[sflag:s0] =	ssyncset.done $0x0  }
0x271: {  	[sflag:s0] =	ssyncadd.s32 $0xFFFFC000  }
0x272: {  	s13 =	sadd.s32 $0xFFFFFFFF, s14;
	_ =	swait.ge [sflag:s18], $0x100  }
0x273: {  	p6 =	sge.s32 s13, s10;
	[sflag:s18] =	ssyncset.done $0x0  }
0x274: {  	[sflag:s18] =	ssyncadd.s32 $0xFFFFFF00  }
0x275: {  	[tilespmem:s19], [sflag:$0x2] =	stream.indirect.gather [hbm4b:s7+s29], $0x80, s31, s29, $0xb8;
	[tilespmem:$0x1D500] =	vst v63  }
0x276: {  	s13 =	simm.s32 @!p6 $0x80;
	s17 =	simm.s32 @!p6 $0x200;
	s24 =	simm.s32 @!p6 $0x5  }
0x277: {  	[spmem:s1] =	stream.indirect.scatter.add.f32 @!p6 [tilespmem:s17], [sflag:$0x5], $0x80, s13, s13, $0xb8;
	[tilespmem:$0x1D500] =	vst v63  }
0x278: {  	s13 =	sadd.s32 $0xFFFFFFE0, s11;
	_ =	swait.ge @!p6 [sflag:s24], $0x4000  }
0x279: {  	[sflag:s24] =	ssyncset.done @!p6 $0x0  }
0x27a: {  	[sflag:s24] =	ssyncadd.s32 @!p6 $0xFFFFC000  }
0x27b: {  	[tilespmem:s4], [sflag:$0x3] =	stream.linear.gather [hbm4b:s13+s4], $0x100, $0x38;
	[tilespmem:$0x1D500] =	vst v63  }
0x27c: {  	_ =	swait.ge [sflag:s21], $0x4000  }
0x27d: {  	[sflag:s21] =	ssyncset.done $0x0  }
0x27e: {  	[sflag:s21] =	ssyncadd.s32 $0xFFFFC000  }
0x27f: {  	_ =	swait.ge [sflag:s22], $0x100  }
0x280: {  	p6 =	sge.s32 s14, s10;
	[sflag:s22] =	ssyncset.done $0x0  }
0x281: {  	s14 =	simm.s32 @!p6 $0x180;
	s17 =	simm.s32 @!p6 $0x4200;
	[sflag:s22] =	ssyncadd.s32 $0xFFFFFF00  }
0x282: {  	[tilespmem:s30], [sflag:$0x1] =	stream.indirect.gather [hbm4b:s7+s29], $0x80, s4, s29, $0xb8;
	[tilespmem:$0x1D500] =	vst v63  }
0x283: {  	s24 =	simm.s32 @!p6 $0x80;
	s13 =	simm.s32 @!p6 $0x5  }
0x284: {  	[spmem:s1] =	stream.indirect.scatter.add.f32 @!p6 [tilespmem:s17], [sflag:$0x5], $0x80, s14, s24, $0xb8;
	[tilespmem:$0x1D500] =	vst v63  }
.Ltmp9:
0x285: {  	_ =	swait.ge @!p6 [sflag:s13], $0x4000;
	(pc) =	sbr.rel @p5 .LBB2_5-.Ltmp9, $4  }
0x286: {  	s17 =	simm.s32 @!p6 $0x1D200;
	[sflag:s13] =	ssyncset.done @!p6 $0x0  }
0x287: {  	[sflag:s13] =	ssyncadd.s32 @!p6 $0xFFFFC000  }
0x288: {  	[spmem:s2] =	stream.indirect.scatter.add.f32 @!p6 [tilespmem:s17], [sflag:$0x5], $0x1, s14, s24, $0xb8;
	[tilespmem:$0x1D500] =	vst v63  }
0x289: {  	_ =	swait.ge @!p6 [sflag:s13], $0x80  }
0x28a: {  	[sflag:s13] =	ssyncset.done @!p6 $0x0  }
0x28b: {  	[sflag:s13] =	ssyncadd.s32 @!p6 $0xFFFFFF80  }
0x28c: {  	[tilespmem:s31], [sflag:$0x4] =	stream.linear.gather [hbm4b:s25+s4], $0x100, $0x38;
	[tilespmem:$0x1D500] =	vst v63  }
0x28d: {  	_ =	swait.ge [sflag:s0], $0x4000  }
0x28e: {  	[sflag:s0] =	ssyncset.done $0x0  }
0x28f: {  	[sflag:s0] =	ssyncadd.s32 $0xFFFFC000  }
0x290: {  	_ =	swait.ge [sflag:s18], $0x100  }
0x291: {  	[sflag:s18] =	ssyncset.done $0x0  }
0x292: {  	[sflag:s18] =	ssyncadd.s32 $0xFFFFFF00  }
0x293: {  	[tilespmem:s19], [sflag:$0x2] =	stream.indirect.gather [hbm4b:s7+s29], $0x80, s31, s29, $0xb8;
	[tilespmem:$0x1D500] =	vst v63  }
0x294: {  	s11 =	simm.s32 @!p2 $0x80;
	s13 =	simm.s32 @!p2 $0x200  }
0x295: {  	[spmem:s1] =	stream.indirect.scatter.add.f32 @!p2 [tilespmem:s13], [sflag:$0x5], $0x80, s11, s11, $0xb8;
	[tilespmem:$0x1D500] =	vst v63  }
0x296: {  	s11 =	simm.s32 @!p2 $0x5  }
0x297: {  	_ =	swait.ge @!p2 [sflag:s11], $0x4000  }
0x298: {  	s25 =	sld [smem:$0x7FD]  }
0x299: {  	[sflag:s11] =	ssyncset.done @!p2 $0x0  }
0x29a: {  	[sflag:s11] =	ssyncadd.s32 @!p2 $0xFFFFC000  }
0x29b: {  	[tilespmem:s4], [sflag:$0x3] =	stream.linear.gather [hbm4b:s25+s4], $0x100, $0x38;
	[tilespmem:$0x1D500] =	vst v63  }
0x29c: {  	_ =	swait.ge [sflag:s21], $0x4000  }
0x29d: {  	[sflag:s21] =	ssyncset.done $0x0  }
.Ltmp10:
0x29e: {  	[sflag:s21] =	ssyncadd.s32 $0xFFFFC000;
	(pc) =	sbr.rel @p4 .LBB2_9-.Ltmp10, $4  }
0x29f: {  	_ =	swait.ge [sflag:s22], $0x100  }
0x2a0: {  	[sflag:s22] =	ssyncset.done $0x0  }
0x2a1: {  	s11 =	simm.s32 $0x1;
	[sflag:s22] =	ssyncadd.s32 $0xFFFFFF00  }
0x2a2: {  	[tilespmem:s30], [sflag:$0x1] =	stream.indirect.gather [hbm4b:s7+s29], $0x80, s4, s29, $0xb8;
	[tilespmem:$0x1D500] =	vst v63  }
0x2a3: {  	s11 =	simm.s32 $0x180  }
0x2a4: {  	[spmem:s1] =	stream.indirect.scatter.add.f32 [tilespmem:s19], [sflag:$0x5], $0x80, s11, s29, $0xb8;
	[tilespmem:$0x1D500] =	vst v63  }
0x2a5: {  	_ =	swait.ge [sflag:s28], $0x4000  }
0x2a6: {  	[sflag:s28] =	ssyncset.done $0x0  }
0x2a7: {  	s13 =	simm.s32 $0x1D200;
	[sflag:s28] =	ssyncadd.s32 $0xFFFFC000  }
0x2a8: {  	[spmem:s2] =	stream.indirect.scatter.add.f32 [tilespmem:s13], [sflag:$0x5], $0x1, s11, s29, $0xb8;
	[tilespmem:$0x1D500] =	vst v63  }
0x2a9: {  	_ =	swait.ge [sflag:s28], $0x80  }
0x2aa: {  	[sflag:s28] =	ssyncset.done $0x0  }
0x2ab: {  	[sflag:s28] =	ssyncadd.s32 $0xFFFFFF80  }
0x2ac: {  	_ =	swait.ge [sflag:s0], $0x4000  }
0x2ad: {  	s25 =	sld [smem:$0x7F7];
	_ =	sdelay $0x2  }
0x2ae: {  	p5 =	seq.s32 s25, $0x1  }
.Ltmp11:
0x2af: {  	_ = 	snop;
	(pc) =	sbr.rel @p5 .LBB2_10-.Ltmp11, $3  }
0x2b0: {  	_ =	sdelay $0x1  }
0x2b1: {  	[sflag:s0] =	ssyncset.done $0x0  }
0x2b2: {  	[sflag:s0] =	ssyncadd.s32 $0xFFFFC000  }
0x2b3: {  	[spmem:s1] =	stream.indirect.scatter.add.f32 [tilespmem:s30], [sflag:$0x5], $0x80, s29, s29, $0xb8;
	[tilespmem:$0x1D500] =	vst v63  }
0x2b4: {  	s11 =	simm.s32 $0x5  }
.LBB2_9:
0x2b5: {  	_ =	swait.ge [sflag:s11], $0x4000  }
0x2b6: {  	[sflag:s11] =	ssyncset.done $0x0  }
0x2b7: {  	[sflag:s11] =	ssyncadd.s32 $0xFFFFC000  }
.LBB2_10:
0x2b8: {  	s11 =	stileid.u32  }
0x2b9: {  	[bflag:$0x0] =	sbarrier.arrive $0xFFFF;
	s11 =	sshll.u32 s11, $0x6  }
0x2ba: {  	s17 =	sshrl.u32 s16, $0x3;
	s13 =	rddreg [dreg:$0xb];
	s23 =	sor.u32 $0x1C05, s11  }
0x2bb: {  	[hbm:s13], [sflag:s23] =	dma.local [spmem:s17], $0x2800  }
0x2bc: {  	_ =	swait.ge [sflag:s28], $0x2800  }
0x2bd: {  	[sflag:s28] =	ssyncset.done $0x0  }
0x2be: {  	s24 =	sshrl.u32 s9, $0x3;
	s25 =	rddreg [dreg:$0xc];
	[sflag:s28] =	ssyncadd.s32 $0xFFFFD800  }
0x2bf: {  	[hbm:s25], [sflag:s23] =	dma.local [spmem:s24], $0x50  }
0x2c0: {  	_ =	swait.ge [sflag:s28], $0x50  }
0x2c1: {  	[sflag:s28] =	ssyncset.done $0x0  }
0x2c2: {  	[sflag:s28] =	ssyncadd.s32 $0xFFFFFFB0  }
0x2c3: {  	[spmem:s16] =	stream.linear.scatter [tilespmem:s26], [sflag:$0x5], $0x1000, $0x38;
	[tilespmem:$0x1D500] =	vst v63  }
0x2c4: {  	_ =	swait.ge [sflag:s28], $0x1000  }
0x2c5: {  	[sflag:s28] =	ssyncset.done $0x0  }
0x2c6: {  	s13 =	rddreg [dreg:$0x12];
	[sflag:s28] =	ssyncadd.s32 $0xFFFFF000  }
0x2c7: {  	[spmem:s13] =	stream.linear.scatter [tilespmem:s26], [sflag:$0x5], $0x1000, $0x38;
	[tilespmem:$0x1D500] =	vst v63  }
0x2c8: {  	_ =	swait.ge [sflag:s28], $0x1000  }
0x2c9: {  	[sflag:s28] =	ssyncset.done $0x0  }
0x2ca: {  	s14 =	rddreg [dreg:$0x13];
	[sflag:s28] =	ssyncadd.s32 $0xFFFFF000  }
0x2cb: {  	[spmem:s14] =	stream.linear.scatter [tilespmem:s26], [sflag:$0x5], $0x1000, $0x38;
	[tilespmem:$0x1D500] =	vst v63  }
0x2cc: {  	_ =	swait.ge [sflag:s28], $0x1000  }
0x2cd: {  	[sflag:s28] =	ssyncset.done $0x0  }
0x2ce: {  	s17 =	rddreg [dreg:$0x14];
	[sflag:s28] =	ssyncadd.s32 $0xFFFFF000  }
0x2cf: {  	[spmem:s17] =	stream.linear.scatter [tilespmem:s26], [sflag:$0x5], $0x1000, $0x38;
	[tilespmem:$0x1D500] =	vst v63  }
0x2d0: {  	_ =	swait.ge [sflag:s28], $0x1000  }
0x2d1: {  	[sflag:s28] =	ssyncset.done $0x0  }
0x2d2: {  	s24 =	rddreg [dreg:$0x15];
	[sflag:s28] =	ssyncadd.s32 $0xFFFFF000  }
0x2d3: {  	[spmem:s24] =	stream.linear.scatter [tilespmem:s26], [sflag:$0x5], $0x1000, $0x38;
	[tilespmem:$0x1D500] =	vst v63  }
0x2d4: {  	_ =	swait.ge [sflag:s28], $0x1000  }
0x2d5: {  	[sflag:s28] =	ssyncset.done $0x0  }
0x2d6: {  	s25 =	rddreg [dreg:$0x16];
	[sflag:s28] =	ssyncadd.s32 $0xFFFFF000  }
0x2d7: {  	[spmem:s25] =	stream.linear.scatter [tilespmem:s26], [sflag:$0x5], $0x1000, $0x38;
	[tilespmem:$0x1D500] =	vst v63  }
0x2d8: {  	_ =	swait.ge [sflag:s28], $0x1000  }
0x2d9: {  	[sflag:s28] =	ssyncset.done $0x0  }
0x2da: {  	s13 =	rddreg [dreg:$0x17];
	[sflag:s28] =	ssyncadd.s32 $0xFFFFF000  }
0x2db: {  	[spmem:s13] =	stream.linear.scatter [tilespmem:s26], [sflag:$0x5], $0x1000, $0x38;
	[tilespmem:$0x1D500] =	vst v63  }
0x2dc: {  	_ =	swait.ge [sflag:s28], $0x1000  }
0x2dd: {  	[sflag:s28] =	ssyncset.done $0x0  }
0x2de: {  	s14 =	rddreg [dreg:$0x18];
	[sflag:s28] =	ssyncadd.s32 $0xFFFFF000  }
0x2df: {  	[spmem:s14] =	stream.linear.scatter [tilespmem:s26], [sflag:$0x5], $0x1000, $0x38;
	[tilespmem:$0x1D500] =	vst v63  }
0x2e0: {  	_ =	swait.ge [sflag:s28], $0x1000  }
0x2e1: {  	[sflag:s28] =	ssyncset.done $0x0  }
0x2e2: {  	s17 =	rddreg [dreg:$0x19];
	[sflag:s28] =	ssyncadd.s32 $0xFFFFF000  }
0x2e3: {  	[spmem:s17] =	stream.linear.scatter [tilespmem:s26], [sflag:$0x5], $0x1000, $0x38;
	[tilespmem:$0x1D500] =	vst v63  }
0x2e4: {  	_ =	swait.ge [sflag:s28], $0x1000  }
0x2e5: {  	[sflag:s28] =	ssyncset.done $0x0  }
0x2e6: {  	s24 =	rddreg [dreg:$0x1a];
	[sflag:s28] =	ssyncadd.s32 $0xFFFFF000  }
0x2e7: {  	[spmem:s24] =	stream.linear.scatter [tilespmem:s26], [sflag:$0x5], $0x1000, $0x38;
	[tilespmem:$0x1D500] =	vst v63  }
0x2e8: {  	_ =	swait.ge [sflag:s28], $0x1000  }
0x2e9: {  	[sflag:s28] =	ssyncset.done $0x0  }
0x2ea: {  	s25 =	rddreg [dreg:$0x1b];
	[sflag:s28] =	ssyncadd.s32 $0xFFFFF000  }
0x2eb: {  	[spmem:s25] =	stream.linear.scatter [tilespmem:s26], [sflag:$0x5], $0x1000, $0x38;
	[tilespmem:$0x1D500] =	vst v63  }
0x2ec: {  	_ =	swait.ge [sflag:s28], $0x1000  }
0x2ed: {  	[sflag:s28] =	ssyncset.done $0x0  }
0x2ee: {  	s13 =	rddreg [dreg:$0x1c];
	[sflag:s28] =	ssyncadd.s32 $0xFFFFF000  }
0x2ef: {  	[spmem:s13] =	stream.linear.scatter [tilespmem:s26], [sflag:$0x5], $0x1000, $0x38;
	[tilespmem:$0x1D500] =	vst v63  }
0x2f0: {  	_ =	swait.ge [sflag:s28], $0x1000  }
0x2f1: {  	[sflag:s28] =	ssyncset.done $0x0  }
0x2f2: {  	s14 =	rddreg [dreg:$0x1d];
	[sflag:s28] =	ssyncadd.s32 $0xFFFFF000  }
0x2f3: {  	[spmem:s14] =	stream.linear.scatter [tilespmem:s26], [sflag:$0x5], $0x1000, $0x38;
	[tilespmem:$0x1D500] =	vst v63  }
0x2f4: {  	_ =	swait.ge [sflag:s28], $0x1000  }
0x2f5: {  	[sflag:s28] =	ssyncset.done $0x0  }
0x2f6: {  	s17 =	rddreg [dreg:$0x1e];
	[sflag:s28] =	ssyncadd.s32 $0xFFFFF000  }
0x2f7: {  	[spmem:s17] =	stream.linear.scatter [tilespmem:s26], [sflag:$0x5], $0x1000, $0x38;
	[tilespmem:$0x1D500] =	vst v63  }
0x2f8: {  	_ =	swait.ge [sflag:s28], $0x1000  }
0x2f9: {  	[sflag:s28] =	ssyncset.done $0x0  }
0x2fa: {  	s24 =	rddreg [dreg:$0x1f];
	[sflag:s28] =	ssyncadd.s32 $0xFFFFF000  }
0x2fb: {  	[spmem:s24] =	stream.linear.scatter [tilespmem:s26], [sflag:$0x5], $0x1000, $0x38;
	[tilespmem:$0x1D500] =	vst v63  }
0x2fc: {  	_ =	swait.ge [sflag:s28], $0x1000  }
0x2fd: {  	s25 =	sld [smem:$0x7F8]  }
0x2fe: {  	[sflag:s28] =	ssyncset.done $0x0  }
0x2ff: {  	[sflag:s28] =	ssyncadd.s32 $0xFFFFF000  }
0x300: {  	[spmem:s25] =	stream.linear.scatter [tilespmem:s26], [sflag:$0x5], $0x1000, $0x38;
	[tilespmem:$0x1D500] =	vst v63  }
0x301: {  	_ =	swait.ge [sflag:s28], $0x1000  }
0x302: {  	s13 =	sld [smem:$0x7F9]  }
0x303: {  	[sflag:s28] =	ssyncset.done $0x0  }
0x304: {  	[sflag:s28] =	ssyncadd.s32 $0xFFFFF000  }
0x305: {  	[spmem:s13] =	stream.linear.scatter [tilespmem:s26], [sflag:$0x5], $0x1000, $0x38;
	[tilespmem:$0x1D500] =	vst v63  }
0x306: {  	_ =	swait.ge [sflag:s28], $0x1000  }
0x307: {  	s14 =	sld [smem:$0x7FA]  }
0x308: {  	[sflag:s28] =	ssyncset.done $0x0  }
0x309: {  	[sflag:s28] =	ssyncadd.s32 $0xFFFFF000  }
0x30a: {  	[spmem:s14] =	stream.linear.scatter [tilespmem:s26], [sflag:$0x5], $0x1000, $0x38;
	[tilespmem:$0x1D500] =	vst v63  }
0x30b: {  	_ =	swait.ge [sflag:s28], $0x1000  }
0x30c: {  	s17 =	sld [smem:$0x7FB]  }
0x30d: {  	[sflag:s28] =	ssyncset.done $0x0  }
0x30e: {  	[sflag:s28] =	ssyncadd.s32 $0xFFFFF000  }
0x30f: {  	[spmem:s17] =	stream.linear.scatter [tilespmem:s26], [sflag:$0x5], $0x1000, $0x38;
	[tilespmem:$0x1D500] =	vst v63  }
0x310: {  	_ =	swait.ge [sflag:s28], $0x1000  }
0x311: {  	s24 =	sld [smem:$0x7FC]  }
0x312: {  	[sflag:s28] =	ssyncset.done $0x0  }
0x313: {  	[sflag:s28] =	ssyncadd.s32 $0xFFFFF000  }
0x314: {  	[spmem:s24] =	stream.linear.scatter [tilespmem:s26], [sflag:$0x5], $0x1000, $0x38;
	[tilespmem:$0x1D500] =	vst v63  }
0x315: {  	_ =	swait.ge [sflag:s28], $0x1000  }
0x316: {  	[sflag:s28] =	ssyncset.done $0x0  }
0x317: {  	[sflag:s28] =	ssyncadd.s32 $0xFFFFF000  }
0x318: {  	[bflag:$0x0] =	sbarrier.arrive $0xFFFF  }
0x319: {  	[tilespmem:s4], [sflag:$0x5] =	stream.linear.gather [hbm4b:s15+s4], $0x100, $0x38;
	[tilespmem:$0x1D500] =	vst v63  }
0x31a: {  	_ =	swait.ge [sflag:s28], $0x100  }
0x31b: {  	[sflag:s28] =	ssyncset.done $0x0  }
0x31c: {  	[sflag:s28] =	ssyncadd.s32 $0xFFFFFF00  }
0x31d: {  	[tilespmem:s30], [sflag:$0x1] =	stream.indirect.gather [hbm4b:s8+s29], $0x80, s4, s29, $0xb8;
	[tilespmem:$0x1D500] =	vst v63  }
0x31e: {  	s25 =	rddreg [dreg:$0xa]  }
0x31f: {  	[tilespmem:s31], [sflag:$0x4] =	stream.linear.gather [hbm4b:s25+s4], $0x100, $0x38;
	[tilespmem:$0x1D500] =	vst v63  }
0x320: {  	_ =	swait.ge [sflag:s0], $0x4000  }
0x321: {  	[sflag:s0] =	ssyncset.done $0x0  }
0x322: {  	[sflag:s0] =	ssyncadd.s32 $0xFFFFC000  }
0x323: {  	_ =	swait.ge [sflag:s18], $0x100  }
0x324: {  	[sflag:s18] =	ssyncset.done $0x0  }
0x325: {  	p5 =	sle.s32 s10, $0x0;
	[sflag:s18] =	ssyncadd.s32 $0xFFFFFF00  }
0x326: {  	[tilespmem:s19], [sflag:$0x2] =	stream.indirect.gather [hbm4b:s8+s29], $0x80, s31, s29, $0xb8;
	[tilespmem:$0x1D500] =	vst v63  }
0x327: {  	s11 =	simm.s32 @!p5 $0x80;
	s13 =	simm.s32 @!p5 $0x200;
	s14 =	simm.s32 @!p5 $0x5  }
0x328: {  	[spmem:s1] =	stream.indirect.scatter.add.f32 @!p5 [tilespmem:s13], [sflag:$0x5], $0x80, s11, s11, $0xb8;
	[tilespmem:$0x1D500] =	vst v63  }
0x329: {  	_ =	swait.ge @!p5 [sflag:s14], $0x4000  }
0x32a: {  	[sflag:s14] =	ssyncset.done @!p5 $0x0  }
0x32b: {  	[sflag:s14] =	ssyncadd.s32 @!p5 $0xFFFFC000  }
0x32c: {  	[tilespmem:s4], [sflag:$0x3] =	stream.linear.gather [hbm4b:s3+s4], $0x100, $0x38;
	[tilespmem:$0x1D500] =	vst v63  }
0x32d: {  	_ =	swait.ge [sflag:s21], $0x4000  }
0x32e: {  	[sflag:s21] =	ssyncset.done $0x0  }
0x32f: {  	[sflag:s21] =	ssyncadd.s32 $0xFFFFC000  }
0x330: {  	_ =	swait.ge [sflag:s22], $0x100  }
0x331: {  	[sflag:s22] =	ssyncset.done $0x0  }
0x332: {  	p6 =	sle.s32 s10, $0x1;
	[sflag:s22] =	ssyncadd.s32 $0xFFFFFF00  }
0x333: {  	[tilespmem:s30], [sflag:$0x1] =	stream.indirect.gather [hbm4b:s8+s29], $0x80, s4, s29, $0xb8;
	[tilespmem:$0x1D500] =	vst v63  }
0x334: {  	s11 =	simm.s32 @!p6 $0x180;
	s13 =	simm.s32 @!p6 $0x4200;
	s3 =	simm.s32 @!p6 $0x80  }
0x335: {  	[spmem:s1] =	stream.indirect.scatter.add.f32 @!p6 [tilespmem:s13], [sflag:$0x5], $0x80, s11, s3, $0xb8;
	[tilespmem:$0x1D500] =	vst v63  }
0x336: {  	s25 =	smov.u32 s12;
	s13 =	simm.s32 @!p6 $0x5  }
0x337: {  	s3 =	simm.s32 $0x3;
	s11 =	smov.u32 s12;
	_ =	swait.ge @!p6 [sflag:s13], $0x4000  }
.LBB2_11:
0x338: {  	[sflag:s13] =	ssyncset.done @!p6 $0x0  }
0x339: {  	s11 =	sadd.s32 $0x40, s11;
	s14 =	smov.u32 s3;
	s3 =	sadd.s32 $0x2, s3  }
0x33a: {  	p5 =	sne.s32 s3, $0x9B;
	[sflag:s13] =	ssyncadd.s32 @!p6 $0xFFFFC000  }
0x33b: {  	[tilespmem:s31], [sflag:$0x4] =	stream.linear.gather [hbm4b:s25+s4], $0x100, $0x38;
	[tilespmem:$0x1D500] =	vst v63  }
0x33c: {  	s25 =	smov.u32 s11;
	_ =	swait.ge [sflag:s0], $0x4000  }
0x33d: {  	[sflag:s0] =	ssyncset.done $0x0  }
0x33e: {  	[sflag:s0] =	ssyncadd.s32 $0xFFFFC000  }
0x33f: {  	_ =	swait.ge [sflag:s18], $0x100  }
0x340: {  	s13 =	sadd.s32 $0xFFFFFFFF, s14;
	[sflag:s18] =	ssyncset.done $0x0  }
0x341: {  	p6 =	sge.s32 s13, s10;
	[sflag:s18] =	ssyncadd.s32 $0xFFFFFF00  }
0x342: {  	[tilespmem:s19], [sflag:$0x2] =	stream.indirect.gather [hbm4b:s8+s29], $0x80, s31, s29, $0xb8;
	[tilespmem:$0x1D500] =	vst v63  }
0x343: {  	s13 =	simm.s32 @!p6 $0x80;
	s17 =	simm.s32 @!p6 $0x200;
	s24 =	simm.s32 @!p6 $0x5  }
0x344: {  	[spmem:s1] =	stream.indirect.scatter.add.f32 @!p6 [tilespmem:s17], [sflag:$0x5], $0x80, s13, s13, $0xb8;
	[tilespmem:$0x1D500] =	vst v63  }
0x345: {  	_ =	swait.ge @!p6 [sflag:s24], $0x4000  }
0x346: {  	s13 =	sadd.s32 $0xFFFFFFE0, s11;
	[sflag:s24] =	ssyncset.done @!p6 $0x0  }
0x347: {  	[sflag:s24] =	ssyncadd.s32 @!p6 $0xFFFFC000  }
0x348: {  	[tilespmem:s4], [sflag:$0x3] =	stream.linear.gather [hbm4b:s13+s4], $0x100, $0x38;
	[tilespmem:$0x1D500] =	vst v63  }
0x349: {  	_ =	swait.ge [sflag:s21], $0x4000  }
0x34a: {  	[sflag:s21] =	ssyncset.done $0x0  }
0x34b: {  	[sflag:s21] =	ssyncadd.s32 $0xFFFFC000  }
0x34c: {  	_ =	swait.ge [sflag:s22], $0x100  }
0x34d: {  	p6 =	sge.s32 s14, s10;
	[sflag:s22] =	ssyncset.done $0x0  }
0x34e: {  	s14 =	simm.s32 @!p6 $0x80;
	[sflag:s22] =	ssyncadd.s32 $0xFFFFFF00  }
.Ltmp12:
0x34f: {  	s17 =	simm.s32 @!p6 $0x180;
	s24 =	simm.s32 @!p6 $0x4200;
	(pc) =	sbr.rel @p5 .LBB2_11-.Ltmp12, $4  }
0x350: {  	[tilespmem:s30], [sflag:$0x1] =	stream.indirect.gather [hbm4b:s8+s29], $0x80, s4, s29, $0xb8;
	[tilespmem:$0x1D500] =	vst v63  }
0x351: {  	s13 =	simm.s32 @!p6 $0x5  }
0x352: {  	[spmem:s1] =	stream.indirect.scatter.add.f32 @!p6 [tilespmem:s24], [sflag:$0x5], $0x80, s17, s14, $0xb8;
	[tilespmem:$0x1D500] =	vst v63  }
0x353: {  	_ =	swait.ge @!p6 [sflag:s13], $0x4000  }
0x354: {  	[sflag:s13] =	ssyncset.done @!p6 $0x0  }
0x355: {  	[sflag:s13] =	ssyncadd.s32 @!p6 $0xFFFFC000  }
0x356: {  	[tilespmem:s31], [sflag:$0x4] =	stream.linear.gather [hbm4b:s25+s4], $0x100, $0x38;
	[tilespmem:$0x1D500] =	vst v63  }
0x357: {  	_ =	swait.ge [sflag:s0], $0x4000  }
0x358: {  	[sflag:s0] =	ssyncset.done $0x0  }
0x359: {  	[sflag:s0] =	ssyncadd.s32 $0xFFFFC000  }
0x35a: {  	_ =	swait.ge [sflag:s18], $0x100  }
0x35b: {  	[sflag:s18] =	ssyncset.done $0x0  }
0x35c: {  	[sflag:s18] =	ssyncadd.s32 $0xFFFFFF00  }
0x35d: {  	[tilespmem:s19], [sflag:$0x2] =	stream.indirect.gather [hbm4b:s8+s29], $0x80, s31, s29, $0xb8;
	[tilespmem:$0x1D500] =	vst v63  }
0x35e: {  	s3 =	simm.s32 @!p2 $0x80;
	s11 =	simm.s32 @!p2 $0x200  }
0x35f: {  	[spmem:s1] =	stream.indirect.scatter.add.f32 @!p2 [tilespmem:s11], [sflag:$0x5], $0x80, s3, s3, $0xb8;
	[tilespmem:$0x1D500] =	vst v63  }
0x360: {  	s3 =	simm.s32 @!p2 $0x5  }
0x361: {  	_ =	swait.ge @!p2 [sflag:s3], $0x4000  }
0x362: {  	s25 =	sld [smem:$0x7FD]  }
0x363: {  	[sflag:s3] =	ssyncset.done @!p2 $0x0  }
0x364: {  	[sflag:s3] =	ssyncadd.s32 @!p2 $0xFFFFC000  }
0x365: {  	[tilespmem:s4], [sflag:$0x3] =	stream.linear.gather [hbm4b:s25+s4], $0x100, $0x38;
	[tilespmem:$0x1D500] =	vst v63  }
0x366: {  	_ =	swait.ge [sflag:s21], $0x4000  }
0x367: {  	[sflag:s21] =	ssyncset.done $0x0  }
.Ltmp13:
0x368: {  	[sflag:s21] =	ssyncadd.s32 $0xFFFFC000;
	(pc) =	sbr.rel @p4 .LBB2_13-.Ltmp13, $4  }
0x369: {  	_ =	swait.ge [sflag:s22], $0x100  }
0x36a: {  	[sflag:s22] =	ssyncset.done $0x0  }
0x36b: {  	s11 =	simm.s32 $0x1;
	[sflag:s22] =	ssyncadd.s32 $0xFFFFFF00  }
0x36c: {  	[tilespmem:s30], [sflag:$0x1] =	stream.indirect.gather [hbm4b:s8+s29], $0x80, s4, s29, $0xb8;
	[tilespmem:$0x1D500] =	vst v63  }
0x36d: {  	s3 =	simm.s32 $0x180  }
0x36e: {  	[spmem:s1] =	stream.indirect.scatter.add.f32 [tilespmem:s19], [sflag:$0x5], $0x80, s3, s29, $0xb8;
	[tilespmem:$0x1D500] =	vst v63  }
0x36f: {  	_ =	swait.ge [sflag:s28], $0x4000  }
0x370: {  	[sflag:s28] =	ssyncset.done $0x0  }
0x371: {  	[sflag:s28] =	ssyncadd.s32 $0xFFFFC000  }
0x372: {  	_ =	swait.ge [sflag:s0], $0x4000  }
0x373: {  	s11 =	sld [smem:$0x7F7];
	_ =	sdelay $0x2  }
0x374: {  	p5 =	seq.s32 s11, $0x1  }
.Ltmp14:
0x375: {  	_ = 	snop;
	(pc) =	sbr.rel @p5 .LBB2_24-.Ltmp14, $3  }
0x376: {  	_ =	sdelay $0x1  }
0x377: {  	[sflag:s0] =	ssyncset.done $0x0  }
0x378: {  	s3 =	rddreg [dreg:$0xd];
	[sflag:s0] =	ssyncadd.s32 $0xFFFFC000  }
.LBB2_22:
.Ltmp15:
0x379: {  	(pc) =	sbr.rel .LBB2_23-.Ltmp15, $3  }
0x37a: {  	_ =	sdelay $0x1  }
0x37b: {  	[spmem:s1] =	stream.indirect.scatter.add.f32 [tilespmem:s30], [sflag:$0x5], $0x80, s29, s29, $0xb8;
	[tilespmem:$0x1D500] =	vst v63  }
0x37c: {  	s11 =	simm.s32 $0x5  }
.LBB2_19:
.Ltmp16:
0x37d: {  	(pc) =	sbr.rel .LBB2_23-.Ltmp16, $2  }
0x37e: {  	_ =	sdelay $0x2  }
0x37f: {  	s3 =	rddreg [dreg:$0x10]  }
.LBB2_25:
0x380: {  	_ =	sfence.sel $0x180000  }
0x381: {  	[bflag:$0x0] =	sbarrier.arrive $0xFFFF  }
0x382: {  	_ =	strace $0x90000047  }
0x383: {  	s0 =	stileid.u32;
	[bflag:$0x2] =	sbarrier.arrive $0xFFFF  }
0x384: {  	p0 =	sne.s32 s0, $0x0;
	s0 =	rddreg [dreg:$0x5]  }
0x385: {  	s0 =	sadd.s32 @!p0 $0x100000, s0  }
0x386: {  	[sflag:s0] =	ssyncadd.tile.s32 @!p0 $0x1;
	_ =	shalt  }
.Lfunc_end2:
_tile_overlayer_lowered:
.L_overlay_start_2:
0x387: {  	(tag) =	ssettag $0x2  }
0x388: {  	s0 =	rddreg [dreg:$0x0];
	s2 =	stileid.u32  }
0x389: {  	s1 =	rddreg [dreg:$0x1];
	p0 =	sne.s32 s2, $0x0  }
0x38a: {  	s3 =	rddreg [dreg:$0x2];
	[bflag:$0x3] =	sbarrier.arrive $0xFFFF;
	s2 =	simm.s32 @!p0 $0x1C05  }
0x38b: {  	[timem:s3], [sflag:s2] =	dma.local @!p0 [hbm:s0], s1  }
0x38c: {  	s0 =	simm.s32 @!p0 $0x5  }
0x38d: {  	_ =	swait.ge @!p0 [sflag:s0], s1  }
0x38e: {  	s1 =	ssub.s32 @!p0 $0x0, s1;
	[sflag:s0] =	ssyncset.done @!p0 $0x0  }
0x38f: {  	[sflag:s0] =	ssyncadd.s32 @!p0 s1  }
0x390: {  	[bflag:$0x3] =	sbarrier.arrive $0xFFFF  }
0x391: {  	_ =	shalt  }

</sc_bundles>
